<compile_context>
chip_gen: v7x
topology: tpu7x:2x2x1
jax: 0.10.2.dev20260603
libtpu: 0.0.44.dev20260713+nightly
codegen_flags: <defaults>
</compile_context>

<pallas_src>
import functools

import jax
import jax.numpy as jnp
from jax import lax
from jax.experimental import pallas as pl
from jax.experimental.pallas import tpu as pltpu
from jax.experimental.pallas import tpu_sc as plsc

_NC = 2
_NS = 16
_NW = _NC * _NS
_L = 16


def _sc_exceed_body(b_per_w, d, lower_hbm, higher_hbm, idx_hbm, pl_hbm,
                    ph_hbm, out_hbm, idx_v, rows_l, rows_h, pl_v, ph_v,
                    acc_v, sem_l, sem_h):
    wid = lax.axis_index("s") * _NC + lax.axis_index("c")
    base = wid * b_per_w
    pltpu.sync_copy(idx_hbm.at[pl.ds(base, b_per_w)], idx_v)
    pltpu.sync_copy(pl_hbm, pl_v)
    pltpu.sync_copy(ph_hbm, ph_v)
    cp_l = pltpu.async_copy(lower_hbm.at[idx_v], rows_l, sem_l)
    cp_h = pltpu.async_copy(higher_hbm.at[idx_v], rows_h, sem_h)
    cp_l.wait()
    cp_h.wait()
    acc_v[...] = jnp.zeros((_L,), jnp.float32)
    zero = jnp.float32(0.0)
    for r in range(b_per_w):
        for c in range(d // _L):
            cl_c = rows_l[r, pl.ds(c * _L, _L)]
            ch_c = rows_h[r, pl.ds(c * _L, _L)]
            pl_c = pl_v[pl.ds(c * _L, _L)]
            ph_c = ph_v[pl.ds(c * _L, _L)]
            term = (jnp.maximum(pl_c - cl_c, zero)
                    + jnp.maximum(ch_c - ph_c, zero)
                    + jnp.maximum(pl_c - ch_c, zero)
                    + jnp.maximum(cl_c - ph_c, zero)
                    - jnp.maximum(ch_c - cl_c, zero))
            acc_v[...] += term
    pltpu.sync_copy(acc_v, out_hbm.at[wid])


def _sc_exceed(lower, higher, idx, parentL, parentH):
    n, d = lower.shape
    b = idx.shape[0]
    b_per_w = b // _NW
    mesh = plsc.VectorSubcoreMesh(core_axis_name="c", subcore_axis_name="s")
    fn = pl.kernel(
        functools.partial(_sc_exceed_body, b_per_w, d),
        out_type=jax.ShapeDtypeStruct((_NW, _L), jnp.float32),
        mesh=mesh,
        scratch_types=[
            pltpu.VMEM((b_per_w,), jnp.int32),
            pltpu.VMEM((b_per_w, d), jnp.float32),
            pltpu.VMEM((b_per_w, d), jnp.float32),
            pltpu.VMEM((d,), jnp.float32),
            pltpu.VMEM((d,), jnp.float32),
            pltpu.VMEM((_L,), jnp.float32),
            pltpu.SemaphoreType.DMA,
            pltpu.SemaphoreType.DMA,
        ],
        compiler_params=pltpu.CompilerParams(use_tc_tiling_on_sc=False),
    )
    return fn(lower, higher, idx, parentL, parentH)


_ROWS = 32


def _pair_body(nsteps, b, lower_ref, higher_ref, idx_ref, out, cl_s, ch_s,
               clT, chT, acc):
    i = pl.program_id(0)

    @pl.when(i == 0)
    def _init():
        def gather_one(r, _):
            row = idx_ref[r]
            cl_s[pl.ds(r, 1), :] = lower_ref[pl.ds(row, 1), :]
            ch_s[pl.ds(r, 1), :] = higher_ref[pl.ds(row, 1), :]
            return _

        lax.fori_loop(0, b, gather_one, 0, unroll=8)
        clT[...] = cl_s[...].T
        chT[...] = ch_s[...].T
        acc[...] = jnp.zeros_like(acc)

    clb = cl_s[pl.ds(i * _ROWS, _ROWS), :]
    chb = ch_s[pl.ds(i * _ROWS, _ROWS), :]
    zero = jnp.float32(0.0)
    a_l = clb[:, :, None]
    a_h = chb[:, :, None]
    b_l = clT[...][None, :, :]
    b_h = chT[...][None, :, :]
    ov = jnp.maximum(jnp.minimum(a_h, b_h) - jnp.maximum(a_l, b_l), zero)
    acc[...] += ov.sum(axis=0)

    @pl.when(i == nsteps - 1)
    def _fin():
        out[...] = jnp.sum(acc[...])[None, None]


def _pair_call(lower, higher, idx, interpret=False):
    n, d = lower.shape
    b = idx.shape[0]
    nsteps = b // _ROWS
    return pl.pallas_call(
        functools.partial(_pair_body, nsteps, b),
        grid=(nsteps,),
        in_specs=[
            pl.BlockSpec((n, d), lambda i: (0, 0)),
            pl.BlockSpec((n, d), lambda i: (0, 0)),
            pl.BlockSpec(memory_space=pltpu.SMEM),
        ],
        out_specs=pl.BlockSpec((1, 1), lambda i: (0, 0)),
        out_shape=jax.ShapeDtypeStruct((1, 1), jnp.float32),
        scratch_shapes=[
            pltpu.VMEM((b, d), jnp.float32),
            pltpu.VMEM((b, d), jnp.float32),
            pltpu.VMEM((d, b), jnp.float32),
            pltpu.VMEM((d, b), jnp.float32),
            pltpu.VMEM((d, b), jnp.float32),
        ],
        interpret=interpret,
    )(lower, higher, idx)


def kernel(idIndexes, omegaEmb, epoch, childrenLowerEmbedding,
           childrenHigherEmbedding, parentL_, parentH_):
    idx = idIndexes.astype(jnp.int32)
    partials = _sc_exceed(childrenLowerEmbedding, childrenHigherEmbedding,
                          idx, parentL_, parentH_)
    s_all = _pair_call(childrenLowerEmbedding, childrenHigherEmbedding, idx)
    return s_all[0, 0] + partials.sum()

# --- scband reference (transcript-rebuilt; emitter-appended) ---
"""Pipeline reference for scband-hierarchy-model-33689723470255 (READ-ONLY COPY).

The authoritative reference and input builder live on the scoring server;
editing this copy changes nothing except your own understanding.
"""

import jax, jax.numpy as jnp
import numpy as np

N = 8192   # childrenNodesNum
D = 64     # single_dim_t
B = 512    # batch of idIndexes
CIRCLE_RANGE = 2.0


def setup_inputs(seed: int = 0) -> dict:
    key = jax.random.key(seed)
    k1, k2, k3, k4, k5 = jax.random.split(key, 5)
    # parent box embedding (lower/higher halves), mimicking res[pnode]
    parent_l = jax.random.uniform(k1, (D,), minval=-1.0, maxval=0.0)
    parent_h = parent_l + jax.random.uniform(k2, (D,), minval=0.5, maxval=1.5)
    parentL_ = (parent_l + CIRCLE_RANGE).astype(jnp.float32)
    parentH_ = (parent_h + CIRCLE_RANGE).astype(jnp.float32)
    parentRange = jnp.clip(parent_h - parent_l, 1e-05, None)
    # children lower init ~ uniform inside shifted parent box (per-dim, as in __init__)
    u = jax.random.uniform(k3, (N, D), minval=0.0, maxval=1.0)
    childrenLower = (parentL_[None, :] + u * parentRange[None, :]).astype(jnp.float32)
    # eachNodeLeavesNumRatio ~ uniform tree -> 1/N each
    ratio = jnp.full((N, 1), 1.0 / N, dtype=jnp.float32)
    childrenHigher = (childrenLower + ratio * parentRange[None, :]).astype(jnp.float32)
    idIndexes = jax.random.randint(k4, (B,), 0, N)
    omegaEmb = jax.random.normal(k5, (B, D), dtype=jnp.float32)
    return {
        "idIndexes": idIndexes,
        "omegaEmb": omegaEmb,
        "epoch": 0,
        "childrenLowerEmbedding": childrenLower,
        "childrenHigherEmbedding": childrenHigher,
        "parentL_": parentL_,
        "parentH_": parentH_,
    }


def reference(idIndexes, omegaEmb, epoch, childrenLowerEmbedding, childrenHigherEmbedding, parentL_, parentH_):
    # self.childrenEmbedding = cat((lower, higher), 1)
    childrenEmbedding = jnp.concatenate([childrenLowerEmbedding, childrenHigherEmbedding], axis=1)
    # index_select over batch of child ids (gather)
    finalEmb4ids = jnp.take(childrenEmbedding, idIndexes, axis=0)
    cl, ch = jnp.split(finalEmb4ids, 2, axis=1)  # [B, D] each
    nodesNum = cl.shape[0]
    sd = cl.shape[1]
    # loss_exceed > 0 branch
    exceedPart1_1 = parentL_[None, :] - cl
    exceedPart1_2 = parentL_[None, :] - ch
    exceedPart2_1 = ch - parentH_[None, :]
    exceedPart2_2 = cl - parentH_[None, :]
    lossExceed = (jax.nn.relu(exceedPart1_1).sum() + jax.nn.relu(exceedPart2_1).sum()
                  + jax.nn.relu(exceedPart1_2).sum() + jax.nn.relu(exceedPart2_2).sum())
    # loss_overlap > 0 branch: pairwise interval overlap per dim, [D*B, B] layout
    t1l = jnp.broadcast_to(jnp.reshape(cl.T, (sd * nodesNum, 1)), (sd * nodesNum, nodesNum))
    t1h = jnp.broadcast_to(jnp.reshape(ch.T, (sd * nodesNum, 1)), (sd * nodesNum, nodesNum))
    t2l = jnp.repeat(cl.T, nodesNum, axis=0)
    t2h = jnp.repeat(ch.T, nodesNum, axis=0)
    maxLower = jnp.maximum(t1l, t2l)            # torch.where(a>b,a,b)
    minHigher = jnp.minimum(t1h, t2h)           # torch.where(a<b,a,b)
    overlapPre = minHigher - maxLower
    overlapFilter = jnp.tile(jnp.ones((nodesNum, nodesNum), dtype=jnp.float32) - jnp.eye(nodesNum, dtype=jnp.float32), (sd, 1))
    overlap = jax.nn.relu(overlapPre * overlapFilter)
    lossOverlap = overlap.sum()
    return lossExceed + lossOverlap

if __name__ == "__main__":
    import jax
    _d = setup_inputs()
    print(jax.jit(kernel)(*tuple(_d.values())))

</pallas_src>

<mosaic_0001>
#map = affine_map<(d0, d1) -> (0, 0)>
#map1 = affine_map<(d0, d1) -> (0)>
module attributes {stable_mosaic.version = 14 : i64} {
  func.func @_sc_exceed_body(%arg0: i32, %arg1: i32, %arg2: memref<8192x64xf32, #tpu.memory_space<hbm>>, %arg3: memref<8192x64xf32, #tpu.memory_space<hbm>>, %arg4: memref<512xi32, #tpu.memory_space<hbm>>, %arg5: memref<64xf32, #tpu.memory_space<hbm>>, %arg6: memref<64xf32, #tpu.memory_space<hbm>>, %arg7: memref<32x16xf32, #tpu.memory_space<hbm>>, %arg8: memref<16xi32, #tpu.memory_space<vmem>>, %arg9: memref<16x64xf32, #tpu.memory_space<vmem>>, %arg10: memref<16x64xf32, #tpu.memory_space<vmem>>, %arg11: memref<64xf32, #tpu.memory_space<vmem>>, %arg12: memref<64xf32, #tpu.memory_space<vmem>>, %arg13: memref<16xf32, #tpu.memory_space<vmem>>, %arg14: memref<!tpu.dma_semaphore, #tpu.memory_space<semaphore_mem>>, %arg15: memref<!tpu.dma_semaphore, #tpu.memory_space<semaphore_mem>>) attributes {dimension_semantics = [#tpu.dimension_semantics<core_parallel>, #tpu.dimension_semantics<subcore_parallel>], iteration_bounds = array<i64: 2, 16>, scalar_prefetch = 0 : i64, scratch_operands = 8 : i64, tpu.core_type = #tpu.core_type<sc_vector_subcore>, window_params = [{transform_indices = #map}, {transform_indices = #map}, {transform_indices = #map1}, {transform_indices = #map1}, {transform_indices = #map1}, {transform_indices = #map}]} {
    %mul3A = arith.constant 2 : i32
    %mul3A_0 = arith.muli %arg1, %mul3A : i32
    %add3A = arith.addi %mul3A_0, %arg0 : i32
    %mul3A_1 = arith.constant 16 : i32
    %mul3A_2 = arith.muli %add3A, %mul3A_1 : i32
    "tpu.region"() ({
      %run_scoped3A = tpu.sem_alloc : memref<!tpu.dma_semaphore, #tpu.memory_space<semaphore_mem>>
      %dma_start3A_3086 = tpu.memref_slice %arg4[%mul3A_2] : memref<512xi32, #tpu.memory_space<hbm>> -> memref<16xi32, #tpu.memory_space<hbm>>
      %dma_start3A_3087 = tpu.memref_slice %arg4[%mul3A_2] : memref<512xi32, #tpu.memory_space<hbm>> -> memref<16xi32, #tpu.memory_space<hbm>>
      tpu.enqueue_dma source(%dma_start3A_3087 : memref<16xi32, #tpu.memory_space<hbm>>) target(%arg8 : memref<16xi32, #tpu.memory_space<vmem>>) target_semaphore(%run_scoped3A : memref<!tpu.dma_semaphore, #tpu.memory_space<semaphore_mem>>)
      %dma_wait3A_3088 = tpu.memref_slice %arg4[%mul3A_2] : memref<512xi32, #tpu.memory_space<hbm>> -> memref<16xi32, #tpu.memory_space<hbm>>
      %dma_wait3A_3089 = tpu.memref_slice %arg4[%mul3A_2] : memref<512xi32, #tpu.memory_space<hbm>> -> memref<16xi32, #tpu.memory_space<hbm>>
      tpu.wait_dma2 semaphore(%run_scoped3A : memref<!tpu.dma_semaphore, #tpu.memory_space<semaphore_mem>>) src(%dma_wait3A_3089 : memref<16xi32, #tpu.memory_space<hbm>>) dst(%arg8 : memref<16xi32, #tpu.memory_space<vmem>>)
      tpu.yield
    }) : () -> ()
    "tpu.region"() ({
      %run_scoped3A = tpu.sem_alloc : memref<!tpu.dma_semaphore, #tpu.memory_space<semaphore_mem>>
      tpu.enqueue_dma source(%arg5 : memref<64xf32, #tpu.memory_space<hbm>>) target(%arg11 : memref<64xf32, #tpu.memory_space<vmem>>) target_semaphore(%run_scoped3A : memref<!tpu.dma_semaphore, #tpu.memory_space<semaphore_mem>>)
      tpu.wait_dma2 semaphore(%run_scoped3A : memref<!tpu.dma_semaphore, #tpu.memory_space<semaphore_mem>>) src(%arg5 : memref<64xf32, #tpu.memory_space<hbm>>) dst(%arg11 : memref<64xf32, #tpu.memory_space<vmem>>)
      tpu.yield
    }) : () -> ()
    "tpu.region"() ({
      %run_scoped3A = tpu.sem_alloc : memref<!tpu.dma_semaphore, #tpu.memory_space<semaphore_mem>>
      tpu.enqueue_dma source(%arg6 : memref<64xf32, #tpu.memory_space<hbm>>) target(%arg12 : memref<64xf32, #tpu.memory_space<vmem>>) target_semaphore(%run_scoped3A : memref<!tpu.dma_semaphore, #tpu.memory_space<semaphore_mem>>)
      tpu.wait_dma2 semaphore(%run_scoped3A : memref<!tpu.dma_semaphore, #tpu.memory_space<semaphore_mem>>) src(%arg6 : memref<64xf32, #tpu.memory_space<hbm>>) dst(%arg12 : memref<64xf32, #tpu.memory_space<vmem>>)
      tpu.yield
    }) : () -> ()
    %dma_start3A = arith.constant 0 : i32
    %dma_start3A_3 = arith.constant 0 : i32
    %dma_start3A_4 = tpu.memref_slice %arg2[%dma_start3A, %dma_start3A_3] : memref<8192x64xf32, #tpu.memory_space<hbm>> -> memref<8192x64xf32, #tpu.memory_space<hbm>>
    tpu.enqueue_indirect_dma source(%dma_start3A_4 : memref<8192x64xf32, #tpu.memory_space<hbm>>) target(%arg9 : memref<16x64xf32, #tpu.memory_space<vmem>>) offsets(%arg8 : memref<16xi32, #tpu.memory_space<vmem>>) semaphore(%arg14 : memref<!tpu.dma_semaphore, #tpu.memory_space<semaphore_mem>>)
    %dma_start3A_5 = arith.constant 0 : i32
    %dma_start3A_6 = arith.constant 0 : i32
    %dma_start3A_7 = tpu.memref_slice %arg3[%dma_start3A_5, %dma_start3A_6] : memref<8192x64xf32, #tpu.memory_space<hbm>> -> memref<8192x64xf32, #tpu.memory_space<hbm>>
    tpu.enqueue_indirect_dma source(%dma_start3A_7 : memref<8192x64xf32, #tpu.memory_space<hbm>>) target(%arg10 : memref<16x64xf32, #tpu.memory_space<vmem>>) offsets(%arg8 : memref<16xi32, #tpu.memory_space<vmem>>) semaphore(%arg15 : memref<!tpu.dma_semaphore, #tpu.memory_space<semaphore_mem>>)
    %dma_wait3A = arith.constant 0 : i32
    %dma_wait3A_8 = arith.constant 0 : i32
    %dma_wait3A_9 = tpu.memref_slice %arg2[%dma_wait3A, %dma_wait3A_8] : memref<8192x64xf32, #tpu.memory_space<hbm>> -> memref<8192x64xf32, #tpu.memory_space<hbm>>
    tpu.wait_indirect_dma semaphore(%arg14 : memref<!tpu.dma_semaphore, #tpu.memory_space<semaphore_mem>>) src(%dma_wait3A_9 : memref<8192x64xf32, #tpu.memory_space<hbm>>) dst(%arg9 : memref<16x64xf32, #tpu.memory_space<vmem>>)
    %dma_wait3A_10 = arith.constant 0 : i32
    %dma_wait3A_11 = arith.constant 0 : i32
    %dma_wait3A_12 = tpu.memref_slice %arg3[%dma_wait3A_10, %dma_wait3A_11] : memref<8192x64xf32, #tpu.memory_space<hbm>> -> memref<8192x64xf32, #tpu.memory_space<hbm>>
    tpu.wait_indirect_dma semaphore(%arg15 : memref<!tpu.dma_semaphore, #tpu.memory_space<semaphore_mem>>) src(%dma_wait3A_12 : memref<8192x64xf32, #tpu.memory_space<hbm>>) dst(%arg10 : memref<16x64xf32, #tpu.memory_space<vmem>>)
    %broadcast_in_dim3A = arith.constant 0.000000e+00 : f32
    %broadcast_in_dim3A_13 = vector.broadcast %broadcast_in_dim3A : f32 to vector<16xf32>
    %swap3A = arith.constant 0 : index
    %swap3A_14 = tpu.vector_load %arg13[%swap3A] {strides = array<i32>} : memref<16xf32, #tpu.memory_space<vmem>>, vector<16xf32>,
    %swap3A_15 = vector.shape_cast %swap3A_14 : vector<16xf32> to vector<16xf32>
    %swap3A_16 = vector.shape_cast %broadcast_in_dim3A_13 : vector<16xf32> to vector<16xf32>
    tpu.vector_store %arg13[%swap3A], %swap3A_16 {strides = array<i32>} : memref<16xf32, #tpu.memory_space<vmem>>, vector<16xf32>,
    %get3A = arith.constant 0 : i32
    %get3A_17 = arith.index_cast %get3A : i32 to index
    %get3A_18 = arith.constant 0 : index
    %get3A_19 = tpu.vector_load %arg9[%get3A_17, %get3A_18] {strides = array<i32>} : memref<16x64xf32, #tpu.memory_space<vmem>>, vector<1x16xf32>,
    %get3A_20 = vector.shape_cast %get3A_19 : vector<1x16xf32> to vector<16xf32>
    %get3A_21 = arith.constant 0 : i32
    %get3A_22 = arith.index_cast %get3A_21 : i32 to index
    %get3A_23 = arith.constant 0 : index
    %get3A_24 = tpu.vector_load %arg10[%get3A_22, %get3A_23] {strides = array<i32>} : memref<16x64xf32, #tpu.memory_space<vmem>>, vector<1x16xf32>,
    %get3A_25 = vector.shape_cast %get3A_24 : vector<1x16xf32> to vector<16xf32>
    %get3A_26 = arith.constant 0 : index
    %get3A_27 = tpu.vector_load %arg11[%get3A_26] {strides = array<i32>} : memref<64xf32, #tpu.memory_space<vmem>>, vector<16xf32>,
    %get3A_28 = vector.shape_cast %get3A_27 : vector<16xf32> to vector<16xf32>
    %get3A_29 = arith.constant 0 : index
    %get3A_30 = tpu.vector_load %arg12[%get3A_29] {strides = array<i32>} : memref<64xf32, #tpu.memory_space<vmem>>, vector<16xf32>,
    %get3A_31 = vector.shape_cast %get3A_30 : vector<16xf32> to vector<16xf32>
    %sub3A = arith.subf %get3A_28, %get3A_20 : vector<16xf32>
    %max3A = arith.constant 0.000000e+00 : f32
    %max3A_32 = vector.broadcast %max3A : f32 to vector<16xf32>
    %max3A_33 = arith.maximumf %sub3A, %max3A_32 : vector<16xf32>
    %sub3A_34 = arith.subf %get3A_25, %get3A_31 : vector<16xf32>
    %max3A_35 = arith.constant 0.000000e+00 : f32
    %max3A_36 = vector.broadcast %max3A_35 : f32 to vector<16xf32>
    %max3A_37 = arith.maximumf %sub3A_34, %max3A_36 : vector<16xf32>
    %add3A_38 = arith.addf %max3A_33, %max3A_37 : vector<16xf32>
    %sub3A_39 = arith.subf %get3A_28, %get3A_25 : vector<16xf32>
    %max3A_40 = arith.constant 0.000000e+00 : f32
    %max3A_41 = vector.broadcast %max3A_40 : f32 to vector<16xf32>
    %max3A_42 = arith.maximumf %sub3A_39, %max3A_41 : vector<16xf32>
    %add3A_43 = arith.addf %add3A_38, %max3A_42 : vector<16xf32>
    %sub3A_44 = arith.subf %get3A_20, %get3A_31 : vector<16xf32>
    %max3A_45 = arith.constant 0.000000e+00 : f32
    %max3A_46 = vector.broadcast %max3A_45 : f32 to vector<16xf32>
    %max3A_47 = arith.maximumf %sub3A_44, %max3A_46 : vector<16xf32>
    %add3A_48 = arith.addf %add3A_43, %max3A_47 : vector<16xf32>
    %sub3A_49 = arith.subf %get3A_25, %get3A_20 : vector<16xf32>
    %max3A_50 = arith.constant 0.000000e+00 : f32
    %max3A_51 = vector.broadcast %max3A_50 : f32 to vector<16xf32>
    %max3A_52 = arith.maximumf %sub3A_49, %max3A_51 : vector<16xf32>
    %sub3A_53 = arith.subf %add3A_48, %max3A_52 : vector<16xf32>
    %get3A_54 = arith.constant 0 : index
    %get3A_55 = tpu.vector_load %arg13[%get3A_54] {strides = array<i32>} : memref<16xf32, #tpu.memory_space<vmem>>, vector<16xf32>,
    %get3A_56 = vector.shape_cast %get3A_55 : vector<16xf32> to vector<16xf32>
    %add3A_57 = arith.addf %get3A_56, %sub3A_53 : vector<16xf32>
    %swap3A_58 = arith.constant 0 : index
    %swap3A_59 = tpu.vector_load %arg13[%swap3A_58] {strides = array<i32>} : memref<16xf32, #tpu.memory_space<vmem>>, vector<16xf32>,
    %swap3A_60 = vector.shape_cast %swap3A_59 : vector<16xf32> to vector<16xf32>
    %swap3A_61 = vector.shape_cast %add3A_57 : vector<16xf32> to vector<16xf32>
    tpu.vector_store %arg13[%swap3A_58], %swap3A_61 {strides = array<i32>} : memref<16xf32, #tpu.memory_space<vmem>>, vector<16xf32>,
    %get3A_62 = arith.constant 0 : i32
    %get3A_63 = arith.index_cast %get3A_62 : i32 to index
    %get3A_64 = arith.constant 16 : index
    %get3A_65 = tpu.vector_load %arg9[%get3A_63, %get3A_64] {strides = array<i32>} : memref<16x64xf32, #tpu.memory_space<vmem>>, vector<1x16xf32>,
    %get3A_66 = vector.shape_cast %get3A_65 : vector<1x16xf32> to vector<16xf32>
    %get3A_67 = arith.constant 0 : i32
    %get3A_68 = arith.index_cast %get3A_67 : i32 to index
    %get3A_69 = arith.constant 16 : index
    %get3A_70 = tpu.vector_load %arg10[%get3A_68, %get3A_69] {strides = array<i32>} : memref<16x64xf32, #tpu.memory_space<vmem>>, vector<1x16xf32>,
    %get3A_71 = vector.shape_cast %get3A_70 : vector<1x16xf32> to vector<16xf32>
    %get3A_72 = arith.constant 16 : index
    %get3A_73 = tpu.vector_load %arg11[%get3A_72] {strides = array<i32>} : memref<64xf32, #tpu.memory_space<vmem>>, vector<16xf32>,
    %get3A_74 = vector.shape_cast %get3A_73 : vector<16xf32> to vector<16xf32>
    %get3A_75 = arith.constant 16 : index
    %get3A_76 = tpu.vector_load %arg12[%get3A_75] {strides = array<i32>} : memref<64xf32, #tpu.memory_space<vmem>>, vector<16xf32>,
    %get3A_77 = vector.shape_cast %get3A_76 : vector<16xf32> to vector<16xf32>
    %sub3A_78 = arith.subf %get3A_74, %get3A_66 : vector<16xf32>
    %max3A_79 = arith.constant 0.000000e+00 : f32
    %max3A_80 = vector.broadcast %max3A_79 : f32 to vector<16xf32>
    %max3A_81 = arith.maximumf %sub3A_78, %max3A_80 : vector<16xf32>
    %sub3A_82 = arith.subf %get3A_71, %get3A_77 : vector<16xf32>
    %max3A_83 = arith.constant 0.000000e+00 : f32
    %max3A_84 = vector.broadcast %max3A_83 : f32 to vector<16xf32>
    %max3A_85 = arith.maximumf %sub3A_82, %max3A_84 : vector<16xf32>
    %add3A_86 = arith.addf %max3A_81, %max3A_85 : vector<16xf32>
    %sub3A_87 = arith.subf %get3A_74, %get3A_71 : vector<16xf32>
    %max3A_88 = arith.constant 0.000000e+00 : f32
    %max3A_89 = vector.broadcast %max3A_88 : f32 to vector<16xf32>
    %max3A_90 = arith.maximumf %sub3A_87, %max3A_89 : vector<16xf32>
    %add3A_91 = arith.addf %add3A_86, %max3A_90 : vector<16xf32>
    %sub3A_92 = arith.subf %get3A_66, %get3A_77 : vector<16xf32>
    %max3A_93 = arith.constant 0.000000e+00 : f32
    %max3A_94 = vector.broadcast %max3A_93 : f32 to vector<16xf32>
    %max3A_95 = arith.maximumf %sub3A_92, %max3A_94 : vector<16xf32>
    %add3A_96 = arith.addf %add3A_91, %max3A_95 : vector<16xf32>
    %sub3A_97 = arith.subf %get3A_71, %get3A_66 : vector<16xf32>
    %max3A_98 = arith.constant 0.000000e+00 : f32
    %max3A_99 = vector.broadcast %max3A_98 : f32 to vector<16xf32>
    %max3A_100 = arith.maximumf %sub3A_97, %max3A_99 : vector<16xf32>
    %sub3A_101 = arith.subf %add3A_96, %max3A_100 : vector<16xf32>
    %get3A_102 = arith.constant 0 : index
    %get3A_103 = tpu.vector_load %arg13[%get3A_102] {strides = array<i32>} : memref<16xf32, #tpu.memory_space<vmem>>, vector<16xf32>,
    %get3A_104 = vector.shape_cast %get3A_103 : vector<16xf32> to vector<16xf32>
    %add3A_105 = arith.addf %get3A_104, %sub3A_101 : vector<16xf32>
    %swap3A_106 = arith.constant 0 : index
    %swap3A_107 = tpu.vector_load %arg13[%swap3A_106] {strides = array<i32>} : memref<16xf32, #tpu.memory_space<vmem>>, vector<16xf32>,
    %swap3A_108 = vector.shape_cast %swap3A_107 : vector<16xf32> to vector<16xf32>
    %swap3A_109 = vector.shape_cast %add3A_105 : vector<16xf32> to vector<16xf32>
    tpu.vector_store %arg13[%swap3A_106], %swap3A_109 {strides = array<i32>} : memref<16xf32, #tpu.memory_space<vmem>>, vector<16xf32>,
    %get3A_110 = arith.constant 0 : i32
    %get3A_111 = arith.index_cast %get3A_110 : i32 to index
    %get3A_112 = arith.constant 32 : index
    %get3A_113 = tpu.vector_load %arg9[%get3A_111, %get3A_112] {strides = array<i32>} : memref<16x64xf32, #tpu.memory_space<vmem>>, vector<1x16xf32>,
    %get3A_114 = vector.shape_cast %get3A_113 : vector<1x16xf32> to vector<16xf32>
    %get3A_115 = arith.constant 0 : i32
    %get3A_116 = arith.index_cast %get3A_115 : i32 to index
    %get3A_117 = arith.constant 32 : index
    %get3A_118 = tpu.vector_load %arg10[%get3A_116, %get3A_117] {strides = array<i32>} : memref<16x64xf32, #tpu.memory_space<vmem>>, vector<1x16xf32>,
    %get3A_119 = vector.shape_cast %get3A_118 : vector<1x16xf32> to vector<16xf32>
    %get3A_120 = arith.constant 32 : index
    %get3A_121 = tpu.vector_load %arg11[%get3A_120] {strides = array<i32>} : memref<64xf32, #tpu.memory_space<vmem>>, vector<16xf32>,
    %get3A_122 = vector.shape_cast %get3A_121 : vector<16xf32> to vector<16xf32>
    %get3A_123 = arith.constant 32 : index
    %get3A_124 = tpu.vector_load %arg12[%get3A_123] {strides = array<i32>} : memref<64xf32, #tpu.memory_space<vmem>>, vector<16xf32>,
    %get3A_125 = vector.shape_cast %get3A_124 : vector<16xf32> to vector<16xf32>
    %sub3A_126 = arith.subf %get3A_122, %get3A_114 : vector<16xf32>
    %max3A_127 = arith.constant 0.000000e+00 : f32
    %max3A_128 = vector.broadcast %max3A_127 : f32 to vector<16xf32>
    %max3A_129 = arith.maximumf %sub3A_126, %max3A_128 : vector<16xf32>
    %sub3A_130 = arith.subf %get3A_119, %get3A_125 : vector<16xf32>
    %max3A_131 = arith.constant 0.000000e+00 : f32
    %max3A_132 = vector.broadcast %max3A_131 : f32 to vector<16xf32>
    %max3A_133 = arith.maximumf %sub3A_130, %max3A_132 : vector<16xf32>
    %add3A_134 = arith.addf %max3A_129, %max3A_133 : vector<16xf32>
    %sub3A_135 = arith.subf %get3A_122, %get3A_119 : vector<16xf32>
    %max3A_136 = arith.constant 0.000000e+00 : f32
    %max3A_137 = vector.broadcast %max3A_136 : f32 to vector<16xf32>
    %max3A_138 = arith.maximumf %sub3A_135, %max3A_137 : vector<16xf32>
    %add3A_139 = arith.addf %add3A_134, %max3A_138 : vector<16xf32>
    %sub3A_140 = arith.subf %get3A_114, %get3A_125 : vector<16xf32>
    %max3A_141 = arith.constant 0.000000e+00 : f32
    %max3A_142 = vector.broadcast %max3A_141 : f32 to vector<16xf32>
    %max3A_143 = arith.maximumf %sub3A_140, %max3A_142 : vector<16xf32>
    %add3A_144 = arith.addf %add3A_139, %max3A_143 : vector<16xf32>
    %sub3A_145 = arith.subf %get3A_119, %get3A_114 : vector<16xf32>
    %max3A_146 = arith.constant 0.000000e+00 : f32
    %max3A_147 = vector.broadcast %max3A_146 : f32 to vector<16xf32>
    %max3A_148 = arith.maximumf %sub3A_145, %max3A_147 : vector<16xf32>
    %sub3A_149 = arith.subf %add3A_144, %max3A_148 : vector<16xf32>
    %get3A_150 = arith.constant 0 : index
    %get3A_151 = tpu.vector_load %arg13[%get3A_150] {strides = array<i32>} : memref<16xf32, #tpu.memory_space<vmem>>, vector<16xf32>,
    %get3A_152 = vector.shape_cast %get3A_151 : vector<16xf32> to vector<16xf32>
    %add3A_153 = arith.addf %get3A_152, %sub3A_149 : vector<16xf32>
    %swap3A_154 = arith.constant 0 : index
    %swap3A_155 = tpu.vector_load %arg13[%swap3A_154] {strides = array<i32>} : memref<16xf32, #tpu.memory_space<vmem>>, vector<16xf32>,
    %swap3A_156 = vector.shape_cast %swap3A_155 : vector<16xf32> to vector<16xf32>
    %swap3A_157 = vector.shape_cast %add3A_153 : vector<16xf32> to vector<16xf32>
    tpu.vector_store %arg13[%swap3A_154], %swap3A_157 {strides = array<i32>} : memref<16xf32, #tpu.memory_space<vmem>>, vector<16xf32>,
    %get3A_158 = arith.constant 0 : i32
    %get3A_159 = arith.index_cast %get3A_158 : i32 to index
    %get3A_160 = arith.constant 48 : index
    %get3A_161 = tpu.vector_load %arg9[%get3A_159, %get3A_160] {strides = array<i32>} : memref<16x64xf32, #tpu.memory_space<vmem>>, vector<1x16xf32>,
    %get3A_162 = vector.shape_cast %get3A_161 : vector<1x16xf32> to vector<16xf32>
    %get3A_163 = arith.constant 0 : i32
    %get3A_164 = arith.index_cast %get3A_163 : i32 to index
    %get3A_165 = arith.constant 48 : index
    %get3A_166 = tpu.vector_load %arg10[%get3A_164, %get3A_165] {strides = array<i32>} : memref<16x64xf32, #tpu.memory_space<vmem>>, vector<1x16xf32>,
    %get3A_167 = vector.shape_cast %get3A_166 : vector<1x16xf32> to vector<16xf32>
    %get3A_168 = arith.constant 48 : index
    %get3A_169 = tpu.vector_load %arg11[%get3A_168] {strides = array<i32>} : memref<64xf32, #tpu.memory_space<vmem>>, vector<16xf32>,
    %get3A_170 = vector.shape_cast %get3A_169 : vector<16xf32> to vector<16xf32>
    %get3A_171 = arith.constant 48 : index
    %get3A_172 = tpu.vector_load %arg12[%get3A_171] {strides = array<i32>} : memref<64xf32, #tpu.memory_space<vmem>>, vector<16xf32>,
    %get3A_173 = vector.shape_cast %get3A_172 : vector<16xf32> to vector<16xf32>
    %sub3A_174 = arith.subf %get3A_170, %get3A_162 : vector<16xf32>
    %max3A_175 = arith.constant 0.000000e+00 : f32
    %max3A_176 = vector.broadcast %max3A_175 : f32 to vector<16xf32>
    %max3A_177 = arith.maximumf %sub3A_174, %max3A_176 : vector<16xf32>
    %sub3A_178 = arith.subf %get3A_167, %get3A_173 : vector<16xf32>
    %max3A_179 = arith.constant 0.000000e+00 : f32
    %max3A_180 = vector.broadcast %max3A_179 : f32 to vector<16xf32>
    %max3A_181 = arith.maximumf %sub3A_178, %max3A_180 : vector<16xf32>
    %add3A_182 = arith.addf %max3A_177, %max3A_181 : vector<16xf32>
    %sub3A_183 = arith.subf %get3A_170, %get3A_167 : vector<16xf32>
    %max3A_184 = arith.constant 0.000000e+00 : f32
    %max3A_185 = vector.broadcast %max3A_184 : f32 to vector<16xf32>
    %max3A_186 = arith.maximumf %sub3A_183, %max3A_185 : vector<16xf32>
    %add3A_187 = arith.addf %add3A_182, %max3A_186 : vector<16xf32>
    %sub3A_188 = arith.subf %get3A_162, %get3A_173 : vector<16xf32>
    %max3A_189 = arith.constant 0.000000e+00 : f32
    %max3A_190 = vector.broadcast %max3A_189 : f32 to vector<16xf32>
    %max3A_191 = arith.maximumf %sub3A_188, %max3A_190 : vector<16xf32>
    %add3A_192 = arith.addf %add3A_187, %max3A_191 : vector<16xf32>
    %sub3A_193 = arith.subf %get3A_167, %get3A_162 : vector<16xf32>
    %max3A_194 = arith.constant 0.000000e+00 : f32
    %max3A_195 = vector.broadcast %max3A_194 : f32 to vector<16xf32>
    %max3A_196 = arith.maximumf %sub3A_193, %max3A_195 : vector<16xf32>
    %sub3A_197 = arith.subf %add3A_192, %max3A_196 : vector<16xf32>
    %get3A_198 = arith.constant 0 : index
    %get3A_199 = tpu.vector_load %arg13[%get3A_198] {strides = array<i32>} : memref<16xf32, #tpu.memory_space<vmem>>, vector<16xf32>,
    %get3A_200 = vector.shape_cast %get3A_199 : vector<16xf32> to vector<16xf32>
    %add3A_201 = arith.addf %get3A_200, %sub3A_197 : vector<16xf32>
    %swap3A_202 = arith.constant 0 : index
    %swap3A_203 = tpu.vector_load %arg13[%swap3A_202] {strides = array<i32>} : memref<16xf32, #tpu.memory_space<vmem>>, vector<16xf32>,
    %swap3A_204 = vector.shape_cast %swap3A_203 : vector<16xf32> to vector<16xf32>
    %swap3A_205 = vector.shape_cast %add3A_201 : vector<16xf32> to vector<16xf32>
    tpu.vector_store %arg13[%swap3A_202], %swap3A_205 {strides = array<i32>} : memref<16xf32, #tpu.memory_space<vmem>>, vector<16xf32>,
    %get3A_206 = arith.constant 1 : i32
    %get3A_207 = arith.index_cast %get3A_206 : i32 to index
    %get3A_208 = arith.constant 0 : index
    %get3A_209 = tpu.vector_load %arg9[%get3A_207, %get3A_208] {strides = array<i32>} : memref<16x64xf32, #tpu.memory_space<vmem>>, vector<1x16xf32>,
    %get3A_210 = vector.shape_cast %get3A_209 : vector<1x16xf32> to vector<16xf32>
    %get3A_211 = arith.constant 1 : i32
    %get3A_212 = arith.index_cast %get3A_211 : i32 to index
    %get3A_213 = arith.constant 0 : index
    %get3A_214 = tpu.vector_load %arg10[%get3A_212, %get3A_213] {strides = array<i32>} : memref<16x64xf32, #tpu.memory_space<vmem>>, vector<1x16xf32>,
    %get3A_215 = vector.shape_cast %get3A_214 : vector<1x16xf32> to vector<16xf32>
    %get3A_216 = arith.constant 0 : index
    %get3A_217 = tpu.vector_load %arg11[%get3A_216] {strides = array<i32>} : memref<64xf32, #tpu.memory_space<vmem>>, vector<16xf32>,
    %get3A_218 = vector.shape_cast %get3A_217 : vector<16xf32> to vector<16xf32>
    %get3A_219 = arith.constant 0 : index
    %get3A_220 = tpu.vector_load %arg12[%get3A_219] {strides = array<i32>} : memref<64xf32, #tpu.memory_space<vmem>>, vector<16xf32>,
    %get3A_221 = vector.shape_cast %get3A_220 : vector<16xf32> to vector<16xf32>
    %sub3A_222 = arith.subf %get3A_218, %get3A_210 : vector<16xf32>
    %max3A_223 = arith.constant 0.000000e+00 : f32
    %max3A_224 = vector.broadcast %max3A_223 : f32 to vector<16xf32>
    %max3A_225 = arith.maximumf %sub3A_222, %max3A_224 : vector<16xf32>
    %sub3A_226 = arith.subf %get3A_215, %get3A_221 : vector<16xf32>
    %max3A_227 = arith.constant 0.000000e+00 : f32
    %max3A_228 = vector.broadcast %max3A_227 : f32 to vector<16xf32>
    %max3A_229 = arith.maximumf %sub3A_226, %max3A_228 : vector<16xf32>
    %add3A_230 = arith.addf %max3A_225, %max3A_229 : vector<16xf32>
    %sub3A_231 = arith.subf %get3A_218, %get3A_215 : vector<16xf32>
    %max3A_232 = arith.constant 0.000000e+00 : f32
    %max3A_233 = vector.broadcast %max3A_232 : f32 to vector<16xf32>
    %max3A_234 = arith.maximumf %sub3A_231, %max3A_233 : vector<16xf32>
    %add3A_235 = arith.addf %add3A_230, %max3A_234 : vector<16xf32>
    %sub3A_236 = arith.subf %get3A_210, %get3A_221 : vector<16xf32>
    %max3A_237 = arith.constant 0.000000e+00 : f32
    %max3A_238 = vector.broadcast %max3A_237 : f32 to vector<16xf32>
    %max3A_239 = arith.maximumf %sub3A_236, %max3A_238 : vector<16xf32>
    %add3A_240 = arith.addf %add3A_235, %max3A_239 : vector<16xf32>
    %sub3A_241 = arith.subf %get3A_215, %get3A_210 : vector<16xf32>
    %max3A_242 = arith.constant 0.000000e+00 : f32
    %max3A_243 = vector.broadcast %max3A_242 : f32 to vector<16xf32>
    %max3A_244 = arith.maximumf %sub3A_241, %max3A_243 : vector<16xf32>
    %sub3A_245 = arith.subf %add3A_240, %max3A_244 : vector<16xf32>
    %get3A_246 = arith.constant 0 : index
    %get3A_247 = tpu.vector_load %arg13[%get3A_246] {strides = array<i32>} : memref<16xf32, #tpu.memory_space<vmem>>, vector<16xf32>,
    %get3A_248 = vector.shape_cast %get3A_247 : vector<16xf32> to vector<16xf32>
    %add3A_249 = arith.addf %get3A_248, %sub3A_245 : vector<16xf32>
    %swap3A_250 = arith.constant 0 : index
    %swap3A_251 = tpu.vector_load %arg13[%swap3A_250] {strides = array<i32>} : memref<16xf32, #tpu.memory_space<vmem>>, vector<16xf32>,
    %swap3A_252 = vector.shape_cast %swap3A_251 : vector<16xf32> to vector<16xf32>
    %swap3A_253 = vector.shape_cast %add3A_249 : vector<16xf32> to vector<16xf32>
    tpu.vector_store %arg13[%swap3A_250], %swap3A_253 {strides = array<i32>} : memref<16xf32, #tpu.memory_space<vmem>>, vector<16xf32>,
    %get3A_254 = arith.constant 1 : i32
    %get3A_255 = arith.index_cast %get3A_254 : i32 to index
    %get3A_256 = arith.constant 16 : index
    %get3A_257 = tpu.vector_load %arg9[%get3A_255, %get3A_256] {strides = array<i32>} : memref<16x64xf32, #tpu.memory_space<vmem>>, vector<1x16xf32>,
    %get3A_258 = vector.shape_cast %get3A_257 : vector<1x16xf32> to vector<16xf32>
    %get3A_259 = arith.constant 1 : i32
    %get3A_260 = arith.index_cast %get3A_259 : i32 to index
    %get3A_261 = arith.constant 16 : index
    %get3A_262 = tpu.vector_load %arg10[%get3A_260, %get3A_261] {strides = array<i32>} : memref<16x64xf32, #tpu.memory_space<vmem>>, vector<1x16xf32>,
    %get3A_263 = vector.shape_cast %get3A_262 : vector<1x16xf32> to vector<16xf32>
    %get3A_264 = arith.constant 16 : index
    %get3A_265 = tpu.vector_load %arg11[%get3A_264] {strides = array<i32>} : memref<64xf32, #tpu.memory_space<vmem>>, vector<16xf32>,
    %get3A_266 = vector.shape_cast %get3A_265 : vector<16xf32> to vector<16xf32>
    %get3A_267 = arith.constant 16 : index
    %get3A_268 = tpu.vector_load %arg12[%get3A_267] {strides = array<i32>} : memref<64xf32, #tpu.memory_space<vmem>>, vector<16xf32>,
    %get3A_269 = vector.shape_cast %get3A_268 : vector<16xf32> to vector<16xf32>
    %sub3A_270 = arith.subf %get3A_266, %get3A_258 : vector<16xf32>
    %max3A_271 = arith.constant 0.000000e+00 : f32
    %max3A_272 = vector.broadcast %max3A_271 : f32 to vector<16xf32>
    %max3A_273 = arith.maximumf %sub3A_270, %max3A_272 : vector<16xf32>
    %sub3A_274 = arith.subf %get3A_263, %get3A_269 : vector<16xf32>
    %max3A_275 = arith.constant 0.000000e+00 : f32
    %max3A_276 = vector.broadcast %max3A_275 : f32 to vector<16xf32>
    %max3A_277 = arith.maximumf %sub3A_274, %max3A_276 : vector<16xf32>
    %add3A_278 = arith.addf %max3A_273, %max3A_277 : vector<16xf32>
    %sub3A_279 = arith.subf %get3A_266, %get3A_263 : vector<16xf32>
    %max3A_280 = arith.constant 0.000000e+00 : f32
    %max3A_281 = vector.broadcast %max3A_280 : f32 to vector<16xf32>
    %max3A_282 = arith.maximumf %sub3A_279, %max3A_281 : vector<16xf32>
    %add3A_283 = arith.addf %add3A_278, %max3A_282 : vector<16xf32>
    %sub3A_284 = arith.subf %get3A_258, %get3A_269 : vector<16xf32>
    %max3A_285 = arith.constant 0.000000e+00 : f32
    %max3A_286 = vector.broadcast %max3A_285 : f32 to vector<16xf32>
    %max3A_287 = arith.maximumf %sub3A_284, %max3A_286 : vector<16xf32>
    %add3A_288 = arith.addf %add3A_283, %max3A_287 : vector<16xf32>
    %sub3A_289 = arith.subf %get3A_263, %get3A_258 : vector<16xf32>
    %max3A_290 = arith.constant 0.000000e+00 : f32
    %max3A_291 = vector.broadcast %max3A_290 : f32 to vector<16xf32>
    %max3A_292 = arith.maximumf %sub3A_289, %max3A_291 : vector<16xf32>
    %sub3A_293 = arith.subf %add3A_288, %max3A_292 : vector<16xf32>
    %get3A_294 = arith.constant 0 : index
    %get3A_295 = tpu.vector_load %arg13[%get3A_294] {strides = array<i32>} : memref<16xf32, #tpu.memory_space<vmem>>, vector<16xf32>,
    %get3A_296 = vector.shape_cast %get3A_295 : vector<16xf32> to vector<16xf32>
    %add3A_297 = arith.addf %get3A_296, %sub3A_293 : vector<16xf32>
    %swap3A_298 = arith.constant 0 : index
    %swap3A_299 = tpu.vector_load %arg13[%swap3A_298] {strides = array<i32>} : memref<16xf32, #tpu.memory_space<vmem>>, vector<16xf32>,
    %swap3A_300 = vector.shape_cast %swap3A_299 : vector<16xf32> to vector<16xf32>
    %swap3A_301 = vector.shape_cast %add3A_297 : vector<16xf32> to vector<16xf32>
    tpu.vector_store %arg13[%swap3A_298], %swap3A_301 {strides = array<i32>} : memref<16xf32, #tpu.memory_space<vmem>>, vector<16xf32>,
    %get3A_302 = arith.constant 1 : i32
    %get3A_303 = arith.index_cast %get3A_302 : i32 to index
    %get3A_304 = arith.constant 32 : index
    %get3A_305 = tpu.vector_load %arg9[%get3A_303, %get3A_304] {strides = array<i32>} : memref<16x64xf32, #tpu.memory_space<vmem>>, vector<1x16xf32>,
    %get3A_306 = vector.shape_cast %get3A_305 : vector<1x16xf32> to vector<16xf32>
    %get3A_307 = arith.constant 1 : i32
    %get3A_308 = arith.index_cast %get3A_307 : i32 to index
    %get3A_309 = arith.constant 32 : index
    %get3A_310 = tpu.vector_load %arg10[%get3A_308, %get3A_309] {strides = array<i32>} : memref<16x64xf32, #tpu.memory_space<vmem>>, vector<1x16xf32>,
    %get3A_311 = vector.shape_cast %get3A_310 : vector<1x16xf32> to vector<16xf32>
    %get3A_312 = arith.constant 32 : index
    %get3A_313 = tpu.vector_load %arg11[%get3A_312] {strides = array<i32>} : memref<64xf32, #tpu.memory_space<vmem>>, vector<16xf32>,
    %get3A_314 = vector.shape_cast %get3A_313 : vector<16xf32> to vector<16xf32>
    %get3A_315 = arith.constant 32 : index
    %get3A_316 = tpu.vector_load %arg12[%get3A_315] {strides = array<i32>} : memref<64xf32, #tpu.memory_space<vmem>>, vector<16xf32>,
    %get3A_317 = vector.shape_cast %get3A_316 : vector<16xf32> to vector<16xf32>
    %sub3A_318 = arith.subf %get3A_314, %get3A_306 : vector<16xf32>
    %max3A_319 = arith.constant 0.000000e+00 : f32
    %max3A_320 = vector.broadcast %max3A_319 : f32 to vector<16xf32>
    %max3A_321 = arith.maximumf %sub3A_318, %max3A_320 : vector<16xf32>
    %sub3A_322 = arith.subf %get3A_311, %get3A_317 : vector<16xf32>
    %max3A_323 = arith.constant 0.000000e+00 : f32
    %max3A_324 = vector.broadcast %max3A_323 : f32 to vector<16xf32>
    %max3A_325 = arith.maximumf %sub3A_322, %max3A_324 : vector<16xf32>
    %add3A_326 = arith.addf %max3A_321, %max3A_325 : vector<16xf32>
    %sub3A_327 = arith.subf %get3A_314, %get3A_311 : vector<16xf32>
    %max3A_328 = arith.constant 0.000000e+00 : f32
    %max3A_329 = vector.broadcast %max3A_328 : f32 to vector<16xf32>
    %max3A_330 = arith.maximumf %sub3A_327, %max3A_329 : vector<16xf32>
    %add3A_331 = arith.addf %add3A_326, %max3A_330 : vector<16xf32>
    %sub3A_332 = arith.subf %get3A_306, %get3A_317 : vector<16xf32>
    %max3A_333 = arith.constant 0.000000e+00 : f32
    %max3A_334 = vector.broadcast %max3A_333 : f32 to vector<16xf32>
    %max3A_335 = arith.maximumf %sub3A_332, %max3A_334 : vector<16xf32>
    %add3A_336 = arith.addf %add3A_331, %max3A_335 : vector<16xf32>
    %sub3A_337 = arith.subf %get3A_311, %get3A_306 : vector<16xf32>
    %max3A_338 = arith.constant 0.000000e+00 : f32
    %max3A_339 = vector.broadcast %max3A_338 : f32 to vector<16xf32>
    %max3A_340 = arith.maximumf %sub3A_337, %max3A_339 : vector<16xf32>
    %sub3A_341 = arith.subf %add3A_336, %max3A_340 : vector<16xf32>
    %get3A_342 = arith.constant 0 : index
    %get3A_343 = tpu.vector_load %arg13[%get3A_342] {strides = array<i32>} : memref<16xf32, #tpu.memory_space<vmem>>, vector<16xf32>,
    %get3A_344 = vector.shape_cast %get3A_343 : vector<16xf32> to vector<16xf32>
    %add3A_345 = arith.addf %get3A_344, %sub3A_341 : vector<16xf32>
    %swap3A_346 = arith.constant 0 : index
    %swap3A_347 = tpu.vector_load %arg13[%swap3A_346] {strides = array<i32>} : memref<16xf32, #tpu.memory_space<vmem>>, vector<16xf32>,
    %swap3A_348 = vector.shape_cast %swap3A_347 : vector<16xf32> to vector<16xf32>
    %swap3A_349 = vector.shape_cast %add3A_345 : vector<16xf32> to vector<16xf32>
    tpu.vector_store %arg13[%swap3A_346], %swap3A_349 {strides = array<i32>} : memref<16xf32, #tpu.memory_space<vmem>>, vector<16xf32>,
    %get3A_350 = arith.constant 1 : i32
    %get3A_351 = arith.index_cast %get3A_350 : i32 to index
    %get3A_352 = arith.constant 48 : index
    %get3A_353 = tpu.vector_load %arg9[%get3A_351, %get3A_352] {strides = array<i32>} : memref<16x64xf32, #tpu.memory_space<vmem>>, vector<1x16xf32>,
    %get3A_354 = vector.shape_cast %get3A_353 : vector<1x16xf32> to vector<16xf32>
    %get3A_355 = arith.constant 1 : i32
    %get3A_356 = arith.index_cast %get3A_355 : i32 to index
    %get3A_357 = arith.constant 48 : index
    %get3A_358 = tpu.vector_load %arg10[%get3A_356, %get3A_357] {strides = array<i32>} : memref<16x64xf32, #tpu.memory_space<vmem>>, vector<1x16xf32>,
    %get3A_359 = vector.shape_cast %get3A_358 : vector<1x16xf32> to vector<16xf32>
    %get3A_360 = arith.constant 48 : index
    %get3A_361 = tpu.vector_load %arg11[%get3A_360] {strides = array<i32>} : memref<64xf32, #tpu.memory_space<vmem>>, vector<16xf32>,
    %get3A_362 = vector.shape_cast %get3A_361 : vector<16xf32> to vector<16xf32>
    %get3A_363 = arith.constant 48 : index
    %get3A_364 = tpu.vector_load %arg12[%get3A_363] {strides = array<i32>} : memref<64xf32, #tpu.memory_space<vmem>>, vector<16xf32>,
    %get3A_365 = vector.shape_cast %get3A_364 : vector<16xf32> to vector<16xf32>
    %sub3A_366 = arith.subf %get3A_362, %get3A_354 : vector<16xf32>
    %max3A_367 = arith.constant 0.000000e+00 : f32
    %max3A_368 = vector.broadcast %max3A_367 : f32 to vector<16xf32>
    %max3A_369 = arith.maximumf %sub3A_366, %max3A_368 : vector<16xf32>
    %sub3A_370 = arith.subf %get3A_359, %get3A_365 : vector<16xf32>
    %max3A_371 = arith.constant 0.000000e+00 : f32
    %max3A_372 = vector.broadcast %max3A_371 : f32 to vector<16xf32>
    %max3A_373 = arith.maximumf %sub3A_370, %max3A_372 : vector<16xf32>
    %add3A_374 = arith.addf %max3A_369, %max3A_373 : vector<16xf32>
    %sub3A_375 = arith.subf %get3A_362, %get3A_359 : vector<16xf32>
    %max3A_376 = arith.constant 0.000000e+00 : f32
    %max3A_377 = vector.broadcast %max3A_376 : f32 to vector<16xf32>
    %max3A_378 = arith.maximumf %sub3A_375, %max3A_377 : vector<16xf32>
    %add3A_379 = arith.addf %add3A_374, %max3A_378 : vector<16xf32>
    %sub3A_380 = arith.subf %get3A_354, %get3A_365 : vector<16xf32>
    %max3A_381 = arith.constant 0.000000e+00 : f32
    %max3A_382 = vector.broadcast %max3A_381 : f32 to vector<16xf32>
    %max3A_383 = arith.maximumf %sub3A_380, %max3A_382 : vector<16xf32>
    %add3A_384 = arith.addf %add3A_379, %max3A_383 : vector<16xf32>
    %sub3A_385 = arith.subf %get3A_359, %get3A_354 : vector<16xf32>
    %max3A_386 = arith.constant 0.000000e+00 : f32
    %max3A_387 = vector.broadcast %max3A_386 : f32 to vector<16xf32>
    %max3A_388 = arith.maximumf %sub3A_385, %max3A_387 : vector<16xf32>
    %sub3A_389 = arith.subf %add3A_384, %max3A_388 : vector<16xf32>
    %get3A_390 = arith.constant 0 : index
    %get3A_391 = tpu.vector_load %arg13[%get3A_390] {strides = array<i32>} : memref<16xf32, #tpu.memory_space<vmem>>, vector<16xf32>,
    %get3A_392 = vector.shape_cast %get3A_391 : vector<16xf32> to vector<16xf32>
    %add3A_393 = arith.addf %get3A_392, %sub3A_389 : vector<16xf32>
    %swap3A_394 = arith.constant 0 : index
    %swap3A_395 = tpu.vector_load %arg13[%swap3A_394] {strides = array<i32>} : memref<16xf32, #tpu.memory_space<vmem>>, vector<16xf32>,
    %swap3A_396 = vector.shape_cast %swap3A_395 : vector<16xf32> to vector<16xf32>
    %swap3A_397 = vector.shape_cast %add3A_393 : vector<16xf32> to vector<16xf32>
    tpu.vector_store %arg13[%swap3A_394], %swap3A_397 {strides = array<i32>} : memref<16xf32, #tpu.memory_space<vmem>>, vector<16xf32>,
    %get3A_398 = arith.constant 2 : i32
    %get3A_399 = arith.index_cast %get3A_398 : i32 to index
    %get3A_400 = arith.constant 0 : index
    %get3A_401 = tpu.vector_load %arg9[%get3A_399, %get3A_400] {strides = array<i32>} : memref<16x64xf32, #tpu.memory_space<vmem>>, vector<1x16xf32>,
    %get3A_402 = vector.shape_cast %get3A_401 : vector<1x16xf32> to vector<16xf32>
    %get3A_403 = arith.constant 2 : i32
    %get3A_404 = arith.index_cast %get3A_403 : i32 to index
    %get3A_405 = arith.constant 0 : index
    %get3A_406 = tpu.vector_load %arg10[%get3A_404, %get3A_405] {strides = array<i32>} : memref<16x64xf32, #tpu.memory_space<vmem>>, vector<1x16xf32>,
    %get3A_407 = vector.shape_cast %get3A_406 : vector<1x16xf32> to vector<16xf32>
    %get3A_408 = arith.constant 0 : index
    %get3A_409 = tpu.vector_load %arg11[%get3A_408] {strides = array<i32>} : memref<64xf32, #tpu.memory_space<vmem>>, vector<16xf32>,
    %get3A_410 = vector.shape_cast %get3A_409 : vector<16xf32> to vector<16xf32>
    %get3A_411 = arith.constant 0 : index
    %get3A_412 = tpu.vector_load %arg12[%get3A_411] {strides = array<i32>} : memref<64xf32, #tpu.memory_space<vmem>>, vector<16xf32>,
    %get3A_413 = vector.shape_cast %get3A_412 : vector<16xf32> to vector<16xf32>
    %sub3A_414 = arith.subf %get3A_410, %get3A_402 : vector<16xf32>
    %max3A_415 = arith.constant 0.000000e+00 : f32
    %max3A_416 = vector.broadcast %max3A_415 : f32 to vector<16xf32>
    %max3A_417 = arith.maximumf %sub3A_414, %max3A_416 : vector<16xf32>
    %sub3A_418 = arith.subf %get3A_407, %get3A_413 : vector<16xf32>
    %max3A_419 = arith.constant 0.000000e+00 : f32
    %max3A_420 = vector.broadcast %max3A_419 : f32 to vector<16xf32>
    %max3A_421 = arith.maximumf %sub3A_418, %max3A_420 : vector<16xf32>
    %add3A_422 = arith.addf %max3A_417, %max3A_421 : vector<16xf32>
    %sub3A_423 = arith.subf %get3A_410, %get3A_407 : vector<16xf32>
    %max3A_424 = arith.constant 0.000000e+00 : f32
    %max3A_425 = vector.broadcast %max3A_424 : f32 to vector<16xf32>
    %max3A_426 = arith.maximumf %sub3A_423, %max3A_425 : vector<16xf32>
    %add3A_427 = arith.addf %add3A_422, %max3A_426 : vector<16xf32>
    %sub3A_428 = arith.subf %get3A_402, %get3A_413 : vector<16xf32>
    %max3A_429 = arith.constant 0.000000e+00 : f32
    %max3A_430 = vector.broadcast %max3A_429 : f32 to vector<16xf32>
    %max3A_431 = arith.maximumf %sub3A_428, %max3A_430 : vector<16xf32>
    %add3A_432 = arith.addf %add3A_427, %max3A_431 : vector<16xf32>
    %sub3A_433 = arith.subf %get3A_407, %get3A_402 : vector<16xf32>
    %max3A_434 = arith.constant 0.000000e+00 : f32
    %max3A_435 = vector.broadcast %max3A_434 : f32 to vector<16xf32>
    %max3A_436 = arith.maximumf %sub3A_433, %max3A_435 : vector<16xf32>
    %sub3A_437 = arith.subf %add3A_432, %max3A_436 : vector<16xf32>
    %get3A_438 = arith.constant 0 : index
    %get3A_439 = tpu.vector_load %arg13[%get3A_438] {strides = array<i32>} : memref<16xf32, #tpu.memory_space<vmem>>, vector<16xf32>,
    %get3A_440 = vector.shape_cast %get3A_439 : vector<16xf32> to vector<16xf32>
    %add3A_441 = arith.addf %get3A_440, %sub3A_437 : vector<16xf32>
    %swap3A_442 = arith.constant 0 : index
    %swap3A_443 = tpu.vector_load %arg13[%swap3A_442] {strides = array<i32>} : memref<16xf32, #tpu.memory_space<vmem>>, vector<16xf32>,
    %swap3A_444 = vector.shape_cast %swap3A_443 : vector<16xf32> to vector<16xf32>
    %swap3A_445 = vector.shape_cast %add3A_441 : vector<16xf32> to vector<16xf32>
    tpu.vector_store %arg13[%swap3A_442], %swap3A_445 {strides = array<i32>} : memref<16xf32, #tpu.memory_space<vmem>>, vector<16xf32>,
    %get3A_446 = arith.constant 2 : i32
    %get3A_447 = arith.index_cast %get3A_446 : i32 to index
    %get3A_448 = arith.constant 16 : index
    %get3A_449 = tpu.vector_load %arg9[%get3A_447, %get3A_448] {strides = array<i32>} : memref<16x64xf32, #tpu.memory_space<vmem>>, vector<1x16xf32>,
    %get3A_450 = vector.shape_cast %get3A_449 : vector<1x16xf32> to vector<16xf32>
    %get3A_451 = arith.constant 2 : i32
    %get3A_452 = arith.index_cast %get3A_451 : i32 to index
    %get3A_453 = arith.constant 16 : index
    %get3A_454 = tpu.vector_load %arg10[%get3A_452, %get3A_453] {strides = array<i32>} : memref<16x64xf32, #tpu.memory_space<vmem>>, vector<1x16xf32>,
    %get3A_455 = vector.shape_cast %get3A_454 : vector<1x16xf32> to vector<16xf32>
    %get3A_456 = arith.constant 16 : index
    %get3A_457 = tpu.vector_load %arg11[%get3A_456] {strides = array<i32>} : memref<64xf32, #tpu.memory_space<vmem>>, vector<16xf32>,
    %get3A_458 = vector.shape_cast %get3A_457 : vector<16xf32> to vector<16xf32>
    %get3A_459 = arith.constant 16 : index
    %get3A_460 = tpu.vector_load %arg12[%get3A_459] {strides = array<i32>} : memref<64xf32, #tpu.memory_space<vmem>>, vector<16xf32>,
    %get3A_461 = vector.shape_cast %get3A_460 : vector<16xf32> to vector<16xf32>
    %sub3A_462 = arith.subf %get3A_458, %get3A_450 : vector<16xf32>
    %max3A_463 = arith.constant 0.000000e+00 : f32
    %max3A_464 = vector.broadcast %max3A_463 : f32 to vector<16xf32>
    %max3A_465 = arith.maximumf %sub3A_462, %max3A_464 : vector<16xf32>
    %sub3A_466 = arith.subf %get3A_455, %get3A_461 : vector<16xf32>
    %max3A_467 = arith.constant 0.000000e+00 : f32
    %max3A_468 = vector.broadcast %max3A_467 : f32 to vector<16xf32>
    %max3A_469 = arith.maximumf %sub3A_466, %max3A_468 : vector<16xf32>
    %add3A_470 = arith.addf %max3A_465, %max3A_469 : vector<16xf32>
    %sub3A_471 = arith.subf %get3A_458, %get3A_455 : vector<16xf32>
    %max3A_472 = arith.constant 0.000000e+00 : f32
    %max3A_473 = vector.broadcast %max3A_472 : f32 to vector<16xf32>
    %max3A_474 = arith.maximumf %sub3A_471, %max3A_473 : vector<16xf32>
    %add3A_475 = arith.addf %add3A_470, %max3A_474 : vector<16xf32>
    %sub3A_476 = arith.subf %get3A_450, %get3A_461 : vector<16xf32>
    %max3A_477 = arith.constant 0.000000e+00 : f32
    %max3A_478 = vector.broadcast %max3A_477 : f32 to vector<16xf32>
    %max3A_479 = arith.maximumf %sub3A_476, %max3A_478 : vector<16xf32>
    %add3A_480 = arith.addf %add3A_475, %max3A_479 : vector<16xf32>
    %sub3A_481 = arith.subf %get3A_455, %get3A_450 : vector<16xf32>
    %max3A_482 = arith.constant 0.000000e+00 : f32
    %max3A_483 = vector.broadcast %max3A_482 : f32 to vector<16xf32>
    %max3A_484 = arith.maximumf %sub3A_481, %max3A_483 : vector<16xf32>
    %sub3A_485 = arith.subf %add3A_480, %max3A_484 : vector<16xf32>
    %get3A_486 = arith.constant 0 : index
    %get3A_487 = tpu.vector_load %arg13[%get3A_486] {strides = array<i32>} : memref<16xf32, #tpu.memory_space<vmem>>, vector<16xf32>,
    %get3A_488 = vector.shape_cast %get3A_487 : vector<16xf32> to vector<16xf32>
    %add3A_489 = arith.addf %get3A_488, %sub3A_485 : vector<16xf32>
    %swap3A_490 = arith.constant 0 : index
    %swap3A_491 = tpu.vector_load %arg13[%swap3A_490] {strides = array<i32>} : memref<16xf32, #tpu.memory_space<vmem>>, vector<16xf32>,
    %swap3A_492 = vector.shape_cast %swap3A_491 : vector<16xf32> to vector<16xf32>
    %swap3A_493 = vector.shape_cast %add3A_489 : vector<16xf32> to vector<16xf32>
    tpu.vector_store %arg13[%swap3A_490], %swap3A_493 {strides = array<i32>} : memref<16xf32, #tpu.memory_space<vmem>>, vector<16xf32>,
    %get3A_494 = arith.constant 2 : i32
    %get3A_495 = arith.index_cast %get3A_494 : i32 to index
    %get3A_496 = arith.constant 32 : index
    %get3A_497 = tpu.vector_load %arg9[%get3A_495, %get3A_496] {strides = array<i32>} : memref<16x64xf32, #tpu.memory_space<vmem>>, vector<1x16xf32>,
    %get3A_498 = vector.shape_cast %get3A_497 : vector<1x16xf32> to vector<16xf32>
    %get3A_499 = arith.constant 2 : i32
    %get3A_500 = arith.index_cast %get3A_499 : i32 to index
    %get3A_501 = arith.constant 32 : index
    %get3A_502 = tpu.vector_load %arg10[%get3A_500, %get3A_501] {strides = array<i32>} : memref<16x64xf32, #tpu.memory_space<vmem>>, vector<1x16xf32>,
    %get3A_503 = vector.shape_cast %get3A_502 : vector<1x16xf32> to vector<16xf32>
    %get3A_504 = arith.constant 32 : index
    %get3A_505 = tpu.vector_load %arg11[%get3A_504] {strides = array<i32>} : memref<64xf32, #tpu.memory_space<vmem>>, vector<16xf32>,
    %get3A_506 = vector.shape_cast %get3A_505 : vector<16xf32> to vector<16xf32>
    %get3A_507 = arith.constant 32 : index
    %get3A_508 = tpu.vector_load %arg12[%get3A_507] {strides = array<i32>} : memref<64xf32, #tpu.memory_space<vmem>>, vector<16xf32>,
    %get3A_509 = vector.shape_cast %get3A_508 : vector<16xf32> to vector<16xf32>
    %sub3A_510 = arith.subf %get3A_506, %get3A_498 : vector<16xf32>
    %max3A_511 = arith.constant 0.000000e+00 : f32
    %max3A_512 = vector.broadcast %max3A_511 : f32 to vector<16xf32>
    %max3A_513 = arith.maximumf %sub3A_510, %max3A_512 : vector<16xf32>
    %sub3A_514 = arith.subf %get3A_503, %get3A_509 : vector<16xf32>
    %max3A_515 = arith.constant 0.000000e+00 : f32
    %max3A_516 = vector.broadcast %max3A_515 : f32 to vector<16xf32>
    %max3A_517 = arith.maximumf %sub3A_514, %max3A_516 : vector<16xf32>
    %add3A_518 = arith.addf %max3A_513, %max3A_517 : vector<16xf32>
    %sub3A_519 = arith.subf %get3A_506, %get3A_503 : vector<16xf32>
    %max3A_520 = arith.constant 0.000000e+00 : f32
    %max3A_521 = vector.broadcast %max3A_520 : f32 to vector<16xf32>
    %max3A_522 = arith.maximumf %sub3A_519, %max3A_521 : vector<16xf32>
    %add3A_523 = arith.addf %add3A_518, %max3A_522 : vector<16xf32>
    %sub3A_524 = arith.subf %get3A_498, %get3A_509 : vector<16xf32>
    %max3A_525 = arith.constant 0.000000e+00 : f32
    %max3A_526 = vector.broadcast %max3A_525 : f32 to vector<16xf32>
    %max3A_527 = arith.maximumf %sub3A_524, %max3A_526 : vector<16xf32>
    %add3A_528 = arith.addf %add3A_523, %max3A_527 : vector<16xf32>
    %sub3A_529 = arith.subf %get3A_503, %get3A_498 : vector<16xf32>
    %max3A_530 = arith.constant 0.000000e+00 : f32
    %max3A_531 = vector.broadcast %max3A_530 : f32 to vector<16xf32>
    %max3A_532 = arith.maximumf %sub3A_529, %max3A_531 : vector<16xf32>
    %sub3A_533 = arith.subf %add3A_528, %max3A_532 : vector<16xf32>
    %get3A_534 = arith.constant 0 : index
    %get3A_535 = tpu.vector_load %arg13[%get3A_534] {strides = array<i32>} : memref<16xf32, #tpu.memory_space<vmem>>, vector<16xf32>,
    %get3A_536 = vector.shape_cast %get3A_535 : vector<16xf32> to vector<16xf32>
    %add3A_537 = arith.addf %get3A_536, %sub3A_533 : vector<16xf32>
    %swap3A_538 = arith.constant 0 : index
    %swap3A_539 = tpu.vector_load %arg13[%swap3A_538] {strides = array<i32>} : memref<16xf32, #tpu.memory_space<vmem>>, vector<16xf32>,
    %swap3A_540 = vector.shape_cast %swap3A_539 : vector<16xf32> to vector<16xf32>
    %swap3A_541 = vector.shape_cast %add3A_537 : vector<16xf32> to vector<16xf32>
    tpu.vector_store %arg13[%swap3A_538], %swap3A_541 {strides = array<i32>} : memref<16xf32, #tpu.memory_space<vmem>>, vector<16xf32>,
    %get3A_542 = arith.constant 2 : i32
    %get3A_543 = arith.index_cast %get3A_542 : i32 to index
    %get3A_544 = arith.constant 48 : index
    %get3A_545 = tpu.vector_load %arg9[%get3A_543, %get3A_544] {strides = array<i32>} : memref<16x64xf32, #tpu.memory_space<vmem>>, vector<1x16xf32>,
    %get3A_546 = vector.shape_cast %get3A_545 : vector<1x16xf32> to vector<16xf32>
    %get3A_547 = arith.constant 2 : i32
    %get3A_548 = arith.index_cast %get3A_547 : i32 to index
    %get3A_549 = arith.constant 48 : index
    %get3A_550 = tpu.vector_load %arg10[%get3A_548, %get3A_549] {strides = array<i32>} : memref<16x64xf32, #tpu.memory_space<vmem>>, vector<1x16xf32>,
    %get3A_551 = vector.shape_cast %get3A_550 : vector<1x16xf32> to vector<16xf32>
    %get3A_552 = arith.constant 48 : index
    %get3A_553 = tpu.vector_load %arg11[%get3A_552] {strides = array<i32>} : memref<64xf32, #tpu.memory_space<vmem>>, vector<16xf32>,
    %get3A_554 = vector.shape_cast %get3A_553 : vector<16xf32> to vector<16xf32>
    %get3A_555 = arith.constant 48 : index
    %get3A_556 = tpu.vector_load %arg12[%get3A_555] {strides = array<i32>} : memref<64xf32, #tpu.memory_space<vmem>>, vector<16xf32>,
    %get3A_557 = vector.shape_cast %get3A_556 : vector<16xf32> to vector<16xf32>
    %sub3A_558 = arith.subf %get3A_554, %get3A_546 : vector<16xf32>
    %max3A_559 = arith.constant 0.000000e+00 : f32
    %max3A_560 = vector.broadcast %max3A_559 : f32 to vector<16xf32>
    %max3A_561 = arith.maximumf %sub3A_558, %max3A_560 : vector<16xf32>
    %sub3A_562 = arith.subf %get3A_551, %get3A_557 : vector<16xf32>
    %max3A_563 = arith.constant 0.000000e+00 : f32
    %max3A_564 = vector.broadcast %max3A_563 : f32 to vector<16xf32>
    %max3A_565 = arith.maximumf %sub3A_562, %max3A_564 : vector<16xf32>
    %add3A_566 = arith.addf %max3A_561, %max3A_565 : vector<16xf32>
    %sub3A_567 = arith.subf %get3A_554, %get3A_551 : vector<16xf32>
    %max3A_568 = arith.constant 0.000000e+00 : f32
    %max3A_569 = vector.broadcast %max3A_568 : f32 to vector<16xf32>
    %max3A_570 = arith.maximumf %sub3A_567, %max3A_569 : vector<16xf32>
    %add3A_571 = arith.addf %add3A_566, %max3A_570 : vector<16xf32>
    %sub3A_572 = arith.subf %get3A_546, %get3A_557 : vector<16xf32>
    %max3A_573 = arith.constant 0.000000e+00 : f32
    %max3A_574 = vector.broadcast %max3A_573 : f32 to vector<16xf32>
    %max3A_575 = arith.maximumf %sub3A_572, %max3A_574 : vector<16xf32>
    %add3A_576 = arith.addf %add3A_571, %max3A_575 : vector<16xf32>
    %sub3A_577 = arith.subf %get3A_551, %get3A_546 : vector<16xf32>
    %max3A_578 = arith.constant 0.000000e+00 : f32
    %max3A_579 = vector.broadcast %max3A_578 : f32 to vector<16xf32>
    %max3A_580 = arith.maximumf %sub3A_577, %max3A_579 : vector<16xf32>
    %sub3A_581 = arith.subf %add3A_576, %max3A_580 : vector<16xf32>
    %get3A_582 = arith.constant 0 : index
    %get3A_583 = tpu.vector_load %arg13[%get3A_582] {strides = array<i32>} : memref<16xf32, #tpu.memory_space<vmem>>, vector<16xf32>,
    %get3A_584 = vector.shape_cast %get3A_583 : vector<16xf32> to vector<16xf32>
    %add3A_585 = arith.addf %get3A_584, %sub3A_581 : vector<16xf32>
    %swap3A_586 = arith.constant 0 : index
    %swap3A_587 = tpu.vector_load %arg13[%swap3A_586] {strides = array<i32>} : memref<16xf32, #tpu.memory_space<vmem>>, vector<16xf32>,
    %swap3A_588 = vector.shape_cast %swap3A_587 : vector<16xf32> to vector<16xf32>
    %swap3A_589 = vector.shape_cast %add3A_585 : vector<16xf32> to vector<16xf32>
    tpu.vector_store %arg13[%swap3A_586], %swap3A_589 {strides = array<i32>} : memref<16xf32, #tpu.memory_space<vmem>>, vector<16xf32>,
    %get3A_590 = arith.constant 3 : i32
    %get3A_591 = arith.index_cast %get3A_590 : i32 to index
    %get3A_592 = arith.constant 0 : index
    %get3A_593 = tpu.vector_load %arg9[%get3A_591, %get3A_592] {strides = array<i32>} : memref<16x64xf32, #tpu.memory_space<vmem>>, vector<1x16xf32>,
    %get3A_594 = vector.shape_cast %get3A_593 : vector<1x16xf32> to vector<16xf32>
    %get3A_595 = arith.constant 3 : i32
    %get3A_596 = arith.index_cast %get3A_595 : i32 to index
    %get3A_597 = arith.constant 0 : index
    %get3A_598 = tpu.vector_load %arg10[%get3A_596, %get3A_597] {strides = array<i32>} : memref<16x64xf32, #tpu.memory_space<vmem>>, vector<1x16xf32>,
    %get3A_599 = vector.shape_cast %get3A_598 : vector<1x16xf32> to vector<16xf32>
    %get3A_600 = arith.constant 0 : index
    %get3A_601 = tpu.vector_load %arg11[%get3A_600] {strides = array<i32>} : memref<64xf32, #tpu.memory_space<vmem>>, vector<16xf32>,
    %get3A_602 = vector.shape_cast %get3A_601 : vector<16xf32> to vector<16xf32>
    %get3A_603 = arith.constant 0 : index
    %get3A_604 = tpu.vector_load %arg12[%get3A_603] {strides = array<i32>} : memref<64xf32, #tpu.memory_space<vmem>>, vector<16xf32>,
    %get3A_605 = vector.shape_cast %get3A_604 : vector<16xf32> to vector<16xf32>
    %sub3A_606 = arith.subf %get3A_602, %get3A_594 : vector<16xf32>
    %max3A_607 = arith.constant 0.000000e+00 : f32
    %max3A_608 = vector.broadcast %max3A_607 : f32 to vector<16xf32>
    %max3A_609 = arith.maximumf %sub3A_606, %max3A_608 : vector<16xf32>
    %sub3A_610 = arith.subf %get3A_599, %get3A_605 : vector<16xf32>
    %max3A_611 = arith.constant 0.000000e+00 : f32
    %max3A_612 = vector.broadcast %max3A_611 : f32 to vector<16xf32>
    %max3A_613 = arith.maximumf %sub3A_610, %max3A_612 : vector<16xf32>
    %add3A_614 = arith.addf %max3A_609, %max3A_613 : vector<16xf32>
    %sub3A_615 = arith.subf %get3A_602, %get3A_599 : vector<16xf32>
    %max3A_616 = arith.constant 0.000000e+00 : f32
    %max3A_617 = vector.broadcast %max3A_616 : f32 to vector<16xf32>
    %max3A_618 = arith.maximumf %sub3A_615, %max3A_617 : vector<16xf32>
    %add3A_619 = arith.addf %add3A_614, %max3A_618 : vector<16xf32>
    %sub3A_620 = arith.subf %get3A_594, %get3A_605 : vector<16xf32>
    %max3A_621 = arith.constant 0.000000e+00 : f32
    %max3A_622 = vector.broadcast %max3A_621 : f32 to vector<16xf32>
    %max3A_623 = arith.maximumf %sub3A_620, %max3A_622 : vector<16xf32>
    %add3A_624 = arith.addf %add3A_619, %max3A_623 : vector<16xf32>
    %sub3A_625 = arith.subf %get3A_599, %get3A_594 : vector<16xf32>
    %max3A_626 = arith.constant 0.000000e+00 : f32
    %max3A_627 = vector.broadcast %max3A_626 : f32 to vector<16xf32>
    %max3A_628 = arith.maximumf %sub3A_625, %max3A_627 : vector<16xf32>
    %sub3A_629 = arith.subf %add3A_624, %max3A_628 : vector<16xf32>
    %get3A_630 = arith.constant 0 : index
    %get3A_631 = tpu.vector_load %arg13[%get3A_630] {strides = array<i32>} : memref<16xf32, #tpu.memory_space<vmem>>, vector<16xf32>,
    %get3A_632 = vector.shape_cast %get3A_631 : vector<16xf32> to vector<16xf32>
    %add3A_633 = arith.addf %get3A_632, %sub3A_629 : vector<16xf32>
    %swap3A_634 = arith.constant 0 : index
    %swap3A_635 = tpu.vector_load %arg13[%swap3A_634] {strides = array<i32>} : memref<16xf32, #tpu.memory_space<vmem>>, vector<16xf32>,
    %swap3A_636 = vector.shape_cast %swap3A_635 : vector<16xf32> to vector<16xf32>
    %swap3A_637 = vector.shape_cast %add3A_633 : vector<16xf32> to vector<16xf32>
    tpu.vector_store %arg13[%swap3A_634], %swap3A_637 {strides = array<i32>} : memref<16xf32, #tpu.memory_space<vmem>>, vector<16xf32>,
    %get3A_638 = arith.constant 3 : i32
    %get3A_639 = arith.index_cast %get3A_638 : i32 to index
    %get3A_640 = arith.constant 16 : index
    %get3A_641 = tpu.vector_load %arg9[%get3A_639, %get3A_640] {strides = array<i32>} : memref<16x64xf32, #tpu.memory_space<vmem>>, vector<1x16xf32>,
    %get3A_642 = vector.shape_cast %get3A_641 : vector<1x16xf32> to vector<16xf32>
    %get3A_643 = arith.constant 3 : i32
    %get3A_644 = arith.index_cast %get3A_643 : i32 to index
    %get3A_645 = arith.constant 16 : index
    %get3A_646 = tpu.vector_load %arg10[%get3A_644, %get3A_645] {strides = array<i32>} : memref<16x64xf32, #tpu.memory_space<vmem>>, vector<1x16xf32>,
    %get3A_647 = vector.shape_cast %get3A_646 : vector<1x16xf32> to vector<16xf32>
    %get3A_648 = arith.constant 16 : index
    %get3A_649 = tpu.vector_load %arg11[%get3A_648] {strides = array<i32>} : memref<64xf32, #tpu.memory_space<vmem>>, vector<16xf32>,
    %get3A_650 = vector.shape_cast %get3A_649 : vector<16xf32> to vector<16xf32>
    %get3A_651 = arith.constant 16 : index
    %get3A_652 = tpu.vector_load %arg12[%get3A_651] {strides = array<i32>} : memref<64xf32, #tpu.memory_space<vmem>>, vector<16xf32>,
    %get3A_653 = vector.shape_cast %get3A_652 : vector<16xf32> to vector<16xf32>
    %sub3A_654 = arith.subf %get3A_650, %get3A_642 : vector<16xf32>
    %max3A_655 = arith.constant 0.000000e+00 : f32
    %max3A_656 = vector.broadcast %max3A_655 : f32 to vector<16xf32>
    %max3A_657 = arith.maximumf %sub3A_654, %max3A_656 : vector<16xf32>
    %sub3A_658 = arith.subf %get3A_647, %get3A_653 : vector<16xf32>
    %max3A_659 = arith.constant 0.000000e+00 : f32
    %max3A_660 = vector.broadcast %max3A_659 : f32 to vector<16xf32>
    %max3A_661 = arith.maximumf %sub3A_658, %max3A_660 : vector<16xf32>
    %add3A_662 = arith.addf %max3A_657, %max3A_661 : vector<16xf32>
    %sub3A_663 = arith.subf %get3A_650, %get3A_647 : vector<16xf32>
    %max3A_664 = arith.constant 0.000000e+00 : f32
    %max3A_665 = vector.broadcast %max3A_664 : f32 to vector<16xf32>
    %max3A_666 = arith.maximumf %sub3A_663, %max3A_665 : vector<16xf32>
    %add3A_667 = arith.addf %add3A_662, %max3A_666 : vector<16xf32>
    %sub3A_668 = arith.subf %get3A_642, %get3A_653 : vector<16xf32>
    %max3A_669 = arith.constant 0.000000e+00 : f32
    %max3A_670 = vector.broadcast %max3A_669 : f32 to vector<16xf32>
    %max3A_671 = arith.maximumf %sub3A_668, %max3A_670 : vector<16xf32>
    %add3A_672 = arith.addf %add3A_667, %max3A_671 : vector<16xf32>
    %sub3A_673 = arith.subf %get3A_647, %get3A_642 : vector<16xf32>
    %max3A_674 = arith.constant 0.000000e+00 : f32
    %max3A_675 = vector.broadcast %max3A_674 : f32 to vector<16xf32>
    %max3A_676 = arith.maximumf %sub3A_673, %max3A_675 : vector<16xf32>
    %sub3A_677 = arith.subf %add3A_672, %max3A_676 : vector<16xf32>
    %get3A_678 = arith.constant 0 : index
    %get3A_679 = tpu.vector_load %arg13[%get3A_678] {strides = array<i32>} : memref<16xf32, #tpu.memory_space<vmem>>, vector<16xf32>,
    %get3A_680 = vector.shape_cast %get3A_679 : vector<16xf32> to vector<16xf32>
    %add3A_681 = arith.addf %get3A_680, %sub3A_677 : vector<16xf32>
    %swap3A_682 = arith.constant 0 : index
    %swap3A_683 = tpu.vector_load %arg13[%swap3A_682] {strides = array<i32>} : memref<16xf32, #tpu.memory_space<vmem>>, vector<16xf32>,
    %swap3A_684 = vector.shape_cast %swap3A_683 : vector<16xf32> to vector<16xf32>
    %swap3A_685 = vector.shape_cast %add3A_681 : vector<16xf32> to vector<16xf32>
    tpu.vector_store %arg13[%swap3A_682], %swap3A_685 {strides = array<i32>} : memref<16xf32, #tpu.memory_space<vmem>>, vector<16xf32>,
    %get3A_686 = arith.constant 3 : i32
    %get3A_687 = arith.index_cast %get3A_686 : i32 to index
    %get3A_688 = arith.constant 32 : index
    %get3A_689 = tpu.vector_load %arg9[%get3A_687, %get3A_688] {strides = array<i32>} : memref<16x64xf32, #tpu.memory_space<vmem>>, vector<1x16xf32>,
    %get3A_690 = vector.shape_cast %get3A_689 : vector<1x16xf32> to vector<16xf32>
    %get3A_691 = arith.constant 3 : i32
    %get3A_692 = arith.index_cast %get3A_691 : i32 to index
    %get3A_693 = arith.constant 32 : index
    %get3A_694 = tpu.vector_load %arg10[%get3A_692, %get3A_693] {strides = array<i32>} : memref<16x64xf32, #tpu.memory_space<vmem>>, vector<1x16xf32>,
    %get3A_695 = vector.shape_cast %get3A_694 : vector<1x16xf32> to vector<16xf32>
    %get3A_696 = arith.constant 32 : index
    %get3A_697 = tpu.vector_load %arg11[%get3A_696] {strides = array<i32>} : memref<64xf32, #tpu.memory_space<vmem>>, vector<16xf32>,
    %get3A_698 = vector.shape_cast %get3A_697 : vector<16xf32> to vector<16xf32>
    %get3A_699 = arith.constant 32 : index
    %get3A_700 = tpu.vector_load %arg12[%get3A_699] {strides = array<i32>} : memref<64xf32, #tpu.memory_space<vmem>>, vector<16xf32>,
    %get3A_701 = vector.shape_cast %get3A_700 : vector<16xf32> to vector<16xf32>
    %sub3A_702 = arith.subf %get3A_698, %get3A_690 : vector<16xf32>
    %max3A_703 = arith.constant 0.000000e+00 : f32
    %max3A_704 = vector.broadcast %max3A_703 : f32 to vector<16xf32>
    %max3A_705 = arith.maximumf %sub3A_702, %max3A_704 : vector<16xf32>
    %sub3A_706 = arith.subf %get3A_695, %get3A_701 : vector<16xf32>
    %max3A_707 = arith.constant 0.000000e+00 : f32
    %max3A_708 = vector.broadcast %max3A_707 : f32 to vector<16xf32>
    %max3A_709 = arith.maximumf %sub3A_706, %max3A_708 : vector<16xf32>
    %add3A_710 = arith.addf %max3A_705, %max3A_709 : vector<16xf32>
    %sub3A_711 = arith.subf %get3A_698, %get3A_695 : vector<16xf32>
    %max3A_712 = arith.constant 0.000000e+00 : f32
    %max3A_713 = vector.broadcast %max3A_712 : f32 to vector<16xf32>
    %max3A_714 = arith.maximumf %sub3A_711, %max3A_713 : vector<16xf32>
    %add3A_715 = arith.addf %add3A_710, %max3A_714 : vector<16xf32>
    %sub3A_716 = arith.subf %get3A_690, %get3A_701 : vector<16xf32>
    %max3A_717 = arith.constant 0.000000e+00 : f32
    %max3A_718 = vector.broadcast %max3A_717 : f32 to vector<16xf32>
    %max3A_719 = arith.maximumf %sub3A_716, %max3A_718 : vector<16xf32>
    %add3A_720 = arith.addf %add3A_715, %max3A_719 : vector<16xf32>
    %sub3A_721 = arith.subf %get3A_695, %get3A_690 : vector<16xf32>
    %max3A_722 = arith.constant 0.000000e+00 : f32
    %max3A_723 = vector.broadcast %max3A_722 : f32 to vector<16xf32>
    %max3A_724 = arith.maximumf %sub3A_721, %max3A_723 : vector<16xf32>
    %sub3A_725 = arith.subf %add3A_720, %max3A_724 : vector<16xf32>
    %get3A_726 = arith.constant 0 : index
    %get3A_727 = tpu.vector_load %arg13[%get3A_726] {strides = array<i32>} : memref<16xf32, #tpu.memory_space<vmem>>, vector<16xf32>,
    %get3A_728 = vector.shape_cast %get3A_727 : vector<16xf32> to vector<16xf32>
    %add3A_729 = arith.addf %get3A_728, %sub3A_725 : vector<16xf32>
    %swap3A_730 = arith.constant 0 : index
    %swap3A_731 = tpu.vector_load %arg13[%swap3A_730] {strides = array<i32>} : memref<16xf32, #tpu.memory_space<vmem>>, vector<16xf32>,
    %swap3A_732 = vector.shape_cast %swap3A_731 : vector<16xf32> to vector<16xf32>
    %swap3A_733 = vector.shape_cast %add3A_729 : vector<16xf32> to vector<16xf32>
    tpu.vector_store %arg13[%swap3A_730], %swap3A_733 {strides = array<i32>} : memref<16xf32, #tpu.memory_space<vmem>>, vector<16xf32>,
    %get3A_734 = arith.constant 3 : i32
    %get3A_735 = arith.index_cast %get3A_734 : i32 to index
    %get3A_736 = arith.constant 48 : index
    %get3A_737 = tpu.vector_load %arg9[%get3A_735, %get3A_736] {strides = array<i32>} : memref<16x64xf32, #tpu.memory_space<vmem>>, vector<1x16xf32>,
    %get3A_738 = vector.shape_cast %get3A_737 : vector<1x16xf32> to vector<16xf32>
    %get3A_739 = arith.constant 3 : i32
    %get3A_740 = arith.index_cast %get3A_739 : i32 to index
    %get3A_741 = arith.constant 48 : index
    %get3A_742 = tpu.vector_load %arg10[%get3A_740, %get3A_741] {strides = array<i32>} : memref<16x64xf32, #tpu.memory_space<vmem>>, vector<1x16xf32>,
    %get3A_743 = vector.shape_cast %get3A_742 : vector<1x16xf32> to vector<16xf32>
    %get3A_744 = arith.constant 48 : index
    %get3A_745 = tpu.vector_load %arg11[%get3A_744] {strides = array<i32>} : memref<64xf32, #tpu.memory_space<vmem>>, vector<16xf32>,
    %get3A_746 = vector.shape_cast %get3A_745 : vector<16xf32> to vector<16xf32>
    %get3A_747 = arith.constant 48 : index
    %get3A_748 = tpu.vector_load %arg12[%get3A_747] {strides = array<i32>} : memref<64xf32, #tpu.memory_space<vmem>>, vector<16xf32>,
    %get3A_749 = vector.shape_cast %get3A_748 : vector<16xf32> to vector<16xf32>
    %sub3A_750 = arith.subf %get3A_746, %get3A_738 : vector<16xf32>
    %max3A_751 = arith.constant 0.000000e+00 : f32
    %max3A_752 = vector.broadcast %max3A_751 : f32 to vector<16xf32>
    %max3A_753 = arith.maximumf %sub3A_750, %max3A_752 : vector<16xf32>
    %sub3A_754 = arith.subf %get3A_743, %get3A_749 : vector<16xf32>
    %max3A_755 = arith.constant 0.000000e+00 : f32
    %max3A_756 = vector.broadcast %max3A_755 : f32 to vector<16xf32>
    %max3A_757 = arith.maximumf %sub3A_754, %max3A_756 : vector<16xf32>
    %add3A_758 = arith.addf %max3A_753, %max3A_757 : vector<16xf32>
    %sub3A_759 = arith.subf %get3A_746, %get3A_743 : vector<16xf32>
    %max3A_760 = arith.constant 0.000000e+00 : f32
    %max3A_761 = vector.broadcast %max3A_760 : f32 to vector<16xf32>
    %max3A_762 = arith.maximumf %sub3A_759, %max3A_761 : vector<16xf32>
    %add3A_763 = arith.addf %add3A_758, %max3A_762 : vector<16xf32>
    %sub3A_764 = arith.subf %get3A_738, %get3A_749 : vector<16xf32>
    %max3A_765 = arith.constant 0.000000e+00 : f32
    %max3A_766 = vector.broadcast %max3A_765 : f32 to vector<16xf32>
    %max3A_767 = arith.maximumf %sub3A_764, %max3A_766 : vector<16xf32>
    %add3A_768 = arith.addf %add3A_763, %max3A_767 : vector<16xf32>
    %sub3A_769 = arith.subf %get3A_743, %get3A_738 : vector<16xf32>
    %max3A_770 = arith.constant 0.000000e+00 : f32
    %max3A_771 = vector.broadcast %max3A_770 : f32 to vector<16xf32>
    %max3A_772 = arith.maximumf %sub3A_769, %max3A_771 : vector<16xf32>
    %sub3A_773 = arith.subf %add3A_768, %max3A_772 : vector<16xf32>
    %get3A_774 = arith.constant 0 : index
    %get3A_775 = tpu.vector_load %arg13[%get3A_774] {strides = array<i32>} : memref<16xf32, #tpu.memory_space<vmem>>, vector<16xf32>,
    %get3A_776 = vector.shape_cast %get3A_775 : vector<16xf32> to vector<16xf32>
    %add3A_777 = arith.addf %get3A_776, %sub3A_773 : vector<16xf32>
    %swap3A_778 = arith.constant 0 : index
    %swap3A_779 = tpu.vector_load %arg13[%swap3A_778] {strides = array<i32>} : memref<16xf32, #tpu.memory_space<vmem>>, vector<16xf32>,
    %swap3A_780 = vector.shape_cast %swap3A_779 : vector<16xf32> to vector<16xf32>
    %swap3A_781 = vector.shape_cast %add3A_777 : vector<16xf32> to vector<16xf32>
    tpu.vector_store %arg13[%swap3A_778], %swap3A_781 {strides = array<i32>} : memref<16xf32, #tpu.memory_space<vmem>>, vector<16xf32>,
    %get3A_782 = arith.constant 4 : i32
    %get3A_783 = arith.index_cast %get3A_782 : i32 to index
    %get3A_784 = arith.constant 0 : index
    %get3A_785 = tpu.vector_load %arg9[%get3A_783, %get3A_784] {strides = array<i32>} : memref<16x64xf32, #tpu.memory_space<vmem>>, vector<1x16xf32>,
    %get3A_786 = vector.shape_cast %get3A_785 : vector<1x16xf32> to vector<16xf32>
    %get3A_787 = arith.constant 4 : i32
    %get3A_788 = arith.index_cast %get3A_787 : i32 to index
    %get3A_789 = arith.constant 0 : index
    %get3A_790 = tpu.vector_load %arg10[%get3A_788, %get3A_789] {strides = array<i32>} : memref<16x64xf32, #tpu.memory_space<vmem>>, vector<1x16xf32>,
    %get3A_791 = vector.shape_cast %get3A_790 : vector<1x16xf32> to vector<16xf32>
    %get3A_792 = arith.constant 0 : index
    %get3A_793 = tpu.vector_load %arg11[%get3A_792] {strides = array<i32>} : memref<64xf32, #tpu.memory_space<vmem>>, vector<16xf32>,
    %get3A_794 = vector.shape_cast %get3A_793 : vector<16xf32> to vector<16xf32>
    %get3A_795 = arith.constant 0 : index
    %get3A_796 = tpu.vector_load %arg12[%get3A_795] {strides = array<i32>} : memref<64xf32, #tpu.memory_space<vmem>>, vector<16xf32>,
    %get3A_797 = vector.shape_cast %get3A_796 : vector<16xf32> to vector<16xf32>
    %sub3A_798 = arith.subf %get3A_794, %get3A_786 : vector<16xf32>
    %max3A_799 = arith.constant 0.000000e+00 : f32
    %max3A_800 = vector.broadcast %max3A_799 : f32 to vector<16xf32>
    %max3A_801 = arith.maximumf %sub3A_798, %max3A_800 : vector<16xf32>
    %sub3A_802 = arith.subf %get3A_791, %get3A_797 : vector<16xf32>
    %max3A_803 = arith.constant 0.000000e+00 : f32
    %max3A_804 = vector.broadcast %max3A_803 : f32 to vector<16xf32>
    %max3A_805 = arith.maximumf %sub3A_802, %max3A_804 : vector<16xf32>
    %add3A_806 = arith.addf %max3A_801, %max3A_805 : vector<16xf32>
    %sub3A_807 = arith.subf %get3A_794, %get3A_791 : vector<16xf32>
    %max3A_808 = arith.constant 0.000000e+00 : f32
    %max3A_809 = vector.broadcast %max3A_808 : f32 to vector<16xf32>
    %max3A_810 = arith.maximumf %sub3A_807, %max3A_809 : vector<16xf32>
    %add3A_811 = arith.addf %add3A_806, %max3A_810 : vector<16xf32>
    %sub3A_812 = arith.subf %get3A_786, %get3A_797 : vector<16xf32>
    %max3A_813 = arith.constant 0.000000e+00 : f32
    %max3A_814 = vector.broadcast %max3A_813 : f32 to vector<16xf32>
    %max3A_815 = arith.maximumf %sub3A_812, %max3A_814 : vector<16xf32>
    %add3A_816 = arith.addf %add3A_811, %max3A_815 : vector<16xf32>
    %sub3A_817 = arith.subf %get3A_791, %get3A_786 : vector<16xf32>
    %max3A_818 = arith.constant 0.000000e+00 : f32
    %max3A_819 = vector.broadcast %max3A_818 : f32 to vector<16xf32>
    %max3A_820 = arith.maximumf %sub3A_817, %max3A_819 : vector<16xf32>
    %sub3A_821 = arith.subf %add3A_816, %max3A_820 : vector<16xf32>
    %get3A_822 = arith.constant 0 : index
    %get3A_823 = tpu.vector_load %arg13[%get3A_822] {strides = array<i32>} : memref<16xf32, #tpu.memory_space<vmem>>, vector<16xf32>,
    %get3A_824 = vector.shape_cast %get3A_823 : vector<16xf32> to vector<16xf32>
    %add3A_825 = arith.addf %get3A_824, %sub3A_821 : vector<16xf32>
    %swap3A_826 = arith.constant 0 : index
    %swap3A_827 = tpu.vector_load %arg13[%swap3A_826] {strides = array<i32>} : memref<16xf32, #tpu.memory_space<vmem>>, vector<16xf32>,
    %swap3A_828 = vector.shape_cast %swap3A_827 : vector<16xf32> to vector<16xf32>
    %swap3A_829 = vector.shape_cast %add3A_825 : vector<16xf32> to vector<16xf32>
    tpu.vector_store %arg13[%swap3A_826], %swap3A_829 {strides = array<i32>} : memref<16xf32, #tpu.memory_space<vmem>>, vector<16xf32>,
    %get3A_830 = arith.constant 4 : i32
    %get3A_831 = arith.index_cast %get3A_830 : i32 to index
    %get3A_832 = arith.constant 16 : index
    %get3A_833 = tpu.vector_load %arg9[%get3A_831, %get3A_832] {strides = array<i32>} : memref<16x64xf32, #tpu.memory_space<vmem>>, vector<1x16xf32>,
    %get3A_834 = vector.shape_cast %get3A_833 : vector<1x16xf32> to vector<16xf32>
    %get3A_835 = arith.constant 4 : i32
    %get3A_836 = arith.index_cast %get3A_835 : i32 to index
    %get3A_837 = arith.constant 16 : index
    %get3A_838 = tpu.vector_load %arg10[%get3A_836, %get3A_837] {strides = array<i32>} : memref<16x64xf32, #tpu.memory_space<vmem>>, vector<1x16xf32>,
    %get3A_839 = vector.shape_cast %get3A_838 : vector<1x16xf32> to vector<16xf32>
    %get3A_840 = arith.constant 16 : index
    %get3A_841 = tpu.vector_load %arg11[%get3A_840] {strides = array<i32>} : memref<64xf32, #tpu.memory_space<vmem>>, vector<16xf32>,
    %get3A_842 = vector.shape_cast %get3A_841 : vector<16xf32> to vector<16xf32>
    %get3A_843 = arith.constant 16 : index
    %get3A_844 = tpu.vector_load %arg12[%get3A_843] {strides = array<i32>} : memref<64xf32, #tpu.memory_space<vmem>>, vector<16xf32>,
    %get3A_845 = vector.shape_cast %get3A_844 : vector<16xf32> to vector<16xf32>
    %sub3A_846 = arith.subf %get3A_842, %get3A_834 : vector<16xf32>
    %max3A_847 = arith.constant 0.000000e+00 : f32
    %max3A_848 = vector.broadcast %max3A_847 : f32 to vector<16xf32>
    %max3A_849 = arith.maximumf %sub3A_846, %max3A_848 : vector<16xf32>
    %sub3A_850 = arith.subf %get3A_839, %get3A_845 : vector<16xf32>
    %max3A_851 = arith.constant 0.000000e+00 : f32
    %max3A_852 = vector.broadcast %max3A_851 : f32 to vector<16xf32>
    %max3A_853 = arith.maximumf %sub3A_850, %max3A_852 : vector<16xf32>
    %add3A_854 = arith.addf %max3A_849, %max3A_853 : vector<16xf32>
    %sub3A_855 = arith.subf %get3A_842, %get3A_839 : vector<16xf32>
    %max3A_856 = arith.constant 0.000000e+00 : f32
    %max3A_857 = vector.broadcast %max3A_856 : f32 to vector<16xf32>
    %max3A_858 = arith.maximumf %sub3A_855, %max3A_857 : vector<16xf32>
    %add3A_859 = arith.addf %add3A_854, %max3A_858 : vector<16xf32>
    %sub3A_860 = arith.subf %get3A_834, %get3A_845 : vector<16xf32>
    %max3A_861 = arith.constant 0.000000e+00 : f32
    %max3A_862 = vector.broadcast %max3A_861 : f32 to vector<16xf32>
    %max3A_863 = arith.maximumf %sub3A_860, %max3A_862 : vector<16xf32>
    %add3A_864 = arith.addf %add3A_859, %max3A_863 : vector<16xf32>
    %sub3A_865 = arith.subf %get3A_839, %get3A_834 : vector<16xf32>
    %max3A_866 = arith.constant 0.000000e+00 : f32
    %max3A_867 = vector.broadcast %max3A_866 : f32 to vector<16xf32>
    %max3A_868 = arith.maximumf %sub3A_865, %max3A_867 : vector<16xf32>
    %sub3A_869 = arith.subf %add3A_864, %max3A_868 : vector<16xf32>
    %get3A_870 = arith.constant 0 : index
    %get3A_871 = tpu.vector_load %arg13[%get3A_870] {strides = array<i32>} : memref<16xf32, #tpu.memory_space<vmem>>, vector<16xf32>,
    %get3A_872 = vector.shape_cast %get3A_871 : vector<16xf32> to vector<16xf32>
    %add3A_873 = arith.addf %get3A_872, %sub3A_869 : vector<16xf32>
    %swap3A_874 = arith.constant 0 : index
    %swap3A_875 = tpu.vector_load %arg13[%swap3A_874] {strides = array<i32>} : memref<16xf32, #tpu.memory_space<vmem>>, vector<16xf32>,
    %swap3A_876 = vector.shape_cast %swap3A_875 : vector<16xf32> to vector<16xf32>
    %swap3A_877 = vector.shape_cast %add3A_873 : vector<16xf32> to vector<16xf32>
    tpu.vector_store %arg13[%swap3A_874], %swap3A_877 {strides = array<i32>} : memref<16xf32, #tpu.memory_space<vmem>>, vector<16xf32>,
    %get3A_878 = arith.constant 4 : i32
    %get3A_879 = arith.index_cast %get3A_878 : i32 to index
    %get3A_880 = arith.constant 32 : index
    %get3A_881 = tpu.vector_load %arg9[%get3A_879, %get3A_880] {strides = array<i32>} : memref<16x64xf32, #tpu.memory_space<vmem>>, vector<1x16xf32>,
    %get3A_882 = vector.shape_cast %get3A_881 : vector<1x16xf32> to vector<16xf32>
    %get3A_883 = arith.constant 4 : i32
    %get3A_884 = arith.index_cast %get3A_883 : i32 to index
    %get3A_885 = arith.constant 32 : index
    %get3A_886 = tpu.vector_load %arg10[%get3A_884, %get3A_885] {strides = array<i32>} : memref<16x64xf32, #tpu.memory_space<vmem>>, vector<1x16xf32>,
    %get3A_887 = vector.shape_cast %get3A_886 : vector<1x16xf32> to vector<16xf32>
    %get3A_888 = arith.constant 32 : index
    %get3A_889 = tpu.vector_load %arg11[%get3A_888] {strides = array<i32>} : memref<64xf32, #tpu.memory_space<vmem>>, vector<16xf32>,
    %get3A_890 = vector.shape_cast %get3A_889 : vector<16xf32> to vector<16xf32>
    %get3A_891 = arith.constant 32 : index
    %get3A_892 = tpu.vector_load %arg12[%get3A_891] {strides = array<i32>} : memref<64xf32, #tpu.memory_space<vmem>>, vector<16xf32>,
    %get3A_893 = vector.shape_cast %get3A_892 : vector<16xf32> to vector<16xf32>
    %sub3A_894 = arith.subf %get3A_890, %get3A_882 : vector<16xf32>
    %max3A_895 = arith.constant 0.000000e+00 : f32
    %max3A_896 = vector.broadcast %max3A_895 : f32 to vector<16xf32>
    %max3A_897 = arith.maximumf %sub3A_894, %max3A_896 : vector<16xf32>
    %sub3A_898 = arith.subf %get3A_887, %get3A_893 : vector<16xf32>
    %max3A_899 = arith.constant 0.000000e+00 : f32
    %max3A_900 = vector.broadcast %max3A_899 : f32 to vector<16xf32>
    %max3A_901 = arith.maximumf %sub3A_898, %max3A_900 : vector<16xf32>
    %add3A_902 = arith.addf %max3A_897, %max3A_901 : vector<16xf32>
    %sub3A_903 = arith.subf %get3A_890, %get3A_887 : vector<16xf32>
    %max3A_904 = arith.constant 0.000000e+00 : f32
    %max3A_905 = vector.broadcast %max3A_904 : f32 to vector<16xf32>
    %max3A_906 = arith.maximumf %sub3A_903, %max3A_905 : vector<16xf32>
    %add3A_907 = arith.addf %add3A_902, %max3A_906 : vector<16xf32>
    %sub3A_908 = arith.subf %get3A_882, %get3A_893 : vector<16xf32>
    %max3A_909 = arith.constant 0.000000e+00 : f32
    %max3A_910 = vector.broadcast %max3A_909 : f32 to vector<16xf32>
    %max3A_911 = arith.maximumf %sub3A_908, %max3A_910 : vector<16xf32>
    %add3A_912 = arith.addf %add3A_907, %max3A_911 : vector<16xf32>
    %sub3A_913 = arith.subf %get3A_887, %get3A_882 : vector<16xf32>
    %max3A_914 = arith.constant 0.000000e+00 : f32
    %max3A_915 = vector.broadcast %max3A_914 : f32 to vector<16xf32>
    %max3A_916 = arith.maximumf %sub3A_913, %max3A_915 : vector<16xf32>
    %sub3A_917 = arith.subf %add3A_912, %max3A_916 : vector<16xf32>
    %get3A_918 = arith.constant 0 : index
    %get3A_919 = tpu.vector_load %arg13[%get3A_918] {strides = array<i32>} : memref<16xf32, #tpu.memory_space<vmem>>, vector<16xf32>,
    %get3A_920 = vector.shape_cast %get3A_919 : vector<16xf32> to vector<16xf32>
    %add3A_921 = arith.addf %get3A_920, %sub3A_917 : vector<16xf32>
    %swap3A_922 = arith.constant 0 : index
    %swap3A_923 = tpu.vector_load %arg13[%swap3A_922] {strides = array<i32>} : memref<16xf32, #tpu.memory_space<vmem>>, vector<16xf32>,
    %swap3A_924 = vector.shape_cast %swap3A_923 : vector<16xf32> to vector<16xf32>
    %swap3A_925 = vector.shape_cast %add3A_921 : vector<16xf32> to vector<16xf32>
    tpu.vector_store %arg13[%swap3A_922], %swap3A_925 {strides = array<i32>} : memref<16xf32, #tpu.memory_space<vmem>>, vector<16xf32>,
    %get3A_926 = arith.constant 4 : i32
    %get3A_927 = arith.index_cast %get3A_926 : i32 to index
    %get3A_928 = arith.constant 48 : index
    %get3A_929 = tpu.vector_load %arg9[%get3A_927, %get3A_928] {strides = array<i32>} : memref<16x64xf32, #tpu.memory_space<vmem>>, vector<1x16xf32>,
    %get3A_930 = vector.shape_cast %get3A_929 : vector<1x16xf32> to vector<16xf32>
    %get3A_931 = arith.constant 4 : i32
    %get3A_932 = arith.index_cast %get3A_931 : i32 to index
    %get3A_933 = arith.constant 48 : index
    %get3A_934 = tpu.vector_load %arg10[%get3A_932, %get3A_933] {strides = array<i32>} : memref<16x64xf32, #tpu.memory_space<vmem>>, vector<1x16xf32>,
    %get3A_935 = vector.shape_cast %get3A_934 : vector<1x16xf32> to vector<16xf32>
    %get3A_936 = arith.constant 48 : index
    %get3A_937 = tpu.vector_load %arg11[%get3A_936] {strides = array<i32>} : memref<64xf32, #tpu.memory_space<vmem>>, vector<16xf32>,
    %get3A_938 = vector.shape_cast %get3A_937 : vector<16xf32> to vector<16xf32>
    %get3A_939 = arith.constant 48 : index
    %get3A_940 = tpu.vector_load %arg12[%get3A_939] {strides = array<i32>} : memref<64xf32, #tpu.memory_space<vmem>>, vector<16xf32>,
    %get3A_941 = vector.shape_cast %get3A_940 : vector<16xf32> to vector<16xf32>
    %sub3A_942 = arith.subf %get3A_938, %get3A_930 : vector<16xf32>
    %max3A_943 = arith.constant 0.000000e+00 : f32
    %max3A_944 = vector.broadcast %max3A_943 : f32 to vector<16xf32>
    %max3A_945 = arith.maximumf %sub3A_942, %max3A_944 : vector<16xf32>
    %sub3A_946 = arith.subf %get3A_935, %get3A_941 : vector<16xf32>
    %max3A_947 = arith.constant 0.000000e+00 : f32
    %max3A_948 = vector.broadcast %max3A_947 : f32 to vector<16xf32>
    %max3A_949 = arith.maximumf %sub3A_946, %max3A_948 : vector<16xf32>
    %add3A_950 = arith.addf %max3A_945, %max3A_949 : vector<16xf32>
    %sub3A_951 = arith.subf %get3A_938, %get3A_935 : vector<16xf32>
    %max3A_952 = arith.constant 0.000000e+00 : f32
    %max3A_953 = vector.broadcast %max3A_952 : f32 to vector<16xf32>
    %max3A_954 = arith.maximumf %sub3A_951, %max3A_953 : vector<16xf32>
    %add3A_955 = arith.addf %add3A_950, %max3A_954 : vector<16xf32>
    %sub3A_956 = arith.subf %get3A_930, %get3A_941 : vector<16xf32>
    %max3A_957 = arith.constant 0.000000e+00 : f32
    %max3A_958 = vector.broadcast %max3A_957 : f32 to vector<16xf32>
    %max3A_959 = arith.maximumf %sub3A_956, %max3A_958 : vector<16xf32>
    %add3A_960 = arith.addf %add3A_955, %max3A_959 : vector<16xf32>
    %sub3A_961 = arith.subf %get3A_935, %get3A_930 : vector<16xf32>
    %max3A_962 = arith.constant 0.000000e+00 : f32
    %max3A_963 = vector.broadcast %max3A_962 : f32 to vector<16xf32>
    %max3A_964 = arith.maximumf %sub3A_961, %max3A_963 : vector<16xf32>
    %sub3A_965 = arith.subf %add3A_960, %max3A_964 : vector<16xf32>
    %get3A_966 = arith.constant 0 : index
    %get3A_967 = tpu.vector_load %arg13[%get3A_966] {strides = array<i32>} : memref<16xf32, #tpu.memory_space<vmem>>, vector<16xf32>,
    %get3A_968 = vector.shape_cast %get3A_967 : vector<16xf32> to vector<16xf32>
    %add3A_969 = arith.addf %get3A_968, %sub3A_965 : vector<16xf32>
    %swap3A_970 = arith.constant 0 : index
    %swap3A_971 = tpu.vector_load %arg13[%swap3A_970] {strides = array<i32>} : memref<16xf32, #tpu.memory_space<vmem>>, vector<16xf32>,
    %swap3A_972 = vector.shape_cast %swap3A_971 : vector<16xf32> to vector<16xf32>
    %swap3A_973 = vector.shape_cast %add3A_969 : vector<16xf32> to vector<16xf32>
    tpu.vector_store %arg13[%swap3A_970], %swap3A_973 {strides = array<i32>} : memref<16xf32, #tpu.memory_space<vmem>>, vector<16xf32>,
    %get3A_974 = arith.constant 5 : i32
    %get3A_975 = arith.index_cast %get3A_974 : i32 to index
    %get3A_976 = arith.constant 0 : index
    %get3A_977 = tpu.vector_load %arg9[%get3A_975, %get3A_976] {strides = array<i32>} : memref<16x64xf32, #tpu.memory_space<vmem>>, vector<1x16xf32>,
    %get3A_978 = vector.shape_cast %get3A_977 : vector<1x16xf32> to vector<16xf32>
    %get3A_979 = arith.constant 5 : i32
    %get3A_980 = arith.index_cast %get3A_979 : i32 to index
    %get3A_981 = arith.constant 0 : index
    %get3A_982 = tpu.vector_load %arg10[%get3A_980, %get3A_981] {strides = array<i32>} : memref<16x64xf32, #tpu.memory_space<vmem>>, vector<1x16xf32>,
    %get3A_983 = vector.shape_cast %get3A_982 : vector<1x16xf32> to vector<16xf32>
    %get3A_984 = arith.constant 0 : index
    %get3A_985 = tpu.vector_load %arg11[%get3A_984] {strides = array<i32>} : memref<64xf32, #tpu.memory_space<vmem>>, vector<16xf32>,
    %get3A_986 = vector.shape_cast %get3A_985 : vector<16xf32> to vector<16xf32>
    %get3A_987 = arith.constant 0 : index
    %get3A_988 = tpu.vector_load %arg12[%get3A_987] {strides = array<i32>} : memref<64xf32, #tpu.memory_space<vmem>>, vector<16xf32>,
    %get3A_989 = vector.shape_cast %get3A_988 : vector<16xf32> to vector<16xf32>
    %sub3A_990 = arith.subf %get3A_986, %get3A_978 : vector<16xf32>
    %max3A_991 = arith.constant 0.000000e+00 : f32
    %max3A_992 = vector.broadcast %max3A_991 : f32 to vector<16xf32>
    %max3A_993 = arith.maximumf %sub3A_990, %max3A_992 : vector<16xf32>
    %sub3A_994 = arith.subf %get3A_983, %get3A_989 : vector<16xf32>
    %max3A_995 = arith.constant 0.000000e+00 : f32
    %max3A_996 = vector.broadcast %max3A_995 : f32 to vector<16xf32>
    %max3A_997 = arith.maximumf %sub3A_994, %max3A_996 : vector<16xf32>
    %add3A_998 = arith.addf %max3A_993, %max3A_997 : vector<16xf32>
    %sub3A_999 = arith.subf %get3A_986, %get3A_983 : vector<16xf32>
    %max3A_1000 = arith.constant 0.000000e+00 : f32
    %max3A_1001 = vector.broadcast %max3A_1000 : f32 to vector<16xf32>
    %max3A_1002 = arith.maximumf %sub3A_999, %max3A_1001 : vector<16xf32>
    %add3A_1003 = arith.addf %add3A_998, %max3A_1002 : vector<16xf32>
    %sub3A_1004 = arith.subf %get3A_978, %get3A_989 : vector<16xf32>
    %max3A_1005 = arith.constant 0.000000e+00 : f32
    %max3A_1006 = vector.broadcast %max3A_1005 : f32 to vector<16xf32>
    %max3A_1007 = arith.maximumf %sub3A_1004, %max3A_1006 : vector<16xf32>
    %add3A_1008 = arith.addf %add3A_1003, %max3A_1007 : vector<16xf32>
    %sub3A_1009 = arith.subf %get3A_983, %get3A_978 : vector<16xf32>
    %max3A_1010 = arith.constant 0.000000e+00 : f32
    %max3A_1011 = vector.broadcast %max3A_1010 : f32 to vector<16xf32>
    %max3A_1012 = arith.maximumf %sub3A_1009, %max3A_1011 : vector<16xf32>
    %sub3A_1013 = arith.subf %add3A_1008, %max3A_1012 : vector<16xf32>
    %get3A_1014 = arith.constant 0 : index
    %get3A_1015 = tpu.vector_load %arg13[%get3A_1014] {strides = array<i32>} : memref<16xf32, #tpu.memory_space<vmem>>, vector<16xf32>,
    %get3A_1016 = vector.shape_cast %get3A_1015 : vector<16xf32> to vector<16xf32>
    %add3A_1017 = arith.addf %get3A_1016, %sub3A_1013 : vector<16xf32>
    %swap3A_1018 = arith.constant 0 : index
    %swap3A_1019 = tpu.vector_load %arg13[%swap3A_1018] {strides = array<i32>} : memref<16xf32, #tpu.memory_space<vmem>>, vector<16xf32>,
    %swap3A_1020 = vector.shape_cast %swap3A_1019 : vector<16xf32> to vector<16xf32>
    %swap3A_1021 = vector.shape_cast %add3A_1017 : vector<16xf32> to vector<16xf32>
    tpu.vector_store %arg13[%swap3A_1018], %swap3A_1021 {strides = array<i32>} : memref<16xf32, #tpu.memory_space<vmem>>, vector<16xf32>,
    %get3A_1022 = arith.constant 5 : i32
    %get3A_1023 = arith.index_cast %get3A_1022 : i32 to index
    %get3A_1024 = arith.constant 16 : index
    %get3A_1025 = tpu.vector_load %arg9[%get3A_1023, %get3A_1024] {strides = array<i32>} : memref<16x64xf32, #tpu.memory_space<vmem>>, vector<1x16xf32>,
    %get3A_1026 = vector.shape_cast %get3A_1025 : vector<1x16xf32> to vector<16xf32>
    %get3A_1027 = arith.constant 5 : i32
    %get3A_1028 = arith.index_cast %get3A_1027 : i32 to index
    %get3A_1029 = arith.constant 16 : index
    %get3A_1030 = tpu.vector_load %arg10[%get3A_1028, %get3A_1029] {strides = array<i32>} : memref<16x64xf32, #tpu.memory_space<vmem>>, vector<1x16xf32>,
    %get3A_1031 = vector.shape_cast %get3A_1030 : vector<1x16xf32> to vector<16xf32>
    %get3A_1032 = arith.constant 16 : index
    %get3A_1033 = tpu.vector_load %arg11[%get3A_1032] {strides = array<i32>} : memref<64xf32, #tpu.memory_space<vmem>>, vector<16xf32>,
    %get3A_1034 = vector.shape_cast %get3A_1033 : vector<16xf32> to vector<16xf32>
    %get3A_1035 = arith.constant 16 : index
    %get3A_1036 = tpu.vector_load %arg12[%get3A_1035] {strides = array<i32>} : memref<64xf32, #tpu.memory_space<vmem>>, vector<16xf32>,
    %get3A_1037 = vector.shape_cast %get3A_1036 : vector<16xf32> to vector<16xf32>
    %sub3A_1038 = arith.subf %get3A_1034, %get3A_1026 : vector<16xf32>
    %max3A_1039 = arith.constant 0.000000e+00 : f32
    %max3A_1040 = vector.broadcast %max3A_1039 : f32 to vector<16xf32>
    %max3A_1041 = arith.maximumf %sub3A_1038, %max3A_1040 : vector<16xf32>
    %sub3A_1042 = arith.subf %get3A_1031, %get3A_1037 : vector<16xf32>
    %max3A_1043 = arith.constant 0.000000e+00 : f32
    %max3A_1044 = vector.broadcast %max3A_1043 : f32 to vector<16xf32>
    %max3A_1045 = arith.maximumf %sub3A_1042, %max3A_1044 : vector<16xf32>
    %add3A_1046 = arith.addf %max3A_1041, %max3A_1045 : vector<16xf32>
    %sub3A_1047 = arith.subf %get3A_1034, %get3A_1031 : vector<16xf32>
    %max3A_1048 = arith.constant 0.000000e+00 : f32
    %max3A_1049 = vector.broadcast %max3A_1048 : f32 to vector<16xf32>
    %max3A_1050 = arith.maximumf %sub3A_1047, %max3A_1049 : vector<16xf32>
    %add3A_1051 = arith.addf %add3A_1046, %max3A_1050 : vector<16xf32>
    %sub3A_1052 = arith.subf %get3A_1026, %get3A_1037 : vector<16xf32>
    %max3A_1053 = arith.constant 0.000000e+00 : f32
    %max3A_1054 = vector.broadcast %max3A_1053 : f32 to vector<16xf32>
    %max3A_1055 = arith.maximumf %sub3A_1052, %max3A_1054 : vector<16xf32>
    %add3A_1056 = arith.addf %add3A_1051, %max3A_1055 : vector<16xf32>
    %sub3A_1057 = arith.subf %get3A_1031, %get3A_1026 : vector<16xf32>
    %max3A_1058 = arith.constant 0.000000e+00 : f32
    %max3A_1059 = vector.broadcast %max3A_1058 : f32 to vector<16xf32>
    %max3A_1060 = arith.maximumf %sub3A_1057, %max3A_1059 : vector<16xf32>
    %sub3A_1061 = arith.subf %add3A_1056, %max3A_1060 : vector<16xf32>
    %get3A_1062 = arith.constant 0 : index
    %get3A_1063 = tpu.vector_load %arg13[%get3A_1062] {strides = array<i32>} : memref<16xf32, #tpu.memory_space<vmem>>, vector<16xf32>,
    %get3A_1064 = vector.shape_cast %get3A_1063 : vector<16xf32> to vector<16xf32>
    %add3A_1065 = arith.addf %get3A_1064, %sub3A_1061 : vector<16xf32>
    %swap3A_1066 = arith.constant 0 : index
    %swap3A_1067 = tpu.vector_load %arg13[%swap3A_1066] {strides = array<i32>} : memref<16xf32, #tpu.memory_space<vmem>>, vector<16xf32>,
    %swap3A_1068 = vector.shape_cast %swap3A_1067 : vector<16xf32> to vector<16xf32>
    %swap3A_1069 = vector.shape_cast %add3A_1065 : vector<16xf32> to vector<16xf32>
    tpu.vector_store %arg13[%swap3A_1066], %swap3A_1069 {strides = array<i32>} : memref<16xf32, #tpu.memory_space<vmem>>, vector<16xf32>,
    %get3A_1070 = arith.constant 5 : i32
    %get3A_1071 = arith.index_cast %get3A_1070 : i32 to index
    %get3A_1072 = arith.constant 32 : index
    %get3A_1073 = tpu.vector_load %arg9[%get3A_1071, %get3A_1072] {strides = array<i32>} : memref<16x64xf32, #tpu.memory_space<vmem>>, vector<1x16xf32>,
    %get3A_1074 = vector.shape_cast %get3A_1073 : vector<1x16xf32> to vector<16xf32>
    %get3A_1075 = arith.constant 5 : i32
    %get3A_1076 = arith.index_cast %get3A_1075 : i32 to index
    %get3A_1077 = arith.constant 32 : index
    %get3A_1078 = tpu.vector_load %arg10[%get3A_1076, %get3A_1077] {strides = array<i32>} : memref<16x64xf32, #tpu.memory_space<vmem>>, vector<1x16xf32>,
    %get3A_1079 = vector.shape_cast %get3A_1078 : vector<1x16xf32> to vector<16xf32>
    %get3A_1080 = arith.constant 32 : index
    %get3A_1081 = tpu.vector_load %arg11[%get3A_1080] {strides = array<i32>} : memref<64xf32, #tpu.memory_space<vmem>>, vector<16xf32>,
    %get3A_1082 = vector.shape_cast %get3A_1081 : vector<16xf32> to vector<16xf32>
    %get3A_1083 = arith.constant 32 : index
    %get3A_1084 = tpu.vector_load %arg12[%get3A_1083] {strides = array<i32>} : memref<64xf32, #tpu.memory_space<vmem>>, vector<16xf32>,
    %get3A_1085 = vector.shape_cast %get3A_1084 : vector<16xf32> to vector<16xf32>
    %sub3A_1086 = arith.subf %get3A_1082, %get3A_1074 : vector<16xf32>
    %max3A_1087 = arith.constant 0.000000e+00 : f32
    %max3A_1088 = vector.broadcast %max3A_1087 : f32 to vector<16xf32>
    %max3A_1089 = arith.maximumf %sub3A_1086, %max3A_1088 : vector<16xf32>
    %sub3A_1090 = arith.subf %get3A_1079, %get3A_1085 : vector<16xf32>
    %max3A_1091 = arith.constant 0.000000e+00 : f32
    %max3A_1092 = vector.broadcast %max3A_1091 : f32 to vector<16xf32>
    %max3A_1093 = arith.maximumf %sub3A_1090, %max3A_1092 : vector<16xf32>
    %add3A_1094 = arith.addf %max3A_1089, %max3A_1093 : vector<16xf32>
    %sub3A_1095 = arith.subf %get3A_1082, %get3A_1079 : vector<16xf32>
    %max3A_1096 = arith.constant 0.000000e+00 : f32
    %max3A_1097 = vector.broadcast %max3A_1096 : f32 to vector<16xf32>
    %max3A_1098 = arith.maximumf %sub3A_1095, %max3A_1097 : vector<16xf32>
    %add3A_1099 = arith.addf %add3A_1094, %max3A_1098 : vector<16xf32>
    %sub3A_1100 = arith.subf %get3A_1074, %get3A_1085 : vector<16xf32>
    %max3A_1101 = arith.constant 0.000000e+00 : f32
    %max3A_1102 = vector.broadcast %max3A_1101 : f32 to vector<16xf32>
    %max3A_1103 = arith.maximumf %sub3A_1100, %max3A_1102 : vector<16xf32>
    %add3A_1104 = arith.addf %add3A_1099, %max3A_1103 : vector<16xf32>
    %sub3A_1105 = arith.subf %get3A_1079, %get3A_1074 : vector<16xf32>
    %max3A_1106 = arith.constant 0.000000e+00 : f32
    %max3A_1107 = vector.broadcast %max3A_1106 : f32 to vector<16xf32>
    %max3A_1108 = arith.maximumf %sub3A_1105, %max3A_1107 : vector<16xf32>
    %sub3A_1109 = arith.subf %add3A_1104, %max3A_1108 : vector<16xf32>
    %get3A_1110 = arith.constant 0 : index
    %get3A_1111 = tpu.vector_load %arg13[%get3A_1110] {strides = array<i32>} : memref<16xf32, #tpu.memory_space<vmem>>, vector<16xf32>,
    %get3A_1112 = vector.shape_cast %get3A_1111 : vector<16xf32> to vector<16xf32>
    %add3A_1113 = arith.addf %get3A_1112, %sub3A_1109 : vector<16xf32>
    %swap3A_1114 = arith.constant 0 : index
    %swap3A_1115 = tpu.vector_load %arg13[%swap3A_1114] {strides = array<i32>} : memref<16xf32, #tpu.memory_space<vmem>>, vector<16xf32>,
    %swap3A_1116 = vector.shape_cast %swap3A_1115 : vector<16xf32> to vector<16xf32>
    %swap3A_1117 = vector.shape_cast %add3A_1113 : vector<16xf32> to vector<16xf32>
    tpu.vector_store %arg13[%swap3A_1114], %swap3A_1117 {strides = array<i32>} : memref<16xf32, #tpu.memory_space<vmem>>, vector<16xf32>,
    %get3A_1118 = arith.constant 5 : i32
    %get3A_1119 = arith.index_cast %get3A_1118 : i32 to index
    %get3A_1120 = arith.constant 48 : index
    %get3A_1121 = tpu.vector_load %arg9[%get3A_1119, %get3A_1120] {strides = array<i32>} : memref<16x64xf32, #tpu.memory_space<vmem>>, vector<1x16xf32>,
    %get3A_1122 = vector.shape_cast %get3A_1121 : vector<1x16xf32> to vector<16xf32>
    %get3A_1123 = arith.constant 5 : i32
    %get3A_1124 = arith.index_cast %get3A_1123 : i32 to index
    %get3A_1125 = arith.constant 48 : index
    %get3A_1126 = tpu.vector_load %arg10[%get3A_1124, %get3A_1125] {strides = array<i32>} : memref<16x64xf32, #tpu.memory_space<vmem>>, vector<1x16xf32>,
    %get3A_1127 = vector.shape_cast %get3A_1126 : vector<1x16xf32> to vector<16xf32>
    %get3A_1128 = arith.constant 48 : index
    %get3A_1129 = tpu.vector_load %arg11[%get3A_1128] {strides = array<i32>} : memref<64xf32, #tpu.memory_space<vmem>>, vector<16xf32>,
    %get3A_1130 = vector.shape_cast %get3A_1129 : vector<16xf32> to vector<16xf32>
    %get3A_1131 = arith.constant 48 : index
    %get3A_1132 = tpu.vector_load %arg12[%get3A_1131] {strides = array<i32>} : memref<64xf32, #tpu.memory_space<vmem>>, vector<16xf32>,
    %get3A_1133 = vector.shape_cast %get3A_1132 : vector<16xf32> to vector<16xf32>
    %sub3A_1134 = arith.subf %get3A_1130, %get3A_1122 : vector<16xf32>
    %max3A_1135 = arith.constant 0.000000e+00 : f32
    %max3A_1136 = vector.broadcast %max3A_1135 : f32 to vector<16xf32>
    %max3A_1137 = arith.maximumf %sub3A_1134, %max3A_1136 : vector<16xf32>
    %sub3A_1138 = arith.subf %get3A_1127, %get3A_1133 : vector<16xf32>
    %max3A_1139 = arith.constant 0.000000e+00 : f32
    %max3A_1140 = vector.broadcast %max3A_1139 : f32 to vector<16xf32>
    %max3A_1141 = arith.maximumf %sub3A_1138, %max3A_1140 : vector<16xf32>
    %add3A_1142 = arith.addf %max3A_1137, %max3A_1141 : vector<16xf32>
    %sub3A_1143 = arith.subf %get3A_1130, %get3A_1127 : vector<16xf32>
    %max3A_1144 = arith.constant 0.000000e+00 : f32
    %max3A_1145 = vector.broadcast %max3A_1144 : f32 to vector<16xf32>
    %max3A_1146 = arith.maximumf %sub3A_1143, %max3A_1145 : vector<16xf32>
    %add3A_1147 = arith.addf %add3A_1142, %max3A_1146 : vector<16xf32>
    %sub3A_1148 = arith.subf %get3A_1122, %get3A_1133 : vector<16xf32>
    %max3A_1149 = arith.constant 0.000000e+00 : f32
    %max3A_1150 = vector.broadcast %max3A_1149 : f32 to vector<16xf32>
    %max3A_1151 = arith.maximumf %sub3A_1148, %max3A_1150 : vector<16xf32>
    %add3A_1152 = arith.addf %add3A_1147, %max3A_1151 : vector<16xf32>
    %sub3A_1153 = arith.subf %get3A_1127, %get3A_1122 : vector<16xf32>
    %max3A_1154 = arith.constant 0.000000e+00 : f32
    %max3A_1155 = vector.broadcast %max3A_1154 : f32 to vector<16xf32>
    %max3A_1156 = arith.maximumf %sub3A_1153, %max3A_1155 : vector<16xf32>
    %sub3A_1157 = arith.subf %add3A_1152, %max3A_1156 : vector<16xf32>
    %get3A_1158 = arith.constant 0 : index
    %get3A_1159 = tpu.vector_load %arg13[%get3A_1158] {strides = array<i32>} : memref<16xf32, #tpu.memory_space<vmem>>, vector<16xf32>,
    %get3A_1160 = vector.shape_cast %get3A_1159 : vector<16xf32> to vector<16xf32>
    %add3A_1161 = arith.addf %get3A_1160, %sub3A_1157 : vector<16xf32>
    %swap3A_1162 = arith.constant 0 : index
    %swap3A_1163 = tpu.vector_load %arg13[%swap3A_1162] {strides = array<i32>} : memref<16xf32, #tpu.memory_space<vmem>>, vector<16xf32>,
    %swap3A_1164 = vector.shape_cast %swap3A_1163 : vector<16xf32> to vector<16xf32>
    %swap3A_1165 = vector.shape_cast %add3A_1161 : vector<16xf32> to vector<16xf32>
    tpu.vector_store %arg13[%swap3A_1162], %swap3A_1165 {strides = array<i32>} : memref<16xf32, #tpu.memory_space<vmem>>, vector<16xf32>,
    %get3A_1166 = arith.constant 6 : i32
    %get3A_1167 = arith.index_cast %get3A_1166 : i32 to index
    %get3A_1168 = arith.constant 0 : index
    %get3A_1169 = tpu.vector_load %arg9[%get3A_1167, %get3A_1168] {strides = array<i32>} : memref<16x64xf32, #tpu.memory_space<vmem>>, vector<1x16xf32>,
    %get3A_1170 = vector.shape_cast %get3A_1169 : vector<1x16xf32> to vector<16xf32>
    %get3A_1171 = arith.constant 6 : i32
    %get3A_1172 = arith.index_cast %get3A_1171 : i32 to index
    %get3A_1173 = arith.constant 0 : index
    %get3A_1174 = tpu.vector_load %arg10[%get3A_1172, %get3A_1173] {strides = array<i32>} : memref<16x64xf32, #tpu.memory_space<vmem>>, vector<1x16xf32>,
    %get3A_1175 = vector.shape_cast %get3A_1174 : vector<1x16xf32> to vector<16xf32>
    %get3A_1176 = arith.constant 0 : index
    %get3A_1177 = tpu.vector_load %arg11[%get3A_1176] {strides = array<i32>} : memref<64xf32, #tpu.memory_space<vmem>>, vector<16xf32>,
    %get3A_1178 = vector.shape_cast %get3A_1177 : vector<16xf32> to vector<16xf32>
    %get3A_1179 = arith.constant 0 : index
    %get3A_1180 = tpu.vector_load %arg12[%get3A_1179] {strides = array<i32>} : memref<64xf32, #tpu.memory_space<vmem>>, vector<16xf32>,
    %get3A_1181 = vector.shape_cast %get3A_1180 : vector<16xf32> to vector<16xf32>
    %sub3A_1182 = arith.subf %get3A_1178, %get3A_1170 : vector<16xf32>
    %max3A_1183 = arith.constant 0.000000e+00 : f32
    %max3A_1184 = vector.broadcast %max3A_1183 : f32 to vector<16xf32>
    %max3A_1185 = arith.maximumf %sub3A_1182, %max3A_1184 : vector<16xf32>
    %sub3A_1186 = arith.subf %get3A_1175, %get3A_1181 : vector<16xf32>
    %max3A_1187 = arith.constant 0.000000e+00 : f32
    %max3A_1188 = vector.broadcast %max3A_1187 : f32 to vector<16xf32>
    %max3A_1189 = arith.maximumf %sub3A_1186, %max3A_1188 : vector<16xf32>
    %add3A_1190 = arith.addf %max3A_1185, %max3A_1189 : vector<16xf32>
    %sub3A_1191 = arith.subf %get3A_1178, %get3A_1175 : vector<16xf32>
    %max3A_1192 = arith.constant 0.000000e+00 : f32
    %max3A_1193 = vector.broadcast %max3A_1192 : f32 to vector<16xf32>
    %max3A_1194 = arith.maximumf %sub3A_1191, %max3A_1193 : vector<16xf32>
    %add3A_1195 = arith.addf %add3A_1190, %max3A_1194 : vector<16xf32>
    %sub3A_1196 = arith.subf %get3A_1170, %get3A_1181 : vector<16xf32>
    %max3A_1197 = arith.constant 0.000000e+00 : f32
    %max3A_1198 = vector.broadcast %max3A_1197 : f32 to vector<16xf32>
    %max3A_1199 = arith.maximumf %sub3A_1196, %max3A_1198 : vector<16xf32>
    %add3A_1200 = arith.addf %add3A_1195, %max3A_1199 : vector<16xf32>
    %sub3A_1201 = arith.subf %get3A_1175, %get3A_1170 : vector<16xf32>
    %max3A_1202 = arith.constant 0.000000e+00 : f32
    %max3A_1203 = vector.broadcast %max3A_1202 : f32 to vector<16xf32>
    %max3A_1204 = arith.maximumf %sub3A_1201, %max3A_1203 : vector<16xf32>
    %sub3A_1205 = arith.subf %add3A_1200, %max3A_1204 : vector<16xf32>
    %get3A_1206 = arith.constant 0 : index
    %get3A_1207 = tpu.vector_load %arg13[%get3A_1206] {strides = array<i32>} : memref<16xf32, #tpu.memory_space<vmem>>, vector<16xf32>,
    %get3A_1208 = vector.shape_cast %get3A_1207 : vector<16xf32> to vector<16xf32>
    %add3A_1209 = arith.addf %get3A_1208, %sub3A_1205 : vector<16xf32>
    %swap3A_1210 = arith.constant 0 : index
    %swap3A_1211 = tpu.vector_load %arg13[%swap3A_1210] {strides = array<i32>} : memref<16xf32, #tpu.memory_space<vmem>>, vector<16xf32>,
    %swap3A_1212 = vector.shape_cast %swap3A_1211 : vector<16xf32> to vector<16xf32>
    %swap3A_1213 = vector.shape_cast %add3A_1209 : vector<16xf32> to vector<16xf32>
    tpu.vector_store %arg13[%swap3A_1210], %swap3A_1213 {strides = array<i32>} : memref<16xf32, #tpu.memory_space<vmem>>, vector<16xf32>,
    %get3A_1214 = arith.constant 6 : i32
    %get3A_1215 = arith.index_cast %get3A_1214 : i32 to index
    %get3A_1216 = arith.constant 16 : index
    %get3A_1217 = tpu.vector_load %arg9[%get3A_1215, %get3A_1216] {strides = array<i32>} : memref<16x64xf32, #tpu.memory_space<vmem>>, vector<1x16xf32>,
    %get3A_1218 = vector.shape_cast %get3A_1217 : vector<1x16xf32> to vector<16xf32>
    %get3A_1219 = arith.constant 6 : i32
    %get3A_1220 = arith.index_cast %get3A_1219 : i32 to index
    %get3A_1221 = arith.constant 16 : index
    %get3A_1222 = tpu.vector_load %arg10[%get3A_1220, %get3A_1221] {strides = array<i32>} : memref<16x64xf32, #tpu.memory_space<vmem>>, vector<1x16xf32>,
    %get3A_1223 = vector.shape_cast %get3A_1222 : vector<1x16xf32> to vector<16xf32>
    %get3A_1224 = arith.constant 16 : index
    %get3A_1225 = tpu.vector_load %arg11[%get3A_1224] {strides = array<i32>} : memref<64xf32, #tpu.memory_space<vmem>>, vector<16xf32>,
    %get3A_1226 = vector.shape_cast %get3A_1225 : vector<16xf32> to vector<16xf32>
    %get3A_1227 = arith.constant 16 : index
    %get3A_1228 = tpu.vector_load %arg12[%get3A_1227] {strides = array<i32>} : memref<64xf32, #tpu.memory_space<vmem>>, vector<16xf32>,
    %get3A_1229 = vector.shape_cast %get3A_1228 : vector<16xf32> to vector<16xf32>
    %sub3A_1230 = arith.subf %get3A_1226, %get3A_1218 : vector<16xf32>
    %max3A_1231 = arith.constant 0.000000e+00 : f32
    %max3A_1232 = vector.broadcast %max3A_1231 : f32 to vector<16xf32>
    %max3A_1233 = arith.maximumf %sub3A_1230, %max3A_1232 : vector<16xf32>
    %sub3A_1234 = arith.subf %get3A_1223, %get3A_1229 : vector<16xf32>
    %max3A_1235 = arith.constant 0.000000e+00 : f32
    %max3A_1236 = vector.broadcast %max3A_1235 : f32 to vector<16xf32>
    %max3A_1237 = arith.maximumf %sub3A_1234, %max3A_1236 : vector<16xf32>
    %add3A_1238 = arith.addf %max3A_1233, %max3A_1237 : vector<16xf32>
    %sub3A_1239 = arith.subf %get3A_1226, %get3A_1223 : vector<16xf32>
    %max3A_1240 = arith.constant 0.000000e+00 : f32
    %max3A_1241 = vector.broadcast %max3A_1240 : f32 to vector<16xf32>
    %max3A_1242 = arith.maximumf %sub3A_1239, %max3A_1241 : vector<16xf32>
    %add3A_1243 = arith.addf %add3A_1238, %max3A_1242 : vector<16xf32>
    %sub3A_1244 = arith.subf %get3A_1218, %get3A_1229 : vector<16xf32>
    %max3A_1245 = arith.constant 0.000000e+00 : f32
    %max3A_1246 = vector.broadcast %max3A_1245 : f32 to vector<16xf32>
    %max3A_1247 = arith.maximumf %sub3A_1244, %max3A_1246 : vector<16xf32>
    %add3A_1248 = arith.addf %add3A_1243, %max3A_1247 : vector<16xf32>
    %sub3A_1249 = arith.subf %get3A_1223, %get3A_1218 : vector<16xf32>
    %max3A_1250 = arith.constant 0.000000e+00 : f32
    %max3A_1251 = vector.broadcast %max3A_1250 : f32 to vector<16xf32>
    %max3A_1252 = arith.maximumf %sub3A_1249, %max3A_1251 : vector<16xf32>
    %sub3A_1253 = arith.subf %add3A_1248, %max3A_1252 : vector<16xf32>
    %get3A_1254 = arith.constant 0 : index
    %get3A_1255 = tpu.vector_load %arg13[%get3A_1254] {strides = array<i32>} : memref<16xf32, #tpu.memory_space<vmem>>, vector<16xf32>,
    %get3A_1256 = vector.shape_cast %get3A_1255 : vector<16xf32> to vector<16xf32>
    %add3A_1257 = arith.addf %get3A_1256, %sub3A_1253 : vector<16xf32>
    %swap3A_1258 = arith.constant 0 : index
    %swap3A_1259 = tpu.vector_load %arg13[%swap3A_1258] {strides = array<i32>} : memref<16xf32, #tpu.memory_space<vmem>>, vector<16xf32>,
    %swap3A_1260 = vector.shape_cast %swap3A_1259 : vector<16xf32> to vector<16xf32>
    %swap3A_1261 = vector.shape_cast %add3A_1257 : vector<16xf32> to vector<16xf32>
    tpu.vector_store %arg13[%swap3A_1258], %swap3A_1261 {strides = array<i32>} : memref<16xf32, #tpu.memory_space<vmem>>, vector<16xf32>,
    %get3A_1262 = arith.constant 6 : i32
    %get3A_1263 = arith.index_cast %get3A_1262 : i32 to index
    %get3A_1264 = arith.constant 32 : index
    %get3A_1265 = tpu.vector_load %arg9[%get3A_1263, %get3A_1264] {strides = array<i32>} : memref<16x64xf32, #tpu.memory_space<vmem>>, vector<1x16xf32>,
    %get3A_1266 = vector.shape_cast %get3A_1265 : vector<1x16xf32> to vector<16xf32>
    %get3A_1267 = arith.constant 6 : i32
    %get3A_1268 = arith.index_cast %get3A_1267 : i32 to index
    %get3A_1269 = arith.constant 32 : index
    %get3A_1270 = tpu.vector_load %arg10[%get3A_1268, %get3A_1269] {strides = array<i32>} : memref<16x64xf32, #tpu.memory_space<vmem>>, vector<1x16xf32>,
    %get3A_1271 = vector.shape_cast %get3A_1270 : vector<1x16xf32> to vector<16xf32>
    %get3A_1272 = arith.constant 32 : index
    %get3A_1273 = tpu.vector_load %arg11[%get3A_1272] {strides = array<i32>} : memref<64xf32, #tpu.memory_space<vmem>>, vector<16xf32>,
    %get3A_1274 = vector.shape_cast %get3A_1273 : vector<16xf32> to vector<16xf32>
    %get3A_1275 = arith.constant 32 : index
    %get3A_1276 = tpu.vector_load %arg12[%get3A_1275] {strides = array<i32>} : memref<64xf32, #tpu.memory_space<vmem>>, vector<16xf32>,
    %get3A_1277 = vector.shape_cast %get3A_1276 : vector<16xf32> to vector<16xf32>
    %sub3A_1278 = arith.subf %get3A_1274, %get3A_1266 : vector<16xf32>
    %max3A_1279 = arith.constant 0.000000e+00 : f32
    %max3A_1280 = vector.broadcast %max3A_1279 : f32 to vector<16xf32>
    %max3A_1281 = arith.maximumf %sub3A_1278, %max3A_1280 : vector<16xf32>
    %sub3A_1282 = arith.subf %get3A_1271, %get3A_1277 : vector<16xf32>
    %max3A_1283 = arith.constant 0.000000e+00 : f32
    %max3A_1284 = vector.broadcast %max3A_1283 : f32 to vector<16xf32>
    %max3A_1285 = arith.maximumf %sub3A_1282, %max3A_1284 : vector<16xf32>
    %add3A_1286 = arith.addf %max3A_1281, %max3A_1285 : vector<16xf32>
    %sub3A_1287 = arith.subf %get3A_1274, %get3A_1271 : vector<16xf32>
    %max3A_1288 = arith.constant 0.000000e+00 : f32
    %max3A_1289 = vector.broadcast %max3A_1288 : f32 to vector<16xf32>
    %max3A_1290 = arith.maximumf %sub3A_1287, %max3A_1289 : vector<16xf32>
    %add3A_1291 = arith.addf %add3A_1286, %max3A_1290 : vector<16xf32>
    %sub3A_1292 = arith.subf %get3A_1266, %get3A_1277 : vector<16xf32>
    %max3A_1293 = arith.constant 0.000000e+00 : f32
    %max3A_1294 = vector.broadcast %max3A_1293 : f32 to vector<16xf32>
    %max3A_1295 = arith.maximumf %sub3A_1292, %max3A_1294 : vector<16xf32>
    %add3A_1296 = arith.addf %add3A_1291, %max3A_1295 : vector<16xf32>
    %sub3A_1297 = arith.subf %get3A_1271, %get3A_1266 : vector<16xf32>
    %max3A_1298 = arith.constant 0.000000e+00 : f32
    %max3A_1299 = vector.broadcast %max3A_1298 : f32 to vector<16xf32>
    %max3A_1300 = arith.maximumf %sub3A_1297, %max3A_1299 : vector<16xf32>
    %sub3A_1301 = arith.subf %add3A_1296, %max3A_1300 : vector<16xf32>
    %get3A_1302 = arith.constant 0 : index
    %get3A_1303 = tpu.vector_load %arg13[%get3A_1302] {strides = array<i32>} : memref<16xf32, #tpu.memory_space<vmem>>, vector<16xf32>,
    %get3A_1304 = vector.shape_cast %get3A_1303 : vector<16xf32> to vector<16xf32>
    %add3A_1305 = arith.addf %get3A_1304, %sub3A_1301 : vector<16xf32>
    %swap3A_1306 = arith.constant 0 : index
    %swap3A_1307 = tpu.vector_load %arg13[%swap3A_1306] {strides = array<i32>} : memref<16xf32, #tpu.memory_space<vmem>>, vector<16xf32>,
    %swap3A_1308 = vector.shape_cast %swap3A_1307 : vector<16xf32> to vector<16xf32>
    %swap3A_1309 = vector.shape_cast %add3A_1305 : vector<16xf32> to vector<16xf32>
    tpu.vector_store %arg13[%swap3A_1306], %swap3A_1309 {strides = array<i32>} : memref<16xf32, #tpu.memory_space<vmem>>, vector<16xf32>,
    %get3A_1310 = arith.constant 6 : i32
    %get3A_1311 = arith.index_cast %get3A_1310 : i32 to index
    %get3A_1312 = arith.constant 48 : index
    %get3A_1313 = tpu.vector_load %arg9[%get3A_1311, %get3A_1312] {strides = array<i32>} : memref<16x64xf32, #tpu.memory_space<vmem>>, vector<1x16xf32>,
    %get3A_1314 = vector.shape_cast %get3A_1313 : vector<1x16xf32> to vector<16xf32>
    %get3A_1315 = arith.constant 6 : i32
    %get3A_1316 = arith.index_cast %get3A_1315 : i32 to index
    %get3A_1317 = arith.constant 48 : index
    %get3A_1318 = tpu.vector_load %arg10[%get3A_1316, %get3A_1317] {strides = array<i32>} : memref<16x64xf32, #tpu.memory_space<vmem>>, vector<1x16xf32>,
    %get3A_1319 = vector.shape_cast %get3A_1318 : vector<1x16xf32> to vector<16xf32>
    %get3A_1320 = arith.constant 48 : index
    %get3A_1321 = tpu.vector_load %arg11[%get3A_1320] {strides = array<i32>} : memref<64xf32, #tpu.memory_space<vmem>>, vector<16xf32>,
    %get3A_1322 = vector.shape_cast %get3A_1321 : vector<16xf32> to vector<16xf32>
    %get3A_1323 = arith.constant 48 : index
    %get3A_1324 = tpu.vector_load %arg12[%get3A_1323] {strides = array<i32>} : memref<64xf32, #tpu.memory_space<vmem>>, vector<16xf32>,
    %get3A_1325 = vector.shape_cast %get3A_1324 : vector<16xf32> to vector<16xf32>
    %sub3A_1326 = arith.subf %get3A_1322, %get3A_1314 : vector<16xf32>
    %max3A_1327 = arith.constant 0.000000e+00 : f32
    %max3A_1328 = vector.broadcast %max3A_1327 : f32 to vector<16xf32>
    %max3A_1329 = arith.maximumf %sub3A_1326, %max3A_1328 : vector<16xf32>
    %sub3A_1330 = arith.subf %get3A_1319, %get3A_1325 : vector<16xf32>
    %max3A_1331 = arith.constant 0.000000e+00 : f32
    %max3A_1332 = vector.broadcast %max3A_1331 : f32 to vector<16xf32>
    %max3A_1333 = arith.maximumf %sub3A_1330, %max3A_1332 : vector<16xf32>
    %add3A_1334 = arith.addf %max3A_1329, %max3A_1333 : vector<16xf32>
    %sub3A_1335 = arith.subf %get3A_1322, %get3A_1319 : vector<16xf32>
    %max3A_1336 = arith.constant 0.000000e+00 : f32
    %max3A_1337 = vector.broadcast %max3A_1336 : f32 to vector<16xf32>
    %max3A_1338 = arith.maximumf %sub3A_1335, %max3A_1337 : vector<16xf32>
    %add3A_1339 = arith.addf %add3A_1334, %max3A_1338 : vector<16xf32>
    %sub3A_1340 = arith.subf %get3A_1314, %get3A_1325 : vector<16xf32>
    %max3A_1341 = arith.constant 0.000000e+00 : f32
    %max3A_1342 = vector.broadcast %max3A_1341 : f32 to vector<16xf32>
    %max3A_1343 = arith.maximumf %sub3A_1340, %max3A_1342 : vector<16xf32>
    %add3A_1344 = arith.addf %add3A_1339, %max3A_1343 : vector<16xf32>
    %sub3A_1345 = arith.subf %get3A_1319, %get3A_1314 : vector<16xf32>
    %max3A_1346 = arith.constant 0.000000e+00 : f32
    %max3A_1347 = vector.broadcast %max3A_1346 : f32 to vector<16xf32>
    %max3A_1348 = arith.maximumf %sub3A_1345, %max3A_1347 : vector<16xf32>
    %sub3A_1349 = arith.subf %add3A_1344, %max3A_1348 : vector<16xf32>
    %get3A_1350 = arith.constant 0 : index
    %get3A_1351 = tpu.vector_load %arg13[%get3A_1350] {strides = array<i32>} : memref<16xf32, #tpu.memory_space<vmem>>, vector<16xf32>,
    %get3A_1352 = vector.shape_cast %get3A_1351 : vector<16xf32> to vector<16xf32>
    %add3A_1353 = arith.addf %get3A_1352, %sub3A_1349 : vector<16xf32>
    %swap3A_1354 = arith.constant 0 : index
    %swap3A_1355 = tpu.vector_load %arg13[%swap3A_1354] {strides = array<i32>} : memref<16xf32, #tpu.memory_space<vmem>>, vector<16xf32>,
    %swap3A_1356 = vector.shape_cast %swap3A_1355 : vector<16xf32> to vector<16xf32>
    %swap3A_1357 = vector.shape_cast %add3A_1353 : vector<16xf32> to vector<16xf32>
    tpu.vector_store %arg13[%swap3A_1354], %swap3A_1357 {strides = array<i32>} : memref<16xf32, #tpu.memory_space<vmem>>, vector<16xf32>,
    %get3A_1358 = arith.constant 7 : i32
    %get3A_1359 = arith.index_cast %get3A_1358 : i32 to index
    %get3A_1360 = arith.constant 0 : index
    %get3A_1361 = tpu.vector_load %arg9[%get3A_1359, %get3A_1360] {strides = array<i32>} : memref<16x64xf32, #tpu.memory_space<vmem>>, vector<1x16xf32>,
    %get3A_1362 = vector.shape_cast %get3A_1361 : vector<1x16xf32> to vector<16xf32>
    %get3A_1363 = arith.constant 7 : i32
    %get3A_1364 = arith.index_cast %get3A_1363 : i32 to index
    %get3A_1365 = arith.constant 0 : index
    %get3A_1366 = tpu.vector_load %arg10[%get3A_1364, %get3A_1365] {strides = array<i32>} : memref<16x64xf32, #tpu.memory_space<vmem>>, vector<1x16xf32>,
    %get3A_1367 = vector.shape_cast %get3A_1366 : vector<1x16xf32> to vector<16xf32>
    %get3A_1368 = arith.constant 0 : index
    %get3A_1369 = tpu.vector_load %arg11[%get3A_1368] {strides = array<i32>} : memref<64xf32, #tpu.memory_space<vmem>>, vector<16xf32>,
    %get3A_1370 = vector.shape_cast %get3A_1369 : vector<16xf32> to vector<16xf32>
    %get3A_1371 = arith.constant 0 : index
    %get3A_1372 = tpu.vector_load %arg12[%get3A_1371] {strides = array<i32>} : memref<64xf32, #tpu.memory_space<vmem>>, vector<16xf32>,
    %get3A_1373 = vector.shape_cast %get3A_1372 : vector<16xf32> to vector<16xf32>
    %sub3A_1374 = arith.subf %get3A_1370, %get3A_1362 : vector<16xf32>
    %max3A_1375 = arith.constant 0.000000e+00 : f32
    %max3A_1376 = vector.broadcast %max3A_1375 : f32 to vector<16xf32>
    %max3A_1377 = arith.maximumf %sub3A_1374, %max3A_1376 : vector<16xf32>
    %sub3A_1378 = arith.subf %get3A_1367, %get3A_1373 : vector<16xf32>
    %max3A_1379 = arith.constant 0.000000e+00 : f32
    %max3A_1380 = vector.broadcast %max3A_1379 : f32 to vector<16xf32>
    %max3A_1381 = arith.maximumf %sub3A_1378, %max3A_1380 : vector<16xf32>
    %add3A_1382 = arith.addf %max3A_1377, %max3A_1381 : vector<16xf32>
    %sub3A_1383 = arith.subf %get3A_1370, %get3A_1367 : vector<16xf32>
    %max3A_1384 = arith.constant 0.000000e+00 : f32
    %max3A_1385 = vector.broadcast %max3A_1384 : f32 to vector<16xf32>
    %max3A_1386 = arith.maximumf %sub3A_1383, %max3A_1385 : vector<16xf32>
    %add3A_1387 = arith.addf %add3A_1382, %max3A_1386 : vector<16xf32>
    %sub3A_1388 = arith.subf %get3A_1362, %get3A_1373 : vector<16xf32>
    %max3A_1389 = arith.constant 0.000000e+00 : f32
    %max3A_1390 = vector.broadcast %max3A_1389 : f32 to vector<16xf32>
    %max3A_1391 = arith.maximumf %sub3A_1388, %max3A_1390 : vector<16xf32>
    %add3A_1392 = arith.addf %add3A_1387, %max3A_1391 : vector<16xf32>
    %sub3A_1393 = arith.subf %get3A_1367, %get3A_1362 : vector<16xf32>
    %max3A_1394 = arith.constant 0.000000e+00 : f32
    %max3A_1395 = vector.broadcast %max3A_1394 : f32 to vector<16xf32>
    %max3A_1396 = arith.maximumf %sub3A_1393, %max3A_1395 : vector<16xf32>
    %sub3A_1397 = arith.subf %add3A_1392, %max3A_1396 : vector<16xf32>
    %get3A_1398 = arith.constant 0 : index
    %get3A_1399 = tpu.vector_load %arg13[%get3A_1398] {strides = array<i32>} : memref<16xf32, #tpu.memory_space<vmem>>, vector<16xf32>,
    %get3A_1400 = vector.shape_cast %get3A_1399 : vector<16xf32> to vector<16xf32>
    %add3A_1401 = arith.addf %get3A_1400, %sub3A_1397 : vector<16xf32>
    %swap3A_1402 = arith.constant 0 : index
    %swap3A_1403 = tpu.vector_load %arg13[%swap3A_1402] {strides = array<i32>} : memref<16xf32, #tpu.memory_space<vmem>>, vector<16xf32>,
    %swap3A_1404 = vector.shape_cast %swap3A_1403 : vector<16xf32> to vector<16xf32>
    %swap3A_1405 = vector.shape_cast %add3A_1401 : vector<16xf32> to vector<16xf32>
    tpu.vector_store %arg13[%swap3A_1402], %swap3A_1405 {strides = array<i32>} : memref<16xf32, #tpu.memory_space<vmem>>, vector<16xf32>,
    %get3A_1406 = arith.constant 7 : i32
    %get3A_1407 = arith.index_cast %get3A_1406 : i32 to index
    %get3A_1408 = arith.constant 16 : index
    %get3A_1409 = tpu.vector_load %arg9[%get3A_1407, %get3A_1408] {strides = array<i32>} : memref<16x64xf32, #tpu.memory_space<vmem>>, vector<1x16xf32>,
    %get3A_1410 = vector.shape_cast %get3A_1409 : vector<1x16xf32> to vector<16xf32>
    %get3A_1411 = arith.constant 7 : i32
    %get3A_1412 = arith.index_cast %get3A_1411 : i32 to index
    %get3A_1413 = arith.constant 16 : index
    %get3A_1414 = tpu.vector_load %arg10[%get3A_1412, %get3A_1413] {strides = array<i32>} : memref<16x64xf32, #tpu.memory_space<vmem>>, vector<1x16xf32>,
    %get3A_1415 = vector.shape_cast %get3A_1414 : vector<1x16xf32> to vector<16xf32>
    %get3A_1416 = arith.constant 16 : index
    %get3A_1417 = tpu.vector_load %arg11[%get3A_1416] {strides = array<i32>} : memref<64xf32, #tpu.memory_space<vmem>>, vector<16xf32>,
    %get3A_1418 = vector.shape_cast %get3A_1417 : vector<16xf32> to vector<16xf32>
    %get3A_1419 = arith.constant 16 : index
    %get3A_1420 = tpu.vector_load %arg12[%get3A_1419] {strides = array<i32>} : memref<64xf32, #tpu.memory_space<vmem>>, vector<16xf32>,
    %get3A_1421 = vector.shape_cast %get3A_1420 : vector<16xf32> to vector<16xf32>
    %sub3A_1422 = arith.subf %get3A_1418, %get3A_1410 : vector<16xf32>
    %max3A_1423 = arith.constant 0.000000e+00 : f32
    %max3A_1424 = vector.broadcast %max3A_1423 : f32 to vector<16xf32>
    %max3A_1425 = arith.maximumf %sub3A_1422, %max3A_1424 : vector<16xf32>
    %sub3A_1426 = arith.subf %get3A_1415, %get3A_1421 : vector<16xf32>
    %max3A_1427 = arith.constant 0.000000e+00 : f32
    %max3A_1428 = vector.broadcast %max3A_1427 : f32 to vector<16xf32>
    %max3A_1429 = arith.maximumf %sub3A_1426, %max3A_1428 : vector<16xf32>
    %add3A_1430 = arith.addf %max3A_1425, %max3A_1429 : vector<16xf32>
    %sub3A_1431 = arith.subf %get3A_1418, %get3A_1415 : vector<16xf32>
    %max3A_1432 = arith.constant 0.000000e+00 : f32
    %max3A_1433 = vector.broadcast %max3A_1432 : f32 to vector<16xf32>
    %max3A_1434 = arith.maximumf %sub3A_1431, %max3A_1433 : vector<16xf32>
    %add3A_1435 = arith.addf %add3A_1430, %max3A_1434 : vector<16xf32>
    %sub3A_1436 = arith.subf %get3A_1410, %get3A_1421 : vector<16xf32>
    %max3A_1437 = arith.constant 0.000000e+00 : f32
    %max3A_1438 = vector.broadcast %max3A_1437 : f32 to vector<16xf32>
    %max3A_1439 = arith.maximumf %sub3A_1436, %max3A_1438 : vector<16xf32>
    %add3A_1440 = arith.addf %add3A_1435, %max3A_1439 : vector<16xf32>
    %sub3A_1441 = arith.subf %get3A_1415, %get3A_1410 : vector<16xf32>
    %max3A_1442 = arith.constant 0.000000e+00 : f32
    %max3A_1443 = vector.broadcast %max3A_1442 : f32 to vector<16xf32>
    %max3A_1444 = arith.maximumf %sub3A_1441, %max3A_1443 : vector<16xf32>
    %sub3A_1445 = arith.subf %add3A_1440, %max3A_1444 : vector<16xf32>
    %get3A_1446 = arith.constant 0 : index
    %get3A_1447 = tpu.vector_load %arg13[%get3A_1446] {strides = array<i32>} : memref<16xf32, #tpu.memory_space<vmem>>, vector<16xf32>,
    %get3A_1448 = vector.shape_cast %get3A_1447 : vector<16xf32> to vector<16xf32>
    %add3A_1449 = arith.addf %get3A_1448, %sub3A_1445 : vector<16xf32>
    %swap3A_1450 = arith.constant 0 : index
    %swap3A_1451 = tpu.vector_load %arg13[%swap3A_1450] {strides = array<i32>} : memref<16xf32, #tpu.memory_space<vmem>>, vector<16xf32>,
    %swap3A_1452 = vector.shape_cast %swap3A_1451 : vector<16xf32> to vector<16xf32>
    %swap3A_1453 = vector.shape_cast %add3A_1449 : vector<16xf32> to vector<16xf32>
    tpu.vector_store %arg13[%swap3A_1450], %swap3A_1453 {strides = array<i32>} : memref<16xf32, #tpu.memory_space<vmem>>, vector<16xf32>,
    %get3A_1454 = arith.constant 7 : i32
    %get3A_1455 = arith.index_cast %get3A_1454 : i32 to index
    %get3A_1456 = arith.constant 32 : index
    %get3A_1457 = tpu.vector_load %arg9[%get3A_1455, %get3A_1456] {strides = array<i32>} : memref<16x64xf32, #tpu.memory_space<vmem>>, vector<1x16xf32>,
    %get3A_1458 = vector.shape_cast %get3A_1457 : vector<1x16xf32> to vector<16xf32>
    %get3A_1459 = arith.constant 7 : i32
    %get3A_1460 = arith.index_cast %get3A_1459 : i32 to index
    %get3A_1461 = arith.constant 32 : index
    %get3A_1462 = tpu.vector_load %arg10[%get3A_1460, %get3A_1461] {strides = array<i32>} : memref<16x64xf32, #tpu.memory_space<vmem>>, vector<1x16xf32>,
    %get3A_1463 = vector.shape_cast %get3A_1462 : vector<1x16xf32> to vector<16xf32>
    %get3A_1464 = arith.constant 32 : index
    %get3A_1465 = tpu.vector_load %arg11[%get3A_1464] {strides = array<i32>} : memref<64xf32, #tpu.memory_space<vmem>>, vector<16xf32>,
    %get3A_1466 = vector.shape_cast %get3A_1465 : vector<16xf32> to vector<16xf32>
    %get3A_1467 = arith.constant 32 : index
    %get3A_1468 = tpu.vector_load %arg12[%get3A_1467] {strides = array<i32>} : memref<64xf32, #tpu.memory_space<vmem>>, vector<16xf32>,
    %get3A_1469 = vector.shape_cast %get3A_1468 : vector<16xf32> to vector<16xf32>
    %sub3A_1470 = arith.subf %get3A_1466, %get3A_1458 : vector<16xf32>
    %max3A_1471 = arith.constant 0.000000e+00 : f32
    %max3A_1472 = vector.broadcast %max3A_1471 : f32 to vector<16xf32>
    %max3A_1473 = arith.maximumf %sub3A_1470, %max3A_1472 : vector<16xf32>
    %sub3A_1474 = arith.subf %get3A_1463, %get3A_1469 : vector<16xf32>
    %max3A_1475 = arith.constant 0.000000e+00 : f32
    %max3A_1476 = vector.broadcast %max3A_1475 : f32 to vector<16xf32>
    %max3A_1477 = arith.maximumf %sub3A_1474, %max3A_1476 : vector<16xf32>
    %add3A_1478 = arith.addf %max3A_1473, %max3A_1477 : vector<16xf32>
    %sub3A_1479 = arith.subf %get3A_1466, %get3A_1463 : vector<16xf32>
    %max3A_1480 = arith.constant 0.000000e+00 : f32
    %max3A_1481 = vector.broadcast %max3A_1480 : f32 to vector<16xf32>
    %max3A_1482 = arith.maximumf %sub3A_1479, %max3A_1481 : vector<16xf32>
    %add3A_1483 = arith.addf %add3A_1478, %max3A_1482 : vector<16xf32>
    %sub3A_1484 = arith.subf %get3A_1458, %get3A_1469 : vector<16xf32>
    %max3A_1485 = arith.constant 0.000000e+00 : f32
    %max3A_1486 = vector.broadcast %max3A_1485 : f32 to vector<16xf32>
    %max3A_1487 = arith.maximumf %sub3A_1484, %max3A_1486 : vector<16xf32>
    %add3A_1488 = arith.addf %add3A_1483, %max3A_1487 : vector<16xf32>
    %sub3A_1489 = arith.subf %get3A_1463, %get3A_1458 : vector<16xf32>
    %max3A_1490 = arith.constant 0.000000e+00 : f32
    %max3A_1491 = vector.broadcast %max3A_1490 : f32 to vector<16xf32>
    %max3A_1492 = arith.maximumf %sub3A_1489, %max3A_1491 : vector<16xf32>
    %sub3A_1493 = arith.subf %add3A_1488, %max3A_1492 : vector<16xf32>
    %get3A_1494 = arith.constant 0 : index
    %get3A_1495 = tpu.vector_load %arg13[%get3A_1494] {strides = array<i32>} : memref<16xf32, #tpu.memory_space<vmem>>, vector<16xf32>,
    %get3A_1496 = vector.shape_cast %get3A_1495 : vector<16xf32> to vector<16xf32>
    %add3A_1497 = arith.addf %get3A_1496, %sub3A_1493 : vector<16xf32>
    %swap3A_1498 = arith.constant 0 : index
    %swap3A_1499 = tpu.vector_load %arg13[%swap3A_1498] {strides = array<i32>} : memref<16xf32, #tpu.memory_space<vmem>>, vector<16xf32>,
    %swap3A_1500 = vector.shape_cast %swap3A_1499 : vector<16xf32> to vector<16xf32>
    %swap3A_1501 = vector.shape_cast %add3A_1497 : vector<16xf32> to vector<16xf32>
    tpu.vector_store %arg13[%swap3A_1498], %swap3A_1501 {strides = array<i32>} : memref<16xf32, #tpu.memory_space<vmem>>, vector<16xf32>,
    %get3A_1502 = arith.constant 7 : i32
    %get3A_1503 = arith.index_cast %get3A_1502 : i32 to index
    %get3A_1504 = arith.constant 48 : index
    %get3A_1505 = tpu.vector_load %arg9[%get3A_1503, %get3A_1504] {strides = array<i32>} : memref<16x64xf32, #tpu.memory_space<vmem>>, vector<1x16xf32>,
    %get3A_1506 = vector.shape_cast %get3A_1505 : vector<1x16xf32> to vector<16xf32>
    %get3A_1507 = arith.constant 7 : i32
    %get3A_1508 = arith.index_cast %get3A_1507 : i32 to index
    %get3A_1509 = arith.constant 48 : index
    %get3A_1510 = tpu.vector_load %arg10[%get3A_1508, %get3A_1509] {strides = array<i32>} : memref<16x64xf32, #tpu.memory_space<vmem>>, vector<1x16xf32>,
    %get3A_1511 = vector.shape_cast %get3A_1510 : vector<1x16xf32> to vector<16xf32>
    %get3A_1512 = arith.constant 48 : index
    %get3A_1513 = tpu.vector_load %arg11[%get3A_1512] {strides = array<i32>} : memref<64xf32, #tpu.memory_space<vmem>>, vector<16xf32>,
    %get3A_1514 = vector.shape_cast %get3A_1513 : vector<16xf32> to vector<16xf32>
    %get3A_1515 = arith.constant 48 : index
    %get3A_1516 = tpu.vector_load %arg12[%get3A_1515] {strides = array<i32>} : memref<64xf32, #tpu.memory_space<vmem>>, vector<16xf32>,
    %get3A_1517 = vector.shape_cast %get3A_1516 : vector<16xf32> to vector<16xf32>
    %sub3A_1518 = arith.subf %get3A_1514, %get3A_1506 : vector<16xf32>
    %max3A_1519 = arith.constant 0.000000e+00 : f32
    %max3A_1520 = vector.broadcast %max3A_1519 : f32 to vector<16xf32>
    %max3A_1521 = arith.maximumf %sub3A_1518, %max3A_1520 : vector<16xf32>
    %sub3A_1522 = arith.subf %get3A_1511, %get3A_1517 : vector<16xf32>
    %max3A_1523 = arith.constant 0.000000e+00 : f32
    %max3A_1524 = vector.broadcast %max3A_1523 : f32 to vector<16xf32>
    %max3A_1525 = arith.maximumf %sub3A_1522, %max3A_1524 : vector<16xf32>
    %add3A_1526 = arith.addf %max3A_1521, %max3A_1525 : vector<16xf32>
    %sub3A_1527 = arith.subf %get3A_1514, %get3A_1511 : vector<16xf32>
    %max3A_1528 = arith.constant 0.000000e+00 : f32
    %max3A_1529 = vector.broadcast %max3A_1528 : f32 to vector<16xf32>
    %max3A_1530 = arith.maximumf %sub3A_1527, %max3A_1529 : vector<16xf32>
    %add3A_1531 = arith.addf %add3A_1526, %max3A_1530 : vector<16xf32>
    %sub3A_1532 = arith.subf %get3A_1506, %get3A_1517 : vector<16xf32>
    %max3A_1533 = arith.constant 0.000000e+00 : f32
    %max3A_1534 = vector.broadcast %max3A_1533 : f32 to vector<16xf32>
    %max3A_1535 = arith.maximumf %sub3A_1532, %max3A_1534 : vector<16xf32>
    %add3A_1536 = arith.addf %add3A_1531, %max3A_1535 : vector<16xf32>
    %sub3A_1537 = arith.subf %get3A_1511, %get3A_1506 : vector<16xf32>
    %max3A_1538 = arith.constant 0.000000e+00 : f32
    %max3A_1539 = vector.broadcast %max3A_1538 : f32 to vector<16xf32>
    %max3A_1540 = arith.maximumf %sub3A_1537, %max3A_1539 : vector<16xf32>
    %sub3A_1541 = arith.subf %add3A_1536, %max3A_1540 : vector<16xf32>
    %get3A_1542 = arith.constant 0 : index
    %get3A_1543 = tpu.vector_load %arg13[%get3A_1542] {strides = array<i32>} : memref<16xf32, #tpu.memory_space<vmem>>, vector<16xf32>,
    %get3A_1544 = vector.shape_cast %get3A_1543 : vector<16xf32> to vector<16xf32>
    %add3A_1545 = arith.addf %get3A_1544, %sub3A_1541 : vector<16xf32>
    %swap3A_1546 = arith.constant 0 : index
    %swap3A_1547 = tpu.vector_load %arg13[%swap3A_1546] {strides = array<i32>} : memref<16xf32, #tpu.memory_space<vmem>>, vector<16xf32>,
    %swap3A_1548 = vector.shape_cast %swap3A_1547 : vector<16xf32> to vector<16xf32>
    %swap3A_1549 = vector.shape_cast %add3A_1545 : vector<16xf32> to vector<16xf32>
    tpu.vector_store %arg13[%swap3A_1546], %swap3A_1549 {strides = array<i32>} : memref<16xf32, #tpu.memory_space<vmem>>, vector<16xf32>,
    %get3A_1550 = arith.constant 8 : i32
    %get3A_1551 = arith.index_cast %get3A_1550 : i32 to index
    %get3A_1552 = arith.constant 0 : index
    %get3A_1553 = tpu.vector_load %arg9[%get3A_1551, %get3A_1552] {strides = array<i32>} : memref<16x64xf32, #tpu.memory_space<vmem>>, vector<1x16xf32>,
    %get3A_1554 = vector.shape_cast %get3A_1553 : vector<1x16xf32> to vector<16xf32>
    %get3A_1555 = arith.constant 8 : i32
    %get3A_1556 = arith.index_cast %get3A_1555 : i32 to index
    %get3A_1557 = arith.constant 0 : index
    %get3A_1558 = tpu.vector_load %arg10[%get3A_1556, %get3A_1557] {strides = array<i32>} : memref<16x64xf32, #tpu.memory_space<vmem>>, vector<1x16xf32>,
    %get3A_1559 = vector.shape_cast %get3A_1558 : vector<1x16xf32> to vector<16xf32>
    %get3A_1560 = arith.constant 0 : index
    %get3A_1561 = tpu.vector_load %arg11[%get3A_1560] {strides = array<i32>} : memref<64xf32, #tpu.memory_space<vmem>>, vector<16xf32>,
    %get3A_1562 = vector.shape_cast %get3A_1561 : vector<16xf32> to vector<16xf32>
    %get3A_1563 = arith.constant 0 : index
    %get3A_1564 = tpu.vector_load %arg12[%get3A_1563] {strides = array<i32>} : memref<64xf32, #tpu.memory_space<vmem>>, vector<16xf32>,
    %get3A_1565 = vector.shape_cast %get3A_1564 : vector<16xf32> to vector<16xf32>
    %sub3A_1566 = arith.subf %get3A_1562, %get3A_1554 : vector<16xf32>
    %max3A_1567 = arith.constant 0.000000e+00 : f32
    %max3A_1568 = vector.broadcast %max3A_1567 : f32 to vector<16xf32>
    %max3A_1569 = arith.maximumf %sub3A_1566, %max3A_1568 : vector<16xf32>
    %sub3A_1570 = arith.subf %get3A_1559, %get3A_1565 : vector<16xf32>
    %max3A_1571 = arith.constant 0.000000e+00 : f32
    %max3A_1572 = vector.broadcast %max3A_1571 : f32 to vector<16xf32>
    %max3A_1573 = arith.maximumf %sub3A_1570, %max3A_1572 : vector<16xf32>
    %add3A_1574 = arith.addf %max3A_1569, %max3A_1573 : vector<16xf32>
    %sub3A_1575 = arith.subf %get3A_1562, %get3A_1559 : vector<16xf32>
    %max3A_1576 = arith.constant 0.000000e+00 : f32
    %max3A_1577 = vector.broadcast %max3A_1576 : f32 to vector<16xf32>
    %max3A_1578 = arith.maximumf %sub3A_1575, %max3A_1577 : vector<16xf32>
    %add3A_1579 = arith.addf %add3A_1574, %max3A_1578 : vector<16xf32>
    %sub3A_1580 = arith.subf %get3A_1554, %get3A_1565 : vector<16xf32>
    %max3A_1581 = arith.constant 0.000000e+00 : f32
    %max3A_1582 = vector.broadcast %max3A_1581 : f32 to vector<16xf32>
    %max3A_1583 = arith.maximumf %sub3A_1580, %max3A_1582 : vector<16xf32>
    %add3A_1584 = arith.addf %add3A_1579, %max3A_1583 : vector<16xf32>
    %sub3A_1585 = arith.subf %get3A_1559, %get3A_1554 : vector<16xf32>
    %max3A_1586 = arith.constant 0.000000e+00 : f32
    %max3A_1587 = vector.broadcast %max3A_1586 : f32 to vector<16xf32>
    %max3A_1588 = arith.maximumf %sub3A_1585, %max3A_1587 : vector<16xf32>
    %sub3A_1589 = arith.subf %add3A_1584, %max3A_1588 : vector<16xf32>
    %get3A_1590 = arith.constant 0 : index
    %get3A_1591 = tpu.vector_load %arg13[%get3A_1590] {strides = array<i32>} : memref<16xf32, #tpu.memory_space<vmem>>, vector<16xf32>,
    %get3A_1592 = vector.shape_cast %get3A_1591 : vector<16xf32> to vector<16xf32>
    %add3A_1593 = arith.addf %get3A_1592, %sub3A_1589 : vector<16xf32>
    %swap3A_1594 = arith.constant 0 : index
    %swap3A_1595 = tpu.vector_load %arg13[%swap3A_1594] {strides = array<i32>} : memref<16xf32, #tpu.memory_space<vmem>>, vector<16xf32>,
    %swap3A_1596 = vector.shape_cast %swap3A_1595 : vector<16xf32> to vector<16xf32>
    %swap3A_1597 = vector.shape_cast %add3A_1593 : vector<16xf32> to vector<16xf32>
    tpu.vector_store %arg13[%swap3A_1594], %swap3A_1597 {strides = array<i32>} : memref<16xf32, #tpu.memory_space<vmem>>, vector<16xf32>,
    %get3A_1598 = arith.constant 8 : i32
    %get3A_1599 = arith.index_cast %get3A_1598 : i32 to index
    %get3A_1600 = arith.constant 16 : index
    %get3A_1601 = tpu.vector_load %arg9[%get3A_1599, %get3A_1600] {strides = array<i32>} : memref<16x64xf32, #tpu.memory_space<vmem>>, vector<1x16xf32>,
    %get3A_1602 = vector.shape_cast %get3A_1601 : vector<1x16xf32> to vector<16xf32>
    %get3A_1603 = arith.constant 8 : i32
    %get3A_1604 = arith.index_cast %get3A_1603 : i32 to index
    %get3A_1605 = arith.constant 16 : index
    %get3A_1606 = tpu.vector_load %arg10[%get3A_1604, %get3A_1605] {strides = array<i32>} : memref<16x64xf32, #tpu.memory_space<vmem>>, vector<1x16xf32>,
    %get3A_1607 = vector.shape_cast %get3A_1606 : vector<1x16xf32> to vector<16xf32>
    %get3A_1608 = arith.constant 16 : index
    %get3A_1609 = tpu.vector_load %arg11[%get3A_1608] {strides = array<i32>} : memref<64xf32, #tpu.memory_space<vmem>>, vector<16xf32>,
    %get3A_1610 = vector.shape_cast %get3A_1609 : vector<16xf32> to vector<16xf32>
    %get3A_1611 = arith.constant 16 : index
    %get3A_1612 = tpu.vector_load %arg12[%get3A_1611] {strides = array<i32>} : memref<64xf32, #tpu.memory_space<vmem>>, vector<16xf32>,
    %get3A_1613 = vector.shape_cast %get3A_1612 : vector<16xf32> to vector<16xf32>
    %sub3A_1614 = arith.subf %get3A_1610, %get3A_1602 : vector<16xf32>
    %max3A_1615 = arith.constant 0.000000e+00 : f32
    %max3A_1616 = vector.broadcast %max3A_1615 : f32 to vector<16xf32>
    %max3A_1617 = arith.maximumf %sub3A_1614, %max3A_1616 : vector<16xf32>
    %sub3A_1618 = arith.subf %get3A_1607, %get3A_1613 : vector<16xf32>
    %max3A_1619 = arith.constant 0.000000e+00 : f32
    %max3A_1620 = vector.broadcast %max3A_1619 : f32 to vector<16xf32>
    %max3A_1621 = arith.maximumf %sub3A_1618, %max3A_1620 : vector<16xf32>
    %add3A_1622 = arith.addf %max3A_1617, %max3A_1621 : vector<16xf32>
    %sub3A_1623 = arith.subf %get3A_1610, %get3A_1607 : vector<16xf32>
    %max3A_1624 = arith.constant 0.000000e+00 : f32
    %max3A_1625 = vector.broadcast %max3A_1624 : f32 to vector<16xf32>
    %max3A_1626 = arith.maximumf %sub3A_1623, %max3A_1625 : vector<16xf32>
    %add3A_1627 = arith.addf %add3A_1622, %max3A_1626 : vector<16xf32>
    %sub3A_1628 = arith.subf %get3A_1602, %get3A_1613 : vector<16xf32>
    %max3A_1629 = arith.constant 0.000000e+00 : f32
    %max3A_1630 = vector.broadcast %max3A_1629 : f32 to vector<16xf32>
    %max3A_1631 = arith.maximumf %sub3A_1628, %max3A_1630 : vector<16xf32>
    %add3A_1632 = arith.addf %add3A_1627, %max3A_1631 : vector<16xf32>
    %sub3A_1633 = arith.subf %get3A_1607, %get3A_1602 : vector<16xf32>
    %max3A_1634 = arith.constant 0.000000e+00 : f32
    %max3A_1635 = vector.broadcast %max3A_1634 : f32 to vector<16xf32>
    %max3A_1636 = arith.maximumf %sub3A_1633, %max3A_1635 : vector<16xf32>
    %sub3A_1637 = arith.subf %add3A_1632, %max3A_1636 : vector<16xf32>
    %get3A_1638 = arith.constant 0 : index
    %get3A_1639 = tpu.vector_load %arg13[%get3A_1638] {strides = array<i32>} : memref<16xf32, #tpu.memory_space<vmem>>, vector<16xf32>,
    %get3A_1640 = vector.shape_cast %get3A_1639 : vector<16xf32> to vector<16xf32>
    %add3A_1641 = arith.addf %get3A_1640, %sub3A_1637 : vector<16xf32>
    %swap3A_1642 = arith.constant 0 : index
    %swap3A_1643 = tpu.vector_load %arg13[%swap3A_1642] {strides = array<i32>} : memref<16xf32, #tpu.memory_space<vmem>>, vector<16xf32>,
    %swap3A_1644 = vector.shape_cast %swap3A_1643 : vector<16xf32> to vector<16xf32>
    %swap3A_1645 = vector.shape_cast %add3A_1641 : vector<16xf32> to vector<16xf32>
    tpu.vector_store %arg13[%swap3A_1642], %swap3A_1645 {strides = array<i32>} : memref<16xf32, #tpu.memory_space<vmem>>, vector<16xf32>,
    %get3A_1646 = arith.constant 8 : i32
    %get3A_1647 = arith.index_cast %get3A_1646 : i32 to index
    %get3A_1648 = arith.constant 32 : index
    %get3A_1649 = tpu.vector_load %arg9[%get3A_1647, %get3A_1648] {strides = array<i32>} : memref<16x64xf32, #tpu.memory_space<vmem>>, vector<1x16xf32>,
    %get3A_1650 = vector.shape_cast %get3A_1649 : vector<1x16xf32> to vector<16xf32>
    %get3A_1651 = arith.constant 8 : i32
    %get3A_1652 = arith.index_cast %get3A_1651 : i32 to index
    %get3A_1653 = arith.constant 32 : index
    %get3A_1654 = tpu.vector_load %arg10[%get3A_1652, %get3A_1653] {strides = array<i32>} : memref<16x64xf32, #tpu.memory_space<vmem>>, vector<1x16xf32>,
    %get3A_1655 = vector.shape_cast %get3A_1654 : vector<1x16xf32> to vector<16xf32>
    %get3A_1656 = arith.constant 32 : index
    %get3A_1657 = tpu.vector_load %arg11[%get3A_1656] {strides = array<i32>} : memref<64xf32, #tpu.memory_space<vmem>>, vector<16xf32>,
    %get3A_1658 = vector.shape_cast %get3A_1657 : vector<16xf32> to vector<16xf32>
    %get3A_1659 = arith.constant 32 : index
    %get3A_1660 = tpu.vector_load %arg12[%get3A_1659] {strides = array<i32>} : memref<64xf32, #tpu.memory_space<vmem>>, vector<16xf32>,
    %get3A_1661 = vector.shape_cast %get3A_1660 : vector<16xf32> to vector<16xf32>
    %sub3A_1662 = arith.subf %get3A_1658, %get3A_1650 : vector<16xf32>
    %max3A_1663 = arith.constant 0.000000e+00 : f32
    %max3A_1664 = vector.broadcast %max3A_1663 : f32 to vector<16xf32>
    %max3A_1665 = arith.maximumf %sub3A_1662, %max3A_1664 : vector<16xf32>
    %sub3A_1666 = arith.subf %get3A_1655, %get3A_1661 : vector<16xf32>
    %max3A_1667 = arith.constant 0.000000e+00 : f32
    %max3A_1668 = vector.broadcast %max3A_1667 : f32 to vector<16xf32>
    %max3A_1669 = arith.maximumf %sub3A_1666, %max3A_1668 : vector<16xf32>
    %add3A_1670 = arith.addf %max3A_1665, %max3A_1669 : vector<16xf32>
    %sub3A_1671 = arith.subf %get3A_1658, %get3A_1655 : vector<16xf32>
    %max3A_1672 = arith.constant 0.000000e+00 : f32
    %max3A_1673 = vector.broadcast %max3A_1672 : f32 to vector<16xf32>
    %max3A_1674 = arith.maximumf %sub3A_1671, %max3A_1673 : vector<16xf32>
    %add3A_1675 = arith.addf %add3A_1670, %max3A_1674 : vector<16xf32>
    %sub3A_1676 = arith.subf %get3A_1650, %get3A_1661 : vector<16xf32>
    %max3A_1677 = arith.constant 0.000000e+00 : f32
    %max3A_1678 = vector.broadcast %max3A_1677 : f32 to vector<16xf32>
    %max3A_1679 = arith.maximumf %sub3A_1676, %max3A_1678 : vector<16xf32>
    %add3A_1680 = arith.addf %add3A_1675, %max3A_1679 : vector<16xf32>
    %sub3A_1681 = arith.subf %get3A_1655, %get3A_1650 : vector<16xf32>
    %max3A_1682 = arith.constant 0.000000e+00 : f32
    %max3A_1683 = vector.broadcast %max3A_1682 : f32 to vector<16xf32>
    %max3A_1684 = arith.maximumf %sub3A_1681, %max3A_1683 : vector<16xf32>
    %sub3A_1685 = arith.subf %add3A_1680, %max3A_1684 : vector<16xf32>
    %get3A_1686 = arith.constant 0 : index
    %get3A_1687 = tpu.vector_load %arg13[%get3A_1686] {strides = array<i32>} : memref<16xf32, #tpu.memory_space<vmem>>, vector<16xf32>,
    %get3A_1688 = vector.shape_cast %get3A_1687 : vector<16xf32> to vector<16xf32>
    %add3A_1689 = arith.addf %get3A_1688, %sub3A_1685 : vector<16xf32>
    %swap3A_1690 = arith.constant 0 : index
    %swap3A_1691 = tpu.vector_load %arg13[%swap3A_1690] {strides = array<i32>} : memref<16xf32, #tpu.memory_space<vmem>>, vector<16xf32>,
    %swap3A_1692 = vector.shape_cast %swap3A_1691 : vector<16xf32> to vector<16xf32>
    %swap3A_1693 = vector.shape_cast %add3A_1689 : vector<16xf32> to vector<16xf32>
    tpu.vector_store %arg13[%swap3A_1690], %swap3A_1693 {strides = array<i32>} : memref<16xf32, #tpu.memory_space<vmem>>, vector<16xf32>,
    %get3A_1694 = arith.constant 8 : i32
    %get3A_1695 = arith.index_cast %get3A_1694 : i32 to index
    %get3A_1696 = arith.constant 48 : index
    %get3A_1697 = tpu.vector_load %arg9[%get3A_1695, %get3A_1696] {strides = array<i32>} : memref<16x64xf32, #tpu.memory_space<vmem>>, vector<1x16xf32>,
    %get3A_1698 = vector.shape_cast %get3A_1697 : vector<1x16xf32> to vector<16xf32>
    %get3A_1699 = arith.constant 8 : i32
    %get3A_1700 = arith.index_cast %get3A_1699 : i32 to index
    %get3A_1701 = arith.constant 48 : index
    %get3A_1702 = tpu.vector_load %arg10[%get3A_1700, %get3A_1701] {strides = array<i32>} : memref<16x64xf32, #tpu.memory_space<vmem>>, vector<1x16xf32>,
    %get3A_1703 = vector.shape_cast %get3A_1702 : vector<1x16xf32> to vector<16xf32>
    %get3A_1704 = arith.constant 48 : index
    %get3A_1705 = tpu.vector_load %arg11[%get3A_1704] {strides = array<i32>} : memref<64xf32, #tpu.memory_space<vmem>>, vector<16xf32>,
    %get3A_1706 = vector.shape_cast %get3A_1705 : vector<16xf32> to vector<16xf32>
    %get3A_1707 = arith.constant 48 : index
    %get3A_1708 = tpu.vector_load %arg12[%get3A_1707] {strides = array<i32>} : memref<64xf32, #tpu.memory_space<vmem>>, vector<16xf32>,
    %get3A_1709 = vector.shape_cast %get3A_1708 : vector<16xf32> to vector<16xf32>
    %sub3A_1710 = arith.subf %get3A_1706, %get3A_1698 : vector<16xf32>
    %max3A_1711 = arith.constant 0.000000e+00 : f32
    %max3A_1712 = vector.broadcast %max3A_1711 : f32 to vector<16xf32>
    %max3A_1713 = arith.maximumf %sub3A_1710, %max3A_1712 : vector<16xf32>
    %sub3A_1714 = arith.subf %get3A_1703, %get3A_1709 : vector<16xf32>
    %max3A_1715 = arith.constant 0.000000e+00 : f32
    %max3A_1716 = vector.broadcast %max3A_1715 : f32 to vector<16xf32>
    %max3A_1717 = arith.maximumf %sub3A_1714, %max3A_1716 : vector<16xf32>
    %add3A_1718 = arith.addf %max3A_1713, %max3A_1717 : vector<16xf32>
    %sub3A_1719 = arith.subf %get3A_1706, %get3A_1703 : vector<16xf32>
    %max3A_1720 = arith.constant 0.000000e+00 : f32
    %max3A_1721 = vector.broadcast %max3A_1720 : f32 to vector<16xf32>
    %max3A_1722 = arith.maximumf %sub3A_1719, %max3A_1721 : vector<16xf32>
    %add3A_1723 = arith.addf %add3A_1718, %max3A_1722 : vector<16xf32>
    %sub3A_1724 = arith.subf %get3A_1698, %get3A_1709 : vector<16xf32>
    %max3A_1725 = arith.constant 0.000000e+00 : f32
    %max3A_1726 = vector.broadcast %max3A_1725 : f32 to vector<16xf32>
    %max3A_1727 = arith.maximumf %sub3A_1724, %max3A_1726 : vector<16xf32>
    %add3A_1728 = arith.addf %add3A_1723, %max3A_1727 : vector<16xf32>
    %sub3A_1729 = arith.subf %get3A_1703, %get3A_1698 : vector<16xf32>
    %max3A_1730 = arith.constant 0.000000e+00 : f32
    %max3A_1731 = vector.broadcast %max3A_1730 : f32 to vector<16xf32>
    %max3A_1732 = arith.maximumf %sub3A_1729, %max3A_1731 : vector<16xf32>
    %sub3A_1733 = arith.subf %add3A_1728, %max3A_1732 : vector<16xf32>
    %get3A_1734 = arith.constant 0 : index
    %get3A_1735 = tpu.vector_load %arg13[%get3A_1734] {strides = array<i32>} : memref<16xf32, #tpu.memory_space<vmem>>, vector<16xf32>,
    %get3A_1736 = vector.shape_cast %get3A_1735 : vector<16xf32> to vector<16xf32>
    %add3A_1737 = arith.addf %get3A_1736, %sub3A_1733 : vector<16xf32>
    %swap3A_1738 = arith.constant 0 : index
    %swap3A_1739 = tpu.vector_load %arg13[%swap3A_1738] {strides = array<i32>} : memref<16xf32, #tpu.memory_space<vmem>>, vector<16xf32>,
    %swap3A_1740 = vector.shape_cast %swap3A_1739 : vector<16xf32> to vector<16xf32>
    %swap3A_1741 = vector.shape_cast %add3A_1737 : vector<16xf32> to vector<16xf32>
    tpu.vector_store %arg13[%swap3A_1738], %swap3A_1741 {strides = array<i32>} : memref<16xf32, #tpu.memory_space<vmem>>, vector<16xf32>,
    %get3A_1742 = arith.constant 9 : i32
    %get3A_1743 = arith.index_cast %get3A_1742 : i32 to index
    %get3A_1744 = arith.constant 0 : index
    %get3A_1745 = tpu.vector_load %arg9[%get3A_1743, %get3A_1744] {strides = array<i32>} : memref<16x64xf32, #tpu.memory_space<vmem>>, vector<1x16xf32>,
    %get3A_1746 = vector.shape_cast %get3A_1745 : vector<1x16xf32> to vector<16xf32>
    %get3A_1747 = arith.constant 9 : i32
    %get3A_1748 = arith.index_cast %get3A_1747 : i32 to index
    %get3A_1749 = arith.constant 0 : index
    %get3A_1750 = tpu.vector_load %arg10[%get3A_1748, %get3A_1749] {strides = array<i32>} : memref<16x64xf32, #tpu.memory_space<vmem>>, vector<1x16xf32>,
    %get3A_1751 = vector.shape_cast %get3A_1750 : vector<1x16xf32> to vector<16xf32>
    %get3A_1752 = arith.constant 0 : index
    %get3A_1753 = tpu.vector_load %arg11[%get3A_1752] {strides = array<i32>} : memref<64xf32, #tpu.memory_space<vmem>>, vector<16xf32>,
    %get3A_1754 = vector.shape_cast %get3A_1753 : vector<16xf32> to vector<16xf32>
    %get3A_1755 = arith.constant 0 : index
    %get3A_1756 = tpu.vector_load %arg12[%get3A_1755] {strides = array<i32>} : memref<64xf32, #tpu.memory_space<vmem>>, vector<16xf32>,
    %get3A_1757 = vector.shape_cast %get3A_1756 : vector<16xf32> to vector<16xf32>
    %sub3A_1758 = arith.subf %get3A_1754, %get3A_1746 : vector<16xf32>
    %max3A_1759 = arith.constant 0.000000e+00 : f32
    %max3A_1760 = vector.broadcast %max3A_1759 : f32 to vector<16xf32>
    %max3A_1761 = arith.maximumf %sub3A_1758, %max3A_1760 : vector<16xf32>
    %sub3A_1762 = arith.subf %get3A_1751, %get3A_1757 : vector<16xf32>
    %max3A_1763 = arith.constant 0.000000e+00 : f32
    %max3A_1764 = vector.broadcast %max3A_1763 : f32 to vector<16xf32>
    %max3A_1765 = arith.maximumf %sub3A_1762, %max3A_1764 : vector<16xf32>
    %add3A_1766 = arith.addf %max3A_1761, %max3A_1765 : vector<16xf32>
    %sub3A_1767 = arith.subf %get3A_1754, %get3A_1751 : vector<16xf32>
    %max3A_1768 = arith.constant 0.000000e+00 : f32
    %max3A_1769 = vector.broadcast %max3A_1768 : f32 to vector<16xf32>
    %max3A_1770 = arith.maximumf %sub3A_1767, %max3A_1769 : vector<16xf32>
    %add3A_1771 = arith.addf %add3A_1766, %max3A_1770 : vector<16xf32>
    %sub3A_1772 = arith.subf %get3A_1746, %get3A_1757 : vector<16xf32>
    %max3A_1773 = arith.constant 0.000000e+00 : f32
    %max3A_1774 = vector.broadcast %max3A_1773 : f32 to vector<16xf32>
    %max3A_1775 = arith.maximumf %sub3A_1772, %max3A_1774 : vector<16xf32>
    %add3A_1776 = arith.addf %add3A_1771, %max3A_1775 : vector<16xf32>
    %sub3A_1777 = arith.subf %get3A_1751, %get3A_1746 : vector<16xf32>
    %max3A_1778 = arith.constant 0.000000e+00 : f32
    %max3A_1779 = vector.broadcast %max3A_1778 : f32 to vector<16xf32>
    %max3A_1780 = arith.maximumf %sub3A_1777, %max3A_1779 : vector<16xf32>
    %sub3A_1781 = arith.subf %add3A_1776, %max3A_1780 : vector<16xf32>
    %get3A_1782 = arith.constant 0 : index
    %get3A_1783 = tpu.vector_load %arg13[%get3A_1782] {strides = array<i32>} : memref<16xf32, #tpu.memory_space<vmem>>, vector<16xf32>,
    %get3A_1784 = vector.shape_cast %get3A_1783 : vector<16xf32> to vector<16xf32>
    %add3A_1785 = arith.addf %get3A_1784, %sub3A_1781 : vector<16xf32>
    %swap3A_1786 = arith.constant 0 : index
    %swap3A_1787 = tpu.vector_load %arg13[%swap3A_1786] {strides = array<i32>} : memref<16xf32, #tpu.memory_space<vmem>>, vector<16xf32>,
    %swap3A_1788 = vector.shape_cast %swap3A_1787 : vector<16xf32> to vector<16xf32>
    %swap3A_1789 = vector.shape_cast %add3A_1785 : vector<16xf32> to vector<16xf32>
    tpu.vector_store %arg13[%swap3A_1786], %swap3A_1789 {strides = array<i32>} : memref<16xf32, #tpu.memory_space<vmem>>, vector<16xf32>,
    %get3A_1790 = arith.constant 9 : i32
    %get3A_1791 = arith.index_cast %get3A_1790 : i32 to index
    %get3A_1792 = arith.constant 16 : index
    %get3A_1793 = tpu.vector_load %arg9[%get3A_1791, %get3A_1792] {strides = array<i32>} : memref<16x64xf32, #tpu.memory_space<vmem>>, vector<1x16xf32>,
    %get3A_1794 = vector.shape_cast %get3A_1793 : vector<1x16xf32> to vector<16xf32>
    %get3A_1795 = arith.constant 9 : i32
    %get3A_1796 = arith.index_cast %get3A_1795 : i32 to index
    %get3A_1797 = arith.constant 16 : index
    %get3A_1798 = tpu.vector_load %arg10[%get3A_1796, %get3A_1797] {strides = array<i32>} : memref<16x64xf32, #tpu.memory_space<vmem>>, vector<1x16xf32>,
    %get3A_1799 = vector.shape_cast %get3A_1798 : vector<1x16xf32> to vector<16xf32>
    %get3A_1800 = arith.constant 16 : index
    %get3A_1801 = tpu.vector_load %arg11[%get3A_1800] {strides = array<i32>} : memref<64xf32, #tpu.memory_space<vmem>>, vector<16xf32>,
    %get3A_1802 = vector.shape_cast %get3A_1801 : vector<16xf32> to vector<16xf32>
    %get3A_1803 = arith.constant 16 : index
    %get3A_1804 = tpu.vector_load %arg12[%get3A_1803] {strides = array<i32>} : memref<64xf32, #tpu.memory_space<vmem>>, vector<16xf32>,
    %get3A_1805 = vector.shape_cast %get3A_1804 : vector<16xf32> to vector<16xf32>
    %sub3A_1806 = arith.subf %get3A_1802, %get3A_1794 : vector<16xf32>
    %max3A_1807 = arith.constant 0.000000e+00 : f32
    %max3A_1808 = vector.broadcast %max3A_1807 : f32 to vector<16xf32>
    %max3A_1809 = arith.maximumf %sub3A_1806, %max3A_1808 : vector<16xf32>
    %sub3A_1810 = arith.subf %get3A_1799, %get3A_1805 : vector<16xf32>
    %max3A_1811 = arith.constant 0.000000e+00 : f32
    %max3A_1812 = vector.broadcast %max3A_1811 : f32 to vector<16xf32>
    %max3A_1813 = arith.maximumf %sub3A_1810, %max3A_1812 : vector<16xf32>
    %add3A_1814 = arith.addf %max3A_1809, %max3A_1813 : vector<16xf32>
    %sub3A_1815 = arith.subf %get3A_1802, %get3A_1799 : vector<16xf32>
    %max3A_1816 = arith.constant 0.000000e+00 : f32
    %max3A_1817 = vector.broadcast %max3A_1816 : f32 to vector<16xf32>
    %max3A_1818 = arith.maximumf %sub3A_1815, %max3A_1817 : vector<16xf32>
    %add3A_1819 = arith.addf %add3A_1814, %max3A_1818 : vector<16xf32>
    %sub3A_1820 = arith.subf %get3A_1794, %get3A_1805 : vector<16xf32>
    %max3A_1821 = arith.constant 0.000000e+00 : f32
    %max3A_1822 = vector.broadcast %max3A_1821 : f32 to vector<16xf32>
    %max3A_1823 = arith.maximumf %sub3A_1820, %max3A_1822 : vector<16xf32>
    %add3A_1824 = arith.addf %add3A_1819, %max3A_1823 : vector<16xf32>
    %sub3A_1825 = arith.subf %get3A_1799, %get3A_1794 : vector<16xf32>
    %max3A_1826 = arith.constant 0.000000e+00 : f32
    %max3A_1827 = vector.broadcast %max3A_1826 : f32 to vector<16xf32>
    %max3A_1828 = arith.maximumf %sub3A_1825, %max3A_1827 : vector<16xf32>
    %sub3A_1829 = arith.subf %add3A_1824, %max3A_1828 : vector<16xf32>
    %get3A_1830 = arith.constant 0 : index
    %get3A_1831 = tpu.vector_load %arg13[%get3A_1830] {strides = array<i32>} : memref<16xf32, #tpu.memory_space<vmem>>, vector<16xf32>,
    %get3A_1832 = vector.shape_cast %get3A_1831 : vector<16xf32> to vector<16xf32>
    %add3A_1833 = arith.addf %get3A_1832, %sub3A_1829 : vector<16xf32>
    %swap3A_1834 = arith.constant 0 : index
    %swap3A_1835 = tpu.vector_load %arg13[%swap3A_1834] {strides = array<i32>} : memref<16xf32, #tpu.memory_space<vmem>>, vector<16xf32>,
    %swap3A_1836 = vector.shape_cast %swap3A_1835 : vector<16xf32> to vector<16xf32>
    %swap3A_1837 = vector.shape_cast %add3A_1833 : vector<16xf32> to vector<16xf32>
    tpu.vector_store %arg13[%swap3A_1834], %swap3A_1837 {strides = array<i32>} : memref<16xf32, #tpu.memory_space<vmem>>, vector<16xf32>,
    %get3A_1838 = arith.constant 9 : i32
    %get3A_1839 = arith.index_cast %get3A_1838 : i32 to index
    %get3A_1840 = arith.constant 32 : index
    %get3A_1841 = tpu.vector_load %arg9[%get3A_1839, %get3A_1840] {strides = array<i32>} : memref<16x64xf32, #tpu.memory_space<vmem>>, vector<1x16xf32>,
    %get3A_1842 = vector.shape_cast %get3A_1841 : vector<1x16xf32> to vector<16xf32>
    %get3A_1843 = arith.constant 9 : i32
    %get3A_1844 = arith.index_cast %get3A_1843 : i32 to index
    %get3A_1845 = arith.constant 32 : index
    %get3A_1846 = tpu.vector_load %arg10[%get3A_1844, %get3A_1845] {strides = array<i32>} : memref<16x64xf32, #tpu.memory_space<vmem>>, vector<1x16xf32>,
    %get3A_1847 = vector.shape_cast %get3A_1846 : vector<1x16xf32> to vector<16xf32>
    %get3A_1848 = arith.constant 32 : index
    %get3A_1849 = tpu.vector_load %arg11[%get3A_1848] {strides = array<i32>} : memref<64xf32, #tpu.memory_space<vmem>>, vector<16xf32>,
    %get3A_1850 = vector.shape_cast %get3A_1849 : vector<16xf32> to vector<16xf32>
    %get3A_1851 = arith.constant 32 : index
    %get3A_1852 = tpu.vector_load %arg12[%get3A_1851] {strides = array<i32>} : memref<64xf32, #tpu.memory_space<vmem>>, vector<16xf32>,
    %get3A_1853 = vector.shape_cast %get3A_1852 : vector<16xf32> to vector<16xf32>
    %sub3A_1854 = arith.subf %get3A_1850, %get3A_1842 : vector<16xf32>
    %max3A_1855 = arith.constant 0.000000e+00 : f32
    %max3A_1856 = vector.broadcast %max3A_1855 : f32 to vector<16xf32>
    %max3A_1857 = arith.maximumf %sub3A_1854, %max3A_1856 : vector<16xf32>
    %sub3A_1858 = arith.subf %get3A_1847, %get3A_1853 : vector<16xf32>
    %max3A_1859 = arith.constant 0.000000e+00 : f32
    %max3A_1860 = vector.broadcast %max3A_1859 : f32 to vector<16xf32>
    %max3A_1861 = arith.maximumf %sub3A_1858, %max3A_1860 : vector<16xf32>
    %add3A_1862 = arith.addf %max3A_1857, %max3A_1861 : vector<16xf32>
    %sub3A_1863 = arith.subf %get3A_1850, %get3A_1847 : vector<16xf32>
    %max3A_1864 = arith.constant 0.000000e+00 : f32
    %max3A_1865 = vector.broadcast %max3A_1864 : f32 to vector<16xf32>
    %max3A_1866 = arith.maximumf %sub3A_1863, %max3A_1865 : vector<16xf32>
    %add3A_1867 = arith.addf %add3A_1862, %max3A_1866 : vector<16xf32>
    %sub3A_1868 = arith.subf %get3A_1842, %get3A_1853 : vector<16xf32>
    %max3A_1869 = arith.constant 0.000000e+00 : f32
    %max3A_1870 = vector.broadcast %max3A_1869 : f32 to vector<16xf32>
    %max3A_1871 = arith.maximumf %sub3A_1868, %max3A_1870 : vector<16xf32>
    %add3A_1872 = arith.addf %add3A_1867, %max3A_1871 : vector<16xf32>
    %sub3A_1873 = arith.subf %get3A_1847, %get3A_1842 : vector<16xf32>
    %max3A_1874 = arith.constant 0.000000e+00 : f32
    %max3A_1875 = vector.broadcast %max3A_1874 : f32 to vector<16xf32>
    %max3A_1876 = arith.maximumf %sub3A_1873, %max3A_1875 : vector<16xf32>
    %sub3A_1877 = arith.subf %add3A_1872, %max3A_1876 : vector<16xf32>
    %get3A_1878 = arith.constant 0 : index
    %get3A_1879 = tpu.vector_load %arg13[%get3A_1878] {strides = array<i32>} : memref<16xf32, #tpu.memory_space<vmem>>, vector<16xf32>,
    %get3A_1880 = vector.shape_cast %get3A_1879 : vector<16xf32> to vector<16xf32>
    %add3A_1881 = arith.addf %get3A_1880, %sub3A_1877 : vector<16xf32>
    %swap3A_1882 = arith.constant 0 : index
    %swap3A_1883 = tpu.vector_load %arg13[%swap3A_1882] {strides = array<i32>} : memref<16xf32, #tpu.memory_space<vmem>>, vector<16xf32>,
    %swap3A_1884 = vector.shape_cast %swap3A_1883 : vector<16xf32> to vector<16xf32>
    %swap3A_1885 = vector.shape_cast %add3A_1881 : vector<16xf32> to vector<16xf32>
    tpu.vector_store %arg13[%swap3A_1882], %swap3A_1885 {strides = array<i32>} : memref<16xf32, #tpu.memory_space<vmem>>, vector<16xf32>,
    %get3A_1886 = arith.constant 9 : i32
    %get3A_1887 = arith.index_cast %get3A_1886 : i32 to index
    %get3A_1888 = arith.constant 48 : index
    %get3A_1889 = tpu.vector_load %arg9[%get3A_1887, %get3A_1888] {strides = array<i32>} : memref<16x64xf32, #tpu.memory_space<vmem>>, vector<1x16xf32>,
    %get3A_1890 = vector.shape_cast %get3A_1889 : vector<1x16xf32> to vector<16xf32>
    %get3A_1891 = arith.constant 9 : i32
    %get3A_1892 = arith.index_cast %get3A_1891 : i32 to index
    %get3A_1893 = arith.constant 48 : index
    %get3A_1894 = tpu.vector_load %arg10[%get3A_1892, %get3A_1893] {strides = array<i32>} : memref<16x64xf32, #tpu.memory_space<vmem>>, vector<1x16xf32>,
    %get3A_1895 = vector.shape_cast %get3A_1894 : vector<1x16xf32> to vector<16xf32>
    %get3A_1896 = arith.constant 48 : index
    %get3A_1897 = tpu.vector_load %arg11[%get3A_1896] {strides = array<i32>} : memref<64xf32, #tpu.memory_space<vmem>>, vector<16xf32>,
    %get3A_1898 = vector.shape_cast %get3A_1897 : vector<16xf32> to vector<16xf32>
    %get3A_1899 = arith.constant 48 : index
    %get3A_1900 = tpu.vector_load %arg12[%get3A_1899] {strides = array<i32>} : memref<64xf32, #tpu.memory_space<vmem>>, vector<16xf32>,
    %get3A_1901 = vector.shape_cast %get3A_1900 : vector<16xf32> to vector<16xf32>
    %sub3A_1902 = arith.subf %get3A_1898, %get3A_1890 : vector<16xf32>
    %max3A_1903 = arith.constant 0.000000e+00 : f32
    %max3A_1904 = vector.broadcast %max3A_1903 : f32 to vector<16xf32>
    %max3A_1905 = arith.maximumf %sub3A_1902, %max3A_1904 : vector<16xf32>
    %sub3A_1906 = arith.subf %get3A_1895, %get3A_1901 : vector<16xf32>
    %max3A_1907 = arith.constant 0.000000e+00 : f32
    %max3A_1908 = vector.broadcast %max3A_1907 : f32 to vector<16xf32>
    %max3A_1909 = arith.maximumf %sub3A_1906, %max3A_1908 : vector<16xf32>
    %add3A_1910 = arith.addf %max3A_1905, %max3A_1909 : vector<16xf32>
    %sub3A_1911 = arith.subf %get3A_1898, %get3A_1895 : vector<16xf32>
    %max3A_1912 = arith.constant 0.000000e+00 : f32
    %max3A_1913 = vector.broadcast %max3A_1912 : f32 to vector<16xf32>
    %max3A_1914 = arith.maximumf %sub3A_1911, %max3A_1913 : vector<16xf32>
    %add3A_1915 = arith.addf %add3A_1910, %max3A_1914 : vector<16xf32>
    %sub3A_1916 = arith.subf %get3A_1890, %get3A_1901 : vector<16xf32>
    %max3A_1917 = arith.constant 0.000000e+00 : f32
    %max3A_1918 = vector.broadcast %max3A_1917 : f32 to vector<16xf32>
    %max3A_1919 = arith.maximumf %sub3A_1916, %max3A_1918 : vector<16xf32>
    %add3A_1920 = arith.addf %add3A_1915, %max3A_1919 : vector<16xf32>
    %sub3A_1921 = arith.subf %get3A_1895, %get3A_1890 : vector<16xf32>
    %max3A_1922 = arith.constant 0.000000e+00 : f32
    %max3A_1923 = vector.broadcast %max3A_1922 : f32 to vector<16xf32>
    %max3A_1924 = arith.maximumf %sub3A_1921, %max3A_1923 : vector<16xf32>
    %sub3A_1925 = arith.subf %add3A_1920, %max3A_1924 : vector<16xf32>
    %get3A_1926 = arith.constant 0 : index
    %get3A_1927 = tpu.vector_load %arg13[%get3A_1926] {strides = array<i32>} : memref<16xf32, #tpu.memory_space<vmem>>, vector<16xf32>,
    %get3A_1928 = vector.shape_cast %get3A_1927 : vector<16xf32> to vector<16xf32>
    %add3A_1929 = arith.addf %get3A_1928, %sub3A_1925 : vector<16xf32>
    %swap3A_1930 = arith.constant 0 : index
    %swap3A_1931 = tpu.vector_load %arg13[%swap3A_1930] {strides = array<i32>} : memref<16xf32, #tpu.memory_space<vmem>>, vector<16xf32>,
    %swap3A_1932 = vector.shape_cast %swap3A_1931 : vector<16xf32> to vector<16xf32>
    %swap3A_1933 = vector.shape_cast %add3A_1929 : vector<16xf32> to vector<16xf32>
    tpu.vector_store %arg13[%swap3A_1930], %swap3A_1933 {strides = array<i32>} : memref<16xf32, #tpu.memory_space<vmem>>, vector<16xf32>,
    %get3A_1934 = arith.constant 10 : i32
    %get3A_1935 = arith.index_cast %get3A_1934 : i32 to index
    %get3A_1936 = arith.constant 0 : index
    %get3A_1937 = tpu.vector_load %arg9[%get3A_1935, %get3A_1936] {strides = array<i32>} : memref<16x64xf32, #tpu.memory_space<vmem>>, vector<1x16xf32>,
    %get3A_1938 = vector.shape_cast %get3A_1937 : vector<1x16xf32> to vector<16xf32>
    %get3A_1939 = arith.constant 10 : i32
    %get3A_1940 = arith.index_cast %get3A_1939 : i32 to index
    %get3A_1941 = arith.constant 0 : index
    %get3A_1942 = tpu.vector_load %arg10[%get3A_1940, %get3A_1941] {strides = array<i32>} : memref<16x64xf32, #tpu.memory_space<vmem>>, vector<1x16xf32>,
    %get3A_1943 = vector.shape_cast %get3A_1942 : vector<1x16xf32> to vector<16xf32>
    %get3A_1944 = arith.constant 0 : index
    %get3A_1945 = tpu.vector_load %arg11[%get3A_1944] {strides = array<i32>} : memref<64xf32, #tpu.memory_space<vmem>>, vector<16xf32>,
    %get3A_1946 = vector.shape_cast %get3A_1945 : vector<16xf32> to vector<16xf32>
    %get3A_1947 = arith.constant 0 : index
    %get3A_1948 = tpu.vector_load %arg12[%get3A_1947] {strides = array<i32>} : memref<64xf32, #tpu.memory_space<vmem>>, vector<16xf32>,
    %get3A_1949 = vector.shape_cast %get3A_1948 : vector<16xf32> to vector<16xf32>
    %sub3A_1950 = arith.subf %get3A_1946, %get3A_1938 : vector<16xf32>
    %max3A_1951 = arith.constant 0.000000e+00 : f32
    %max3A_1952 = vector.broadcast %max3A_1951 : f32 to vector<16xf32>
    %max3A_1953 = arith.maximumf %sub3A_1950, %max3A_1952 : vector<16xf32>
    %sub3A_1954 = arith.subf %get3A_1943, %get3A_1949 : vector<16xf32>
    %max3A_1955 = arith.constant 0.000000e+00 : f32
    %max3A_1956 = vector.broadcast %max3A_1955 : f32 to vector<16xf32>
    %max3A_1957 = arith.maximumf %sub3A_1954, %max3A_1956 : vector<16xf32>
    %add3A_1958 = arith.addf %max3A_1953, %max3A_1957 : vector<16xf32>
    %sub3A_1959 = arith.subf %get3A_1946, %get3A_1943 : vector<16xf32>
    %max3A_1960 = arith.constant 0.000000e+00 : f32
    %max3A_1961 = vector.broadcast %max3A_1960 : f32 to vector<16xf32>
    %max3A_1962 = arith.maximumf %sub3A_1959, %max3A_1961 : vector<16xf32>
    %add3A_1963 = arith.addf %add3A_1958, %max3A_1962 : vector<16xf32>
    %sub3A_1964 = arith.subf %get3A_1938, %get3A_1949 : vector<16xf32>
    %max3A_1965 = arith.constant 0.000000e+00 : f32
    %max3A_1966 = vector.broadcast %max3A_1965 : f32 to vector<16xf32>
    %max3A_1967 = arith.maximumf %sub3A_1964, %max3A_1966 : vector<16xf32>
    %add3A_1968 = arith.addf %add3A_1963, %max3A_1967 : vector<16xf32>
    %sub3A_1969 = arith.subf %get3A_1943, %get3A_1938 : vector<16xf32>
    %max3A_1970 = arith.constant 0.000000e+00 : f32
    %max3A_1971 = vector.broadcast %max3A_1970 : f32 to vector<16xf32>
    %max3A_1972 = arith.maximumf %sub3A_1969, %max3A_1971 : vector<16xf32>
    %sub3A_1973 = arith.subf %add3A_1968, %max3A_1972 : vector<16xf32>
    %get3A_1974 = arith.constant 0 : index
    %get3A_1975 = tpu.vector_load %arg13[%get3A_1974] {strides = array<i32>} : memref<16xf32, #tpu.memory_space<vmem>>, vector<16xf32>,
    %get3A_1976 = vector.shape_cast %get3A_1975 : vector<16xf32> to vector<16xf32>
    %add3A_1977 = arith.addf %get3A_1976, %sub3A_1973 : vector<16xf32>
    %swap3A_1978 = arith.constant 0 : index
    %swap3A_1979 = tpu.vector_load %arg13[%swap3A_1978] {strides = array<i32>} : memref<16xf32, #tpu.memory_space<vmem>>, vector<16xf32>,
    %swap3A_1980 = vector.shape_cast %swap3A_1979 : vector<16xf32> to vector<16xf32>
    %swap3A_1981 = vector.shape_cast %add3A_1977 : vector<16xf32> to vector<16xf32>
    tpu.vector_store %arg13[%swap3A_1978], %swap3A_1981 {strides = array<i32>} : memref<16xf32, #tpu.memory_space<vmem>>, vector<16xf32>,
    %get3A_1982 = arith.constant 10 : i32
    %get3A_1983 = arith.index_cast %get3A_1982 : i32 to index
    %get3A_1984 = arith.constant 16 : index
    %get3A_1985 = tpu.vector_load %arg9[%get3A_1983, %get3A_1984] {strides = array<i32>} : memref<16x64xf32, #tpu.memory_space<vmem>>, vector<1x16xf32>,
    %get3A_1986 = vector.shape_cast %get3A_1985 : vector<1x16xf32> to vector<16xf32>
    %get3A_1987 = arith.constant 10 : i32
    %get3A_1988 = arith.index_cast %get3A_1987 : i32 to index
    %get3A_1989 = arith.constant 16 : index
    %get3A_1990 = tpu.vector_load %arg10[%get3A_1988, %get3A_1989] {strides = array<i32>} : memref<16x64xf32, #tpu.memory_space<vmem>>, vector<1x16xf32>,
    %get3A_1991 = vector.shape_cast %get3A_1990 : vector<1x16xf32> to vector<16xf32>
    %get3A_1992 = arith.constant 16 : index
    %get3A_1993 = tpu.vector_load %arg11[%get3A_1992] {strides = array<i32>} : memref<64xf32, #tpu.memory_space<vmem>>, vector<16xf32>,
    %get3A_1994 = vector.shape_cast %get3A_1993 : vector<16xf32> to vector<16xf32>
    %get3A_1995 = arith.constant 16 : index
    %get3A_1996 = tpu.vector_load %arg12[%get3A_1995] {strides = array<i32>} : memref<64xf32, #tpu.memory_space<vmem>>, vector<16xf32>,
    %get3A_1997 = vector.shape_cast %get3A_1996 : vector<16xf32> to vector<16xf32>
    %sub3A_1998 = arith.subf %get3A_1994, %get3A_1986 : vector<16xf32>
    %max3A_1999 = arith.constant 0.000000e+00 : f32
    %max3A_2000 = vector.broadcast %max3A_1999 : f32 to vector<16xf32>
    %max3A_2001 = arith.maximumf %sub3A_1998, %max3A_2000 : vector<16xf32>
    %sub3A_2002 = arith.subf %get3A_1991, %get3A_1997 : vector<16xf32>
    %max3A_2003 = arith.constant 0.000000e+00 : f32
    %max3A_2004 = vector.broadcast %max3A_2003 : f32 to vector<16xf32>
    %max3A_2005 = arith.maximumf %sub3A_2002, %max3A_2004 : vector<16xf32>
    %add3A_2006 = arith.addf %max3A_2001, %max3A_2005 : vector<16xf32>
    %sub3A_2007 = arith.subf %get3A_1994, %get3A_1991 : vector<16xf32>
    %max3A_2008 = arith.constant 0.000000e+00 : f32
    %max3A_2009 = vector.broadcast %max3A_2008 : f32 to vector<16xf32>
    %max3A_2010 = arith.maximumf %sub3A_2007, %max3A_2009 : vector<16xf32>
    %add3A_2011 = arith.addf %add3A_2006, %max3A_2010 : vector<16xf32>
    %sub3A_2012 = arith.subf %get3A_1986, %get3A_1997 : vector<16xf32>
    %max3A_2013 = arith.constant 0.000000e+00 : f32
    %max3A_2014 = vector.broadcast %max3A_2013 : f32 to vector<16xf32>
    %max3A_2015 = arith.maximumf %sub3A_2012, %max3A_2014 : vector<16xf32>
    %add3A_2016 = arith.addf %add3A_2011, %max3A_2015 : vector<16xf32>
    %sub3A_2017 = arith.subf %get3A_1991, %get3A_1986 : vector<16xf32>
    %max3A_2018 = arith.constant 0.000000e+00 : f32
    %max3A_2019 = vector.broadcast %max3A_2018 : f32 to vector<16xf32>
    %max3A_2020 = arith.maximumf %sub3A_2017, %max3A_2019 : vector<16xf32>
    %sub3A_2021 = arith.subf %add3A_2016, %max3A_2020 : vector<16xf32>
    %get3A_2022 = arith.constant 0 : index
    %get3A_2023 = tpu.vector_load %arg13[%get3A_2022] {strides = array<i32>} : memref<16xf32, #tpu.memory_space<vmem>>, vector<16xf32>,
    %get3A_2024 = vector.shape_cast %get3A_2023 : vector<16xf32> to vector<16xf32>
    %add3A_2025 = arith.addf %get3A_2024, %sub3A_2021 : vector<16xf32>
    %swap3A_2026 = arith.constant 0 : index
    %swap3A_2027 = tpu.vector_load %arg13[%swap3A_2026] {strides = array<i32>} : memref<16xf32, #tpu.memory_space<vmem>>, vector<16xf32>,
    %swap3A_2028 = vector.shape_cast %swap3A_2027 : vector<16xf32> to vector<16xf32>
    %swap3A_2029 = vector.shape_cast %add3A_2025 : vector<16xf32> to vector<16xf32>
    tpu.vector_store %arg13[%swap3A_2026], %swap3A_2029 {strides = array<i32>} : memref<16xf32, #tpu.memory_space<vmem>>, vector<16xf32>,
    %get3A_2030 = arith.constant 10 : i32
    %get3A_2031 = arith.index_cast %get3A_2030 : i32 to index
    %get3A_2032 = arith.constant 32 : index
    %get3A_2033 = tpu.vector_load %arg9[%get3A_2031, %get3A_2032] {strides = array<i32>} : memref<16x64xf32, #tpu.memory_space<vmem>>, vector<1x16xf32>,
    %get3A_2034 = vector.shape_cast %get3A_2033 : vector<1x16xf32> to vector<16xf32>
    %get3A_2035 = arith.constant 10 : i32
    %get3A_2036 = arith.index_cast %get3A_2035 : i32 to index
    %get3A_2037 = arith.constant 32 : index
    %get3A_2038 = tpu.vector_load %arg10[%get3A_2036, %get3A_2037] {strides = array<i32>} : memref<16x64xf32, #tpu.memory_space<vmem>>, vector<1x16xf32>,
    %get3A_2039 = vector.shape_cast %get3A_2038 : vector<1x16xf32> to vector<16xf32>
    %get3A_2040 = arith.constant 32 : index
    %get3A_2041 = tpu.vector_load %arg11[%get3A_2040] {strides = array<i32>} : memref<64xf32, #tpu.memory_space<vmem>>, vector<16xf32>,
    %get3A_2042 = vector.shape_cast %get3A_2041 : vector<16xf32> to vector<16xf32>
    %get3A_2043 = arith.constant 32 : index
    %get3A_2044 = tpu.vector_load %arg12[%get3A_2043] {strides = array<i32>} : memref<64xf32, #tpu.memory_space<vmem>>, vector<16xf32>,
    %get3A_2045 = vector.shape_cast %get3A_2044 : vector<16xf32> to vector<16xf32>
    %sub3A_2046 = arith.subf %get3A_2042, %get3A_2034 : vector<16xf32>
    %max3A_2047 = arith.constant 0.000000e+00 : f32
    %max3A_2048 = vector.broadcast %max3A_2047 : f32 to vector<16xf32>
    %max3A_2049 = arith.maximumf %sub3A_2046, %max3A_2048 : vector<16xf32>
    %sub3A_2050 = arith.subf %get3A_2039, %get3A_2045 : vector<16xf32>
    %max3A_2051 = arith.constant 0.000000e+00 : f32
    %max3A_2052 = vector.broadcast %max3A_2051 : f32 to vector<16xf32>
    %max3A_2053 = arith.maximumf %sub3A_2050, %max3A_2052 : vector<16xf32>
    %add3A_2054 = arith.addf %max3A_2049, %max3A_2053 : vector<16xf32>
    %sub3A_2055 = arith.subf %get3A_2042, %get3A_2039 : vector<16xf32>
    %max3A_2056 = arith.constant 0.000000e+00 : f32
    %max3A_2057 = vector.broadcast %max3A_2056 : f32 to vector<16xf32>
    %max3A_2058 = arith.maximumf %sub3A_2055, %max3A_2057 : vector<16xf32>
    %add3A_2059 = arith.addf %add3A_2054, %max3A_2058 : vector<16xf32>
    %sub3A_2060 = arith.subf %get3A_2034, %get3A_2045 : vector<16xf32>
    %max3A_2061 = arith.constant 0.000000e+00 : f32
    %max3A_2062 = vector.broadcast %max3A_2061 : f32 to vector<16xf32>
    %max3A_2063 = arith.maximumf %sub3A_2060, %max3A_2062 : vector<16xf32>
    %add3A_2064 = arith.addf %add3A_2059, %max3A_2063 : vector<16xf32>
    %sub3A_2065 = arith.subf %get3A_2039, %get3A_2034 : vector<16xf32>
    %max3A_2066 = arith.constant 0.000000e+00 : f32
    %max3A_2067 = vector.broadcast %max3A_2066 : f32 to vector<16xf32>
    %max3A_2068 = arith.maximumf %sub3A_2065, %max3A_2067 : vector<16xf32>
    %sub3A_2069 = arith.subf %add3A_2064, %max3A_2068 : vector<16xf32>
    %get3A_2070 = arith.constant 0 : index
    %get3A_2071 = tpu.vector_load %arg13[%get3A_2070] {strides = array<i32>} : memref<16xf32, #tpu.memory_space<vmem>>, vector<16xf32>,
    %get3A_2072 = vector.shape_cast %get3A_2071 : vector<16xf32> to vector<16xf32>
    %add3A_2073 = arith.addf %get3A_2072, %sub3A_2069 : vector<16xf32>
    %swap3A_2074 = arith.constant 0 : index
    %swap3A_2075 = tpu.vector_load %arg13[%swap3A_2074] {strides = array<i32>} : memref<16xf32, #tpu.memory_space<vmem>>, vector<16xf32>,
    %swap3A_2076 = vector.shape_cast %swap3A_2075 : vector<16xf32> to vector<16xf32>
    %swap3A_2077 = vector.shape_cast %add3A_2073 : vector<16xf32> to vector<16xf32>
    tpu.vector_store %arg13[%swap3A_2074], %swap3A_2077 {strides = array<i32>} : memref<16xf32, #tpu.memory_space<vmem>>, vector<16xf32>,
    %get3A_2078 = arith.constant 10 : i32
    %get3A_2079 = arith.index_cast %get3A_2078 : i32 to index
    %get3A_2080 = arith.constant 48 : index
    %get3A_2081 = tpu.vector_load %arg9[%get3A_2079, %get3A_2080] {strides = array<i32>} : memref<16x64xf32, #tpu.memory_space<vmem>>, vector<1x16xf32>,
    %get3A_2082 = vector.shape_cast %get3A_2081 : vector<1x16xf32> to vector<16xf32>
    %get3A_2083 = arith.constant 10 : i32
    %get3A_2084 = arith.index_cast %get3A_2083 : i32 to index
    %get3A_2085 = arith.constant 48 : index
    %get3A_2086 = tpu.vector_load %arg10[%get3A_2084, %get3A_2085] {strides = array<i32>} : memref<16x64xf32, #tpu.memory_space<vmem>>, vector<1x16xf32>,
    %get3A_2087 = vector.shape_cast %get3A_2086 : vector<1x16xf32> to vector<16xf32>
    %get3A_2088 = arith.constant 48 : index
    %get3A_2089 = tpu.vector_load %arg11[%get3A_2088] {strides = array<i32>} : memref<64xf32, #tpu.memory_space<vmem>>, vector<16xf32>,
    %get3A_2090 = vector.shape_cast %get3A_2089 : vector<16xf32> to vector<16xf32>
    %get3A_2091 = arith.constant 48 : index
    %get3A_2092 = tpu.vector_load %arg12[%get3A_2091] {strides = array<i32>} : memref<64xf32, #tpu.memory_space<vmem>>, vector<16xf32>,
    %get3A_2093 = vector.shape_cast %get3A_2092 : vector<16xf32> to vector<16xf32>
    %sub3A_2094 = arith.subf %get3A_2090, %get3A_2082 : vector<16xf32>
    %max3A_2095 = arith.constant 0.000000e+00 : f32
    %max3A_2096 = vector.broadcast %max3A_2095 : f32 to vector<16xf32>
    %max3A_2097 = arith.maximumf %sub3A_2094, %max3A_2096 : vector<16xf32>
    %sub3A_2098 = arith.subf %get3A_2087, %get3A_2093 : vector<16xf32>
    %max3A_2099 = arith.constant 0.000000e+00 : f32
    %max3A_2100 = vector.broadcast %max3A_2099 : f32 to vector<16xf32>
    %max3A_2101 = arith.maximumf %sub3A_2098, %max3A_2100 : vector<16xf32>
    %add3A_2102 = arith.addf %max3A_2097, %max3A_2101 : vector<16xf32>
    %sub3A_2103 = arith.subf %get3A_2090, %get3A_2087 : vector<16xf32>
    %max3A_2104 = arith.constant 0.000000e+00 : f32
    %max3A_2105 = vector.broadcast %max3A_2104 : f32 to vector<16xf32>
    %max3A_2106 = arith.maximumf %sub3A_2103, %max3A_2105 : vector<16xf32>
    %add3A_2107 = arith.addf %add3A_2102, %max3A_2106 : vector<16xf32>
    %sub3A_2108 = arith.subf %get3A_2082, %get3A_2093 : vector<16xf32>
    %max3A_2109 = arith.constant 0.000000e+00 : f32
    %max3A_2110 = vector.broadcast %max3A_2109 : f32 to vector<16xf32>
    %max3A_2111 = arith.maximumf %sub3A_2108, %max3A_2110 : vector<16xf32>
    %add3A_2112 = arith.addf %add3A_2107, %max3A_2111 : vector<16xf32>
    %sub3A_2113 = arith.subf %get3A_2087, %get3A_2082 : vector<16xf32>
    %max3A_2114 = arith.constant 0.000000e+00 : f32
    %max3A_2115 = vector.broadcast %max3A_2114 : f32 to vector<16xf32>
    %max3A_2116 = arith.maximumf %sub3A_2113, %max3A_2115 : vector<16xf32>
    %sub3A_2117 = arith.subf %add3A_2112, %max3A_2116 : vector<16xf32>
    %get3A_2118 = arith.constant 0 : index
    %get3A_2119 = tpu.vector_load %arg13[%get3A_2118] {strides = array<i32>} : memref<16xf32, #tpu.memory_space<vmem>>, vector<16xf32>,
    %get3A_2120 = vector.shape_cast %get3A_2119 : vector<16xf32> to vector<16xf32>
    %add3A_2121 = arith.addf %get3A_2120, %sub3A_2117 : vector<16xf32>
    %swap3A_2122 = arith.constant 0 : index
    %swap3A_2123 = tpu.vector_load %arg13[%swap3A_2122] {strides = array<i32>} : memref<16xf32, #tpu.memory_space<vmem>>, vector<16xf32>,
    %swap3A_2124 = vector.shape_cast %swap3A_2123 : vector<16xf32> to vector<16xf32>
    %swap3A_2125 = vector.shape_cast %add3A_2121 : vector<16xf32> to vector<16xf32>
    tpu.vector_store %arg13[%swap3A_2122], %swap3A_2125 {strides = array<i32>} : memref<16xf32, #tpu.memory_space<vmem>>, vector<16xf32>,
    %get3A_2126 = arith.constant 11 : i32
    %get3A_2127 = arith.index_cast %get3A_2126 : i32 to index
    %get3A_2128 = arith.constant 0 : index
    %get3A_2129 = tpu.vector_load %arg9[%get3A_2127, %get3A_2128] {strides = array<i32>} : memref<16x64xf32, #tpu.memory_space<vmem>>, vector<1x16xf32>,
    %get3A_2130 = vector.shape_cast %get3A_2129 : vector<1x16xf32> to vector<16xf32>
    %get3A_2131 = arith.constant 11 : i32
    %get3A_2132 = arith.index_cast %get3A_2131 : i32 to index
    %get3A_2133 = arith.constant 0 : index
    %get3A_2134 = tpu.vector_load %arg10[%get3A_2132, %get3A_2133] {strides = array<i32>} : memref<16x64xf32, #tpu.memory_space<vmem>>, vector<1x16xf32>,
    %get3A_2135 = vector.shape_cast %get3A_2134 : vector<1x16xf32> to vector<16xf32>
    %get3A_2136 = arith.constant 0 : index
    %get3A_2137 = tpu.vector_load %arg11[%get3A_2136] {strides = array<i32>} : memref<64xf32, #tpu.memory_space<vmem>>, vector<16xf32>,
    %get3A_2138 = vector.shape_cast %get3A_2137 : vector<16xf32> to vector<16xf32>
    %get3A_2139 = arith.constant 0 : index
    %get3A_2140 = tpu.vector_load %arg12[%get3A_2139] {strides = array<i32>} : memref<64xf32, #tpu.memory_space<vmem>>, vector<16xf32>,
    %get3A_2141 = vector.shape_cast %get3A_2140 : vector<16xf32> to vector<16xf32>
    %sub3A_2142 = arith.subf %get3A_2138, %get3A_2130 : vector<16xf32>
    %max3A_2143 = arith.constant 0.000000e+00 : f32
    %max3A_2144 = vector.broadcast %max3A_2143 : f32 to vector<16xf32>
    %max3A_2145 = arith.maximumf %sub3A_2142, %max3A_2144 : vector<16xf32>
    %sub3A_2146 = arith.subf %get3A_2135, %get3A_2141 : vector<16xf32>
    %max3A_2147 = arith.constant 0.000000e+00 : f32
    %max3A_2148 = vector.broadcast %max3A_2147 : f32 to vector<16xf32>
    %max3A_2149 = arith.maximumf %sub3A_2146, %max3A_2148 : vector<16xf32>
    %add3A_2150 = arith.addf %max3A_2145, %max3A_2149 : vector<16xf32>
    %sub3A_2151 = arith.subf %get3A_2138, %get3A_2135 : vector<16xf32>
    %max3A_2152 = arith.constant 0.000000e+00 : f32
    %max3A_2153 = vector.broadcast %max3A_2152 : f32 to vector<16xf32>
    %max3A_2154 = arith.maximumf %sub3A_2151, %max3A_2153 : vector<16xf32>
    %add3A_2155 = arith.addf %add3A_2150, %max3A_2154 : vector<16xf32>
    %sub3A_2156 = arith.subf %get3A_2130, %get3A_2141 : vector<16xf32>
    %max3A_2157 = arith.constant 0.000000e+00 : f32
    %max3A_2158 = vector.broadcast %max3A_2157 : f32 to vector<16xf32>
    %max3A_2159 = arith.maximumf %sub3A_2156, %max3A_2158 : vector<16xf32>
    %add3A_2160 = arith.addf %add3A_2155, %max3A_2159 : vector<16xf32>
    %sub3A_2161 = arith.subf %get3A_2135, %get3A_2130 : vector<16xf32>
    %max3A_2162 = arith.constant 0.000000e+00 : f32
    %max3A_2163 = vector.broadcast %max3A_2162 : f32 to vector<16xf32>
    %max3A_2164 = arith.maximumf %sub3A_2161, %max3A_2163 : vector<16xf32>
    %sub3A_2165 = arith.subf %add3A_2160, %max3A_2164 : vector<16xf32>
    %get3A_2166 = arith.constant 0 : index
    %get3A_2167 = tpu.vector_load %arg13[%get3A_2166] {strides = array<i32>} : memref<16xf32, #tpu.memory_space<vmem>>, vector<16xf32>,
    %get3A_2168 = vector.shape_cast %get3A_2167 : vector<16xf32> to vector<16xf32>
    %add3A_2169 = arith.addf %get3A_2168, %sub3A_2165 : vector<16xf32>
    %swap3A_2170 = arith.constant 0 : index
    %swap3A_2171 = tpu.vector_load %arg13[%swap3A_2170] {strides = array<i32>} : memref<16xf32, #tpu.memory_space<vmem>>, vector<16xf32>,
    %swap3A_2172 = vector.shape_cast %swap3A_2171 : vector<16xf32> to vector<16xf32>
    %swap3A_2173 = vector.shape_cast %add3A_2169 : vector<16xf32> to vector<16xf32>
    tpu.vector_store %arg13[%swap3A_2170], %swap3A_2173 {strides = array<i32>} : memref<16xf32, #tpu.memory_space<vmem>>, vector<16xf32>,
    %get3A_2174 = arith.constant 11 : i32
    %get3A_2175 = arith.index_cast %get3A_2174 : i32 to index
    %get3A_2176 = arith.constant 16 : index
    %get3A_2177 = tpu.vector_load %arg9[%get3A_2175, %get3A_2176] {strides = array<i32>} : memref<16x64xf32, #tpu.memory_space<vmem>>, vector<1x16xf32>,
    %get3A_2178 = vector.shape_cast %get3A_2177 : vector<1x16xf32> to vector<16xf32>
    %get3A_2179 = arith.constant 11 : i32
    %get3A_2180 = arith.index_cast %get3A_2179 : i32 to index
    %get3A_2181 = arith.constant 16 : index
    %get3A_2182 = tpu.vector_load %arg10[%get3A_2180, %get3A_2181] {strides = array<i32>} : memref<16x64xf32, #tpu.memory_space<vmem>>, vector<1x16xf32>,
    %get3A_2183 = vector.shape_cast %get3A_2182 : vector<1x16xf32> to vector<16xf32>
    %get3A_2184 = arith.constant 16 : index
    %get3A_2185 = tpu.vector_load %arg11[%get3A_2184] {strides = array<i32>} : memref<64xf32, #tpu.memory_space<vmem>>, vector<16xf32>,
    %get3A_2186 = vector.shape_cast %get3A_2185 : vector<16xf32> to vector<16xf32>
    %get3A_2187 = arith.constant 16 : index
    %get3A_2188 = tpu.vector_load %arg12[%get3A_2187] {strides = array<i32>} : memref<64xf32, #tpu.memory_space<vmem>>, vector<16xf32>,
    %get3A_2189 = vector.shape_cast %get3A_2188 : vector<16xf32> to vector<16xf32>
    %sub3A_2190 = arith.subf %get3A_2186, %get3A_2178 : vector<16xf32>
    %max3A_2191 = arith.constant 0.000000e+00 : f32
    %max3A_2192 = vector.broadcast %max3A_2191 : f32 to vector<16xf32>
    %max3A_2193 = arith.maximumf %sub3A_2190, %max3A_2192 : vector<16xf32>
    %sub3A_2194 = arith.subf %get3A_2183, %get3A_2189 : vector<16xf32>
    %max3A_2195 = arith.constant 0.000000e+00 : f32
    %max3A_2196 = vector.broadcast %max3A_2195 : f32 to vector<16xf32>
    %max3A_2197 = arith.maximumf %sub3A_2194, %max3A_2196 : vector<16xf32>
    %add3A_2198 = arith.addf %max3A_2193, %max3A_2197 : vector<16xf32>
    %sub3A_2199 = arith.subf %get3A_2186, %get3A_2183 : vector<16xf32>
    %max3A_2200 = arith.constant 0.000000e+00 : f32
    %max3A_2201 = vector.broadcast %max3A_2200 : f32 to vector<16xf32>
    %max3A_2202 = arith.maximumf %sub3A_2199, %max3A_2201 : vector<16xf32>
    %add3A_2203 = arith.addf %add3A_2198, %max3A_2202 : vector<16xf32>
    %sub3A_2204 = arith.subf %get3A_2178, %get3A_2189 : vector<16xf32>
    %max3A_2205 = arith.constant 0.000000e+00 : f32
    %max3A_2206 = vector.broadcast %max3A_2205 : f32 to vector<16xf32>
    %max3A_2207 = arith.maximumf %sub3A_2204, %max3A_2206 : vector<16xf32>
    %add3A_2208 = arith.addf %add3A_2203, %max3A_2207 : vector<16xf32>
    %sub3A_2209 = arith.subf %get3A_2183, %get3A_2178 : vector<16xf32>
    %max3A_2210 = arith.constant 0.000000e+00 : f32
    %max3A_2211 = vector.broadcast %max3A_2210 : f32 to vector<16xf32>
    %max3A_2212 = arith.maximumf %sub3A_2209, %max3A_2211 : vector<16xf32>
    %sub3A_2213 = arith.subf %add3A_2208, %max3A_2212 : vector<16xf32>
    %get3A_2214 = arith.constant 0 : index
    %get3A_2215 = tpu.vector_load %arg13[%get3A_2214] {strides = array<i32>} : memref<16xf32, #tpu.memory_space<vmem>>, vector<16xf32>,
    %get3A_2216 = vector.shape_cast %get3A_2215 : vector<16xf32> to vector<16xf32>
    %add3A_2217 = arith.addf %get3A_2216, %sub3A_2213 : vector<16xf32>
    %swap3A_2218 = arith.constant 0 : index
    %swap3A_2219 = tpu.vector_load %arg13[%swap3A_2218] {strides = array<i32>} : memref<16xf32, #tpu.memory_space<vmem>>, vector<16xf32>,
    %swap3A_2220 = vector.shape_cast %swap3A_2219 : vector<16xf32> to vector<16xf32>
    %swap3A_2221 = vector.shape_cast %add3A_2217 : vector<16xf32> to vector<16xf32>
    tpu.vector_store %arg13[%swap3A_2218], %swap3A_2221 {strides = array<i32>} : memref<16xf32, #tpu.memory_space<vmem>>, vector<16xf32>,
    %get3A_2222 = arith.constant 11 : i32
    %get3A_2223 = arith.index_cast %get3A_2222 : i32 to index
    %get3A_2224 = arith.constant 32 : index
    %get3A_2225 = tpu.vector_load %arg9[%get3A_2223, %get3A_2224] {strides = array<i32>} : memref<16x64xf32, #tpu.memory_space<vmem>>, vector<1x16xf32>,
    %get3A_2226 = vector.shape_cast %get3A_2225 : vector<1x16xf32> to vector<16xf32>
    %get3A_2227 = arith.constant 11 : i32
    %get3A_2228 = arith.index_cast %get3A_2227 : i32 to index
    %get3A_2229 = arith.constant 32 : index
    %get3A_2230 = tpu.vector_load %arg10[%get3A_2228, %get3A_2229] {strides = array<i32>} : memref<16x64xf32, #tpu.memory_space<vmem>>, vector<1x16xf32>,
    %get3A_2231 = vector.shape_cast %get3A_2230 : vector<1x16xf32> to vector<16xf32>
    %get3A_2232 = arith.constant 32 : index
    %get3A_2233 = tpu.vector_load %arg11[%get3A_2232] {strides = array<i32>} : memref<64xf32, #tpu.memory_space<vmem>>, vector<16xf32>,
    %get3A_2234 = vector.shape_cast %get3A_2233 : vector<16xf32> to vector<16xf32>
    %get3A_2235 = arith.constant 32 : index
    %get3A_2236 = tpu.vector_load %arg12[%get3A_2235] {strides = array<i32>} : memref<64xf32, #tpu.memory_space<vmem>>, vector<16xf32>,
    %get3A_2237 = vector.shape_cast %get3A_2236 : vector<16xf32> to vector<16xf32>
    %sub3A_2238 = arith.subf %get3A_2234, %get3A_2226 : vector<16xf32>
    %max3A_2239 = arith.constant 0.000000e+00 : f32
    %max3A_2240 = vector.broadcast %max3A_2239 : f32 to vector<16xf32>
    %max3A_2241 = arith.maximumf %sub3A_2238, %max3A_2240 : vector<16xf32>
    %sub3A_2242 = arith.subf %get3A_2231, %get3A_2237 : vector<16xf32>
    %max3A_2243 = arith.constant 0.000000e+00 : f32
    %max3A_2244 = vector.broadcast %max3A_2243 : f32 to vector<16xf32>
    %max3A_2245 = arith.maximumf %sub3A_2242, %max3A_2244 : vector<16xf32>
    %add3A_2246 = arith.addf %max3A_2241, %max3A_2245 : vector<16xf32>
    %sub3A_2247 = arith.subf %get3A_2234, %get3A_2231 : vector<16xf32>
    %max3A_2248 = arith.constant 0.000000e+00 : f32
    %max3A_2249 = vector.broadcast %max3A_2248 : f32 to vector<16xf32>
    %max3A_2250 = arith.maximumf %sub3A_2247, %max3A_2249 : vector<16xf32>
    %add3A_2251 = arith.addf %add3A_2246, %max3A_2250 : vector<16xf32>
    %sub3A_2252 = arith.subf %get3A_2226, %get3A_2237 : vector<16xf32>
    %max3A_2253 = arith.constant 0.000000e+00 : f32
    %max3A_2254 = vector.broadcast %max3A_2253 : f32 to vector<16xf32>
    %max3A_2255 = arith.maximumf %sub3A_2252, %max3A_2254 : vector<16xf32>
    %add3A_2256 = arith.addf %add3A_2251, %max3A_2255 : vector<16xf32>
    %sub3A_2257 = arith.subf %get3A_2231, %get3A_2226 : vector<16xf32>
    %max3A_2258 = arith.constant 0.000000e+00 : f32
    %max3A_2259 = vector.broadcast %max3A_2258 : f32 to vector<16xf32>
    %max3A_2260 = arith.maximumf %sub3A_2257, %max3A_2259 : vector<16xf32>
    %sub3A_2261 = arith.subf %add3A_2256, %max3A_2260 : vector<16xf32>
    %get3A_2262 = arith.constant 0 : index
    %get3A_2263 = tpu.vector_load %arg13[%get3A_2262] {strides = array<i32>} : memref<16xf32, #tpu.memory_space<vmem>>, vector<16xf32>,
    %get3A_2264 = vector.shape_cast %get3A_2263 : vector<16xf32> to vector<16xf32>
    %add3A_2265 = arith.addf %get3A_2264, %sub3A_2261 : vector<16xf32>
    %swap3A_2266 = arith.constant 0 : index
    %swap3A_2267 = tpu.vector_load %arg13[%swap3A_2266] {strides = array<i32>} : memref<16xf32, #tpu.memory_space<vmem>>, vector<16xf32>,
    %swap3A_2268 = vector.shape_cast %swap3A_2267 : vector<16xf32> to vector<16xf32>
    %swap3A_2269 = vector.shape_cast %add3A_2265 : vector<16xf32> to vector<16xf32>
    tpu.vector_store %arg13[%swap3A_2266], %swap3A_2269 {strides = array<i32>} : memref<16xf32, #tpu.memory_space<vmem>>, vector<16xf32>,
    %get3A_2270 = arith.constant 11 : i32
    %get3A_2271 = arith.index_cast %get3A_2270 : i32 to index
    %get3A_2272 = arith.constant 48 : index
    %get3A_2273 = tpu.vector_load %arg9[%get3A_2271, %get3A_2272] {strides = array<i32>} : memref<16x64xf32, #tpu.memory_space<vmem>>, vector<1x16xf32>,
    %get3A_2274 = vector.shape_cast %get3A_2273 : vector<1x16xf32> to vector<16xf32>
    %get3A_2275 = arith.constant 11 : i32
    %get3A_2276 = arith.index_cast %get3A_2275 : i32 to index
    %get3A_2277 = arith.constant 48 : index
    %get3A_2278 = tpu.vector_load %arg10[%get3A_2276, %get3A_2277] {strides = array<i32>} : memref<16x64xf32, #tpu.memory_space<vmem>>, vector<1x16xf32>,
    %get3A_2279 = vector.shape_cast %get3A_2278 : vector<1x16xf32> to vector<16xf32>
    %get3A_2280 = arith.constant 48 : index
    %get3A_2281 = tpu.vector_load %arg11[%get3A_2280] {strides = array<i32>} : memref<64xf32, #tpu.memory_space<vmem>>, vector<16xf32>,
    %get3A_2282 = vector.shape_cast %get3A_2281 : vector<16xf32> to vector<16xf32>
    %get3A_2283 = arith.constant 48 : index
    %get3A_2284 = tpu.vector_load %arg12[%get3A_2283] {strides = array<i32>} : memref<64xf32, #tpu.memory_space<vmem>>, vector<16xf32>,
    %get3A_2285 = vector.shape_cast %get3A_2284 : vector<16xf32> to vector<16xf32>
    %sub3A_2286 = arith.subf %get3A_2282, %get3A_2274 : vector<16xf32>
    %max3A_2287 = arith.constant 0.000000e+00 : f32
    %max3A_2288 = vector.broadcast %max3A_2287 : f32 to vector<16xf32>
    %max3A_2289 = arith.maximumf %sub3A_2286, %max3A_2288 : vector<16xf32>
    %sub3A_2290 = arith.subf %get3A_2279, %get3A_2285 : vector<16xf32>
    %max3A_2291 = arith.constant 0.000000e+00 : f32
    %max3A_2292 = vector.broadcast %max3A_2291 : f32 to vector<16xf32>
    %max3A_2293 = arith.maximumf %sub3A_2290, %max3A_2292 : vector<16xf32>
    %add3A_2294 = arith.addf %max3A_2289, %max3A_2293 : vector<16xf32>
    %sub3A_2295 = arith.subf %get3A_2282, %get3A_2279 : vector<16xf32>
    %max3A_2296 = arith.constant 0.000000e+00 : f32
    %max3A_2297 = vector.broadcast %max3A_2296 : f32 to vector<16xf32>
    %max3A_2298 = arith.maximumf %sub3A_2295, %max3A_2297 : vector<16xf32>
    %add3A_2299 = arith.addf %add3A_2294, %max3A_2298 : vector<16xf32>
    %sub3A_2300 = arith.subf %get3A_2274, %get3A_2285 : vector<16xf32>
    %max3A_2301 = arith.constant 0.000000e+00 : f32
    %max3A_2302 = vector.broadcast %max3A_2301 : f32 to vector<16xf32>
    %max3A_2303 = arith.maximumf %sub3A_2300, %max3A_2302 : vector<16xf32>
    %add3A_2304 = arith.addf %add3A_2299, %max3A_2303 : vector<16xf32>
    %sub3A_2305 = arith.subf %get3A_2279, %get3A_2274 : vector<16xf32>
    %max3A_2306 = arith.constant 0.000000e+00 : f32
    %max3A_2307 = vector.broadcast %max3A_2306 : f32 to vector<16xf32>
    %max3A_2308 = arith.maximumf %sub3A_2305, %max3A_2307 : vector<16xf32>
    %sub3A_2309 = arith.subf %add3A_2304, %max3A_2308 : vector<16xf32>
    %get3A_2310 = arith.constant 0 : index
    %get3A_2311 = tpu.vector_load %arg13[%get3A_2310] {strides = array<i32>} : memref<16xf32, #tpu.memory_space<vmem>>, vector<16xf32>,
    %get3A_2312 = vector.shape_cast %get3A_2311 : vector<16xf32> to vector<16xf32>
    %add3A_2313 = arith.addf %get3A_2312, %sub3A_2309 : vector<16xf32>
    %swap3A_2314 = arith.constant 0 : index
    %swap3A_2315 = tpu.vector_load %arg13[%swap3A_2314] {strides = array<i32>} : memref<16xf32, #tpu.memory_space<vmem>>, vector<16xf32>,
    %swap3A_2316 = vector.shape_cast %swap3A_2315 : vector<16xf32> to vector<16xf32>
    %swap3A_2317 = vector.shape_cast %add3A_2313 : vector<16xf32> to vector<16xf32>
    tpu.vector_store %arg13[%swap3A_2314], %swap3A_2317 {strides = array<i32>} : memref<16xf32, #tpu.memory_space<vmem>>, vector<16xf32>,
    %get3A_2318 = arith.constant 12 : i32
    %get3A_2319 = arith.index_cast %get3A_2318 : i32 to index
    %get3A_2320 = arith.constant 0 : index
    %get3A_2321 = tpu.vector_load %arg9[%get3A_2319, %get3A_2320] {strides = array<i32>} : memref<16x64xf32, #tpu.memory_space<vmem>>, vector<1x16xf32>,
    %get3A_2322 = vector.shape_cast %get3A_2321 : vector<1x16xf32> to vector<16xf32>
    %get3A_2323 = arith.constant 12 : i32
    %get3A_2324 = arith.index_cast %get3A_2323 : i32 to index
    %get3A_2325 = arith.constant 0 : index
    %get3A_2326 = tpu.vector_load %arg10[%get3A_2324, %get3A_2325] {strides = array<i32>} : memref<16x64xf32, #tpu.memory_space<vmem>>, vector<1x16xf32>,
    %get3A_2327 = vector.shape_cast %get3A_2326 : vector<1x16xf32> to vector<16xf32>
    %get3A_2328 = arith.constant 0 : index
    %get3A_2329 = tpu.vector_load %arg11[%get3A_2328] {strides = array<i32>} : memref<64xf32, #tpu.memory_space<vmem>>, vector<16xf32>,
    %get3A_2330 = vector.shape_cast %get3A_2329 : vector<16xf32> to vector<16xf32>
    %get3A_2331 = arith.constant 0 : index
    %get3A_2332 = tpu.vector_load %arg12[%get3A_2331] {strides = array<i32>} : memref<64xf32, #tpu.memory_space<vmem>>, vector<16xf32>,
    %get3A_2333 = vector.shape_cast %get3A_2332 : vector<16xf32> to vector<16xf32>
    %sub3A_2334 = arith.subf %get3A_2330, %get3A_2322 : vector<16xf32>
    %max3A_2335 = arith.constant 0.000000e+00 : f32
    %max3A_2336 = vector.broadcast %max3A_2335 : f32 to vector<16xf32>
    %max3A_2337 = arith.maximumf %sub3A_2334, %max3A_2336 : vector<16xf32>
    %sub3A_2338 = arith.subf %get3A_2327, %get3A_2333 : vector<16xf32>
    %max3A_2339 = arith.constant 0.000000e+00 : f32
    %max3A_2340 = vector.broadcast %max3A_2339 : f32 to vector<16xf32>
    %max3A_2341 = arith.maximumf %sub3A_2338, %max3A_2340 : vector<16xf32>
    %add3A_2342 = arith.addf %max3A_2337, %max3A_2341 : vector<16xf32>
    %sub3A_2343 = arith.subf %get3A_2330, %get3A_2327 : vector<16xf32>
    %max3A_2344 = arith.constant 0.000000e+00 : f32
    %max3A_2345 = vector.broadcast %max3A_2344 : f32 to vector<16xf32>
    %max3A_2346 = arith.maximumf %sub3A_2343, %max3A_2345 : vector<16xf32>
    %add3A_2347 = arith.addf %add3A_2342, %max3A_2346 : vector<16xf32>
    %sub3A_2348 = arith.subf %get3A_2322, %get3A_2333 : vector<16xf32>
    %max3A_2349 = arith.constant 0.000000e+00 : f32
    %max3A_2350 = vector.broadcast %max3A_2349 : f32 to vector<16xf32>
    %max3A_2351 = arith.maximumf %sub3A_2348, %max3A_2350 : vector<16xf32>
    %add3A_2352 = arith.addf %add3A_2347, %max3A_2351 : vector<16xf32>
    %sub3A_2353 = arith.subf %get3A_2327, %get3A_2322 : vector<16xf32>
    %max3A_2354 = arith.constant 0.000000e+00 : f32
    %max3A_2355 = vector.broadcast %max3A_2354 : f32 to vector<16xf32>
    %max3A_2356 = arith.maximumf %sub3A_2353, %max3A_2355 : vector<16xf32>
    %sub3A_2357 = arith.subf %add3A_2352, %max3A_2356 : vector<16xf32>
    %get3A_2358 = arith.constant 0 : index
    %get3A_2359 = tpu.vector_load %arg13[%get3A_2358] {strides = array<i32>} : memref<16xf32, #tpu.memory_space<vmem>>, vector<16xf32>,
    %get3A_2360 = vector.shape_cast %get3A_2359 : vector<16xf32> to vector<16xf32>
    %add3A_2361 = arith.addf %get3A_2360, %sub3A_2357 : vector<16xf32>
    %swap3A_2362 = arith.constant 0 : index
    %swap3A_2363 = tpu.vector_load %arg13[%swap3A_2362] {strides = array<i32>} : memref<16xf32, #tpu.memory_space<vmem>>, vector<16xf32>,
    %swap3A_2364 = vector.shape_cast %swap3A_2363 : vector<16xf32> to vector<16xf32>
    %swap3A_2365 = vector.shape_cast %add3A_2361 : vector<16xf32> to vector<16xf32>
    tpu.vector_store %arg13[%swap3A_2362], %swap3A_2365 {strides = array<i32>} : memref<16xf32, #tpu.memory_space<vmem>>, vector<16xf32>,
    %get3A_2366 = arith.constant 12 : i32
    %get3A_2367 = arith.index_cast %get3A_2366 : i32 to index
    %get3A_2368 = arith.constant 16 : index
    %get3A_2369 = tpu.vector_load %arg9[%get3A_2367, %get3A_2368] {strides = array<i32>} : memref<16x64xf32, #tpu.memory_space<vmem>>, vector<1x16xf32>,
    %get3A_2370 = vector.shape_cast %get3A_2369 : vector<1x16xf32> to vector<16xf32>
    %get3A_2371 = arith.constant 12 : i32
    %get3A_2372 = arith.index_cast %get3A_2371 : i32 to index
    %get3A_2373 = arith.constant 16 : index
    %get3A_2374 = tpu.vector_load %arg10[%get3A_2372, %get3A_2373] {strides = array<i32>} : memref<16x64xf32, #tpu.memory_space<vmem>>, vector<1x16xf32>,
    %get3A_2375 = vector.shape_cast %get3A_2374 : vector<1x16xf32> to vector<16xf32>
    %get3A_2376 = arith.constant 16 : index
    %get3A_2377 = tpu.vector_load %arg11[%get3A_2376] {strides = array<i32>} : memref<64xf32, #tpu.memory_space<vmem>>, vector<16xf32>,
    %get3A_2378 = vector.shape_cast %get3A_2377 : vector<16xf32> to vector<16xf32>
    %get3A_2379 = arith.constant 16 : index
    %get3A_2380 = tpu.vector_load %arg12[%get3A_2379] {strides = array<i32>} : memref<64xf32, #tpu.memory_space<vmem>>, vector<16xf32>,
    %get3A_2381 = vector.shape_cast %get3A_2380 : vector<16xf32> to vector<16xf32>
    %sub3A_2382 = arith.subf %get3A_2378, %get3A_2370 : vector<16xf32>
    %max3A_2383 = arith.constant 0.000000e+00 : f32
    %max3A_2384 = vector.broadcast %max3A_2383 : f32 to vector<16xf32>
    %max3A_2385 = arith.maximumf %sub3A_2382, %max3A_2384 : vector<16xf32>
    %sub3A_2386 = arith.subf %get3A_2375, %get3A_2381 : vector<16xf32>
    %max3A_2387 = arith.constant 0.000000e+00 : f32
    %max3A_2388 = vector.broadcast %max3A_2387 : f32 to vector<16xf32>
    %max3A_2389 = arith.maximumf %sub3A_2386, %max3A_2388 : vector<16xf32>
    %add3A_2390 = arith.addf %max3A_2385, %max3A_2389 : vector<16xf32>
    %sub3A_2391 = arith.subf %get3A_2378, %get3A_2375 : vector<16xf32>
    %max3A_2392 = arith.constant 0.000000e+00 : f32
    %max3A_2393 = vector.broadcast %max3A_2392 : f32 to vector<16xf32>
    %max3A_2394 = arith.maximumf %sub3A_2391, %max3A_2393 : vector<16xf32>
    %add3A_2395 = arith.addf %add3A_2390, %max3A_2394 : vector<16xf32>
    %sub3A_2396 = arith.subf %get3A_2370, %get3A_2381 : vector<16xf32>
    %max3A_2397 = arith.constant 0.000000e+00 : f32
    %max3A_2398 = vector.broadcast %max3A_2397 : f32 to vector<16xf32>
    %max3A_2399 = arith.maximumf %sub3A_2396, %max3A_2398 : vector<16xf32>
    %add3A_2400 = arith.addf %add3A_2395, %max3A_2399 : vector<16xf32>
    %sub3A_2401 = arith.subf %get3A_2375, %get3A_2370 : vector<16xf32>
    %max3A_2402 = arith.constant 0.000000e+00 : f32
    %max3A_2403 = vector.broadcast %max3A_2402 : f32 to vector<16xf32>
    %max3A_2404 = arith.maximumf %sub3A_2401, %max3A_2403 : vector<16xf32>
    %sub3A_2405 = arith.subf %add3A_2400, %max3A_2404 : vector<16xf32>
    %get3A_2406 = arith.constant 0 : index
    %get3A_2407 = tpu.vector_load %arg13[%get3A_2406] {strides = array<i32>} : memref<16xf32, #tpu.memory_space<vmem>>, vector<16xf32>,
    %get3A_2408 = vector.shape_cast %get3A_2407 : vector<16xf32> to vector<16xf32>
    %add3A_2409 = arith.addf %get3A_2408, %sub3A_2405 : vector<16xf32>
    %swap3A_2410 = arith.constant 0 : index
    %swap3A_2411 = tpu.vector_load %arg13[%swap3A_2410] {strides = array<i32>} : memref<16xf32, #tpu.memory_space<vmem>>, vector<16xf32>,
    %swap3A_2412 = vector.shape_cast %swap3A_2411 : vector<16xf32> to vector<16xf32>
    %swap3A_2413 = vector.shape_cast %add3A_2409 : vector<16xf32> to vector<16xf32>
    tpu.vector_store %arg13[%swap3A_2410], %swap3A_2413 {strides = array<i32>} : memref<16xf32, #tpu.memory_space<vmem>>, vector<16xf32>,
    %get3A_2414 = arith.constant 12 : i32
    %get3A_2415 = arith.index_cast %get3A_2414 : i32 to index
    %get3A_2416 = arith.constant 32 : index
    %get3A_2417 = tpu.vector_load %arg9[%get3A_2415, %get3A_2416] {strides = array<i32>} : memref<16x64xf32, #tpu.memory_space<vmem>>, vector<1x16xf32>,
    %get3A_2418 = vector.shape_cast %get3A_2417 : vector<1x16xf32> to vector<16xf32>
    %get3A_2419 = arith.constant 12 : i32
    %get3A_2420 = arith.index_cast %get3A_2419 : i32 to index
    %get3A_2421 = arith.constant 32 : index
    %get3A_2422 = tpu.vector_load %arg10[%get3A_2420, %get3A_2421] {strides = array<i32>} : memref<16x64xf32, #tpu.memory_space<vmem>>, vector<1x16xf32>,
    %get3A_2423 = vector.shape_cast %get3A_2422 : vector<1x16xf32> to vector<16xf32>
    %get3A_2424 = arith.constant 32 : index
    %get3A_2425 = tpu.vector_load %arg11[%get3A_2424] {strides = array<i32>} : memref<64xf32, #tpu.memory_space<vmem>>, vector<16xf32>,
    %get3A_2426 = vector.shape_cast %get3A_2425 : vector<16xf32> to vector<16xf32>
    %get3A_2427 = arith.constant 32 : index
    %get3A_2428 = tpu.vector_load %arg12[%get3A_2427] {strides = array<i32>} : memref<64xf32, #tpu.memory_space<vmem>>, vector<16xf32>,
    %get3A_2429 = vector.shape_cast %get3A_2428 : vector<16xf32> to vector<16xf32>
    %sub3A_2430 = arith.subf %get3A_2426, %get3A_2418 : vector<16xf32>
    %max3A_2431 = arith.constant 0.000000e+00 : f32
    %max3A_2432 = vector.broadcast %max3A_2431 : f32 to vector<16xf32>
    %max3A_2433 = arith.maximumf %sub3A_2430, %max3A_2432 : vector<16xf32>
    %sub3A_2434 = arith.subf %get3A_2423, %get3A_2429 : vector<16xf32>
    %max3A_2435 = arith.constant 0.000000e+00 : f32
    %max3A_2436 = vector.broadcast %max3A_2435 : f32 to vector<16xf32>
    %max3A_2437 = arith.maximumf %sub3A_2434, %max3A_2436 : vector<16xf32>
    %add3A_2438 = arith.addf %max3A_2433, %max3A_2437 : vector<16xf32>
    %sub3A_2439 = arith.subf %get3A_2426, %get3A_2423 : vector<16xf32>
    %max3A_2440 = arith.constant 0.000000e+00 : f32
    %max3A_2441 = vector.broadcast %max3A_2440 : f32 to vector<16xf32>
    %max3A_2442 = arith.maximumf %sub3A_2439, %max3A_2441 : vector<16xf32>
    %add3A_2443 = arith.addf %add3A_2438, %max3A_2442 : vector<16xf32>
    %sub3A_2444 = arith.subf %get3A_2418, %get3A_2429 : vector<16xf32>
    %max3A_2445 = arith.constant 0.000000e+00 : f32
    %max3A_2446 = vector.broadcast %max3A_2445 : f32 to vector<16xf32>
    %max3A_2447 = arith.maximumf %sub3A_2444, %max3A_2446 : vector<16xf32>
    %add3A_2448 = arith.addf %add3A_2443, %max3A_2447 : vector<16xf32>
    %sub3A_2449 = arith.subf %get3A_2423, %get3A_2418 : vector<16xf32>
    %max3A_2450 = arith.constant 0.000000e+00 : f32
    %max3A_2451 = vector.broadcast %max3A_2450 : f32 to vector<16xf32>
    %max3A_2452 = arith.maximumf %sub3A_2449, %max3A_2451 : vector<16xf32>
    %sub3A_2453 = arith.subf %add3A_2448, %max3A_2452 : vector<16xf32>
    %get3A_2454 = arith.constant 0 : index
    %get3A_2455 = tpu.vector_load %arg13[%get3A_2454] {strides = array<i32>} : memref<16xf32, #tpu.memory_space<vmem>>, vector<16xf32>,
    %get3A_2456 = vector.shape_cast %get3A_2455 : vector<16xf32> to vector<16xf32>
    %add3A_2457 = arith.addf %get3A_2456, %sub3A_2453 : vector<16xf32>
    %swap3A_2458 = arith.constant 0 : index
    %swap3A_2459 = tpu.vector_load %arg13[%swap3A_2458] {strides = array<i32>} : memref<16xf32, #tpu.memory_space<vmem>>, vector<16xf32>,
    %swap3A_2460 = vector.shape_cast %swap3A_2459 : vector<16xf32> to vector<16xf32>
    %swap3A_2461 = vector.shape_cast %add3A_2457 : vector<16xf32> to vector<16xf32>
    tpu.vector_store %arg13[%swap3A_2458], %swap3A_2461 {strides = array<i32>} : memref<16xf32, #tpu.memory_space<vmem>>, vector<16xf32>,
    %get3A_2462 = arith.constant 12 : i32
    %get3A_2463 = arith.index_cast %get3A_2462 : i32 to index
    %get3A_2464 = arith.constant 48 : index
    %get3A_2465 = tpu.vector_load %arg9[%get3A_2463, %get3A_2464] {strides = array<i32>} : memref<16x64xf32, #tpu.memory_space<vmem>>, vector<1x16xf32>,
    %get3A_2466 = vector.shape_cast %get3A_2465 : vector<1x16xf32> to vector<16xf32>
    %get3A_2467 = arith.constant 12 : i32
    %get3A_2468 = arith.index_cast %get3A_2467 : i32 to index
    %get3A_2469 = arith.constant 48 : index
    %get3A_2470 = tpu.vector_load %arg10[%get3A_2468, %get3A_2469] {strides = array<i32>} : memref<16x64xf32, #tpu.memory_space<vmem>>, vector<1x16xf32>,
    %get3A_2471 = vector.shape_cast %get3A_2470 : vector<1x16xf32> to vector<16xf32>
    %get3A_2472 = arith.constant 48 : index
    %get3A_2473 = tpu.vector_load %arg11[%get3A_2472] {strides = array<i32>} : memref<64xf32, #tpu.memory_space<vmem>>, vector<16xf32>,
    %get3A_2474 = vector.shape_cast %get3A_2473 : vector<16xf32> to vector<16xf32>
    %get3A_2475 = arith.constant 48 : index
    %get3A_2476 = tpu.vector_load %arg12[%get3A_2475] {strides = array<i32>} : memref<64xf32, #tpu.memory_space<vmem>>, vector<16xf32>,
    %get3A_2477 = vector.shape_cast %get3A_2476 : vector<16xf32> to vector<16xf32>
    %sub3A_2478 = arith.subf %get3A_2474, %get3A_2466 : vector<16xf32>
    %max3A_2479 = arith.constant 0.000000e+00 : f32
    %max3A_2480 = vector.broadcast %max3A_2479 : f32 to vector<16xf32>
    %max3A_2481 = arith.maximumf %sub3A_2478, %max3A_2480 : vector<16xf32>
    %sub3A_2482 = arith.subf %get3A_2471, %get3A_2477 : vector<16xf32>
    %max3A_2483 = arith.constant 0.000000e+00 : f32
    %max3A_2484 = vector.broadcast %max3A_2483 : f32 to vector<16xf32>
    %max3A_2485 = arith.maximumf %sub3A_2482, %max3A_2484 : vector<16xf32>
    %add3A_2486 = arith.addf %max3A_2481, %max3A_2485 : vector<16xf32>
    %sub3A_2487 = arith.subf %get3A_2474, %get3A_2471 : vector<16xf32>
    %max3A_2488 = arith.constant 0.000000e+00 : f32
    %max3A_2489 = vector.broadcast %max3A_2488 : f32 to vector<16xf32>
    %max3A_2490 = arith.maximumf %sub3A_2487, %max3A_2489 : vector<16xf32>
    %add3A_2491 = arith.addf %add3A_2486, %max3A_2490 : vector<16xf32>
    %sub3A_2492 = arith.subf %get3A_2466, %get3A_2477 : vector<16xf32>
    %max3A_2493 = arith.constant 0.000000e+00 : f32
    %max3A_2494 = vector.broadcast %max3A_2493 : f32 to vector<16xf32>
    %max3A_2495 = arith.maximumf %sub3A_2492, %max3A_2494 : vector<16xf32>
    %add3A_2496 = arith.addf %add3A_2491, %max3A_2495 : vector<16xf32>
    %sub3A_2497 = arith.subf %get3A_2471, %get3A_2466 : vector<16xf32>
    %max3A_2498 = arith.constant 0.000000e+00 : f32
    %max3A_2499 = vector.broadcast %max3A_2498 : f32 to vector<16xf32>
    %max3A_2500 = arith.maximumf %sub3A_2497, %max3A_2499 : vector<16xf32>
    %sub3A_2501 = arith.subf %add3A_2496, %max3A_2500 : vector<16xf32>
    %get3A_2502 = arith.constant 0 : index
    %get3A_2503 = tpu.vector_load %arg13[%get3A_2502] {strides = array<i32>} : memref<16xf32, #tpu.memory_space<vmem>>, vector<16xf32>,
    %get3A_2504 = vector.shape_cast %get3A_2503 : vector<16xf32> to vector<16xf32>
    %add3A_2505 = arith.addf %get3A_2504, %sub3A_2501 : vector<16xf32>
    %swap3A_2506 = arith.constant 0 : index
    %swap3A_2507 = tpu.vector_load %arg13[%swap3A_2506] {strides = array<i32>} : memref<16xf32, #tpu.memory_space<vmem>>, vector<16xf32>,
    %swap3A_2508 = vector.shape_cast %swap3A_2507 : vector<16xf32> to vector<16xf32>
    %swap3A_2509 = vector.shape_cast %add3A_2505 : vector<16xf32> to vector<16xf32>
    tpu.vector_store %arg13[%swap3A_2506], %swap3A_2509 {strides = array<i32>} : memref<16xf32, #tpu.memory_space<vmem>>, vector<16xf32>,
    %get3A_2510 = arith.constant 13 : i32
    %get3A_2511 = arith.index_cast %get3A_2510 : i32 to index
    %get3A_2512 = arith.constant 0 : index
    %get3A_2513 = tpu.vector_load %arg9[%get3A_2511, %get3A_2512] {strides = array<i32>} : memref<16x64xf32, #tpu.memory_space<vmem>>, vector<1x16xf32>,
    %get3A_2514 = vector.shape_cast %get3A_2513 : vector<1x16xf32> to vector<16xf32>
    %get3A_2515 = arith.constant 13 : i32
    %get3A_2516 = arith.index_cast %get3A_2515 : i32 to index
    %get3A_2517 = arith.constant 0 : index
    %get3A_2518 = tpu.vector_load %arg10[%get3A_2516, %get3A_2517] {strides = array<i32>} : memref<16x64xf32, #tpu.memory_space<vmem>>, vector<1x16xf32>,
    %get3A_2519 = vector.shape_cast %get3A_2518 : vector<1x16xf32> to vector<16xf32>
    %get3A_2520 = arith.constant 0 : index
    %get3A_2521 = tpu.vector_load %arg11[%get3A_2520] {strides = array<i32>} : memref<64xf32, #tpu.memory_space<vmem>>, vector<16xf32>,
    %get3A_2522 = vector.shape_cast %get3A_2521 : vector<16xf32> to vector<16xf32>
    %get3A_2523 = arith.constant 0 : index
    %get3A_2524 = tpu.vector_load %arg12[%get3A_2523] {strides = array<i32>} : memref<64xf32, #tpu.memory_space<vmem>>, vector<16xf32>,
    %get3A_2525 = vector.shape_cast %get3A_2524 : vector<16xf32> to vector<16xf32>
    %sub3A_2526 = arith.subf %get3A_2522, %get3A_2514 : vector<16xf32>
    %max3A_2527 = arith.constant 0.000000e+00 : f32
    %max3A_2528 = vector.broadcast %max3A_2527 : f32 to vector<16xf32>
    %max3A_2529 = arith.maximumf %sub3A_2526, %max3A_2528 : vector<16xf32>
    %sub3A_2530 = arith.subf %get3A_2519, %get3A_2525 : vector<16xf32>
    %max3A_2531 = arith.constant 0.000000e+00 : f32
    %max3A_2532 = vector.broadcast %max3A_2531 : f32 to vector<16xf32>
    %max3A_2533 = arith.maximumf %sub3A_2530, %max3A_2532 : vector<16xf32>
    %add3A_2534 = arith.addf %max3A_2529, %max3A_2533 : vector<16xf32>
    %sub3A_2535 = arith.subf %get3A_2522, %get3A_2519 : vector<16xf32>
    %max3A_2536 = arith.constant 0.000000e+00 : f32
    %max3A_2537 = vector.broadcast %max3A_2536 : f32 to vector<16xf32>
    %max3A_2538 = arith.maximumf %sub3A_2535, %max3A_2537 : vector<16xf32>
    %add3A_2539 = arith.addf %add3A_2534, %max3A_2538 : vector<16xf32>
    %sub3A_2540 = arith.subf %get3A_2514, %get3A_2525 : vector<16xf32>
    %max3A_2541 = arith.constant 0.000000e+00 : f32
    %max3A_2542 = vector.broadcast %max3A_2541 : f32 to vector<16xf32>
    %max3A_2543 = arith.maximumf %sub3A_2540, %max3A_2542 : vector<16xf32>
    %add3A_2544 = arith.addf %add3A_2539, %max3A_2543 : vector<16xf32>
    %sub3A_2545 = arith.subf %get3A_2519, %get3A_2514 : vector<16xf32>
    %max3A_2546 = arith.constant 0.000000e+00 : f32
    %max3A_2547 = vector.broadcast %max3A_2546 : f32 to vector<16xf32>
    %max3A_2548 = arith.maximumf %sub3A_2545, %max3A_2547 : vector<16xf32>
    %sub3A_2549 = arith.subf %add3A_2544, %max3A_2548 : vector<16xf32>
    %get3A_2550 = arith.constant 0 : index
    %get3A_2551 = tpu.vector_load %arg13[%get3A_2550] {strides = array<i32>} : memref<16xf32, #tpu.memory_space<vmem>>, vector<16xf32>,
    %get3A_2552 = vector.shape_cast %get3A_2551 : vector<16xf32> to vector<16xf32>
    %add3A_2553 = arith.addf %get3A_2552, %sub3A_2549 : vector<16xf32>
    %swap3A_2554 = arith.constant 0 : index
    %swap3A_2555 = tpu.vector_load %arg13[%swap3A_2554] {strides = array<i32>} : memref<16xf32, #tpu.memory_space<vmem>>, vector<16xf32>,
    %swap3A_2556 = vector.shape_cast %swap3A_2555 : vector<16xf32> to vector<16xf32>
    %swap3A_2557 = vector.shape_cast %add3A_2553 : vector<16xf32> to vector<16xf32>
    tpu.vector_store %arg13[%swap3A_2554], %swap3A_2557 {strides = array<i32>} : memref<16xf32, #tpu.memory_space<vmem>>, vector<16xf32>,
    %get3A_2558 = arith.constant 13 : i32
    %get3A_2559 = arith.index_cast %get3A_2558 : i32 to index
    %get3A_2560 = arith.constant 16 : index
    %get3A_2561 = tpu.vector_load %arg9[%get3A_2559, %get3A_2560] {strides = array<i32>} : memref<16x64xf32, #tpu.memory_space<vmem>>, vector<1x16xf32>,
    %get3A_2562 = vector.shape_cast %get3A_2561 : vector<1x16xf32> to vector<16xf32>
    %get3A_2563 = arith.constant 13 : i32
    %get3A_2564 = arith.index_cast %get3A_2563 : i32 to index
    %get3A_2565 = arith.constant 16 : index
    %get3A_2566 = tpu.vector_load %arg10[%get3A_2564, %get3A_2565] {strides = array<i32>} : memref<16x64xf32, #tpu.memory_space<vmem>>, vector<1x16xf32>,
    %get3A_2567 = vector.shape_cast %get3A_2566 : vector<1x16xf32> to vector<16xf32>
    %get3A_2568 = arith.constant 16 : index
    %get3A_2569 = tpu.vector_load %arg11[%get3A_2568] {strides = array<i32>} : memref<64xf32, #tpu.memory_space<vmem>>, vector<16xf32>,
    %get3A_2570 = vector.shape_cast %get3A_2569 : vector<16xf32> to vector<16xf32>
    %get3A_2571 = arith.constant 16 : index
    %get3A_2572 = tpu.vector_load %arg12[%get3A_2571] {strides = array<i32>} : memref<64xf32, #tpu.memory_space<vmem>>, vector<16xf32>,
    %get3A_2573 = vector.shape_cast %get3A_2572 : vector<16xf32> to vector<16xf32>
    %sub3A_2574 = arith.subf %get3A_2570, %get3A_2562 : vector<16xf32>
    %max3A_2575 = arith.constant 0.000000e+00 : f32
    %max3A_2576 = vector.broadcast %max3A_2575 : f32 to vector<16xf32>
    %max3A_2577 = arith.maximumf %sub3A_2574, %max3A_2576 : vector<16xf32>
    %sub3A_2578 = arith.subf %get3A_2567, %get3A_2573 : vector<16xf32>
    %max3A_2579 = arith.constant 0.000000e+00 : f32
    %max3A_2580 = vector.broadcast %max3A_2579 : f32 to vector<16xf32>
    %max3A_2581 = arith.maximumf %sub3A_2578, %max3A_2580 : vector<16xf32>
    %add3A_2582 = arith.addf %max3A_2577, %max3A_2581 : vector<16xf32>
    %sub3A_2583 = arith.subf %get3A_2570, %get3A_2567 : vector<16xf32>
    %max3A_2584 = arith.constant 0.000000e+00 : f32
    %max3A_2585 = vector.broadcast %max3A_2584 : f32 to vector<16xf32>
    %max3A_2586 = arith.maximumf %sub3A_2583, %max3A_2585 : vector<16xf32>
    %add3A_2587 = arith.addf %add3A_2582, %max3A_2586 : vector<16xf32>
    %sub3A_2588 = arith.subf %get3A_2562, %get3A_2573 : vector<16xf32>
    %max3A_2589 = arith.constant 0.000000e+00 : f32
    %max3A_2590 = vector.broadcast %max3A_2589 : f32 to vector<16xf32>
    %max3A_2591 = arith.maximumf %sub3A_2588, %max3A_2590 : vector<16xf32>
    %add3A_2592 = arith.addf %add3A_2587, %max3A_2591 : vector<16xf32>
    %sub3A_2593 = arith.subf %get3A_2567, %get3A_2562 : vector<16xf32>
    %max3A_2594 = arith.constant 0.000000e+00 : f32
    %max3A_2595 = vector.broadcast %max3A_2594 : f32 to vector<16xf32>
    %max3A_2596 = arith.maximumf %sub3A_2593, %max3A_2595 : vector<16xf32>
    %sub3A_2597 = arith.subf %add3A_2592, %max3A_2596 : vector<16xf32>
    %get3A_2598 = arith.constant 0 : index
    %get3A_2599 = tpu.vector_load %arg13[%get3A_2598] {strides = array<i32>} : memref<16xf32, #tpu.memory_space<vmem>>, vector<16xf32>,
    %get3A_2600 = vector.shape_cast %get3A_2599 : vector<16xf32> to vector<16xf32>
    %add3A_2601 = arith.addf %get3A_2600, %sub3A_2597 : vector<16xf32>
    %swap3A_2602 = arith.constant 0 : index
    %swap3A_2603 = tpu.vector_load %arg13[%swap3A_2602] {strides = array<i32>} : memref<16xf32, #tpu.memory_space<vmem>>, vector<16xf32>,
    %swap3A_2604 = vector.shape_cast %swap3A_2603 : vector<16xf32> to vector<16xf32>
    %swap3A_2605 = vector.shape_cast %add3A_2601 : vector<16xf32> to vector<16xf32>
    tpu.vector_store %arg13[%swap3A_2602], %swap3A_2605 {strides = array<i32>} : memref<16xf32, #tpu.memory_space<vmem>>, vector<16xf32>,
    %get3A_2606 = arith.constant 13 : i32
    %get3A_2607 = arith.index_cast %get3A_2606 : i32 to index
    %get3A_2608 = arith.constant 32 : index
    %get3A_2609 = tpu.vector_load %arg9[%get3A_2607, %get3A_2608] {strides = array<i32>} : memref<16x64xf32, #tpu.memory_space<vmem>>, vector<1x16xf32>,
    %get3A_2610 = vector.shape_cast %get3A_2609 : vector<1x16xf32> to vector<16xf32>
    %get3A_2611 = arith.constant 13 : i32
    %get3A_2612 = arith.index_cast %get3A_2611 : i32 to index
    %get3A_2613 = arith.constant 32 : index
    %get3A_2614 = tpu.vector_load %arg10[%get3A_2612, %get3A_2613] {strides = array<i32>} : memref<16x64xf32, #tpu.memory_space<vmem>>, vector<1x16xf32>,
    %get3A_2615 = vector.shape_cast %get3A_2614 : vector<1x16xf32> to vector<16xf32>
    %get3A_2616 = arith.constant 32 : index
    %get3A_2617 = tpu.vector_load %arg11[%get3A_2616] {strides = array<i32>} : memref<64xf32, #tpu.memory_space<vmem>>, vector<16xf32>,
    %get3A_2618 = vector.shape_cast %get3A_2617 : vector<16xf32> to vector<16xf32>
    %get3A_2619 = arith.constant 32 : index
    %get3A_2620 = tpu.vector_load %arg12[%get3A_2619] {strides = array<i32>} : memref<64xf32, #tpu.memory_space<vmem>>, vector<16xf32>,
    %get3A_2621 = vector.shape_cast %get3A_2620 : vector<16xf32> to vector<16xf32>
    %sub3A_2622 = arith.subf %get3A_2618, %get3A_2610 : vector<16xf32>
    %max3A_2623 = arith.constant 0.000000e+00 : f32
    %max3A_2624 = vector.broadcast %max3A_2623 : f32 to vector<16xf32>
    %max3A_2625 = arith.maximumf %sub3A_2622, %max3A_2624 : vector<16xf32>
    %sub3A_2626 = arith.subf %get3A_2615, %get3A_2621 : vector<16xf32>
    %max3A_2627 = arith.constant 0.000000e+00 : f32
    %max3A_2628 = vector.broadcast %max3A_2627 : f32 to vector<16xf32>
    %max3A_2629 = arith.maximumf %sub3A_2626, %max3A_2628 : vector<16xf32>
    %add3A_2630 = arith.addf %max3A_2625, %max3A_2629 : vector<16xf32>
    %sub3A_2631 = arith.subf %get3A_2618, %get3A_2615 : vector<16xf32>
    %max3A_2632 = arith.constant 0.000000e+00 : f32
    %max3A_2633 = vector.broadcast %max3A_2632 : f32 to vector<16xf32>
    %max3A_2634 = arith.maximumf %sub3A_2631, %max3A_2633 : vector<16xf32>
    %add3A_2635 = arith.addf %add3A_2630, %max3A_2634 : vector<16xf32>
    %sub3A_2636 = arith.subf %get3A_2610, %get3A_2621 : vector<16xf32>
    %max3A_2637 = arith.constant 0.000000e+00 : f32
    %max3A_2638 = vector.broadcast %max3A_2637 : f32 to vector<16xf32>
    %max3A_2639 = arith.maximumf %sub3A_2636, %max3A_2638 : vector<16xf32>
    %add3A_2640 = arith.addf %add3A_2635, %max3A_2639 : vector<16xf32>
    %sub3A_2641 = arith.subf %get3A_2615, %get3A_2610 : vector<16xf32>
    %max3A_2642 = arith.constant 0.000000e+00 : f32
    %max3A_2643 = vector.broadcast %max3A_2642 : f32 to vector<16xf32>
    %max3A_2644 = arith.maximumf %sub3A_2641, %max3A_2643 : vector<16xf32>
    %sub3A_2645 = arith.subf %add3A_2640, %max3A_2644 : vector<16xf32>
    %get3A_2646 = arith.constant 0 : index
    %get3A_2647 = tpu.vector_load %arg13[%get3A_2646] {strides = array<i32>} : memref<16xf32, #tpu.memory_space<vmem>>, vector<16xf32>,
    %get3A_2648 = vector.shape_cast %get3A_2647 : vector<16xf32> to vector<16xf32>
    %add3A_2649 = arith.addf %get3A_2648, %sub3A_2645 : vector<16xf32>
    %swap3A_2650 = arith.constant 0 : index
    %swap3A_2651 = tpu.vector_load %arg13[%swap3A_2650] {strides = array<i32>} : memref<16xf32, #tpu.memory_space<vmem>>, vector<16xf32>,
    %swap3A_2652 = vector.shape_cast %swap3A_2651 : vector<16xf32> to vector<16xf32>
    %swap3A_2653 = vector.shape_cast %add3A_2649 : vector<16xf32> to vector<16xf32>
    tpu.vector_store %arg13[%swap3A_2650], %swap3A_2653 {strides = array<i32>} : memref<16xf32, #tpu.memory_space<vmem>>, vector<16xf32>,
    %get3A_2654 = arith.constant 13 : i32
    %get3A_2655 = arith.index_cast %get3A_2654 : i32 to index
    %get3A_2656 = arith.constant 48 : index
    %get3A_2657 = tpu.vector_load %arg9[%get3A_2655, %get3A_2656] {strides = array<i32>} : memref<16x64xf32, #tpu.memory_space<vmem>>, vector<1x16xf32>,
    %get3A_2658 = vector.shape_cast %get3A_2657 : vector<1x16xf32> to vector<16xf32>
    %get3A_2659 = arith.constant 13 : i32
    %get3A_2660 = arith.index_cast %get3A_2659 : i32 to index
    %get3A_2661 = arith.constant 48 : index
    %get3A_2662 = tpu.vector_load %arg10[%get3A_2660, %get3A_2661] {strides = array<i32>} : memref<16x64xf32, #tpu.memory_space<vmem>>, vector<1x16xf32>,
    %get3A_2663 = vector.shape_cast %get3A_2662 : vector<1x16xf32> to vector<16xf32>
    %get3A_2664 = arith.constant 48 : index
    %get3A_2665 = tpu.vector_load %arg11[%get3A_2664] {strides = array<i32>} : memref<64xf32, #tpu.memory_space<vmem>>, vector<16xf32>,
    %get3A_2666 = vector.shape_cast %get3A_2665 : vector<16xf32> to vector<16xf32>
    %get3A_2667 = arith.constant 48 : index
    %get3A_2668 = tpu.vector_load %arg12[%get3A_2667] {strides = array<i32>} : memref<64xf32, #tpu.memory_space<vmem>>, vector<16xf32>,
    %get3A_2669 = vector.shape_cast %get3A_2668 : vector<16xf32> to vector<16xf32>
    %sub3A_2670 = arith.subf %get3A_2666, %get3A_2658 : vector<16xf32>
    %max3A_2671 = arith.constant 0.000000e+00 : f32
    %max3A_2672 = vector.broadcast %max3A_2671 : f32 to vector<16xf32>
    %max3A_2673 = arith.maximumf %sub3A_2670, %max3A_2672 : vector<16xf32>
    %sub3A_2674 = arith.subf %get3A_2663, %get3A_2669 : vector<16xf32>
    %max3A_2675 = arith.constant 0.000000e+00 : f32
    %max3A_2676 = vector.broadcast %max3A_2675 : f32 to vector<16xf32>
    %max3A_2677 = arith.maximumf %sub3A_2674, %max3A_2676 : vector<16xf32>
    %add3A_2678 = arith.addf %max3A_2673, %max3A_2677 : vector<16xf32>
    %sub3A_2679 = arith.subf %get3A_2666, %get3A_2663 : vector<16xf32>
    %max3A_2680 = arith.constant 0.000000e+00 : f32
    %max3A_2681 = vector.broadcast %max3A_2680 : f32 to vector<16xf32>
    %max3A_2682 = arith.maximumf %sub3A_2679, %max3A_2681 : vector<16xf32>
    %add3A_2683 = arith.addf %add3A_2678, %max3A_2682 : vector<16xf32>
    %sub3A_2684 = arith.subf %get3A_2658, %get3A_2669 : vector<16xf32>
    %max3A_2685 = arith.constant 0.000000e+00 : f32
    %max3A_2686 = vector.broadcast %max3A_2685 : f32 to vector<16xf32>
    %max3A_2687 = arith.maximumf %sub3A_2684, %max3A_2686 : vector<16xf32>
    %add3A_2688 = arith.addf %add3A_2683, %max3A_2687 : vector<16xf32>
    %sub3A_2689 = arith.subf %get3A_2663, %get3A_2658 : vector<16xf32>
    %max3A_2690 = arith.constant 0.000000e+00 : f32
    %max3A_2691 = vector.broadcast %max3A_2690 : f32 to vector<16xf32>
    %max3A_2692 = arith.maximumf %sub3A_2689, %max3A_2691 : vector<16xf32>
    %sub3A_2693 = arith.subf %add3A_2688, %max3A_2692 : vector<16xf32>
    %get3A_2694 = arith.constant 0 : index
    %get3A_2695 = tpu.vector_load %arg13[%get3A_2694] {strides = array<i32>} : memref<16xf32, #tpu.memory_space<vmem>>, vector<16xf32>,
    %get3A_2696 = vector.shape_cast %get3A_2695 : vector<16xf32> to vector<16xf32>
    %add3A_2697 = arith.addf %get3A_2696, %sub3A_2693 : vector<16xf32>
    %swap3A_2698 = arith.constant 0 : index
    %swap3A_2699 = tpu.vector_load %arg13[%swap3A_2698] {strides = array<i32>} : memref<16xf32, #tpu.memory_space<vmem>>, vector<16xf32>,
    %swap3A_2700 = vector.shape_cast %swap3A_2699 : vector<16xf32> to vector<16xf32>
    %swap3A_2701 = vector.shape_cast %add3A_2697 : vector<16xf32> to vector<16xf32>
    tpu.vector_store %arg13[%swap3A_2698], %swap3A_2701 {strides = array<i32>} : memref<16xf32, #tpu.memory_space<vmem>>, vector<16xf32>,
    %get3A_2702 = arith.constant 14 : i32
    %get3A_2703 = arith.index_cast %get3A_2702 : i32 to index
    %get3A_2704 = arith.constant 0 : index
    %get3A_2705 = tpu.vector_load %arg9[%get3A_2703, %get3A_2704] {strides = array<i32>} : memref<16x64xf32, #tpu.memory_space<vmem>>, vector<1x16xf32>,
    %get3A_2706 = vector.shape_cast %get3A_2705 : vector<1x16xf32> to vector<16xf32>
    %get3A_2707 = arith.constant 14 : i32
    %get3A_2708 = arith.index_cast %get3A_2707 : i32 to index
    %get3A_2709 = arith.constant 0 : index
    %get3A_2710 = tpu.vector_load %arg10[%get3A_2708, %get3A_2709] {strides = array<i32>} : memref<16x64xf32, #tpu.memory_space<vmem>>, vector<1x16xf32>,
    %get3A_2711 = vector.shape_cast %get3A_2710 : vector<1x16xf32> to vector<16xf32>
    %get3A_2712 = arith.constant 0 : index
    %get3A_2713 = tpu.vector_load %arg11[%get3A_2712] {strides = array<i32>} : memref<64xf32, #tpu.memory_space<vmem>>, vector<16xf32>,
    %get3A_2714 = vector.shape_cast %get3A_2713 : vector<16xf32> to vector<16xf32>
    %get3A_2715 = arith.constant 0 : index
    %get3A_2716 = tpu.vector_load %arg12[%get3A_2715] {strides = array<i32>} : memref<64xf32, #tpu.memory_space<vmem>>, vector<16xf32>,
    %get3A_2717 = vector.shape_cast %get3A_2716 : vector<16xf32> to vector<16xf32>
    %sub3A_2718 = arith.subf %get3A_2714, %get3A_2706 : vector<16xf32>
    %max3A_2719 = arith.constant 0.000000e+00 : f32
    %max3A_2720 = vector.broadcast %max3A_2719 : f32 to vector<16xf32>
    %max3A_2721 = arith.maximumf %sub3A_2718, %max3A_2720 : vector<16xf32>
    %sub3A_2722 = arith.subf %get3A_2711, %get3A_2717 : vector<16xf32>
    %max3A_2723 = arith.constant 0.000000e+00 : f32
    %max3A_2724 = vector.broadcast %max3A_2723 : f32 to vector<16xf32>
    %max3A_2725 = arith.maximumf %sub3A_2722, %max3A_2724 : vector<16xf32>
    %add3A_2726 = arith.addf %max3A_2721, %max3A_2725 : vector<16xf32>
    %sub3A_2727 = arith.subf %get3A_2714, %get3A_2711 : vector<16xf32>
    %max3A_2728 = arith.constant 0.000000e+00 : f32
    %max3A_2729 = vector.broadcast %max3A_2728 : f32 to vector<16xf32>
    %max3A_2730 = arith.maximumf %sub3A_2727, %max3A_2729 : vector<16xf32>
    %add3A_2731 = arith.addf %add3A_2726, %max3A_2730 : vector<16xf32>
    %sub3A_2732 = arith.subf %get3A_2706, %get3A_2717 : vector<16xf32>
    %max3A_2733 = arith.constant 0.000000e+00 : f32
    %max3A_2734 = vector.broadcast %max3A_2733 : f32 to vector<16xf32>
    %max3A_2735 = arith.maximumf %sub3A_2732, %max3A_2734 : vector<16xf32>
    %add3A_2736 = arith.addf %add3A_2731, %max3A_2735 : vector<16xf32>
    %sub3A_2737 = arith.subf %get3A_2711, %get3A_2706 : vector<16xf32>
    %max3A_2738 = arith.constant 0.000000e+00 : f32
    %max3A_2739 = vector.broadcast %max3A_2738 : f32 to vector<16xf32>
    %max3A_2740 = arith.maximumf %sub3A_2737, %max3A_2739 : vector<16xf32>
    %sub3A_2741 = arith.subf %add3A_2736, %max3A_2740 : vector<16xf32>
    %get3A_2742 = arith.constant 0 : index
    %get3A_2743 = tpu.vector_load %arg13[%get3A_2742] {strides = array<i32>} : memref<16xf32, #tpu.memory_space<vmem>>, vector<16xf32>,
    %get3A_2744 = vector.shape_cast %get3A_2743 : vector<16xf32> to vector<16xf32>
    %add3A_2745 = arith.addf %get3A_2744, %sub3A_2741 : vector<16xf32>
    %swap3A_2746 = arith.constant 0 : index
    %swap3A_2747 = tpu.vector_load %arg13[%swap3A_2746] {strides = array<i32>} : memref<16xf32, #tpu.memory_space<vmem>>, vector<16xf32>,
    %swap3A_2748 = vector.shape_cast %swap3A_2747 : vector<16xf32> to vector<16xf32>
    %swap3A_2749 = vector.shape_cast %add3A_2745 : vector<16xf32> to vector<16xf32>
    tpu.vector_store %arg13[%swap3A_2746], %swap3A_2749 {strides = array<i32>} : memref<16xf32, #tpu.memory_space<vmem>>, vector<16xf32>,
    %get3A_2750 = arith.constant 14 : i32
    %get3A_2751 = arith.index_cast %get3A_2750 : i32 to index
    %get3A_2752 = arith.constant 16 : index
    %get3A_2753 = tpu.vector_load %arg9[%get3A_2751, %get3A_2752] {strides = array<i32>} : memref<16x64xf32, #tpu.memory_space<vmem>>, vector<1x16xf32>,
    %get3A_2754 = vector.shape_cast %get3A_2753 : vector<1x16xf32> to vector<16xf32>
    %get3A_2755 = arith.constant 14 : i32
    %get3A_2756 = arith.index_cast %get3A_2755 : i32 to index
    %get3A_2757 = arith.constant 16 : index
    %get3A_2758 = tpu.vector_load %arg10[%get3A_2756, %get3A_2757] {strides = array<i32>} : memref<16x64xf32, #tpu.memory_space<vmem>>, vector<1x16xf32>,
    %get3A_2759 = vector.shape_cast %get3A_2758 : vector<1x16xf32> to vector<16xf32>
    %get3A_2760 = arith.constant 16 : index
    %get3A_2761 = tpu.vector_load %arg11[%get3A_2760] {strides = array<i32>} : memref<64xf32, #tpu.memory_space<vmem>>, vector<16xf32>,
    %get3A_2762 = vector.shape_cast %get3A_2761 : vector<16xf32> to vector<16xf32>
    %get3A_2763 = arith.constant 16 : index
    %get3A_2764 = tpu.vector_load %arg12[%get3A_2763] {strides = array<i32>} : memref<64xf32, #tpu.memory_space<vmem>>, vector<16xf32>,
    %get3A_2765 = vector.shape_cast %get3A_2764 : vector<16xf32> to vector<16xf32>
    %sub3A_2766 = arith.subf %get3A_2762, %get3A_2754 : vector<16xf32>
    %max3A_2767 = arith.constant 0.000000e+00 : f32
    %max3A_2768 = vector.broadcast %max3A_2767 : f32 to vector<16xf32>
    %max3A_2769 = arith.maximumf %sub3A_2766, %max3A_2768 : vector<16xf32>
    %sub3A_2770 = arith.subf %get3A_2759, %get3A_2765 : vector<16xf32>
    %max3A_2771 = arith.constant 0.000000e+00 : f32
    %max3A_2772 = vector.broadcast %max3A_2771 : f32 to vector<16xf32>
    %max3A_2773 = arith.maximumf %sub3A_2770, %max3A_2772 : vector<16xf32>
    %add3A_2774 = arith.addf %max3A_2769, %max3A_2773 : vector<16xf32>
    %sub3A_2775 = arith.subf %get3A_2762, %get3A_2759 : vector<16xf32>
    %max3A_2776 = arith.constant 0.000000e+00 : f32
    %max3A_2777 = vector.broadcast %max3A_2776 : f32 to vector<16xf32>
    %max3A_2778 = arith.maximumf %sub3A_2775, %max3A_2777 : vector<16xf32>
    %add3A_2779 = arith.addf %add3A_2774, %max3A_2778 : vector<16xf32>
    %sub3A_2780 = arith.subf %get3A_2754, %get3A_2765 : vector<16xf32>
    %max3A_2781 = arith.constant 0.000000e+00 : f32
    %max3A_2782 = vector.broadcast %max3A_2781 : f32 to vector<16xf32>
    %max3A_2783 = arith.maximumf %sub3A_2780, %max3A_2782 : vector<16xf32>
    %add3A_2784 = arith.addf %add3A_2779, %max3A_2783 : vector<16xf32>
    %sub3A_2785 = arith.subf %get3A_2759, %get3A_2754 : vector<16xf32>
    %max3A_2786 = arith.constant 0.000000e+00 : f32
    %max3A_2787 = vector.broadcast %max3A_2786 : f32 to vector<16xf32>
    %max3A_2788 = arith.maximumf %sub3A_2785, %max3A_2787 : vector<16xf32>
    %sub3A_2789 = arith.subf %add3A_2784, %max3A_2788 : vector<16xf32>
    %get3A_2790 = arith.constant 0 : index
    %get3A_2791 = tpu.vector_load %arg13[%get3A_2790] {strides = array<i32>} : memref<16xf32, #tpu.memory_space<vmem>>, vector<16xf32>,
    %get3A_2792 = vector.shape_cast %get3A_2791 : vector<16xf32> to vector<16xf32>
    %add3A_2793 = arith.addf %get3A_2792, %sub3A_2789 : vector<16xf32>
    %swap3A_2794 = arith.constant 0 : index
    %swap3A_2795 = tpu.vector_load %arg13[%swap3A_2794] {strides = array<i32>} : memref<16xf32, #tpu.memory_space<vmem>>, vector<16xf32>,
    %swap3A_2796 = vector.shape_cast %swap3A_2795 : vector<16xf32> to vector<16xf32>
    %swap3A_2797 = vector.shape_cast %add3A_2793 : vector<16xf32> to vector<16xf32>
    tpu.vector_store %arg13[%swap3A_2794], %swap3A_2797 {strides = array<i32>} : memref<16xf32, #tpu.memory_space<vmem>>, vector<16xf32>,
    %get3A_2798 = arith.constant 14 : i32
    %get3A_2799 = arith.index_cast %get3A_2798 : i32 to index
    %get3A_2800 = arith.constant 32 : index
    %get3A_2801 = tpu.vector_load %arg9[%get3A_2799, %get3A_2800] {strides = array<i32>} : memref<16x64xf32, #tpu.memory_space<vmem>>, vector<1x16xf32>,
    %get3A_2802 = vector.shape_cast %get3A_2801 : vector<1x16xf32> to vector<16xf32>
    %get3A_2803 = arith.constant 14 : i32
    %get3A_2804 = arith.index_cast %get3A_2803 : i32 to index
    %get3A_2805 = arith.constant 32 : index
    %get3A_2806 = tpu.vector_load %arg10[%get3A_2804, %get3A_2805] {strides = array<i32>} : memref<16x64xf32, #tpu.memory_space<vmem>>, vector<1x16xf32>,
    %get3A_2807 = vector.shape_cast %get3A_2806 : vector<1x16xf32> to vector<16xf32>
    %get3A_2808 = arith.constant 32 : index
    %get3A_2809 = tpu.vector_load %arg11[%get3A_2808] {strides = array<i32>} : memref<64xf32, #tpu.memory_space<vmem>>, vector<16xf32>,
    %get3A_2810 = vector.shape_cast %get3A_2809 : vector<16xf32> to vector<16xf32>
    %get3A_2811 = arith.constant 32 : index
    %get3A_2812 = tpu.vector_load %arg12[%get3A_2811] {strides = array<i32>} : memref<64xf32, #tpu.memory_space<vmem>>, vector<16xf32>,
    %get3A_2813 = vector.shape_cast %get3A_2812 : vector<16xf32> to vector<16xf32>
    %sub3A_2814 = arith.subf %get3A_2810, %get3A_2802 : vector<16xf32>
    %max3A_2815 = arith.constant 0.000000e+00 : f32
    %max3A_2816 = vector.broadcast %max3A_2815 : f32 to vector<16xf32>
    %max3A_2817 = arith.maximumf %sub3A_2814, %max3A_2816 : vector<16xf32>
    %sub3A_2818 = arith.subf %get3A_2807, %get3A_2813 : vector<16xf32>
    %max3A_2819 = arith.constant 0.000000e+00 : f32
    %max3A_2820 = vector.broadcast %max3A_2819 : f32 to vector<16xf32>
    %max3A_2821 = arith.maximumf %sub3A_2818, %max3A_2820 : vector<16xf32>
    %add3A_2822 = arith.addf %max3A_2817, %max3A_2821 : vector<16xf32>
    %sub3A_2823 = arith.subf %get3A_2810, %get3A_2807 : vector<16xf32>
    %max3A_2824 = arith.constant 0.000000e+00 : f32
    %max3A_2825 = vector.broadcast %max3A_2824 : f32 to vector<16xf32>
    %max3A_2826 = arith.maximumf %sub3A_2823, %max3A_2825 : vector<16xf32>
    %add3A_2827 = arith.addf %add3A_2822, %max3A_2826 : vector<16xf32>
    %sub3A_2828 = arith.subf %get3A_2802, %get3A_2813 : vector<16xf32>
    %max3A_2829 = arith.constant 0.000000e+00 : f32
    %max3A_2830 = vector.broadcast %max3A_2829 : f32 to vector<16xf32>
    %max3A_2831 = arith.maximumf %sub3A_2828, %max3A_2830 : vector<16xf32>
    %add3A_2832 = arith.addf %add3A_2827, %max3A_2831 : vector<16xf32>
    %sub3A_2833 = arith.subf %get3A_2807, %get3A_2802 : vector<16xf32>
    %max3A_2834 = arith.constant 0.000000e+00 : f32
    %max3A_2835 = vector.broadcast %max3A_2834 : f32 to vector<16xf32>
    %max3A_2836 = arith.maximumf %sub3A_2833, %max3A_2835 : vector<16xf32>
    %sub3A_2837 = arith.subf %add3A_2832, %max3A_2836 : vector<16xf32>
    %get3A_2838 = arith.constant 0 : index
    %get3A_2839 = tpu.vector_load %arg13[%get3A_2838] {strides = array<i32>} : memref<16xf32, #tpu.memory_space<vmem>>, vector<16xf32>,
    %get3A_2840 = vector.shape_cast %get3A_2839 : vector<16xf32> to vector<16xf32>
    %add3A_2841 = arith.addf %get3A_2840, %sub3A_2837 : vector<16xf32>
    %swap3A_2842 = arith.constant 0 : index
    %swap3A_2843 = tpu.vector_load %arg13[%swap3A_2842] {strides = array<i32>} : memref<16xf32, #tpu.memory_space<vmem>>, vector<16xf32>,
    %swap3A_2844 = vector.shape_cast %swap3A_2843 : vector<16xf32> to vector<16xf32>
    %swap3A_2845 = vector.shape_cast %add3A_2841 : vector<16xf32> to vector<16xf32>
    tpu.vector_store %arg13[%swap3A_2842], %swap3A_2845 {strides = array<i32>} : memref<16xf32, #tpu.memory_space<vmem>>, vector<16xf32>,
    %get3A_2846 = arith.constant 14 : i32
    %get3A_2847 = arith.index_cast %get3A_2846 : i32 to index
    %get3A_2848 = arith.constant 48 : index
    %get3A_2849 = tpu.vector_load %arg9[%get3A_2847, %get3A_2848] {strides = array<i32>} : memref<16x64xf32, #tpu.memory_space<vmem>>, vector<1x16xf32>,
    %get3A_2850 = vector.shape_cast %get3A_2849 : vector<1x16xf32> to vector<16xf32>
    %get3A_2851 = arith.constant 14 : i32
    %get3A_2852 = arith.index_cast %get3A_2851 : i32 to index
    %get3A_2853 = arith.constant 48 : index
    %get3A_2854 = tpu.vector_load %arg10[%get3A_2852, %get3A_2853] {strides = array<i32>} : memref<16x64xf32, #tpu.memory_space<vmem>>, vector<1x16xf32>,
    %get3A_2855 = vector.shape_cast %get3A_2854 : vector<1x16xf32> to vector<16xf32>
    %get3A_2856 = arith.constant 48 : index
    %get3A_2857 = tpu.vector_load %arg11[%get3A_2856] {strides = array<i32>} : memref<64xf32, #tpu.memory_space<vmem>>, vector<16xf32>,
    %get3A_2858 = vector.shape_cast %get3A_2857 : vector<16xf32> to vector<16xf32>
    %get3A_2859 = arith.constant 48 : index
    %get3A_2860 = tpu.vector_load %arg12[%get3A_2859] {strides = array<i32>} : memref<64xf32, #tpu.memory_space<vmem>>, vector<16xf32>,
    %get3A_2861 = vector.shape_cast %get3A_2860 : vector<16xf32> to vector<16xf32>
    %sub3A_2862 = arith.subf %get3A_2858, %get3A_2850 : vector<16xf32>
    %max3A_2863 = arith.constant 0.000000e+00 : f32
    %max3A_2864 = vector.broadcast %max3A_2863 : f32 to vector<16xf32>
    %max3A_2865 = arith.maximumf %sub3A_2862, %max3A_2864 : vector<16xf32>
    %sub3A_2866 = arith.subf %get3A_2855, %get3A_2861 : vector<16xf32>
    %max3A_2867 = arith.constant 0.000000e+00 : f32
    %max3A_2868 = vector.broadcast %max3A_2867 : f32 to vector<16xf32>
    %max3A_2869 = arith.maximumf %sub3A_2866, %max3A_2868 : vector<16xf32>
    %add3A_2870 = arith.addf %max3A_2865, %max3A_2869 : vector<16xf32>
    %sub3A_2871 = arith.subf %get3A_2858, %get3A_2855 : vector<16xf32>
    %max3A_2872 = arith.constant 0.000000e+00 : f32
    %max3A_2873 = vector.broadcast %max3A_2872 : f32 to vector<16xf32>
    %max3A_2874 = arith.maximumf %sub3A_2871, %max3A_2873 : vector<16xf32>
    %add3A_2875 = arith.addf %add3A_2870, %max3A_2874 : vector<16xf32>
    %sub3A_2876 = arith.subf %get3A_2850, %get3A_2861 : vector<16xf32>
    %max3A_2877 = arith.constant 0.000000e+00 : f32
    %max3A_2878 = vector.broadcast %max3A_2877 : f32 to vector<16xf32>
    %max3A_2879 = arith.maximumf %sub3A_2876, %max3A_2878 : vector<16xf32>
    %add3A_2880 = arith.addf %add3A_2875, %max3A_2879 : vector<16xf32>
    %sub3A_2881 = arith.subf %get3A_2855, %get3A_2850 : vector<16xf32>
    %max3A_2882 = arith.constant 0.000000e+00 : f32
    %max3A_2883 = vector.broadcast %max3A_2882 : f32 to vector<16xf32>
    %max3A_2884 = arith.maximumf %sub3A_2881, %max3A_2883 : vector<16xf32>
    %sub3A_2885 = arith.subf %add3A_2880, %max3A_2884 : vector<16xf32>
    %get3A_2886 = arith.constant 0 : index
    %get3A_2887 = tpu.vector_load %arg13[%get3A_2886] {strides = array<i32>} : memref<16xf32, #tpu.memory_space<vmem>>, vector<16xf32>,
    %get3A_2888 = vector.shape_cast %get3A_2887 : vector<16xf32> to vector<16xf32>
    %add3A_2889 = arith.addf %get3A_2888, %sub3A_2885 : vector<16xf32>
    %swap3A_2890 = arith.constant 0 : index
    %swap3A_2891 = tpu.vector_load %arg13[%swap3A_2890] {strides = array<i32>} : memref<16xf32, #tpu.memory_space<vmem>>, vector<16xf32>,
    %swap3A_2892 = vector.shape_cast %swap3A_2891 : vector<16xf32> to vector<16xf32>
    %swap3A_2893 = vector.shape_cast %add3A_2889 : vector<16xf32> to vector<16xf32>
    tpu.vector_store %arg13[%swap3A_2890], %swap3A_2893 {strides = array<i32>} : memref<16xf32, #tpu.memory_space<vmem>>, vector<16xf32>,
    %get3A_2894 = arith.constant 15 : i32
    %get3A_2895 = arith.index_cast %get3A_2894 : i32 to index
    %get3A_2896 = arith.constant 0 : index
    %get3A_2897 = tpu.vector_load %arg9[%get3A_2895, %get3A_2896] {strides = array<i32>} : memref<16x64xf32, #tpu.memory_space<vmem>>, vector<1x16xf32>,
    %get3A_2898 = vector.shape_cast %get3A_2897 : vector<1x16xf32> to vector<16xf32>
    %get3A_2899 = arith.constant 15 : i32
    %get3A_2900 = arith.index_cast %get3A_2899 : i32 to index
    %get3A_2901 = arith.constant 0 : index
    %get3A_2902 = tpu.vector_load %arg10[%get3A_2900, %get3A_2901] {strides = array<i32>} : memref<16x64xf32, #tpu.memory_space<vmem>>, vector<1x16xf32>,
    %get3A_2903 = vector.shape_cast %get3A_2902 : vector<1x16xf32> to vector<16xf32>
    %get3A_2904 = arith.constant 0 : index
    %get3A_2905 = tpu.vector_load %arg11[%get3A_2904] {strides = array<i32>} : memref<64xf32, #tpu.memory_space<vmem>>, vector<16xf32>,
    %get3A_2906 = vector.shape_cast %get3A_2905 : vector<16xf32> to vector<16xf32>
    %get3A_2907 = arith.constant 0 : index
    %get3A_2908 = tpu.vector_load %arg12[%get3A_2907] {strides = array<i32>} : memref<64xf32, #tpu.memory_space<vmem>>, vector<16xf32>,
    %get3A_2909 = vector.shape_cast %get3A_2908 : vector<16xf32> to vector<16xf32>
    %sub3A_2910 = arith.subf %get3A_2906, %get3A_2898 : vector<16xf32>
    %max3A_2911 = arith.constant 0.000000e+00 : f32
    %max3A_2912 = vector.broadcast %max3A_2911 : f32 to vector<16xf32>
    %max3A_2913 = arith.maximumf %sub3A_2910, %max3A_2912 : vector<16xf32>
    %sub3A_2914 = arith.subf %get3A_2903, %get3A_2909 : vector<16xf32>
    %max3A_2915 = arith.constant 0.000000e+00 : f32
    %max3A_2916 = vector.broadcast %max3A_2915 : f32 to vector<16xf32>
    %max3A_2917 = arith.maximumf %sub3A_2914, %max3A_2916 : vector<16xf32>
    %add3A_2918 = arith.addf %max3A_2913, %max3A_2917 : vector<16xf32>
    %sub3A_2919 = arith.subf %get3A_2906, %get3A_2903 : vector<16xf32>
    %max3A_2920 = arith.constant 0.000000e+00 : f32
    %max3A_2921 = vector.broadcast %max3A_2920 : f32 to vector<16xf32>
    %max3A_2922 = arith.maximumf %sub3A_2919, %max3A_2921 : vector<16xf32>
    %add3A_2923 = arith.addf %add3A_2918, %max3A_2922 : vector<16xf32>
    %sub3A_2924 = arith.subf %get3A_2898, %get3A_2909 : vector<16xf32>
    %max3A_2925 = arith.constant 0.000000e+00 : f32
    %max3A_2926 = vector.broadcast %max3A_2925 : f32 to vector<16xf32>
    %max3A_2927 = arith.maximumf %sub3A_2924, %max3A_2926 : vector<16xf32>
    %add3A_2928 = arith.addf %add3A_2923, %max3A_2927 : vector<16xf32>
    %sub3A_2929 = arith.subf %get3A_2903, %get3A_2898 : vector<16xf32>
    %max3A_2930 = arith.constant 0.000000e+00 : f32
    %max3A_2931 = vector.broadcast %max3A_2930 : f32 to vector<16xf32>
    %max3A_2932 = arith.maximumf %sub3A_2929, %max3A_2931 : vector<16xf32>
    %sub3A_2933 = arith.subf %add3A_2928, %max3A_2932 : vector<16xf32>
    %get3A_2934 = arith.constant 0 : index
    %get3A_2935 = tpu.vector_load %arg13[%get3A_2934] {strides = array<i32>} : memref<16xf32, #tpu.memory_space<vmem>>, vector<16xf32>,
    %get3A_2936 = vector.shape_cast %get3A_2935 : vector<16xf32> to vector<16xf32>
    %add3A_2937 = arith.addf %get3A_2936, %sub3A_2933 : vector<16xf32>
    %swap3A_2938 = arith.constant 0 : index
    %swap3A_2939 = tpu.vector_load %arg13[%swap3A_2938] {strides = array<i32>} : memref<16xf32, #tpu.memory_space<vmem>>, vector<16xf32>,
    %swap3A_2940 = vector.shape_cast %swap3A_2939 : vector<16xf32> to vector<16xf32>
    %swap3A_2941 = vector.shape_cast %add3A_2937 : vector<16xf32> to vector<16xf32>
    tpu.vector_store %arg13[%swap3A_2938], %swap3A_2941 {strides = array<i32>} : memref<16xf32, #tpu.memory_space<vmem>>, vector<16xf32>,
    %get3A_2942 = arith.constant 15 : i32
    %get3A_2943 = arith.index_cast %get3A_2942 : i32 to index
    %get3A_2944 = arith.constant 16 : index
    %get3A_2945 = tpu.vector_load %arg9[%get3A_2943, %get3A_2944] {strides = array<i32>} : memref<16x64xf32, #tpu.memory_space<vmem>>, vector<1x16xf32>,
    %get3A_2946 = vector.shape_cast %get3A_2945 : vector<1x16xf32> to vector<16xf32>
    %get3A_2947 = arith.constant 15 : i32
    %get3A_2948 = arith.index_cast %get3A_2947 : i32 to index
    %get3A_2949 = arith.constant 16 : index
    %get3A_2950 = tpu.vector_load %arg10[%get3A_2948, %get3A_2949] {strides = array<i32>} : memref<16x64xf32, #tpu.memory_space<vmem>>, vector<1x16xf32>,
    %get3A_2951 = vector.shape_cast %get3A_2950 : vector<1x16xf32> to vector<16xf32>
    %get3A_2952 = arith.constant 16 : index
    %get3A_2953 = tpu.vector_load %arg11[%get3A_2952] {strides = array<i32>} : memref<64xf32, #tpu.memory_space<vmem>>, vector<16xf32>,
    %get3A_2954 = vector.shape_cast %get3A_2953 : vector<16xf32> to vector<16xf32>
    %get3A_2955 = arith.constant 16 : index
    %get3A_2956 = tpu.vector_load %arg12[%get3A_2955] {strides = array<i32>} : memref<64xf32, #tpu.memory_space<vmem>>, vector<16xf32>,
    %get3A_2957 = vector.shape_cast %get3A_2956 : vector<16xf32> to vector<16xf32>
    %sub3A_2958 = arith.subf %get3A_2954, %get3A_2946 : vector<16xf32>
    %max3A_2959 = arith.constant 0.000000e+00 : f32
    %max3A_2960 = vector.broadcast %max3A_2959 : f32 to vector<16xf32>
    %max3A_2961 = arith.maximumf %sub3A_2958, %max3A_2960 : vector<16xf32>
    %sub3A_2962 = arith.subf %get3A_2951, %get3A_2957 : vector<16xf32>
    %max3A_2963 = arith.constant 0.000000e+00 : f32
    %max3A_2964 = vector.broadcast %max3A_2963 : f32 to vector<16xf32>
    %max3A_2965 = arith.maximumf %sub3A_2962, %max3A_2964 : vector<16xf32>
    %add3A_2966 = arith.addf %max3A_2961, %max3A_2965 : vector<16xf32>
    %sub3A_2967 = arith.subf %get3A_2954, %get3A_2951 : vector<16xf32>
    %max3A_2968 = arith.constant 0.000000e+00 : f32
    %max3A_2969 = vector.broadcast %max3A_2968 : f32 to vector<16xf32>
    %max3A_2970 = arith.maximumf %sub3A_2967, %max3A_2969 : vector<16xf32>
    %add3A_2971 = arith.addf %add3A_2966, %max3A_2970 : vector<16xf32>
    %sub3A_2972 = arith.subf %get3A_2946, %get3A_2957 : vector<16xf32>
    %max3A_2973 = arith.constant 0.000000e+00 : f32
    %max3A_2974 = vector.broadcast %max3A_2973 : f32 to vector<16xf32>
    %max3A_2975 = arith.maximumf %sub3A_2972, %max3A_2974 : vector<16xf32>
    %add3A_2976 = arith.addf %add3A_2971, %max3A_2975 : vector<16xf32>
    %sub3A_2977 = arith.subf %get3A_2951, %get3A_2946 : vector<16xf32>
    %max3A_2978 = arith.constant 0.000000e+00 : f32
    %max3A_2979 = vector.broadcast %max3A_2978 : f32 to vector<16xf32>
    %max3A_2980 = arith.maximumf %sub3A_2977, %max3A_2979 : vector<16xf32>
    %sub3A_2981 = arith.subf %add3A_2976, %max3A_2980 : vector<16xf32>
    %get3A_2982 = arith.constant 0 : index
    %get3A_2983 = tpu.vector_load %arg13[%get3A_2982] {strides = array<i32>} : memref<16xf32, #tpu.memory_space<vmem>>, vector<16xf32>,
    %get3A_2984 = vector.shape_cast %get3A_2983 : vector<16xf32> to vector<16xf32>
    %add3A_2985 = arith.addf %get3A_2984, %sub3A_2981 : vector<16xf32>
    %swap3A_2986 = arith.constant 0 : index
    %swap3A_2987 = tpu.vector_load %arg13[%swap3A_2986] {strides = array<i32>} : memref<16xf32, #tpu.memory_space<vmem>>, vector<16xf32>,
    %swap3A_2988 = vector.shape_cast %swap3A_2987 : vector<16xf32> to vector<16xf32>
    %swap3A_2989 = vector.shape_cast %add3A_2985 : vector<16xf32> to vector<16xf32>
    tpu.vector_store %arg13[%swap3A_2986], %swap3A_2989 {strides = array<i32>} : memref<16xf32, #tpu.memory_space<vmem>>, vector<16xf32>,
    %get3A_2990 = arith.constant 15 : i32
    %get3A_2991 = arith.index_cast %get3A_2990 : i32 to index
    %get3A_2992 = arith.constant 32 : index
    %get3A_2993 = tpu.vector_load %arg9[%get3A_2991, %get3A_2992] {strides = array<i32>} : memref<16x64xf32, #tpu.memory_space<vmem>>, vector<1x16xf32>,
    %get3A_2994 = vector.shape_cast %get3A_2993 : vector<1x16xf32> to vector<16xf32>
    %get3A_2995 = arith.constant 15 : i32
    %get3A_2996 = arith.index_cast %get3A_2995 : i32 to index
    %get3A_2997 = arith.constant 32 : index
    %get3A_2998 = tpu.vector_load %arg10[%get3A_2996, %get3A_2997] {strides = array<i32>} : memref<16x64xf32, #tpu.memory_space<vmem>>, vector<1x16xf32>,
    %get3A_2999 = vector.shape_cast %get3A_2998 : vector<1x16xf32> to vector<16xf32>
    %get3A_3000 = arith.constant 32 : index
    %get3A_3001 = tpu.vector_load %arg11[%get3A_3000] {strides = array<i32>} : memref<64xf32, #tpu.memory_space<vmem>>, vector<16xf32>,
    %get3A_3002 = vector.shape_cast %get3A_3001 : vector<16xf32> to vector<16xf32>
    %get3A_3003 = arith.constant 32 : index
    %get3A_3004 = tpu.vector_load %arg12[%get3A_3003] {strides = array<i32>} : memref<64xf32, #tpu.memory_space<vmem>>, vector<16xf32>,
    %get3A_3005 = vector.shape_cast %get3A_3004 : vector<16xf32> to vector<16xf32>
    %sub3A_3006 = arith.subf %get3A_3002, %get3A_2994 : vector<16xf32>
    %max3A_3007 = arith.constant 0.000000e+00 : f32
    %max3A_3008 = vector.broadcast %max3A_3007 : f32 to vector<16xf32>
    %max3A_3009 = arith.maximumf %sub3A_3006, %max3A_3008 : vector<16xf32>
    %sub3A_3010 = arith.subf %get3A_2999, %get3A_3005 : vector<16xf32>
    %max3A_3011 = arith.constant 0.000000e+00 : f32
    %max3A_3012 = vector.broadcast %max3A_3011 : f32 to vector<16xf32>
    %max3A_3013 = arith.maximumf %sub3A_3010, %max3A_3012 : vector<16xf32>
    %add3A_3014 = arith.addf %max3A_3009, %max3A_3013 : vector<16xf32>
    %sub3A_3015 = arith.subf %get3A_3002, %get3A_2999 : vector<16xf32>
    %max3A_3016 = arith.constant 0.000000e+00 : f32
    %max3A_3017 = vector.broadcast %max3A_3016 : f32 to vector<16xf32>
    %max3A_3018 = arith.maximumf %sub3A_3015, %max3A_3017 : vector<16xf32>
    %add3A_3019 = arith.addf %add3A_3014, %max3A_3018 : vector<16xf32>
    %sub3A_3020 = arith.subf %get3A_2994, %get3A_3005 : vector<16xf32>
    %max3A_3021 = arith.constant 0.000000e+00 : f32
    %max3A_3022 = vector.broadcast %max3A_3021 : f32 to vector<16xf32>
    %max3A_3023 = arith.maximumf %sub3A_3020, %max3A_3022 : vector<16xf32>
    %add3A_3024 = arith.addf %add3A_3019, %max3A_3023 : vector<16xf32>
    %sub3A_3025 = arith.subf %get3A_2999, %get3A_2994 : vector<16xf32>
    %max3A_3026 = arith.constant 0.000000e+00 : f32
    %max3A_3027 = vector.broadcast %max3A_3026 : f32 to vector<16xf32>
    %max3A_3028 = arith.maximumf %sub3A_3025, %max3A_3027 : vector<16xf32>
    %sub3A_3029 = arith.subf %add3A_3024, %max3A_3028 : vector<16xf32>
    %get3A_3030 = arith.constant 0 : index
    %get3A_3031 = tpu.vector_load %arg13[%get3A_3030] {strides = array<i32>} : memref<16xf32, #tpu.memory_space<vmem>>, vector<16xf32>,
    %get3A_3032 = vector.shape_cast %get3A_3031 : vector<16xf32> to vector<16xf32>
    %add3A_3033 = arith.addf %get3A_3032, %sub3A_3029 : vector<16xf32>
    %swap3A_3034 = arith.constant 0 : index
    %swap3A_3035 = tpu.vector_load %arg13[%swap3A_3034] {strides = array<i32>} : memref<16xf32, #tpu.memory_space<vmem>>, vector<16xf32>,
    %swap3A_3036 = vector.shape_cast %swap3A_3035 : vector<16xf32> to vector<16xf32>
    %swap3A_3037 = vector.shape_cast %add3A_3033 : vector<16xf32> to vector<16xf32>
    tpu.vector_store %arg13[%swap3A_3034], %swap3A_3037 {strides = array<i32>} : memref<16xf32, #tpu.memory_space<vmem>>, vector<16xf32>,
    %get3A_3038 = arith.constant 15 : i32
    %get3A_3039 = arith.index_cast %get3A_3038 : i32 to index
    %get3A_3040 = arith.constant 48 : index
    %get3A_3041 = tpu.vector_load %arg9[%get3A_3039, %get3A_3040] {strides = array<i32>} : memref<16x64xf32, #tpu.memory_space<vmem>>, vector<1x16xf32>,
    %get3A_3042 = vector.shape_cast %get3A_3041 : vector<1x16xf32> to vector<16xf32>
    %get3A_3043 = arith.constant 15 : i32
    %get3A_3044 = arith.index_cast %get3A_3043 : i32 to index
    %get3A_3045 = arith.constant 48 : index
    %get3A_3046 = tpu.vector_load %arg10[%get3A_3044, %get3A_3045] {strides = array<i32>} : memref<16x64xf32, #tpu.memory_space<vmem>>, vector<1x16xf32>,
    %get3A_3047 = vector.shape_cast %get3A_3046 : vector<1x16xf32> to vector<16xf32>
    %get3A_3048 = arith.constant 48 : index
    %get3A_3049 = tpu.vector_load %arg11[%get3A_3048] {strides = array<i32>} : memref<64xf32, #tpu.memory_space<vmem>>, vector<16xf32>,
    %get3A_3050 = vector.shape_cast %get3A_3049 : vector<16xf32> to vector<16xf32>
    %get3A_3051 = arith.constant 48 : index
    %get3A_3052 = tpu.vector_load %arg12[%get3A_3051] {strides = array<i32>} : memref<64xf32, #tpu.memory_space<vmem>>, vector<16xf32>,
    %get3A_3053 = vector.shape_cast %get3A_3052 : vector<16xf32> to vector<16xf32>
    %sub3A_3054 = arith.subf %get3A_3050, %get3A_3042 : vector<16xf32>
    %max3A_3055 = arith.constant 0.000000e+00 : f32
    %max3A_3056 = vector.broadcast %max3A_3055 : f32 to vector<16xf32>
    %max3A_3057 = arith.maximumf %sub3A_3054, %max3A_3056 : vector<16xf32>
    %sub3A_3058 = arith.subf %get3A_3047, %get3A_3053 : vector<16xf32>
    %max3A_3059 = arith.constant 0.000000e+00 : f32
    %max3A_3060 = vector.broadcast %max3A_3059 : f32 to vector<16xf32>
    %max3A_3061 = arith.maximumf %sub3A_3058, %max3A_3060 : vector<16xf32>
    %add3A_3062 = arith.addf %max3A_3057, %max3A_3061 : vector<16xf32>
    %sub3A_3063 = arith.subf %get3A_3050, %get3A_3047 : vector<16xf32>
    %max3A_3064 = arith.constant 0.000000e+00 : f32
    %max3A_3065 = vector.broadcast %max3A_3064 : f32 to vector<16xf32>
    %max3A_3066 = arith.maximumf %sub3A_3063, %max3A_3065 : vector<16xf32>
    %add3A_3067 = arith.addf %add3A_3062, %max3A_3066 : vector<16xf32>
    %sub3A_3068 = arith.subf %get3A_3042, %get3A_3053 : vector<16xf32>
    %max3A_3069 = arith.constant 0.000000e+00 : f32
    %max3A_3070 = vector.broadcast %max3A_3069 : f32 to vector<16xf32>
    %max3A_3071 = arith.maximumf %sub3A_3068, %max3A_3070 : vector<16xf32>
    %add3A_3072 = arith.addf %add3A_3067, %max3A_3071 : vector<16xf32>
    %sub3A_3073 = arith.subf %get3A_3047, %get3A_3042 : vector<16xf32>
    %max3A_3074 = arith.constant 0.000000e+00 : f32
    %max3A_3075 = vector.broadcast %max3A_3074 : f32 to vector<16xf32>
    %max3A_3076 = arith.maximumf %sub3A_3073, %max3A_3075 : vector<16xf32>
    %sub3A_3077 = arith.subf %add3A_3072, %max3A_3076 : vector<16xf32>
    %get3A_3078 = arith.constant 0 : index
    %get3A_3079 = tpu.vector_load %arg13[%get3A_3078] {strides = array<i32>} : memref<16xf32, #tpu.memory_space<vmem>>, vector<16xf32>,
    %get3A_3080 = vector.shape_cast %get3A_3079 : vector<16xf32> to vector<16xf32>
    %add3A_3081 = arith.addf %get3A_3080, %sub3A_3077 : vector<16xf32>
    %swap3A_3082 = arith.constant 0 : index
    %swap3A_3083 = tpu.vector_load %arg13[%swap3A_3082] {strides = array<i32>} : memref<16xf32, #tpu.memory_space<vmem>>, vector<16xf32>,
    %swap3A_3084 = vector.shape_cast %swap3A_3083 : vector<16xf32> to vector<16xf32>
    %swap3A_3085 = vector.shape_cast %add3A_3081 : vector<16xf32> to vector<16xf32>
    tpu.vector_store %arg13[%swap3A_3082], %swap3A_3085 {strides = array<i32>} : memref<16xf32, #tpu.memory_space<vmem>>, vector<16xf32>,
    "tpu.region"() ({
      %run_scoped3A = tpu.sem_alloc : memref<!tpu.dma_semaphore, #tpu.memory_space<semaphore_mem>>
      %dma_start3A_3086 = arith.constant 0 : i32
      %dma_start3A_3087 = tpu.memref_slice %arg7[%add3A, %dma_start3A_3086] : memref<32x16xf32, #tpu.memory_space<hbm>> -> memref<1x16xf32, #tpu.memory_space<hbm>>
      %dma_start3A_3088 = tpu.memref_squeeze %dma_start3A_3087 : memref<1x16xf32, #tpu.memory_space<hbm>> -> memref<16xf32, #tpu.memory_space<hbm>>
      %dma_start3A_3089 = arith.constant 0 : i32
      %dma_start3A_3090 = tpu.memref_slice %arg7[%add3A, %dma_start3A_3089] : memref<32x16xf32, #tpu.memory_space<hbm>> -> memref<1x16xf32, #tpu.memory_space<hbm>>
      %dma_start3A_3091 = tpu.memref_squeeze %dma_start3A_3090 : memref<1x16xf32, #tpu.memory_space<hbm>> -> memref<16xf32, #tpu.memory_space<hbm>>
      tpu.enqueue_dma source(%arg13 : memref<16xf32, #tpu.memory_space<vmem>>) target(%dma_start3A_3091 : memref<16xf32, #tpu.memory_space<hbm>>) target_semaphore(%run_scoped3A : memref<!tpu.dma_semaphore, #tpu.memory_space<semaphore_mem>>)
      %dma_wait3A_3092 = arith.constant 0 : i32
      %dma_wait3A_3093 = tpu.memref_slice %arg7[%add3A, %dma_wait3A_3092] : memref<32x16xf32, #tpu.memory_space<hbm>> -> memref<1x16xf32, #tpu.memory_space<hbm>>
      %dma_wait3A_3094 = tpu.memref_squeeze %dma_wait3A_3093 : memref<1x16xf32, #tpu.memory_space<hbm>> -> memref<16xf32, #tpu.memory_space<hbm>>
      %dma_wait3A_3095 = arith.constant 0 : i32
      %dma_wait3A_3096 = tpu.memref_slice %arg7[%add3A, %dma_wait3A_3095] : memref<32x16xf32, #tpu.memory_space<hbm>> -> memref<1x16xf32, #tpu.memory_space<hbm>>
      %dma_wait3A_3097 = tpu.memref_squeeze %dma_wait3A_3096 : memref<1x16xf32, #tpu.memory_space<hbm>> -> memref<16xf32, #tpu.memory_space<hbm>>
      tpu.wait_dma2 semaphore(%run_scoped3A : memref<!tpu.dma_semaphore, #tpu.memory_space<semaphore_mem>>) src(%arg13 : memref<16xf32, #tpu.memory_space<vmem>>) dst(%dma_wait3A_3097 : memref<16xf32, #tpu.memory_space<hbm>>)
      tpu.yield
    }) : () -> ()
    return
  }
}

module attributes {stable_mosaic.version = 14 : i64} {
  func.func @_pair_body(%arg0: i32, %arg1: memref<8192x64xf32, #tpu.memory_space<vmem>>, %arg2: memref<8192x64xf32, #tpu.memory_space<vmem>>, %arg3: memref<512xi32, #tpu.memory_space<smem>>, %arg4: memref<1x1xf32, #tpu.memory_space<vmem>>, %arg5: memref<512x64xf32, #tpu.memory_space<vmem>>, %arg6: memref<512x64xf32, #tpu.memory_space<vmem>>, %arg7: memref<64x512xf32, #tpu.memory_space<vmem>>, %arg8: memref<64x512xf32, #tpu.memory_space<vmem>>, %arg9: memref<64x512xf32, #tpu.memory_space<vmem>>) attributes {dimension_semantics = [#tpu.dimension_semantics<arbitrary>], iteration_bounds = array<i64: 16>, scalar_prefetch = 0 : i64, scratch_operands = 5 : i64, tpu.core_type = #tpu.core_type<tc>, window_params = [{pipeline_mode = #tpu.pipeline_mode<synchronous>, transform_indices = @transform_0, window_bounds = array<i64: 8192, 64>}, {pipeline_mode = #tpu.pipeline_mode<synchronous>, transform_indices = @transform_1, window_bounds = array<i64: 8192, 64>}, {transform_indices = @transform_2, window_bounds = array<i64: 512>}, {pipeline_mode = #tpu.pipeline_mode<synchronous>, transform_indices = @transform_3, window_bounds = array<i64: 1, 1>}]} {
    %eq3A = arith.constant 0 : i32
    %eq3A_0 = arith.cmpi eq, %arg0, %eq3A : i32
    %convert_element_type3A = arith.extui %eq3A_0 : i1 to i32
    %cond3A = arith.constant 0 : i32
    %cond3A_1 = arith.cmpi ne, %convert_element_type3A, %cond3A : i32
    scf.if %cond3A_1 {
      %scan3A = arith.constant 0 : i32
      %scan3A_37 = arith.constant 512 : i32
      %scan3A_38 = arith.addi %scan3A, %scan3A_37 : i32
      %scan3A_39 = arith.constant 8 : i32
      scf.for %scan3A_59 = %scan3A to %scan3A_38 step %scan3A_39  : i32 {
        %get3A_60 = arith.index_cast %scan3A_59 : i32 to index
        %get3A_61 = memref.load %arg3[%get3A_60] : memref<512xi32, #tpu.memory_space<smem>>
        %get3A_62 = arith.index_cast %get3A_61 : i32 to index
        %get3A_63 = arith.constant 0 : index
        %get3A_64 = vector.load %arg1[%get3A_62, %get3A_63] : memref<8192x64xf32, #tpu.memory_space<vmem>>, vector<1x64xf32>
        %swap3A_65 = arith.index_cast %scan3A_59 : i32 to index
        %swap3A_66 = arith.constant 0 : index
        %swap3A_67 = vector.load %arg5[%swap3A_65, %swap3A_66] : memref<512x64xf32, #tpu.memory_space<vmem>>, vector<1x64xf32>
        tpu.vector_store %arg5[%swap3A_65, %swap3A_66], %get3A_64 {strides = array<i32>} : memref<512x64xf32, #tpu.memory_space<vmem>>, vector<1x64xf32>,
        %get3A_68 = arith.index_cast %get3A_61 : i32 to index
        %get3A_69 = arith.constant 0 : index
        %get3A_70 = vector.load %arg2[%get3A_68, %get3A_69] : memref<8192x64xf32, #tpu.memory_space<vmem>>, vector<1x64xf32>
        %swap3A_71 = arith.index_cast %scan3A_59 : i32 to index
        %swap3A_72 = arith.constant 0 : index
        %swap3A_73 = vector.load %arg6[%swap3A_71, %swap3A_72] : memref<512x64xf32, #tpu.memory_space<vmem>>, vector<1x64xf32>
        tpu.vector_store %arg6[%swap3A_71, %swap3A_72], %get3A_70 {strides = array<i32>} : memref<512x64xf32, #tpu.memory_space<vmem>>, vector<1x64xf32>,
        %scan3A_74 = arith.constant 1 : i32
        %scan3A_75 = arith.addi %scan3A_59, %scan3A_74 : i32
        %get3A_76 = arith.index_cast %scan3A_75 : i32 to index
        %get3A_77 = memref.load %arg3[%get3A_76] : memref<512xi32, #tpu.memory_space<smem>>
        %get3A_78 = arith.index_cast %get3A_77 : i32 to index
        %get3A_79 = arith.constant 0 : index
        %get3A_80 = vector.load %arg1[%get3A_78, %get3A_79] : memref<8192x64xf32, #tpu.memory_space<vmem>>, vector<1x64xf32>
        %swap3A_81 = arith.index_cast %scan3A_75 : i32 to index
        %swap3A_82 = arith.constant 0 : index
        %swap3A_83 = vector.load %arg5[%swap3A_81, %swap3A_82] : memref<512x64xf32, #tpu.memory_space<vmem>>, vector<1x64xf32>
        tpu.vector_store %arg5[%swap3A_81, %swap3A_82], %get3A_80 {strides = array<i32>} : memref<512x64xf32, #tpu.memory_space<vmem>>, vector<1x64xf32>,
        %get3A_84 = arith.index_cast %get3A_77 : i32 to index
        %get3A_85 = arith.constant 0 : index
        %get3A_86 = vector.load %arg2[%get3A_84, %get3A_85] : memref<8192x64xf32, #tpu.memory_space<vmem>>, vector<1x64xf32>
        %swap3A_87 = arith.index_cast %scan3A_75 : i32 to index
        %swap3A_88 = arith.constant 0 : index
        %swap3A_89 = vector.load %arg6[%swap3A_87, %swap3A_88] : memref<512x64xf32, #tpu.memory_space<vmem>>, vector<1x64xf32>
        tpu.vector_store %arg6[%swap3A_87, %swap3A_88], %get3A_86 {strides = array<i32>} : memref<512x64xf32, #tpu.memory_space<vmem>>, vector<1x64xf32>,
        %scan3A_90 = arith.constant 2 : i32
        %scan3A_91 = arith.addi %scan3A_59, %scan3A_90 : i32
        %get3A_92 = arith.index_cast %scan3A_91 : i32 to index
        %get3A_93 = memref.load %arg3[%get3A_92] : memref<512xi32, #tpu.memory_space<smem>>
        %get3A_94 = arith.index_cast %get3A_93 : i32 to index
        %get3A_95 = arith.constant 0 : index
        %get3A_96 = vector.load %arg1[%get3A_94, %get3A_95] : memref<8192x64xf32, #tpu.memory_space<vmem>>, vector<1x64xf32>
        %swap3A_97 = arith.index_cast %scan3A_91 : i32 to index
        %swap3A_98 = arith.constant 0 : index
        %swap3A_99 = vector.load %arg5[%swap3A_97, %swap3A_98] : memref<512x64xf32, #tpu.memory_space<vmem>>, vector<1x64xf32>
        tpu.vector_store %arg5[%swap3A_97, %swap3A_98], %get3A_96 {strides = array<i32>} : memref<512x64xf32, #tpu.memory_space<vmem>>, vector<1x64xf32>,
        %get3A_100 = arith.index_cast %get3A_93 : i32 to index
        %get3A_101 = arith.constant 0 : index
        %get3A_102 = vector.load %arg2[%get3A_100, %get3A_101] : memref<8192x64xf32, #tpu.memory_space<vmem>>, vector<1x64xf32>
        %swap3A_103 = arith.index_cast %scan3A_91 : i32 to index
        %swap3A_104 = arith.constant 0 : index
        %swap3A_105 = vector.load %arg6[%swap3A_103, %swap3A_104] : memref<512x64xf32, #tpu.memory_space<vmem>>, vector<1x64xf32>
        tpu.vector_store %arg6[%swap3A_103, %swap3A_104], %get3A_102 {strides = array<i32>} : memref<512x64xf32, #tpu.memory_space<vmem>>, vector<1x64xf32>,
        %scan3A_106 = arith.constant 3 : i32
        %scan3A_107 = arith.addi %scan3A_59, %scan3A_106 : i32
        %get3A_108 = arith.index_cast %scan3A_107 : i32 to index
        %get3A_109 = memref.load %arg3[%get3A_108] : memref<512xi32, #tpu.memory_space<smem>>
        %get3A_110 = arith.index_cast %get3A_109 : i32 to index
        %get3A_111 = arith.constant 0 : index
        %get3A_112 = vector.load %arg1[%get3A_110, %get3A_111] : memref<8192x64xf32, #tpu.memory_space<vmem>>, vector<1x64xf32>
        %swap3A_113 = arith.index_cast %scan3A_107 : i32 to index
        %swap3A_114 = arith.constant 0 : index
        %swap3A_115 = vector.load %arg5[%swap3A_113, %swap3A_114] : memref<512x64xf32, #tpu.memory_space<vmem>>, vector<1x64xf32>
        tpu.vector_store %arg5[%swap3A_113, %swap3A_114], %get3A_112 {strides = array<i32>} : memref<512x64xf32, #tpu.memory_space<vmem>>, vector<1x64xf32>,
        %get3A_116 = arith.index_cast %get3A_109 : i32 to index
        %get3A_117 = arith.constant 0 : index
        %get3A_118 = vector.load %arg2[%get3A_116, %get3A_117] : memref<8192x64xf32, #tpu.memory_space<vmem>>, vector<1x64xf32>
        %swap3A_119 = arith.index_cast %scan3A_107 : i32 to index
        %swap3A_120 = arith.constant 0 : index
        %swap3A_121 = vector.load %arg6[%swap3A_119, %swap3A_120] : memref<512x64xf32, #tpu.memory_space<vmem>>, vector<1x64xf32>
        tpu.vector_store %arg6[%swap3A_119, %swap3A_120], %get3A_118 {strides = array<i32>} : memref<512x64xf32, #tpu.memory_space<vmem>>, vector<1x64xf32>,
        %scan3A_122 = arith.constant 4 : i32
        %scan3A_123 = arith.addi %scan3A_59, %scan3A_122 : i32
        %get3A_124 = arith.index_cast %scan3A_123 : i32 to index
        %get3A_125 = memref.load %arg3[%get3A_124] : memref<512xi32, #tpu.memory_space<smem>>
        %get3A_126 = arith.index_cast %get3A_125 : i32 to index
        %get3A_127 = arith.constant 0 : index
        %get3A_128 = vector.load %arg1[%get3A_126, %get3A_127] : memref<8192x64xf32, #tpu.memory_space<vmem>>, vector<1x64xf32>
        %swap3A_129 = arith.index_cast %scan3A_123 : i32 to index
        %swap3A_130 = arith.constant 0 : index
        %swap3A_131 = vector.load %arg5[%swap3A_129, %swap3A_130] : memref<512x64xf32, #tpu.memory_space<vmem>>, vector<1x64xf32>
        tpu.vector_store %arg5[%swap3A_129, %swap3A_130], %get3A_128 {strides = array<i32>} : memref<512x64xf32, #tpu.memory_space<vmem>>, vector<1x64xf32>,
        %get3A_132 = arith.index_cast %get3A_125 : i32 to index
        %get3A_133 = arith.constant 0 : index
        %get3A_134 = vector.load %arg2[%get3A_132, %get3A_133] : memref<8192x64xf32, #tpu.memory_space<vmem>>, vector<1x64xf32>
        %swap3A_135 = arith.index_cast %scan3A_123 : i32 to index
        %swap3A_136 = arith.constant 0 : index
        %swap3A_137 = vector.load %arg6[%swap3A_135, %swap3A_136] : memref<512x64xf32, #tpu.memory_space<vmem>>, vector<1x64xf32>
        tpu.vector_store %arg6[%swap3A_135, %swap3A_136], %get3A_134 {strides = array<i32>} : memref<512x64xf32, #tpu.memory_space<vmem>>, vector<1x64xf32>,
        %scan3A_138 = arith.constant 5 : i32
        %scan3A_139 = arith.addi %scan3A_59, %scan3A_138 : i32
        %get3A_140 = arith.index_cast %scan3A_139 : i32 to index
        %get3A_141 = memref.load %arg3[%get3A_140] : memref<512xi32, #tpu.memory_space<smem>>
        %get3A_142 = arith.index_cast %get3A_141 : i32 to index
        %get3A_143 = arith.constant 0 : index
        %get3A_144 = vector.load %arg1[%get3A_142, %get3A_143] : memref<8192x64xf32, #tpu.memory_space<vmem>>, vector<1x64xf32>
        %swap3A_145 = arith.index_cast %scan3A_139 : i32 to index
        %swap3A_146 = arith.constant 0 : index
        %swap3A_147 = vector.load %arg5[%swap3A_145, %swap3A_146] : memref<512x64xf32, #tpu.memory_space<vmem>>, vector<1x64xf32>
        tpu.vector_store %arg5[%swap3A_145, %swap3A_146], %get3A_144 {strides = array<i32>} : memref<512x64xf32, #tpu.memory_space<vmem>>, vector<1x64xf32>,
        %get3A_148 = arith.index_cast %get3A_141 : i32 to index
        %get3A_149 = arith.constant 0 : index
        %get3A_150 = vector.load %arg2[%get3A_148, %get3A_149] : memref<8192x64xf32, #tpu.memory_space<vmem>>, vector<1x64xf32>
        %swap3A_151 = arith.index_cast %scan3A_139 : i32 to index
        %swap3A_152 = arith.constant 0 : index
        %swap3A_153 = vector.load %arg6[%swap3A_151, %swap3A_152] : memref<512x64xf32, #tpu.memory_space<vmem>>, vector<1x64xf32>
        tpu.vector_store %arg6[%swap3A_151, %swap3A_152], %get3A_150 {strides = array<i32>} : memref<512x64xf32, #tpu.memory_space<vmem>>, vector<1x64xf32>,
        %scan3A_154 = arith.constant 6 : i32
        %scan3A_155 = arith.addi %scan3A_59, %scan3A_154 : i32
        %get3A_156 = arith.index_cast %scan3A_155 : i32 to index
        %get3A_157 = memref.load %arg3[%get3A_156] : memref<512xi32, #tpu.memory_space<smem>>
        %get3A_158 = arith.index_cast %get3A_157 : i32 to index
        %get3A_159 = arith.constant 0 : index
        %get3A_160 = vector.load %arg1[%get3A_158, %get3A_159] : memref<8192x64xf32, #tpu.memory_space<vmem>>, vector<1x64xf32>
        %swap3A_161 = arith.index_cast %scan3A_155 : i32 to index
        %swap3A_162 = arith.constant 0 : index
        %swap3A_163 = vector.load %arg5[%swap3A_161, %swap3A_162] : memref<512x64xf32, #tpu.memory_space<vmem>>, vector<1x64xf32>
        tpu.vector_store %arg5[%swap3A_161, %swap3A_162], %get3A_160 {strides = array<i32>} : memref<512x64xf32, #tpu.memory_space<vmem>>, vector<1x64xf32>,
        %get3A_164 = arith.index_cast %get3A_157 : i32 to index
        %get3A_165 = arith.constant 0 : index
        %get3A_166 = vector.load %arg2[%get3A_164, %get3A_165] : memref<8192x64xf32, #tpu.memory_space<vmem>>, vector<1x64xf32>
        %swap3A_167 = arith.index_cast %scan3A_155 : i32 to index
        %swap3A_168 = arith.constant 0 : index
        %swap3A_169 = vector.load %arg6[%swap3A_167, %swap3A_168] : memref<512x64xf32, #tpu.memory_space<vmem>>, vector<1x64xf32>
        tpu.vector_store %arg6[%swap3A_167, %swap3A_168], %get3A_166 {strides = array<i32>} : memref<512x64xf32, #tpu.memory_space<vmem>>, vector<1x64xf32>,
        %scan3A_170 = arith.constant 7 : i32
        %scan3A_171 = arith.addi %scan3A_59, %scan3A_170 : i32
        %get3A_172 = arith.index_cast %scan3A_171 : i32 to index
        %get3A_173 = memref.load %arg3[%get3A_172] : memref<512xi32, #tpu.memory_space<smem>>
        %get3A_174 = arith.index_cast %get3A_173 : i32 to index
        %get3A_175 = arith.constant 0 : index
        %get3A_176 = vector.load %arg1[%get3A_174, %get3A_175] : memref<8192x64xf32, #tpu.memory_space<vmem>>, vector<1x64xf32>
        %swap3A_177 = arith.index_cast %scan3A_171 : i32 to index
        %swap3A_178 = arith.constant 0 : index
        %swap3A_179 = vector.load %arg5[%swap3A_177, %swap3A_178] : memref<512x64xf32, #tpu.memory_space<vmem>>, vector<1x64xf32>
        tpu.vector_store %arg5[%swap3A_177, %swap3A_178], %get3A_176 {strides = array<i32>} : memref<512x64xf32, #tpu.memory_space<vmem>>, vector<1x64xf32>,
        %get3A_180 = arith.index_cast %get3A_173 : i32 to index
        %get3A_181 = arith.constant 0 : index
        %get3A_182 = vector.load %arg2[%get3A_180, %get3A_181] : memref<8192x64xf32, #tpu.memory_space<vmem>>, vector<1x64xf32>
        %swap3A_183 = arith.index_cast %scan3A_171 : i32 to index
        %swap3A_184 = arith.constant 0 : index
        %swap3A_185 = vector.load %arg6[%swap3A_183, %swap3A_184] : memref<512x64xf32, #tpu.memory_space<vmem>>, vector<1x64xf32>
        tpu.vector_store %arg6[%swap3A_183, %swap3A_184], %get3A_182 {strides = array<i32>} : memref<512x64xf32, #tpu.memory_space<vmem>>, vector<1x64xf32>,
      }
      %scan3A_40 = arith.constant 512 : i32
      %get3A_41 = arith.constant 0 : index
      %get3A_42 = arith.constant 0 : index
      %get3A_43 = vector.load %arg5[%get3A_41, %get3A_42] : memref<512x64xf32, #tpu.memory_space<vmem>>, vector<512x64xf32>
      %transpose3A = tpu.transpose %get3A_43, [1, 0] : vector<512x64xf32> -> vector<64x512xf32>
      %swap3A_44 = arith.constant 0 : index
      %swap3A_45 = arith.constant 0 : index
      %swap3A_46 = vector.load %arg7[%swap3A_44, %swap3A_45] : memref<64x512xf32, #tpu.memory_space<vmem>>, vector<64x512xf32>
      tpu.vector_store %arg7[%swap3A_44, %swap3A_45], %transpose3A {strides = array<i32>} : memref<64x512xf32, #tpu.memory_space<vmem>>, vector<64x512xf32>,
      %get3A_47 = arith.constant 0 : index
      %get3A_48 = arith.constant 0 : index
      %get3A_49 = vector.load %arg6[%get3A_47, %get3A_48] : memref<512x64xf32, #tpu.memory_space<vmem>>, vector<512x64xf32>
      %transpose3A_50 = tpu.transpose %get3A_49, [1, 0] : vector<512x64xf32> -> vector<64x512xf32>
      %swap3A_51 = arith.constant 0 : index
      %swap3A_52 = arith.constant 0 : index
      %swap3A_53 = vector.load %arg8[%swap3A_51, %swap3A_52] : memref<64x512xf32, #tpu.memory_space<vmem>>, vector<64x512xf32>
      tpu.vector_store %arg8[%swap3A_51, %swap3A_52], %transpose3A_50 {strides = array<i32>} : memref<64x512xf32, #tpu.memory_space<vmem>>, vector<64x512xf32>,
      %broadcast_in_dim3A_54 = arith.constant 0.000000e+00 : f32
      %broadcast_in_dim3A_55 = vector.broadcast %broadcast_in_dim3A_54 : f32 to vector<64x512xf32>
      %swap3A_56 = arith.constant 0 : index
      %swap3A_57 = arith.constant 0 : index
      %swap3A_58 = vector.load %arg9[%swap3A_56, %swap3A_57] : memref<64x512xf32, #tpu.memory_space<vmem>>, vector<64x512xf32>
      tpu.vector_store %arg9[%swap3A_56, %swap3A_57], %broadcast_in_dim3A_55 {strides = array<i32>} : memref<64x512xf32, #tpu.memory_space<vmem>>, vector<64x512xf32>,
    } else {
    }
    %mul3A = arith.constant 32 : i32
    %mul3A_2 = arith.muli %arg0, %mul3A : i32
    %get3A = arith.index_cast %mul3A_2 : i32 to index
    %get3A_3 = arith.constant 0 : index
    %get3A_4 = vector.load %arg5[%get3A, %get3A_3] : memref<512x64xf32, #tpu.memory_space<vmem>>, vector<32x64xf32>
    %mul3A_5 = arith.constant 32 : i32
    %mul3A_6 = arith.muli %arg0, %mul3A_5 : i32
    %get3A_7 = arith.index_cast %mul3A_6 : i32 to index
    %get3A_8 = arith.constant 0 : index
    %get3A_9 = vector.load %arg6[%get3A_7, %get3A_8] : memref<512x64xf32, #tpu.memory_space<vmem>>, vector<32x64xf32>
    %broadcast_in_dim3A = vector.shape_cast %get3A_4 : vector<32x64xf32> to vector<32x64x1xf32>
    %broadcast_in_dim3A_10 = vector.shape_cast %get3A_9 : vector<32x64xf32> to vector<32x64x1xf32>
    %get3A_11 = arith.constant 0 : index
    %get3A_12 = arith.constant 0 : index
    %get3A_13 = vector.load %arg7[%get3A_11, %get3A_12] : memref<64x512xf32, #tpu.memory_space<vmem>>, vector<64x512xf32>
    %broadcast_in_dim3A_14 = vector.shape_cast %get3A_13 : vector<64x512xf32> to vector<1x64x512xf32>
    %get3A_15 = arith.constant 0 : index
    %get3A_16 = arith.constant 0 : index
    %get3A_17 = vector.load %arg8[%get3A_15, %get3A_16] : memref<64x512xf32, #tpu.memory_space<vmem>>, vector<64x512xf32>
    %broadcast_in_dim3A_18 = vector.shape_cast %get3A_17 : vector<64x512xf32> to vector<1x64x512xf32>
    %min3A = vector.broadcast %broadcast_in_dim3A_10 : vector<32x64x1xf32> to vector<32x64x512xf32>
    %min3A_19 = vector.broadcast %broadcast_in_dim3A_18 : vector<1x64x512xf32> to vector<32x64x512xf32>
    %min3A_20 = arith.minimumf %min3A, %min3A_19 : vector<32x64x512xf32>
    %max3A = vector.broadcast %broadcast_in_dim3A : vector<32x64x1xf32> to vector<32x64x512xf32>
    %max3A_21 = vector.broadcast %broadcast_in_dim3A_14 : vector<1x64x512xf32> to vector<32x64x512xf32>
    %max3A_22 = arith.maximumf %max3A, %max3A_21 : vector<32x64x512xf32>
    %sub3A = arith.subf %min3A_20, %max3A_22 : vector<32x64x512xf32>
    %max3A_23 = arith.constant 0.000000e+00 : f32
    %max3A_24 = vector.broadcast %max3A_23 : f32 to vector<32x64x512xf32>
    %max3A_25 = arith.maximumf %sub3A, %max3A_24 : vector<32x64x512xf32>
    %get3A_26 = arith.constant 0 : index
    %get3A_27 = arith.constant 0 : index
    %get3A_28 = vector.load %arg9[%get3A_26, %get3A_27] : memref<64x512xf32, #tpu.memory_space<vmem>>, vector<64x512xf32>
    %reduce_sum3A = arith.constant dense<0.000000e+00> : vector<64x512xf32>
    %reduce_sum3A_29 = vector.multi_reduction <add>, %max3A_25, %reduce_sum3A [0] : vector<32x64x512xf32> to vector<64x512xf32>
    %add3A = arith.addf %get3A_28, %reduce_sum3A_29 : vector<64x512xf32>
    %swap3A = arith.constant 0 : index
    %swap3A_30 = arith.constant 0 : index
    %swap3A_31 = vector.load %arg9[%swap3A, %swap3A_30] : memref<64x512xf32, #tpu.memory_space<vmem>>, vector<64x512xf32>
    tpu.vector_store %arg9[%swap3A, %swap3A_30], %add3A {strides = array<i32>} : memref<64x512xf32, #tpu.memory_space<vmem>>, vector<64x512xf32>,
    %eq3A_32 = arith.constant 15 : i32
    %eq3A_33 = arith.cmpi eq, %arg0, %eq3A_32 : i32
    %convert_element_type3A_34 = arith.extui %eq3A_33 : i1 to i32
    %cond3A_35 = arith.constant 0 : i32
    %cond3A_36 = arith.cmpi ne, %convert_element_type3A_34, %cond3A_35 : i32
    scf.if %cond3A_36 {
      %get3A_37 = arith.constant 0 : index
      %get3A_38 = arith.constant 0 : index
      %get3A_39 = vector.load %arg9[%get3A_37, %get3A_38] : memref<64x512xf32, #tpu.memory_space<vmem>>, vector<64x512xf32>
      %reduce_sum3A_40 = vector.shape_cast %get3A_39 : vector<64x512xf32> to vector<1x64x512xf32>
      %reduce_sum3A_41 = arith.constant dense<0.000000e+00> : vector<1xf32>
      %reduce_sum3A_42 = vector.multi_reduction <add>, %reduce_sum3A_40, %reduce_sum3A_41 [1, 2] : vector<1x64x512xf32> to vector<1xf32>
      %reduce_sum3A_43 = vector.shape_cast %reduce_sum3A_42 : vector<1xf32> to vector<1x1x1xf32>
      %reduce_sum3A_44 = vector.extract %reduce_sum3A_43[0, 0, 0] : f32 from vector<1x1x1xf32>
      %broadcast_in_dim3A_45 = vector.broadcast %reduce_sum3A_44 : f32 to vector<1x1xf32>
      %swap3A_46 = arith.constant 0 : index
      %swap3A_47 = arith.constant 0 : index
      %swap3A_48 = vector.load %arg4[%swap3A_46, %swap3A_47] : memref<1x1xf32, #tpu.memory_space<vmem>>, vector<1x1xf32>
      tpu.vector_store %arg4[%swap3A_46, %swap3A_47], %broadcast_in_dim3A_45 {strides = array<i32>} : memref<1x1xf32, #tpu.memory_space<vmem>>, vector<1x1xf32>,
    } else {
    }
    return
  }
  func.func @transform_0(%arg0: i32) -> (i32, i32) {
    %c0_i32 = arith.constant 0 : i32
    %c0_i32_0 = arith.constant 0 : i32
    %c0_i32_1 = arith.constant 0 : i32
    return %c0_i32, %c0_i32_0 : i32, i32
  }
  func.func @transform_1(%arg0: i32) -> (i32, i32) {
    %c0_i32 = arith.constant 0 : i32
    %c0_i32_0 = arith.constant 0 : i32
    %c0_i32_1 = arith.constant 0 : i32
    return %c0_i32, %c0_i32_0 : i32, i32
  }
  func.func @transform_2(%arg0: i32) -> i32 {
    %c0_i32 = arith.constant 0 : i32
    %c0_i32_0 = arith.constant 0 : i32
    return %c0_i32 : i32
  }
  func.func @transform_3(%arg0: i32) -> (i32, i32) {
    %c0_i32 = arith.constant 0 : i32
    %c0_i32_0 = arith.constant 0 : i32
    %c0_i32_1 = arith.constant 0 : i32
    return %c0_i32, %c0_i32_0 : i32, i32
  }
}

</mosaic_0001>

<sc_bundles>
// kernel: kernel.4.cloned.1.call-start
scs
__scs_entry_jumppad:
0x0: {  	(pc) =	sbr.rel $0x88, $3  }
0x1: {  	(tag) =	ssettag $0x0;
	lr =	simm.s32 $0x1  }
0x2: {  	[smem:$0x3F9C] =	sst lr;
	_ =	strace $0xD0000000  }
0x3: {  	_ = 	snop  }
0x4: {  	_ = 	snop  }
0x5: {  	_ = 	snop  }
0x6: {  	_ = 	snop  }
0x7: {  	_ = 	snop  }
__scs_overlays_trampoline_lowered:
0x8: {  	[smem:$0x3FAB] =	sst s0  }
0x9: {  	[smem:$0x3FAC] =	sst s1  }
0xa: {  	[smem:$0x3FAD] =	sst s2  }
0xb: {  	[smem:$0x3FAE] =	sst s3  }
0xc: {  	[smem:$0x3FAF] =	sst s4  }
0xd: {  	[smem:$0x3FB0] =	sst s5  }
0xe: {  	[smem:$0x3FB1] =	sst s6  }
0xf: {  	[smem:$0x3FB2] =	sst s7  }
0x10: {  	[smem:$0x3FB3] =	sst s8  }
0x11: {  	[smem:$0x3FB4] =	sst s9;
	s0 =	simm.s32 @!p0 $0x0  }
0x12: {  	s1 =	sld [smem:$0x3F9A];
	s0 =	simm.s32 @p0 $0x1  }
0x13: {  	[smem:$0x3FB5] =	sst s0;
	s0 =	simm.s32 @!p1 $0x0  }
0x14: {  	s2 =	sld [smem:$0x3F99];
	s0 =	simm.s32 @p1 $0x1  }
0x15: {  	[smem:$0x3FB6] =	sst s0;
	s0 =	simm.s32 @!p2 $0x0  }
0x16: {  	s3 =	sld [smem:$0x3FDB];
	s0 =	simm.s32 @p2 $0x1  }
0x17: {  	s4 =	simm.s32 $0x1BF5;
	[smem:$0x3FB8] =	sst s0  }
0x18: {  	s0 =	sld [smem:$0x3F9B];
	_ =	swait.ge [sflag:s4], $0x0  }
0x19: {  	s7 =	sld [smem:$0x3F9C]  }
0x1a: {  	s8 =	sadd.s32 $0xFFFFE003, lr  }
0x1b: {  	s9 =	sadd.s32 $0xFFFFFEF7, lr;
	s5 =	simm.s32 $0xFFFFFFFF;
	p2 =	slt.u32 s8, $0xFFFFF086  }
0x1c: {  	p1 =	slt.u32 s9, $0xF7A;
	s5 =	simm.s32 @!p2 $0x0  }
0x1d: {  	s5 =	simm.s32 @p1 $0x1;
	p0 =	seq.s32 s7, s2  }
0x1e: {  	s7 =	smul.u32 @!p0 $0xF7A, s2;
	p2 =	seq.s32 @!p0 s5, $0x0  }
0x1f: {  	s9 =	smul.u32 $0xF7A, s1;
	s8 =	simm.s32 @!p0 $0x1BF5;
	p2 =	por !p2, p0  }
0x20: {  	[sflag:s8] =	ssyncset.s32 @!p0 $0xFFFFF086;
	s6 =	sadd.s32 @!p0 s3, s7;
	s7 =	simm.s32 @!p0 $0x108  }
0x21: {  	s3 =	sadd.s32 s3, s9;
	s6 =	sadd.s32 @!p0 $0x88, s6;
	s7 =	simm.s32 @p2 $0x1082  }
0x22: {  	[simem:s7], [sflag:s8] =	dma.local @!p0 [hbm:s6], $0xF7A  }
0x23: {  	s9 =	sor.u32 $0xD0000000, s2;
	s6 =	simm.s32 $0x108;
	_ =	swait.ge @!p0 [sflag:s8], $0x0  }
0x24: {  	s3 =	sadd.s32 $0x88, s3;
	s6 =	simm.s32 @!p1 $0x1082;
	[sflag:s4] =	ssyncset.s32 $0xFFFFF086  }
0x25: {  	[simem:s6], [sflag:s4] =	dma.local [hbm:s3], $0xF7A  }
0x26: {  	[smem:$0x3F9C] =	sst s1;
	(tag) =	ssettag s2;
	_ =	strace s9  }
0x27: {  	s1 =	sld [smem:$0x3FAC]  }
0x28: {  	s2 =	sld [smem:$0x3FAD]  }
0x29: {  	s4 =	sld [smem:$0x3FAF]  }
0x2a: {  	p0 =	seq.s32 s5, $0x0;
	s5 =	sld [smem:$0x3FB0]  }
0x2b: {  	s6 =	sld [smem:$0x3FB1]  }
0x2c: {  	s7 =	sld [smem:$0x3FB2]  }
0x2d: {  	s3 =	simm.s32 $0x108;
	s8 =	sld [smem:$0x3FB3]  }
0x2e: {  	s3 =	simm.s32 @!p0 $0x1082;
	s9 =	sld [smem:$0x3FB4]  }
0x2f: {  	lr =	sadd.s32 s0, s3;
	s0 =	sld [smem:$0x3FAB]  }
0x30: {  	s3 =	sld [smem:$0x3FAE]  }
0x31: {  	[smem:$0x3FB7] =	sst s10  }
0x32: {  	s10 =	sld [smem:$0x3FB5];
	_ =	sdelay $0x3  }
0x33: {  	p0 =	seq.s32 s10, $0x1;
	s10 =	sld [smem:$0x3FB7];
	_ =	sdelay $0x3  }
0x34: {  	[smem:$0x3FB7] =	sst s10  }
0x35: {  	s10 =	sld [smem:$0x3FB6];
	_ =	sdelay $0x3  }
0x36: {  	p1 =	seq.s32 s10, $0x1;
	s10 =	sld [smem:$0x3FB7];
	_ =	sdelay $0x3  }
0x37: {  	[smem:$0x3FB7] =	sst s10  }
0x38: {  	s10 =	sld [smem:$0x3FB8]  }
0x39: {  	_ = 	snop;
	(pc) =	sbr.ind lr, $3  }
0x3a: {  	_ = 	snop  }
0x3b: {  	_ = 	snop  }
0x3c: {  	p2 =	seq.s32 s10, $0x1;
	s10 =	sld [smem:$0x3FB7]  }
0x3d: {  	_ =	shalt  }
0x3e: {  	_ =	shalt  }
0x3f: {  	_ =	shalt  }
0x40: {  	_ =	shalt  }
0x41: {  	_ =	shalt  }
0x42: {  	_ =	shalt  }
0x43: {  	_ =	shalt  }
0x44: {  	_ =	shalt  }
0x45: {  	_ =	shalt  }
0x46: {  	_ =	shalt  }
0x47: {  	_ =	shalt  }
0x48: {  	_ =	shalt  }
0x49: {  	_ =	shalt  }
0x4a: {  	_ =	shalt  }
0x4b: {  	_ =	shalt  }
0x4c: {  	_ =	shalt  }
0x4d: {  	_ =	shalt  }
0x4e: {  	_ =	shalt  }
0x4f: {  	_ =	shalt  }
0x50: {  	_ =	shalt  }
0x51: {  	_ =	shalt  }
0x52: {  	_ =	shalt  }
0x53: {  	_ =	shalt  }
0x54: {  	_ =	shalt  }
0x55: {  	_ =	shalt  }
0x56: {  	_ =	shalt  }
0x57: {  	_ =	shalt  }
0x58: {  	_ =	shalt  }
0x59: {  	_ =	shalt  }
0x5a: {  	_ =	shalt  }
0x5b: {  	_ =	shalt  }
0x5c: {  	_ =	shalt  }
0x5d: {  	_ =	shalt  }
0x5e: {  	_ =	shalt  }
0x5f: {  	_ =	shalt  }
0x60: {  	_ =	shalt  }
0x61: {  	_ =	shalt  }
0x62: {  	_ =	shalt  }
0x63: {  	_ =	shalt  }
0x64: {  	_ =	shalt  }
0x65: {  	_ =	shalt  }
0x66: {  	_ =	shalt  }
0x67: {  	_ =	shalt  }
0x68: {  	_ =	shalt  }
0x69: {  	_ =	shalt  }
0x6a: {  	_ =	shalt  }
0x6b: {  	_ =	shalt  }
0x6c: {  	_ =	shalt  }
0x6d: {  	_ =	shalt  }
0x6e: {  	_ =	shalt  }
0x6f: {  	_ =	shalt  }
0x70: {  	_ =	shalt  }
0x71: {  	_ =	shalt  }
0x72: {  	_ =	shalt  }
0x73: {  	_ =	shalt  }
0x74: {  	_ =	shalt  }
0x75: {  	_ =	shalt  }
0x76: {  	_ =	shalt  }
0x77: {  	_ =	shalt  }
0x78: {  	_ =	shalt  }
0x79: {  	_ =	shalt  }
0x7a: {  	_ =	shalt  }
0x7b: {  	_ =	shalt  }
0x7c: {  	_ =	shalt  }
0x7d: {  	_ =	shalt  }
0x7e: {  	_ =	shalt  }
0x7f: {  	_ =	shalt  }
0x80: {  	_ =	shalt  }
0x81: {  	_ =	shalt  }
0x82: {  	_ =	shalt  }
0x83: {  	_ =	shalt  }
0x84: {  	_ =	shalt  }
0x85: {  	_ =	shalt  }
0x86: {  	_ =	shalt  }
0x87: {  	_ =	shalt  }
.Lfunc_end0:
.L_simem_size_0:
called_computation_lowered:
.L_overlay_start_0:
0x88: {  	s2 =	sld [smem:$0x3FD9]  }
0x89: {  	s3 =	sld [smem:$0x3FFE];
	_ =	sdelay $0x1  }
0x8a: {  	s1 =	srdreg.scid  }
0x8b: {  	s0 =	sand.u32 $0x1, s1  }
0x8c: {  	s17 =	sshll.u32 s0, $0xA;
	s2 =	sadd.s32 s3, s2  }
0x8d: {  	s2 =	sadd.s32 s2, s17  }
0x8e: {  	[smem:$0x3FC3] =	sst s2  }
0x8f: {  	_ = 	snop  }
0x90: {  	s2 =	sld [smem:$0x3FC9]  }
0x91: {  	s18 =	sld [smem:$0x3FC6]  }
0x92: {  	s4 =	sld [smem:$0x3FC5];
	(tm) =	ssettm $0x1  }
0x93: {  	s5 =	sld [smem:$0x3FFB];
	_ =	sdelay $0x3  }
0x94: {  	_ =	strace s5  }
0x95: {  	s5 =	sld [smem:$0x3FFC];
	_ =	sdelay $0x3  }
0x96: {  	_ =	strace s5  }
0x97: {  	s5 =	sld [smem:$0x3FFD];
	_ =	sdelay $0x3  }
0x98: {  	_ =	strace s5  }
0x99: {  	_ =	strace $0x8FFFFFFF  }
0x9a: {  	s19 =	sld [smem:$0x3FDB];
	_ =	sdelay $0x1  }
0x9b: {  	s6 =	simm.s32 $_scs_section_size  }
0x9c: {  	s7 =	simm.s32 $_size__tile_overlayer_lowered;
	s8 =	simm.s32 $_tile_overlayer_lowered  }
0x9d: {  	s22 =	simm.s32 $0x1BFF;
	s21 =	sshll.u32 s8, $0x1;
	s5 =	sadd.s32 s6, s19  }
0x9e: {  	s9 =	simm.s32 $0x0;
	s20 =	sshll.u32 s7, $0x1;
	s7 =	sadd.s32 s21, s5  }
0x9f: {  	[timem:s9], [sflag:s22] =	dma.local [hbm:s7], s20  }
0xa0: {  	_ =	swait.ge [sflag:s22], s20  }
0xa1: {  	s6 =	ssub.s32 $0x0, s20;
	[sflag:s22] =	ssyncset.done $0x0  }
0xa2: {  	[sflag:s22] =	ssyncadd.s32 s6;
	_ =	sdelay $0x1  }
0xa3: {  	s23 =	simm.s32 $0x1B8B  }
0xa4: {  	_ =	swait.ge [sflag:s23], $0x1  }
0xa5: {  	[sflag:s23] =	ssyncset.done $0x0  }
0xa6: {  	s25 =	simm.s32 $0x1B8E;
	s24 =	sld [smem:$0x3FFE];
	[sflag:s23] =	ssyncadd.s32 $0xFFFFFFFF  }
0xa7: {  	s26 =	simm.s32 $execute0_lowered;
	[smem:$0x3FD2] =	sst s25  }
0xa8: {  	s7 =	sshll.u32 s26, $0x1;
	_ =	strace $0x80000046;
	[dreg:$0x1] =	wrdreg $0xFFFFFFFF  }
0xa9: {  	s28 =	simm.s32 $_size_execute0_lowered;
	s5 =	sadd.s32 s5, s7;
	[dreg:$0x0] =	wrdreg $0x0  }
0xaa: {  	s7 =	sshll.u32 s28, $0x1;
	[dreg:$0x2] =	wrdreg s5  }
0xab: {  	[dreg:$0x3] =	wrdreg s7  }
0xac: {  	[dreg:$0x4] =	wrdreg $0xC0  }
0xad: {  	_ =	task [dreg:s9], $0x5FFFF  }
0xae: {  	[dreg:$0x1] =	wrdreg $0xFFFFFFFF  }
0xaf: {  	[dreg:$0x0] =	wrdreg $0x60  }
0xb0: {  	[dreg:$0x2] =	wrdreg s24  }
0xb1: {  	[dreg:$0x3] =	wrdreg s2  }
0xb2: {  	[dreg:$0x4] =	wrdreg s18  }
0xb3: {  	[dreg:$0x5] =	wrdreg s4  }
0xb4: {  	[dreg:$0x6] =	wrdreg $0x9  }
0xb5: {  	_ =	task.clear_ibuf [dreg:s9], $0x7FFFF;
	_ =	strace $0x90000046  }
0xb6: {  	s29 =	simm.s32 $0x9;
	_ =	strace $0x80000048  }
0xb7: {  	_ =	swait.ge [sflag:s29], $0x1  }
0xb8: {  	[sflag:s29] =	ssyncadd.s32 $0xFFFFFFFF  }
0xb9: {  	_ =	strace $0x90000048  }
0xba: {  	_ =	sfence  }
0xbb: {  	s30 =	sld [smem:$0x0];
	_ =	sdelay $0x2  }
0xbc: {  	s31 =	sshll.u32 s1, $0xD;
	s1 =	sshrl.u32 s1, $0x2  }
0xbd: {  	s3 =	sand.u32 $0x4000, s31;
	s1 =	sadd.s32 s1, s30  }
0xbe: {  	s0 =	sor.u32 s3, s0;
	s1 =	sshll.u32 s1, $0x11  }
0xbf: {  	s0 =	sor.u32 s1, s0  }
0xc0: {  	s0 =	sadd.s32 $0x8F2B, s0  }
0xc1: {  	[sflag:s0] =	ssyncadd.remote.s32 $0x1  }
0xc2: {  	_ =	sfence.sel $0xFFFF  }
0xc3: {  	[dreg:$0x0] =	wrdreg $0xFFFFFFFF;
	(pc) =	sbr.abs _section_cstart, $3  }
0xc4: {  	[dreg:$0x1] =	wrdreg $0xFFFFFFFF  }
0xc5: {  	_ =	task.clear_ibuf [dreg:s9], $0x2FFFF;
	_ =	strace $0x9FFFFFFF  }
0xc6: {  	(tm) =	ssettm $0x7FFFFFFF  }
0xc7: {  	_ =	shalt  }
tec
execute0_lowered:
.L_overlay_start_1:
0x0: {  	(tag) =	ssettag $0x1  }
0x1: {  	s7 =	rddreg [dreg:$0x0]  }
0x2: {  	s8 =	rddreg [dreg:$0x1]  }
0x3: {  	s1 =	rddreg [dreg:$0x2]  }
0x4: {  	s2 =	rddreg [dreg:$0x3]  }
0x5: {  	s0 =	rddreg [dreg:$0x4];
	s4 =	simm.s32 $0x0;
	s5 =	srdreg.scid  }
0x6: {  	s3 =	stileid.u32;
	s12 =	simm.s32 $0x850;
	s13 =	simm.s32 $0x10  }
0x7: {  	s14 =	simm.s32 $0x410;
	s15 =	simm.s32 $0x1;
	s16 =	simm.s32 $0x2  }
0x8: {  	s17 =	simm.s32 $0x890;
	[smem:$0x7FF] =	sst s4;
	s6 =	sand.u32 $0x1, s5  }
0x9: {  	s9 =	sshll.u32 s3, $0x2;
	s5 =	sadd.s32 $0x400, s7;
	s10 =	sshll.u32 s6, $0x1  }
0xa: {  	_ =	strace $0x80000047;
	s30 =	ssub.s32 $0x2, s6;
	s9 =	sor.u32 s10, s9  }
0xb: {  	s6 =	sadd.s32 $0x10400, s7;
	s31 =	sshrl.u32 s30, $0x1;
	s11 =	sadd.s32 s9, s7  }
0xc: {  	s10 =	ssub.s32 s30, s31;
	s7 =	sadd.s32 s8, s9;
	s8 =	sadd.s32 $0x20400, s11  }
0xd: {  	s9 =	smax.u32 s10, $0x1;
	s10 =	simm.s32 $0x3;
	s11 =	simm.s32 $0x810  }
.LBB2_1:
0xe: {  	[tilespmem:s4], [sflag:$0x3] =	stream.linear.gather [hbm4b:s7+s4], $0x10, $0x38;
	[tilespmem:$0x8A0] =	vst v63  }
0xf: {  	_ =	swait.ge [sflag:s10], $0x10  }
0x10: {  	[sflag:s10] =	ssyncset.done $0x0  }
0x11: {  	[sflag:s10] =	ssyncadd.s32 $0xFFFFFFF0  }
0x12: {  	[tilespmem:s11], [sflag:$0x3] =	stream.linear.gather [hbm4b:s1+s4], $0x40, $0x38;
	[tilespmem:$0x8A0] =	vst v63  }
0x13: {  	_ =	swait.ge [sflag:s10], $0x40  }
0x14: {  	[sflag:s10] =	ssyncset.done $0x0  }
0x15: {  	[sflag:s10] =	ssyncadd.s32 $0xFFFFFFC0  }
0x16: {  	[tilespmem:s12], [sflag:$0x3] =	stream.linear.gather [hbm4b:s2+s4], $0x40, $0x38;
	[tilespmem:$0x8A0] =	vst v63  }
0x17: {  	_ =	swait.ge [sflag:s10], $0x40  }
0x18: {  	[sflag:s10] =	ssyncset.done $0x0  }
0x19: {  	[sflag:s10] =	ssyncadd.s32 $0xFFFFFFC0  }
0x1a: {  	[tilespmem:s13], [sflag:$0x1] =	stream.indirect.gather [hbm4b:s5+s13], $0x40, s4, s13, $0xb8;
	[tilespmem:$0x8A0] =	vst v63  }
0x1b: {  	_ = 	snop  }
0x1c: {  	[tilespmem:s14], [sflag:$0x2] =	stream.indirect.gather [hbm4b:s6+s13], $0x40, s4, s13, $0xb8;
	[tilespmem:$0x8A0] =	vst v63  }
0x1d: {  	_ =	swait.ge [sflag:s15], $0x400  }
0x1e: {  	[sflag:s15] =	ssyncset.done $0x0  }
0x1f: {  	[sflag:s15] =	ssyncadd.s32 $0xFFFFFC00  }
0x20: {  	_ =	swait.ge [sflag:s16], $0x400  }
0x21: {  	[sflag:s16] =	ssyncset.done $0x0  }
0x22: {  	[sflag:s16] =	ssyncadd.s32 $0xFFFFFC00  }
0x23: {  	v1 =	vld [tilespmem:$0x10]  }
0x24: {  	v2 =	vld [tilespmem:$0x410]  }
0x25: {  	v3 =	vld [tilespmem:$0x810]  }
0x26: {  	v4 =	vld [tilespmem:$0x850]  }
0x27: {  	v5 =	vld [tilespmem:$0x20]  }
0x28: {  	v6 =	vld [tilespmem:$0x420]  }
0x29: {  	v7 =	vld [tilespmem:$0x820]  }
0x2a: {  	v8 =	vld [tilespmem:$0x860]  }
0x2b: {  	v12 =	vld [tilespmem:$0x30]  }
0x2c: {  	v18 =	vld [tilespmem:$0x430]  }
0x2d: {  	v13 =	vld [tilespmem:$0x830]  }
0x2e: {  	v20 =	vld [tilespmem:$0x870]  }
0x2f: {  	v23 =	vld [tilespmem:$0x40]  }
0x30: {  	v24 =	vld [tilespmem:$0x440]  }
0x31: {  	v26 =	vld [tilespmem:$0x840]  }
0x32: {  	v27 =	vld [tilespmem:$0x880]  }
0x33: {  	v35 =	vld [tilespmem:$0x50]  }
0x34: {  	v38 =	vld [tilespmem:$0x450]  }
0x35: {  	v39 =	vld [tilespmem:$0x810]  }
0x36: {  	v40 =	vld [tilespmem:$0x850]  }
0x37: {  	v41 =	vld [tilespmem:$0x60];
	v9 =	vsub.f32 v3, v1;
	v10 =	vsub.f32 v2, v4  }
0x38: {  	v42 =	vld [tilespmem:$0x460];
	v3 =	vsub.f32 v3, v2;
	v17 =	vsub.f32 v7, v5  }
0x39: {  	v43 =	vld [tilespmem:$0x820];
	v11 =	vsub.f32 v6, v8;
	v4 =	vsub.f32 v1, v4  }
0x3a: {  	v47 =	vld [tilespmem:$0x470];
	v7 =	vsub.f32 v7, v6;
	v1 =	vsub.f32 v2, v1  }
0x3b: {  	v48 =	vld [tilespmem:$0x870];
	v22 =	vsub.f32 v5, v8;
	v5 =	vsub.f32 v6, v5  }
0x3c: {  	v15 =	vld [tilespmem:$0x70];
	v28 =	vsub.f32 v13, v12;
	v29 =	vsub.f32 v18, v20  }
0x3d: {  	v30 =	vsub.f32 v13, v18;
	v31 =	vsub.f32 v26, v23  }
0x3e: {  	v14 =	vsub.f32 v24, v27;
	v6 =	vsub.f32 v26, v24  }
0x3f: {  	v45 =	vsub.f32 v39, v35;
	v46 =	vsub.f32 v38, v40  }
0x40: {  	v44 =	vld [tilespmem:$0x860];
	v16 =	vsub.f32 v43, v41;
	v55 =	vsub.f32 v47, v48  }
0x41: {  	v8 =	vsub.f32 v42, v41;
	v63 =	vsub.f32 v47, v15  }
0x42: {  	v9 =	vmax.f32 v9, $0.0e+00;
	v10 =	vmax.f32 v10, $0.0e+00;
	v3 =	vmax.f32 v3, $0.0e+00  }
0x43: {  	v53 =	vld [tilespmem:$0x480];
	v11 =	vmax.f32 v11, $0.0e+00;
	v4 =	vmax.f32 v4, $0.0e+00;
	v21 =	vmax.f32 v7, $0.0e+00  }
0x44: {  	v56 =	vld [tilespmem:$0x840];
	v33 =	vmax.f32 v31, $0.0e+00;
	v34 =	vmax.f32 v14, $0.0e+00;
	v9 =	vadd.f32 v10, v9  }
0x45: {  	v57 =	vld [tilespmem:$0x880];
	v10 =	vmax.f32 v17, $0.0e+00;
	v37 =	vadd.f32 v34, v33;
	v17 =	vsub.f32 v42, v44  }
0x46: {  	v7 =	vmax.f32 v29, $0.0e+00;
	v29 =	vld [tilespmem:$0x4A0];
	v19 =	vadd.f32 v11, v10;
	v10 =	vsub.f32 v12, v20  }
0x47: {  	v6 =	vmax.f32 v6, $0.0e+00;
	v31 =	vld [tilespmem:$0x860];
	v11 =	vsub.f32 v38, v35;
	v3 =	vadd.f32 v9, v3  }
0x48: {  	v49 =	vmax.f32 v16, $0.0e+00;
	v33 =	vld [tilespmem:$0xB0];
	v9 =	vsub.f32 v18, v12;
	v6 =	vadd.f32 v37, v6  }
0x49: {  	v34 =	vld [tilespmem:$0x4B0];
	v12 =	vsub.f32 v39, v38;
	v50 =	vmax.f32 v17, $0.0e+00;
	v17 =	vsub.f32 v56, v53  }
0x4a: {  	v52 =	vld [tilespmem:$0x80];
	v2 =	vadd.f32 v19, v21;
	v36 =	vmax.f32 v10, $0.0e+00;
	v10 =	vsub.f32 v43, v42  }
0x4b: {  	v1 =	vmax.f32 v1, $0.0e+00;
	v18 =	vld [tilespmem:$0x830];
	v51 =	vadd.f32 v50, v49;
	v21 =	vsub.f32 v53, v57  }
0x4c: {  	v25 =	vmax.f32 v22, $0.0e+00;
	v37 =	vld [tilespmem:$0x870];
	v3 =	vadd.f32 v3, v4;
	v4 =	vsub.f32 v24, v23  }
0x4d: {  	v62 =	vld [tilespmem:$0x810];
	v5 =	vmax.f32 v5, $0.0e+00;
	v39 =	vsub.f32 v29, v31;
	v2 =	vadd.f32 v2, v25  }
0x4e: {  	v32 =	vmax.f32 v30, $0.0e+00;
	v19 =	vld [tilespmem:$0x90];
	v14 =	vsub.f32 v34, v33;
	v1 =	vsub.f32 v3, v1  }
0x4f: {  	v13 =	vmax.f32 v46, $0.0e+00;
	v3 =	vsub.f32 v23, v27;
	v2 =	vsub.f32 v2, v5  }
0x50: {  	v20 =	vld [tilespmem:$0x820];
	v23 =	vmax.f32 v21, $0.0e+00;
	v54 =	vsub.f32 v18, v15;
	v18 =	vsub.f32 v18, v47  }
0x51: {  	v5 =	vmax.f32 v28, $0.0e+00;
	v21 =	vsub.f32 v34, v37;
	v0 =	vadd.f32 $0.0e+00, v1  }
0x52: {  	v60 =	vld [tilespmem:$0x490];
	v16 =	vmax.f32 v55, $0.0e+00;
	v5 =	vadd.f32 v7, v5;
	v7 =	vsub.f32 v35, v40  }
0x53: {  	v28 =	vld [tilespmem:$0xA0];
	v3 =	vmax.f32 v3, $0.0e+00;
	v1 =	vsub.f32 v56, v52;
	v26 =	vsub.f32 v62, v19  }
0x54: {  	v49 =	vld [tilespmem:$0x880];
	v4 =	vmax.f32 v4, $0.0e+00;
	v6 =	vadd.f32 v6, v3;
	v5 =	vadd.f32 v5, v32  }
0x55: {  	v47 =	vld [tilespmem:$0x4C0];
	v40 =	vsub.f32 v20, v29;
	v2 =	vadd.f32 v2, v0;
	v22 =	vmax.f32 v1, $0.0e+00  }
0x56: {  	[tilespmem:$0x1FFF0] =	vst v0;
	v0 =	vld [tilespmem:$0x850];
	v4 =	vsub.f32 v6, v4;
	v6 =	vmax.f32 v45, $0.0e+00;
	v5 =	vadd.f32 v5, v36  }
0x57: {  	v9 =	vmax.f32 v9, $0.0e+00;
	v24 =	vadd.f32 v23, v22;
	v6 =	vadd.f32 v13, v6  }
0x58: {  	v12 =	vmax.f32 v12, $0.0e+00;
	v38 =	vsub.f32 v20, v28;
	v5 =	vsub.f32 v5, v9  }
0x59: {  	v11 =	vmax.f32 v11, $0.0e+00;
	v36 =	vld [tilespmem:$0x830];
	v6 =	vadd.f32 v6, v12;
	v12 =	vsub.f32 v15, v48  }
0x5a: {  	v10 =	vmax.f32 v10, $0.0e+00;
	v9 =	vsub.f32 v52, v57;
	v57 =	vsub.f32 v47, v49  }
0x5b: {  	v7 =	vmax.f32 v7, $0.0e+00;
	v27 =	vsub.f32 v60, v0;
	v13 =	vsub.f32 v19, v0  }
0x5c: {  	v25 =	vmax.f32 v17, $0.0e+00;
	v3 =	vadd.f32 v5, v2;
	v6 =	vadd.f32 v6, v7  }
0x5d: {  	v45 =	vld [tilespmem:$0xC0];
	v15 =	vmax.f32 v26, $0.0e+00;
	v5 =	vsub.f32 v41, v44;
	v7 =	vadd.f32 v51, v10  }
0x5e: {  	v48 =	vld [tilespmem:$0x840];
	v10 =	vsub.f32 v53, v52;
	v17 =	vmax.f32 v27, $0.0e+00;
	v41 =	vsub.f32 v36, v33  }
0x5f: {  	v35 =	vmax.f32 v13, $0.0e+00;
	v13 =	vsub.f32 v36, v34;
	v4 =	vadd.f32 v4, v3  }
0x60: {  	v50 =	vld [tilespmem:$0xD0];
	v6 =	vsub.f32 v6, v11;
	v5 =	vmax.f32 v5, $0.0e+00;
	v30 =	vadd.f32 v17, v15  }
0x61: {  	v53 =	vld [tilespmem:$0x810];
	v11 =	vmax.f32 v54, $0.0e+00;
	v15 =	vsub.f32 v28, v31;
	v7 =	vadd.f32 v7, v5  }
0x62: {  	v58 =	vmax.f32 v8, $0.0e+00;
	v55 =	vld [tilespmem:$0x850];
	v59 =	vadd.f32 v16, v11;
	v16 =	vsub.f32 v62, v60  }
0x63: {  	v61 =	vmax.f32 v18, $0.0e+00;
	v22 =	vld [tilespmem:$0xE0];
	v11 =	vsub.f32 v60, v19;
	v56 =	vsub.f32 v48, v45  }
0x64: {  	v44 =	vmax.f32 v21, $0.0e+00;
	v52 =	vld [tilespmem:$0x4D0];
	v18 =	vsub.f32 v48, v47;
	v5 =	vadd.f32 v6, v4  }
0x65: {  	v43 =	vmax.f32 v41, $0.0e+00;
	v60 =	vld [tilespmem:$0x860];
	v6 =	vsub.f32 v7, v58;
	v7 =	vadd.f32 v59, v61  }
0x66: {  	v12 =	vmax.f32 v12, $0.0e+00;
	v46 =	vadd.f32 v44, v43;
	v58 =	vld [tilespmem:$0x4E0];
	v23 =	vsub.f32 v53, v50  }
0x67: {  	v13 =	vmax.f32 v13, $0.0e+00;
	v59 =	vsub.f32 v47, v45;
	v7 =	vadd.f32 v7, v12  }
0x68: {  	v8 =	vmax.f32 v63, $0.0e+00;
	v13 =	vadd.f32 v46, v13;
	v6 =	vadd.f32 v6, v5  }
0x69: {  	v1 =	vld [tilespmem:$0x4F0];
	v9 =	vmax.f32 v9, $0.0e+00;
	v12 =	vsub.f32 v29, v28;
	v7 =	vsub.f32 v7, v8  }
0x6a: {  	v32 =	vmax.f32 v16, $0.0e+00;
	v8 =	vadd.f32 v24, v25;
	v24 =	vsub.f32 v52, v55;
	v25 =	vld [tilespmem:$0x820]  }
0x6b: {  	v26 =	vld [tilespmem:$0x100];
	v61 =	vmax.f32 v23, $0.0e+00;
	v19 =	vsub.f32 v22, v60;
	v31 =	vsub.f32 v58, v60  }
0x6c: {  	v27 =	vld [tilespmem:$0x810];
	v8 =	vadd.f32 v8, v9;
	v9 =	vadd.f32 v30, v32;
	v62 =	vmax.f32 v24, $0.0e+00  }
0x6d: {  	v10 =	vmax.f32 v10, $0.0e+00;
	v48 =	vld [tilespmem:$0x110];
	v7 =	vadd.f32 v7, v6;
	v63 =	vadd.f32 v62, v61  }
0x6e: {  	v0 =	vld [tilespmem:$0xF0];
	v8 =	vsub.f32 v8, v10;
	v9 =	vadd.f32 v9, v35  }
0x6f: {  	v17 =	vmax.f32 v39, $0.0e+00;
	v32 =	vld [tilespmem:$0x830];
	v10 =	vsub.f32 v33, v37;
	v30 =	vsub.f32 v25, v22  }
0x70: {  	v39 =	vld [tilespmem:$0x880];
	v11 =	vmax.f32 v11, $0.0e+00;
	v25 =	vsub.f32 v25, v58;
	v8 =	vadd.f32 v8, v7  }
0x71: {  	v33 =	vld [tilespmem:$0x870];
	v9 =	vsub.f32 v9, v11;
	v11 =	vmax.f32 v38, $0.0e+00;
	v38 =	vsub.f32 v58, v22  }
0x72: {  	v37 =	vld [tilespmem:$0x840];
	v10 =	vmax.f32 v10, $0.0e+00;
	v58 =	vsub.f32 v27, v48;
	v11 =	vadd.f32 v17, v11  }
0x73: {  	v14 =	vmax.f32 v14, $0.0e+00;
	v35 =	vld [tilespmem:$0x500];
	v51 =	vadd.f32 v13, v10;
	v17 =	vsub.f32 v53, v52  }
0x74: {  	v42 =	vmax.f32 v40, $0.0e+00;
	v13 =	vsub.f32 v52, v50;
	v40 =	vsub.f32 v32, v0  }
0x75: {  	v20 =	vmax.f32 v57, $0.0e+00;
	v24 =	vsub.f32 v32, v1;
	v9 =	vadd.f32 v9, v8  }
0x76: {  	v15 =	vmax.f32 v15, $0.0e+00;
	v11 =	vadd.f32 v11, v42;
	v54 =	vsub.f32 v51, v14  }
0x77: {  	v18 =	vmax.f32 v18, $0.0e+00;
	v41 =	vsub.f32 v1, v33;
	v46 =	vsub.f32 v37, v26  }
0x78: {  	v14 =	vmax.f32 v56, $0.0e+00;
	v47 =	vsub.f32 v35, v39;
	v16 =	vsub.f32 v0, v33  }
0x79: {  	v12 =	vmax.f32 v12, $0.0e+00;
	v53 =	vld [tilespmem:$0x120];
	v14 =	vadd.f32 v20, v14;
	v20 =	vsub.f32 v26, v39  }
0x7a: {  	v42 =	vmax.f32 v40, $0.0e+00;
	v51 =	vld [tilespmem:$0x850];
	v11 =	vadd.f32 v11, v15;
	v15 =	vsub.f32 v45, v49  }
0x7b: {  	v56 =	vld [tilespmem:$0x820];
	v43 =	vmax.f32 v41, $0.0e+00;
	v45 =	vmax.f32 v24, $0.0e+00;
	v22 =	vmax.f32 v46, $0.0e+00  }
0x7c: {  	v24 =	vmax.f32 v47, $0.0e+00;
	v14 =	vadd.f32 v14, v18;
	v44 =	vadd.f32 v43, v42  }
0x7d: {  	v49 =	vld [tilespmem:$0x510];
	v11 =	vsub.f32 v11, v12;
	v15 =	vmax.f32 v15, $0.0e+00;
	v12 =	vsub.f32 v50, v55  }
0x7e: {  	v17 =	vmax.f32 v17, $0.0e+00;
	v50 =	vadd.f32 v24, v22;
	v14 =	vadd.f32 v14, v15  }
0x7f: {  	v15 =	vadd.f32 v63, v17;
	v17 =	vsub.f32 v1, v0  }
0x80: {  	v57 =	vld [tilespmem:$0x860];
	v18 =	vmax.f32 v59, $0.0e+00;
	v61 =	vsub.f32 v56, v53;
	v22 =	vsub.f32 v48, v51  }
0x81: {  	v39 =	vld [tilespmem:$0x140];
	v10 =	vadd.f32 v11, v9;
	v12 =	vmax.f32 v12, $0.0e+00;
	v14 =	vsub.f32 v14, v18  }
0x82: {  	v23 =	vmax.f32 v31, $0.0e+00;
	v42 =	vld [tilespmem:$0x840];
	v15 =	vadd.f32 v15, v12;
	v59 =	vsub.f32 v49, v51  }
0x83: {  	v1 =	vld [tilespmem:$0x130];
	v18 =	vmax.f32 v30, $0.0e+00;
	v60 =	vsub.f32 v27, v49;
	v11 =	vadd.f32 v54, v10  }
0x84: {  	v13 =	vmax.f32 v13, $0.0e+00;
	v34 =	vadd.f32 v23, v18;
	v23 =	vsub.f32 v37, v35;
	v54 =	vld [tilespmem:$0x520]  }
0x85: {  	v36 =	vmax.f32 v25, $0.0e+00;
	v37 =	vld [tilespmem:$0x830];
	v13 =	vsub.f32 v15, v13;
	v12 =	vadd.f32 v14, v11  }
0x86: {  	v18 =	vsub.f32 v35, v26;
	v15 =	vmax.f32 v38, $0.0e+00;
	v38 =	vld [tilespmem:$0x870];
	v14 =	vadd.f32 v34, v36  }
0x87: {  	v19 =	vmax.f32 v19, $0.0e+00;
	v30 =	vsub.f32 v42, v39;
	v36 =	vld [tilespmem:$0x530];
	v13 =	vadd.f32 v13, v12  }
0x88: {  	v16 =	vmax.f32 v16, $0.0e+00;
	v14 =	vadd.f32 v14, v19;
	v19 =	vsub.f32 v49, v48  }
0x89: {  	v29 =	vld [tilespmem:$0x150];
	v55 =	vmax.f32 v20, $0.0e+00;
	v28 =	vsub.f32 v54, v57;
	v20 =	vsub.f32 v56, v54  }
0x8a: {  	v47 =	vld [tilespmem:$0x550];
	v17 =	vmax.f32 v17, $0.0e+00;
	v21 =	vsub.f32 v54, v53;
	v14 =	vsub.f32 v14, v15  }
0x8b: {  	v63 =	vmax.f32 v61, $0.0e+00;
	v49 =	vld [tilespmem:$0x850];
	v15 =	vadd.f32 v44, v45;
	v45 =	vsub.f32 v37, v1  }
0x8c: {  	v22 =	vmax.f32 v22, $0.0e+00;
	v46 =	vsub.f32 v36, v38;
	v25 =	vsub.f32 v37, v36  }
0x8d: {  	v32 =	vld [tilespmem:$0x810];
	v52 =	vmax.f32 v23, $0.0e+00;
	v48 =	vsub.f32 v36, v1;
	v15 =	vadd.f32 v15, v16  }
0x8e: {  	v41 =	vld [tilespmem:$0x540];
	v0 =	vmax.f32 v28, $0.0e+00;
	v14 =	vadd.f32 v14, v13;
	v16 =	vadd.f32 v50, v52  }
0x8f: {  	v24 =	vmax.f32 v59, $0.0e+00;
	v44 =	vld [tilespmem:$0x880];
	v35 =	vadd.f32 v0, v63;
	v63 =	vsub.f32 v47, v29  }
0x90: {  	v62 =	vmax.f32 v60, $0.0e+00;
	v56 =	vsub.f32 v47, v49;
	v26 =	vsub.f32 v29, v49  }
0x91: {  	v20 =	vmax.f32 v20, $0.0e+00;
	v15 =	vsub.f32 v15, v17;
	v16 =	vadd.f32 v16, v55  }
0x92: {  	v60 =	vld [tilespmem:$0x570];
	v18 =	vmax.f32 v18, $0.0e+00;
	v17 =	vsub.f32 v53, v57;
	v20 =	vadd.f32 v35, v20  }
0x93: {  	v19 =	vmax.f32 v19, $0.0e+00;
	v0 =	vld [tilespmem:$0x870];
	v55 =	vsub.f32 v32, v29;
	v32 =	vsub.f32 v32, v47  }
0x94: {  	v54 =	vld [tilespmem:$0x560];
	v21 =	vmax.f32 v21, $0.0e+00;
	v31 =	vsub.f32 v41, v44;
	v15 =	vadd.f32 v15, v14  }
0x95: {  	v57 =	vld [tilespmem:$0x820];
	v16 =	vsub.f32 v16, v18;
	v18 =	vmax.f32 v58, $0.0e+00;
	v17 =	vmax.f32 v17, $0.0e+00  }
0x96: {  	v33 =	vld [tilespmem:$0x170];
	v50 =	vmax.f32 v30, $0.0e+00;
	v18 =	vadd.f32 v24, v18;
	v40 =	vadd.f32 v20, v17  }
0x97: {  	v27 =	vmax.f32 v46, $0.0e+00;
	v53 =	vld [tilespmem:$0x160];
	v24 =	vsub.f32 v42, v41;
	v20 =	vsub.f32 v41, v39  }
0x98: {  	v58 =	vld [tilespmem:$0x860];
	v51 =	vmax.f32 v31, $0.0e+00;
	v42 =	vsub.f32 v60, v0;
	v16 =	vadd.f32 v16, v15  }
0x99: {  	v25 =	vmax.f32 v25, $0.0e+00;
	v52 =	vadd.f32 v51, v50;
	v18 =	vadd.f32 v18, v62  }
0x9a: {  	v49 =	vld [tilespmem:$0x590];
	v43 =	vsub.f32 v40, v21;
	v21 =	vmax.f32 v45, $0.0e+00;
	v31 =	vsub.f32 v57, v54  }
0x9b: {  	v30 =	vmax.f32 v56, $0.0e+00;
	v51 =	vld [tilespmem:$0x810];
	v21 =	vadd.f32 v27, v21;
	v27 =	vsub.f32 v33, v0  }
0x9c: {  	v24 =	vmax.f32 v24, $0.0e+00;
	v18 =	vadd.f32 v18, v22;
	v22 =	vsub.f32 v1, v38  }
0x9d: {  	v62 =	vld [tilespmem:$0x830];
	v1 =	vsub.f32 v57, v53;
	v36 =	vsub.f32 v54, v58;
	v40 =	vmax.f32 v31, $0.0e+00  }
0x9e: {  	v23 =	vsub.f32 v53, v58;
	v31 =	vmax.f32 v42, $0.0e+00;
	v21 =	vadd.f32 v21, v25  }
0x9f: {  	v50 =	vmax.f32 v27, $0.0e+00;
	v18 =	vsub.f32 v18, v19;
	v22 =	vmax.f32 v22, $0.0e+00  }
0xa0: {  	v19 =	vsub.f32 v39, v44;
	v37 =	vmax.f32 v1, $0.0e+00;
	v27 =	vsub.f32 v51, v49  }
0xa1: {  	v38 =	vmax.f32 v36, $0.0e+00;
	v21 =	vadd.f32 v21, v22;
	v22 =	vadd.f32 v52, v24  }
0xa2: {  	v25 =	vmax.f32 v48, $0.0e+00;
	v48 =	vld [tilespmem:$0x190];
	v39 =	vadd.f32 v38, v37;
	v41 =	vsub.f32 v62, v33  }
0xa3: {  	v46 =	vld [tilespmem:$0x880];
	v24 =	vsub.f32 v54, v53;
	v17 =	vadd.f32 v18, v16;
	v19 =	vmax.f32 v19, $0.0e+00  }
0xa4: {  	v44 =	vld [tilespmem:$0x580];
	v21 =	vsub.f32 v21, v25;
	v22 =	vadd.f32 v22, v19;
	v25 =	vmax.f32 v55, $0.0e+00  }
0xa5: {  	v52 =	vld [tilespmem:$0x850];
	v29 =	vmax.f32 v41, $0.0e+00;
	v18 =	vadd.f32 v43, v17;
	v59 =	vadd.f32 v30, v25  }
0xa6: {  	v34 =	vld [tilespmem:$0x840];
	v30 =	vsub.f32 v62, v60;
	v45 =	vadd.f32 v31, v29  }
0xa7: {  	v20 =	vmax.f32 v20, $0.0e+00;
	v43 =	vld [tilespmem:$0x180];
	v25 =	vsub.f32 v60, v33;
	v56 =	vsub.f32 v51, v48  }
0xa8: {  	v26 =	vmax.f32 v26, $0.0e+00;
	v60 =	vld [tilespmem:$0x1A0];
	v28 =	vsub.f32 v49, v48;
	v20 =	vsub.f32 v22, v20  }
0xa9: {  	v61 =	vmax.f32 v32, $0.0e+00;
	v62 =	vld [tilespmem:$0x5A0];
	v54 =	vsub.f32 v44, v46;
	v19 =	vadd.f32 v21, v18  }
0xaa: {  	v0 =	vld [tilespmem:$0x860];
	v22 =	vmax.f32 v63, $0.0e+00;
	v21 =	vadd.f32 v59, v61;
	v35 =	vsub.f32 v49, v52  }
0xab: {  	v55 =	vsub.f32 v34, v44;
	v63 =	vld [tilespmem:$0x820];
	v58 =	vmax.f32 v56, $0.0e+00;
	v20 =	vadd.f32 v20, v19  }
0xac: {  	v1 =	vld [tilespmem:$0x1B0];
	v21 =	vadd.f32 v21, v26;
	v59 =	vmax.f32 v35, $0.0e+00;
	v53 =	vsub.f32 v34, v43  }
0xad: {  	v23 =	vmax.f32 v23, $0.0e+00;
	v36 =	vld [tilespmem:$0x1C0];
	v29 =	vsub.f32 v43, v46;
	v61 =	vadd.f32 v59, v58  }
0xae: {  	v31 =	vmax.f32 v54, $0.0e+00;
	v54 =	vld [tilespmem:$0x1D0];
	v26 =	vsub.f32 v44, v43;
	v49 =	vsub.f32 v62, v60  }
0xaf: {  	v27 =	vmax.f32 v27, $0.0e+00;
	v43 =	vld [tilespmem:$0x830];
	v21 =	vsub.f32 v21, v22;
	v22 =	vadd.f32 v39, v40  }
0xb0: {  	v24 =	vmax.f32 v24, $0.0e+00;
	v59 =	vld [tilespmem:$0x850];
	v46 =	vsub.f32 v63, v60;
	v32 =	vsub.f32 v63, v62  }
0xb1: {  	v47 =	vmax.f32 v30, $0.0e+00;
	v39 =	vld [tilespmem:$0x840];
	v27 =	vadd.f32 v61, v27;
	v22 =	vadd.f32 v22, v23  }
0xb2: {  	v42 =	vld [tilespmem:$0x5B0];
	v25 =	vmax.f32 v25, $0.0e+00;
	v21 =	vadd.f32 v21, v20;
	v23 =	vadd.f32 v45, v47  }
0xb3: {  	v57 =	vmax.f32 v55, $0.0e+00;
	v55 =	vld [tilespmem:$0x5D0];
	v47 =	vsub.f32 v62, v0;
	v22 =	vsub.f32 v22, v24  }
0xb4: {  	v28 =	vmax.f32 v28, $0.0e+00;
	v45 =	vld [tilespmem:$0x870];
	v23 =	vadd.f32 v23, v50;
	v24 =	vsub.f32 v48, v52  }
0xb5: {  	v58 =	vld [tilespmem:$0x810];
	v29 =	vmax.f32 v29, $0.0e+00;
	v37 =	vsub.f32 v43, v1;
	v30 =	vsub.f32 v54, v59  }
0xb6: {  	v26 =	vmax.f32 v26, $0.0e+00;
	v48 =	vld [tilespmem:$0x5C0];
	v56 =	vsub.f32 v39, v36;
	v22 =	vadd.f32 v22, v21  }
0xb7: {  	v50 =	vld [tilespmem:$0x880];
	v23 =	vsub.f32 v23, v25;
	v25 =	vmax.f32 v53, $0.0e+00;
	v24 =	vmax.f32 v24, $0.0e+00  }
0xb8: {  	v40 =	vld [tilespmem:$0x1E0];
	v32 =	vmax.f32 v32, $0.0e+00;
	v25 =	vadd.f32 v31, v25;
	v41 =	vadd.f32 v27, v24  }
0xb9: {  	v63 =	vld [tilespmem:$0x820];
	v34 =	vmax.f32 v47, $0.0e+00;
	v38 =	vsub.f32 v42, v45;
	v31 =	vsub.f32 v43, v42  }
0xba: {  	v51 =	vmax.f32 v37, $0.0e+00;
	v27 =	vsub.f32 v42, v1;
	v23 =	vadd.f32 v23, v22  }
0xbb: {  	v30 =	vmax.f32 v30, $0.0e+00;
	v25 =	vadd.f32 v25, v57;
	v44 =	vsub.f32 v41, v28  }
0xbc: {  	v28 =	vmax.f32 v46, $0.0e+00;
	v57 =	vsub.f32 v48, v50;
	v39 =	vsub.f32 v39, v48  }
0xbd: {  	v52 =	vmax.f32 v38, $0.0e+00;
	v33 =	vsub.f32 v36, v50;
	v38 =	vsub.f32 v58, v55  }
0xbe: {  	v31 =	vmax.f32 v31, $0.0e+00;
	v50 =	vsub.f32 v63, v40;
	v28 =	vadd.f32 v34, v28  }
0xbf: {  	v27 =	vmax.f32 v27, $0.0e+00;
	v53 =	vadd.f32 v52, v51;
	v25 =	vadd.f32 v25, v29  }
0xc0: {  	v29 =	vsub.f32 v60, v0;
	v37 =	vmax.f32 v57, $0.0e+00;
	v0 =	vsub.f32 v48, v36  }
0xc1: {  	v61 =	vld [tilespmem:$0x5E0];
	v62 =	vmax.f32 v39, $0.0e+00;
	v28 =	vadd.f32 v28, v32;
	v25 =	vsub.f32 v25, v26  }
0xc2: {  	v41 =	vld [tilespmem:$0x830];
	v29 =	vmax.f32 v29, $0.0e+00;
	v26 =	vsub.f32 v1, v45;
	v45 =	vsub.f32 v55, v59  }
0xc3: {  	v52 =	vld [tilespmem:$0x1F0];
	v32 =	vmax.f32 v49, $0.0e+00;
	v28 =	vadd.f32 v28, v29;
	v29 =	vadd.f32 v53, v31  }
0xc4: {  	v1 =	vld [tilespmem:$0x860];
	v31 =	vsub.f32 v55, v54;
	v24 =	vadd.f32 v25, v23;
	v26 =	vmax.f32 v26, $0.0e+00  }
0xc5: {  	v53 =	vld [tilespmem:$0x5F0];
	v28 =	vsub.f32 v28, v32;
	v29 =	vadd.f32 v29, v26;
	v32 =	vmax.f32 v56, $0.0e+00  }
0xc6: {  	v33 =	vmax.f32 v33, $0.0e+00;
	v55 =	vld [tilespmem:$0x870];
	v25 =	vadd.f32 v44, v24;
	v60 =	vadd.f32 v37, v32  }
0xc7: {  	v36 =	vmax.f32 v50, $0.0e+00;
	v44 =	vsub.f32 v58, v54;
	v37 =	vsub.f32 v63, v61  }
0xc8: {  	v43 =	vld [tilespmem:$0x230];
	v49 =	vmax.f32 v38, $0.0e+00;
	v32 =	vsub.f32 v61, v40;
	v27 =	vsub.f32 v29, v27  }
0xc9: {  	v57 =	vld [tilespmem:$0x200];
	v47 =	vmax.f32 v45, $0.0e+00;
	v51 =	vsub.f32 v61, v1;
	v34 =	vsub.f32 v40, v1  }
0xca: {  	v31 =	vmax.f32 v31, $0.0e+00;
	v58 =	vld [tilespmem:$0x600];
	v26 =	vadd.f32 v28, v25;
	v28 =	vadd.f32 v60, v62  }
0xcb: {  	v61 =	vld [tilespmem:$0x880];
	v46 =	vmax.f32 v44, $0.0e+00;
	v62 =	vsub.f32 v41, v52;
	v63 =	vsub.f32 v53, v55  }
0xcc: {  	v29 =	vmax.f32 v0, $0.0e+00;
	v60 =	vld [tilespmem:$0x840];
	v0 =	vsub.f32 v41, v53;
	v48 =	vadd.f32 v47, v46  }
0xcd: {  	v50 =	vld [tilespmem:$0x610];
	v38 =	vmax.f32 v51, $0.0e+00;
	v27 =	vadd.f32 v27, v26;
	v28 =	vadd.f32 v28, v33  }
0xce: {  	v56 =	vmax.f32 v37, $0.0e+00;
	v51 =	vld [tilespmem:$0x810];
	v54 =	vadd.f32 v38, v36;
	v36 =	vsub.f32 v52, v55  }
0xcf: {  	v32 =	vmax.f32 v32, $0.0e+00;
	v33 =	vsub.f32 v53, v52;
	v52 =	vld [tilespmem:$0x850];
	v35 =	vsub.f32 v58, v57  }
0xd0: {  	v38 =	vmax.f32 v63, $0.0e+00;
	v63 =	vld [tilespmem:$0x870];
	v28 =	vsub.f32 v28, v29;
	v29 =	vadd.f32 v48, v49  }
0xd1: {  	v59 =	vmax.f32 v34, $0.0e+00;
	v42 =	vsub.f32 v58, v61;
	v1 =	vsub.f32 v60, v57  }
0xd2: {  	v45 =	vmax.f32 v0, $0.0e+00;
	v48 =	vld [tilespmem:$0x210];
	v34 =	vsub.f32 v60, v58;
	v29 =	vadd.f32 v29, v30  }
0xd3: {  	v36 =	vmax.f32 v36, $0.0e+00;
	v28 =	vadd.f32 v28, v27;
	v30 =	vadd.f32 v54, v56  }
0xd4: {  	v53 =	vld [tilespmem:$0x220];
	v47 =	vmax.f32 v42, $0.0e+00;
	v39 =	vsub.f32 v51, v50;
	v60 =	vsub.f32 v50, v52  }
0xd5: {  	v56 =	vld [tilespmem:$0x820];
	v46 =	vmax.f32 v1, $0.0e+00;
	v40 =	vsub.f32 v43, v63;
	v29 =	vsub.f32 v29, v31  }
0xd6: {  	v55 =	vld [tilespmem:$0x620];
	v33 =	vmax.f32 v33, $0.0e+00;
	v30 =	vadd.f32 v30, v59;
	v49 =	vadd.f32 v47, v46  }
0xd7: {  	v35 =	vmax.f32 v35, $0.0e+00;
	v58 =	vld [tilespmem:$0x860];
	v31 =	vsub.f32 v57, v61;
	v59 =	vsub.f32 v51, v48  }
0xd8: {  	v34 =	vmax.f32 v34, $0.0e+00;
	v61 =	vld [tilespmem:$0x630];
	v29 =	vadd.f32 v29, v28;
	v30 =	vsub.f32 v30, v32  }
0xd9: {  	v46 =	vld [tilespmem:$0x830];
	v32 =	vmax.f32 v62, $0.0e+00;
	v34 =	vadd.f32 v49, v34;
	v62 =	vsub.f32 v50, v48  }
0xda: {  	v39 =	vmax.f32 v39, $0.0e+00;
	v32 =	vadd.f32 v38, v32;
	v44 =	vsub.f32 v56, v53  }
0xdb: {  	v31 =	vmax.f32 v31, $0.0e+00;
	v38 =	vsub.f32 v56, v55;
	v30 =	vadd.f32 v30, v29  }
0xdc: {  	v41 =	vmax.f32 v60, $0.0e+00;
	v54 =	vadd.f32 v34, v31;
	v34 =	vsub.f32 v55, v53  }
0xdd: {  	v40 =	vmax.f32 v40, $0.0e+00;
	v32 =	vadd.f32 v32, v45;
	v45 =	vsub.f32 v55, v58  }
0xde: {  	v42 =	vld [tilespmem:$0x240];
	v0 =	vmax.f32 v44, $0.0e+00;
	v49 =	vsub.f32 v46, v43;
	v50 =	vsub.f32 v61, v63  }
0xdf: {  	v51 =	vld [tilespmem:$0x840];
	v38 =	vmax.f32 v38, $0.0e+00;
	v46 =	vsub.f32 v46, v61;
	v56 =	vsub.f32 v61, v43  }
0xe0: {  	v47 =	vld [tilespmem:$0x250];
	v57 =	vsub.f32 v54, v35;
	v35 =	vmax.f32 v59, $0.0e+00;
	v32 =	vadd.f32 v32, v36  }
0xe1: {  	v55 =	vld [tilespmem:$0x810];
	v35 =	vadd.f32 v41, v35;
	v36 =	vsub.f32 v48, v52;
	v1 =	vmax.f32 v45, $0.0e+00  }
0xe2: {  	v44 =	vmax.f32 v50, $0.0e+00;
	v48 =	vadd.f32 v1, v0;
	v32 =	vsub.f32 v32, v33  }
0xe3: {  	v52 =	vld [tilespmem:$0x880];
	v54 =	vmax.f32 v46, $0.0e+00;
	v35 =	vadd.f32 v35, v39;
	v33 =	vsub.f32 v53, v58  }
0xe4: {  	v36 =	vmax.f32 v36, $0.0e+00;
	v58 =	vsub.f32 v51, v42;
	v31 =	vadd.f32 v32, v30  }
0xe5: {  	v39 =	vmax.f32 v62, $0.0e+00;
	v35 =	vadd.f32 v35, v36;
	v36 =	vadd.f32 v48, v38;
	v38 =	vld [tilespmem:$0x640]  }
0xe6: {  	v46 =	vld [tilespmem:$0x260];
	v0 =	vsub.f32 v55, v47;
	v33 =	vmax.f32 v33, $0.0e+00;
	v32 =	vadd.f32 v57, v31  }
0xe7: {  	v50 =	vld [tilespmem:$0x270];
	v35 =	vsub.f32 v35, v39;
	v36 =	vadd.f32 v36, v33;
	v39 =	vmax.f32 v49, $0.0e+00  }
0xe8: {  	v34 =	vmax.f32 v34, $0.0e+00;
	v37 =	vsub.f32 v42, v52;
	v57 =	vld [tilespmem:$0x850];
	v53 =	vadd.f32 v44, v39  }
0xe9: {  	v60 =	vmax.f32 v58, $0.0e+00;
	v39 =	vld [tilespmem:$0x650];
	v33 =	vadd.f32 v35, v32;
	v34 =	vsub.f32 v36, v34  }
0xea: {  	v49 =	vld [tilespmem:$0x820];
	v37 =	vmax.f32 v37, $0.0e+00;
	v35 =	vadd.f32 v53, v54;
	v59 =	vsub.f32 v38, v52  }
0xeb: {  	v1 =	vld [tilespmem:$0x860];
	v36 =	vmax.f32 v56, $0.0e+00;
	v45 =	vsub.f32 v51, v38;
	v38 =	vsub.f32 v38, v42  }
0xec: {  	v54 =	vld [tilespmem:$0x830];
	v34 =	vadd.f32 v34, v33;
	v35 =	vadd.f32 v35, v40;
	v61 =	vmax.f32 v59, $0.0e+00  }
0xed: {  	v40 =	vld [tilespmem:$0x660];
	v63 =	vmax.f32 v45, $0.0e+00;
	v41 =	vsub.f32 v47, v57;
	v62 =	vadd.f32 v61, v60  }
0xee: {  	v45 =	vmax.f32 v0, $0.0e+00;
	v48 =	vsub.f32 v39, v57;
	v44 =	vsub.f32 v55, v39  }
0xef: {  	v38 =	vmax.f32 v38, $0.0e+00;
	v39 =	vsub.f32 v39, v47;
	v55 =	vsub.f32 v49, v46  }
0xf0: {  	v42 =	vld [tilespmem:$0x870];
	v35 =	vsub.f32 v35, v36;
	v36 =	vadd.f32 v62, v63;
	v48 =	vmax.f32 v48, $0.0e+00  }
0xf1: {  	v41 =	vmax.f32 v41, $0.0e+00;
	v63 =	vsub.f32 v54, v50;
	v52 =	vadd.f32 v48, v45;
	v45 =	vld [tilespmem:$0x670]  }
0xf2: {  	v53 =	vmax.f32 v44, $0.0e+00;
	v36 =	vadd.f32 v36, v37;
	v56 =	vsub.f32 v40, v1  }
0xf3: {  	v43 =	vld [tilespmem:$0x880];
	v57 =	vmax.f32 v39, $0.0e+00;
	v60 =	vsub.f32 v49, v40;
	v37 =	vadd.f32 v52, v53  }
0xf4: {  	v51 =	vld [tilespmem:$0x840];
	v58 =	vmax.f32 v55, $0.0e+00;
	v1 =	vsub.f32 v46, v1;
	v40 =	vsub.f32 v40, v46  }
0xf5: {  	v48 =	vld [tilespmem:$0x280];
	v36 =	vsub.f32 v36, v38;
	v59 =	vmax.f32 v56, $0.0e+00;
	v37 =	vadd.f32 v37, v41  }
0xf6: {  	v47 =	vmax.f32 v63, $0.0e+00;
	v61 =	vadd.f32 v59, v58;
	v41 =	vld [tilespmem:$0x680];
	v0 =	vsub.f32 v45, v42  }
0xf7: {  	v62 =	vmax.f32 v60, $0.0e+00;
	v44 =	vsub.f32 v54, v45;
	v42 =	vsub.f32 v50, v42  }
0xf8: {  	v52 =	vld [tilespmem:$0x290];
	v39 =	vmax.f32 v1, $0.0e+00;
	v45 =	vsub.f32 v45, v50;
	v37 =	vsub.f32 v37, v57  }
0xf9: {  	v38 =	vadd.f32 v61, v62;
	v49 =	vmax.f32 v0, $0.0e+00;
	v56 =	vmax.f32 v44, $0.0e+00;
	v44 =	vld [tilespmem:$0x810]  }
0xfa: {  	v40 =	vmax.f32 v40, $0.0e+00;
	v57 =	vsub.f32 v51, v48;
	v55 =	vadd.f32 v49, v47;
	v47 =	vld [tilespmem:$0x690]  }
0xfb: {  	v42 =	vmax.f32 v42, $0.0e+00;
	v38 =	vadd.f32 v38, v39;
	v49 =	vld [tilespmem:$0x850];
	v53 =	vsub.f32 v41, v43  }
0xfc: {  	v50 =	vld [tilespmem:$0x2A0];
	v59 =	vmax.f32 v45, $0.0e+00;
	v62 =	vsub.f32 v51, v41;
	v46 =	vadd.f32 v55, v56  }
0xfd: {  	v45 =	vld [tilespmem:$0x860];
	v60 =	vmax.f32 v57, $0.0e+00;
	v43 =	vsub.f32 v48, v43;
	v41 =	vsub.f32 v41, v48  }
0xfe: {  	v39 =	vsub.f32 v38, v40;
	v61 =	vmax.f32 v53, $0.0e+00;
	v53 =	vld [tilespmem:$0x820];
	v58 =	vadd.f32 v46, v42  }
0xff: {  	v0 =	vmax.f32 v62, $0.0e+00;
	v63 =	vadd.f32 v61, v60;
	v42 =	vld [tilespmem:$0x6A0];
	v1 =	vsub.f32 v44, v52  }
0x100: {  	v54 =	vld [tilespmem:$0x2B0];
	v43 =	vmax.f32 v43, $0.0e+00;
	v56 =	vsub.f32 v47, v49;
	v44 =	vsub.f32 v44, v47  }
0x101: {  	v48 =	vld [tilespmem:$0x6B0];
	v38 =	vsub.f32 v58, v59;
	v40 =	vadd.f32 v63, v0;
	v46 =	vmax.f32 v1, $0.0e+00  }
0x102: {  	v58 =	vsub.f32 v52, v49;
	v49 =	vld [tilespmem:$0x830];
	v59 =	vsub.f32 v47, v52;
	v51 =	vmax.f32 v56, $0.0e+00  }
0x103: {  	v41 =	vmax.f32 v41, $0.0e+00;
	v47 =	vld [tilespmem:$0x870];
	v46 =	vadd.f32 v51, v46;
	v40 =	vadd.f32 v40, v43  }
0x104: {  	v57 =	vmax.f32 v44, $0.0e+00;
	v60 =	vsub.f32 v53, v50;
	v61 =	vsub.f32 v42, v45  }
0x105: {  	v44 =	vmax.f32 v58, $0.0e+00;
	v56 =	vsub.f32 v53, v42;
	v45 =	vsub.f32 v50, v45  }
0x106: {  	v55 =	vld [tilespmem:$0x840];
	v63 =	vmax.f32 v59, $0.0e+00;
	v42 =	vsub.f32 v42, v50;
	v43 =	vadd.f32 v46, v57  }
0x107: {  	v52 =	vld [tilespmem:$0x2C0];
	v41 =	vsub.f32 v40, v41;
	v0 =	vmax.f32 v60, $0.0e+00;
	v59 =	vsub.f32 v49, v54  }
0x108: {  	v46 =	vld [tilespmem:$0x880];
	v1 =	vmax.f32 v61, $0.0e+00;
	v60 =	vsub.f32 v48, v47;
	v49 =	vsub.f32 v49, v48  }
0x109: {  	v58 =	vmax.f32 v56, $0.0e+00;
	v62 =	vadd.f32 v43, v44;
	v57 =	vadd.f32 v1, v0;
	v44 =	vld [tilespmem:$0x6C0]  }
0x10a: {  	v50 =	vld [tilespmem:$0x850];
	v45 =	vmax.f32 v45, $0.0e+00;
	v47 =	vsub.f32 v54, v47;
	v48 =	vsub.f32 v48, v54  }
0x10b: {  	v56 =	vld [tilespmem:$0x2D0];
	v51 =	vmax.f32 v59, $0.0e+00;
	v53 =	vmax.f32 v60, $0.0e+00;
	v43 =	vadd.f32 v57, v58  }
0x10c: {  	v40 =	vsub.f32 v62, v63;
	v61 =	vadd.f32 v53, v51;
	v62 =	vmax.f32 v49, $0.0e+00;
	v49 =	vld [tilespmem:$0x810]  }
0x10d: {  	v42 =	vmax.f32 v42, $0.0e+00;
	v51 =	vld [tilespmem:$0x6D0];
	v63 =	vsub.f32 v55, v52;
	v43 =	vadd.f32 v43, v45  }
0x10e: {  	v47 =	vmax.f32 v47, $0.0e+00;
	v45 =	vadd.f32 v61, v62;
	v0 =	vsub.f32 v44, v46  }
0x10f: {  	v57 =	vmax.f32 v48, $0.0e+00;
	v60 =	vsub.f32 v55, v44;
	v46 =	vsub.f32 v52, v46  }
0x110: {  	v48 =	vld [tilespmem:$0x860];
	v58 =	vmax.f32 v63, $0.0e+00;
	v44 =	vsub.f32 v44, v52;
	v43 =	vsub.f32 v43, v42  }
0x111: {  	v1 =	vadd.f32 v45, v47;
	v47 =	vld [tilespmem:$0x6E0];
	v59 =	vmax.f32 v0, $0.0e+00;
	v63 =	vsub.f32 v49, v56  }
0x112: {  	v54 =	vld [tilespmem:$0x2E0];
	v62 =	vmax.f32 v60, $0.0e+00;
	v0 =	vsub.f32 v51, v50;
	v49 =	vsub.f32 v49, v51  }
0x113: {  	v46 =	vmax.f32 v46, $0.0e+00;
	v42 =	vsub.f32 v1, v57;
	v61 =	vadd.f32 v59, v58;
	v57 =	vld [tilespmem:$0x820]  }
0x114: {  	v52 =	vld [tilespmem:$0x870];
	v51 =	vsub.f32 v51, v56;
	v53 =	vmax.f32 v63, $0.0e+00;
	v55 =	vmax.f32 v0, $0.0e+00  }
0x115: {  	v44 =	vmax.f32 v44, $0.0e+00;
	v58 =	vld [tilespmem:$0x2F0];
	v45 =	vadd.f32 v61, v62;
	v1 =	vadd.f32 v55, v53  }
0x116: {  	v59 =	vsub.f32 v56, v50;
	v50 =	vld [tilespmem:$0x830];
	v55 =	vmax.f32 v49, $0.0e+00;
	v61 =	vsub.f32 v47, v48  }
0x117: {  	v63 =	vmax.f32 v51, $0.0e+00;
	v53 =	vld [tilespmem:$0x6F0];
	v45 =	vadd.f32 v45, v46;
	v46 =	vadd.f32 v1, v55  }
0x118: {  	v56 =	vld [tilespmem:$0x300];
	v49 =	vmax.f32 v59, $0.0e+00;
	v48 =	vsub.f32 v54, v48;
	v60 =	vsub.f32 v57, v54  }
0x119: {  	v51 =	vld [tilespmem:$0x880];
	v1 =	vmax.f32 v61, $0.0e+00;
	v45 =	vsub.f32 v45, v44;
	v62 =	vadd.f32 v46, v49  }
0x11a: {  	v59 =	vld [tilespmem:$0x840];
	v0 =	vmax.f32 v60, $0.0e+00;
	v60 =	vsub.f32 v57, v47;
	v47 =	vsub.f32 v47, v54  }
0x11b: {  	v49 =	vld [tilespmem:$0x700];
	v44 =	vsub.f32 v62, v63;
	v61 =	vadd.f32 v1, v0  }
0x11c: {  	v63 =	vsub.f32 v50, v58;
	v0 =	vsub.f32 v53, v52  }
0x11d: {  	v50 =	vsub.f32 v50, v53;
	v53 =	vsub.f32 v53, v58;
	v62 =	vmax.f32 v60, $0.0e+00  }
0x11e: {  	v54 =	vld [tilespmem:$0x850];
	v46 =	vadd.f32 v61, v62;
	v55 =	vmax.f32 v63, $0.0e+00;
	v57 =	vmax.f32 v0, $0.0e+00  }
0x11f: {  	v48 =	vmax.f32 v48, $0.0e+00;
	v60 =	vld [tilespmem:$0x310];
	v61 =	vsub.f32 v58, v52;
	v1 =	vadd.f32 v57, v55  }
0x120: {  	v52 =	vld [tilespmem:$0x810];
	v62 =	vsub.f32 v59, v56;
	v57 =	vmax.f32 v50, $0.0e+00;
	v63 =	vsub.f32 v49, v51  }
0x121: {  	v47 =	vmax.f32 v47, $0.0e+00;
	v55 =	vld [tilespmem:$0x710];
	v46 =	vadd.f32 v46, v48;
	v48 =	vadd.f32 v1, v57  }
0x122: {  	v51 =	vsub.f32 v56, v51;
	v50 =	vmax.f32 v61, $0.0e+00;
	v61 =	vmax.f32 v62, $0.0e+00  }
0x123: {  	v58 =	vld [tilespmem:$0x320];
	v62 =	vmax.f32 v63, $0.0e+00;
	v63 =	vsub.f32 v59, v49;
	v0 =	vadd.f32 v48, v50  }
0x124: {  	v1 =	vmax.f32 v53, $0.0e+00;
	v47 =	vsub.f32 v46, v47;
	v48 =	vadd.f32 v62, v61;
	v50 =	vld [tilespmem:$0x720]  }
0x125: {  	v53 =	vmax.f32 v63, $0.0e+00;
	v61 =	vld [tilespmem:$0x820];
	v46 =	vsub.f32 v0, v1;
	v0 =	vsub.f32 v52, v60  }
0x126: {  	v1 =	vsub.f32 v55, v54;
	v48 =	vadd.f32 v48, v53;
	v53 =	vld [tilespmem:$0x860]  }
0x127: {  	v49 =	vsub.f32 v49, v56;
	v52 =	vsub.f32 v52, v55  }
0x128: {  	v62 =	vld [tilespmem:$0x330];
	v54 =	vsub.f32 v60, v54;
	v57 =	vmax.f32 v0, $0.0e+00;
	v59 =	vmax.f32 v1, $0.0e+00  }
0x129: {  	v51 =	vmax.f32 v51, $0.0e+00;
	v55 =	vsub.f32 v55, v60;
	v63 =	vadd.f32 v59, v57;
	v57 =	vld [tilespmem:$0x730]  }
0x12a: {  	v52 =	vmax.f32 v52, $0.0e+00;
	v48 =	vadd.f32 v48, v51;
	v59 =	vld [tilespmem:$0x830];
	v1 =	vsub.f32 v61, v58  }
0x12b: {  	v49 =	vmax.f32 v49, $0.0e+00;
	v0 =	vadd.f32 v63, v52;
	v52 =	vld [tilespmem:$0x870];
	v63 =	vsub.f32 v50, v53  }
0x12c: {  	v54 =	vmax.f32 v54, $0.0e+00;
	v48 =	vsub.f32 v48, v49;
	v51 =	vmax.f32 v1, $0.0e+00  }
0x12d: {  	v1 =	vsub.f32 v61, v50;
	v61 =	vld [tilespmem:$0x340];
	v49 =	vadd.f32 v0, v54;
	v0 =	vmax.f32 v63, $0.0e+00  }
0x12e: {  	v53 =	vsub.f32 v58, v53;
	v54 =	vld [tilespmem:$0x740];
	v51 =	vadd.f32 v0, v51  }
0x12f: {  	v50 =	vsub.f32 v50, v58;
	v56 =	vmax.f32 v1, $0.0e+00;
	v60 =	vsub.f32 v59, v62;
	v0 =	vld [tilespmem:$0x840]  }
0x130: {  	v55 =	vmax.f32 v55, $0.0e+00;
	v63 =	vsub.f32 v57, v52;
	v51 =	vadd.f32 v51, v56;
	v56 =	vld [tilespmem:$0x880]  }
0x131: {  	v59 =	vsub.f32 v59, v57;
	v49 =	vsub.f32 v49, v55  }
0x132: {  	v60 =	vmax.f32 v60, $0.0e+00;
	v52 =	vsub.f32 v62, v52;
	v63 =	vmax.f32 v63, $0.0e+00  }
0x133: {  	v58 =	vld [tilespmem:$0x350];
	v53 =	vmax.f32 v53, $0.0e+00;
	v57 =	vsub.f32 v57, v62;
	v60 =	vadd.f32 v63, v60  }
0x134: {  	v55 =	vld [tilespmem:$0x750];
	v51 =	vadd.f32 v51, v53;
	v63 =	vmax.f32 v59, $0.0e+00;
	v59 =	vsub.f32 v0, v61  }
0x135: {  	v62 =	vld [tilespmem:$0x850];
	v53 =	vadd.f32 v60, v63;
	v1 =	vsub.f32 v54, v56  }
0x136: {  	v35 =	vadd.f32 v35, v34;
	v52 =	vmax.f32 v52, $0.0e+00;
	v0 =	vsub.f32 v0, v54;
	v63 =	vld [tilespmem:$0x810]  }
0x137: {  	v59 =	vmax.f32 v59, $0.0e+00;
	v60 =	vmax.f32 v1, $0.0e+00;
	v52 =	vadd.f32 v53, v52  }
0x138: {  	v50 =	vmax.f32 v50, $0.0e+00;
	v53 =	vadd.f32 v60, v59;
	v60 =	vmax.f32 v57, $0.0e+00;
	v57 =	vld [tilespmem:$0x360]  }
0x139: {  	v51 =	vsub.f32 v51, v50;
	v0 =	vmax.f32 v0, $0.0e+00;
	v50 =	vsub.f32 v52, v60;
	v60 =	vld [tilespmem:$0x820]  }
0x13a: {  	v56 =	vsub.f32 v61, v56;
	v1 =	vadd.f32 v53, v0;
	v53 =	vld [tilespmem:$0x760]  }
0x13b: {  	v59 =	vsub.f32 v55, v62;
	v52 =	vsub.f32 v63, v58;
	v0 =	vld [tilespmem:$0x860]  }
0x13c: {  	v36 =	vadd.f32 v36, v35;
	v54 =	vsub.f32 v54, v61;
	v56 =	vmax.f32 v56, $0.0e+00  }
0x13d: {  	v59 =	vmax.f32 v59, $0.0e+00;
	v63 =	vsub.f32 v63, v55;
	v52 =	vmax.f32 v52, $0.0e+00  }
0x13e: {  	v1 =	vadd.f32 v1, v56;
	v52 =	vadd.f32 v59, v52  }
0x13f: {  	v56 =	vmax.f32 v63, $0.0e+00;
	v63 =	vsub.f32 v58, v62;
	v59 =	vsub.f32 v60, v57  }
0x140: {  	v62 =	vld [tilespmem:$0x370];
	v52 =	vadd.f32 v52, v56;
	v61 =	vsub.f32 v53, v0  }
0x141: {  	v37 =	vadd.f32 v37, v36;
	v56 =	vmax.f32 v63, $0.0e+00;
	v63 =	vld [tilespmem:$0x830]  }
0x142: {  	v59 =	vmax.f32 v59, $0.0e+00;
	v52 =	vadd.f32 v52, v56;
	v56 =	vld [tilespmem:$0x770];
	v61 =	vmax.f32 v61, $0.0e+00  }
0x143: {  	v39 =	vadd.f32 v39, v37;
	v59 =	vadd.f32 v61, v59;
	v61 =	vld [tilespmem:$0x870]  }
0x144: {  	v60 =	vsub.f32 v60, v53  }
0x145: {  	v38 =	vadd.f32 v38, v39;
	v54 =	vmax.f32 v54, $0.0e+00  }
0x146: {  	v55 =	vsub.f32 v55, v58;
	v54 =	vsub.f32 v1, v54;
	v60 =	vmax.f32 v60, $0.0e+00  }
0x147: {  	v0 =	vsub.f32 v57, v0;
	v58 =	vadd.f32 v59, v60  }
0x148: {  	v1 =	vsub.f32 v63, v62;
	v59 =	vsub.f32 v56, v61  }
0x149: {  	v41 =	vadd.f32 v41, v38;
	v53 =	vsub.f32 v53, v57;
	v0 =	vmax.f32 v0, $0.0e+00  }
0x14a: {  	v1 =	vmax.f32 v1, $0.0e+00;
	v63 =	vsub.f32 v63, v56;
	v59 =	vmax.f32 v59, $0.0e+00  }
0x14b: {  	v57 =	vld [tilespmem:$0x880];
	v0 =	vadd.f32 v58, v0;
	v1 =	vadd.f32 v59, v1  }
0x14c: {  	v53 =	vmax.f32 v53, $0.0e+00;
	v60 =	vmax.f32 v55, $0.0e+00;
	v55 =	vld [tilespmem:$0x380];
	v59 =	vmax.f32 v63, $0.0e+00  }
0x14d: {  	v53 =	vsub.f32 v0, v53;
	v0 =	vadd.f32 v1, v59;
	v59 =	vld [tilespmem:$0x1FFF0]  }
0x14e: {  	v52 =	vsub.f32 v52, v60;
	v60 =	vld [tilespmem:$0x840]  }
0x14f: {  	v40 =	vadd.f32 v40, v41;
	v58 =	vld [tilespmem:$0x780]  }
0x150: {  	v63 =	vimm.f32 $0.0e+00  }
0x151: {  	v43 =	vadd.f32 v43, v40;
	[tilespmem:$0x890] =	vst v63  }
0x152: {  	v61 =	vsub.f32 v62, v61;
	[tilespmem:$0x890] =	vst v59  }
0x153: {  	v42 =	vadd.f32 v42, v43;
	[tilespmem:$0x890] =	vst v2  }
0x154: {  	v63 =	vsub.f32 v58, v57;
	v1 =	vld [tilespmem:$0x390];
	v59 =	vmax.f32 v61, $0.0e+00;
	v61 =	vsub.f32 v60, v55;
	[tilespmem:$0x890] =	vst v3  }
0x155: {  	v60 =	vsub.f32 v60, v58;
	v0 =	vadd.f32 v0, v59;
	v59 =	vld [tilespmem:$0x790];
	[tilespmem:$0x890] =	vst v4  }
0x156: {  	v2 =	vadd.f32 v45, v42;
	v45 =	vld [tilespmem:$0x850];
	v3 =	vmax.f32 v61, $0.0e+00;
	v61 =	vmax.f32 v63, $0.0e+00;
	[tilespmem:$0x890] =	vst v5  }
0x157: {  	v63 =	vld [tilespmem:$0x810];
	v4 =	vadd.f32 v61, v3;
	[tilespmem:$0x890] =	vst v6  }
0x158: {  	v57 =	vsub.f32 v55, v57;
	v5 =	vsub.f32 v56, v62;
	v56 =	vmax.f32 v60, $0.0e+00;
	[tilespmem:$0x890] =	vst v7  }
0x159: {  	v4 =	vadd.f32 v4, v56;
	[tilespmem:$0x890] =	vst v8  }
0x15a: {  	v3 =	vadd.f32 v44, v2;
	v61 =	vmax.f32 v57, $0.0e+00;
	v60 =	vld [tilespmem:$0x3A0];
	[tilespmem:$0x890] =	vst v9  }
0x15b: {  	v62 =	vsub.f32 v58, v55;
	v55 =	vld [tilespmem:$0x820];
	v56 =	vadd.f32 v4, v61;
	[tilespmem:$0x890] =	vst v10  }
0x15c: {  	v44 =	vld [tilespmem:$0x7A0];
	v5 =	vmax.f32 v5, $0.0e+00;
	v58 =	vsub.f32 v63, v1;
	v61 =	vsub.f32 v59, v45;
	[tilespmem:$0x890] =	vst v11  }
0x15d: {  	v57 =	vmax.f32 v62, $0.0e+00;
	v0 =	vsub.f32 v0, v5;
	v8 =	vld [tilespmem:$0x860];
	v4 =	vadd.f32 v47, v3;
	[tilespmem:$0x890] =	vst v12  }
0x15e: {  	v6 =	vsub.f32 v56, v57;
	v62 =	vmax.f32 v58, $0.0e+00;
	v47 =	vmax.f32 v61, $0.0e+00;
	v10 =	vld [tilespmem:$0x3B0];
	[tilespmem:$0x890] =	vst v13  }
0x15f: {  	v56 =	vsub.f32 v63, v59;
	v7 =	vadd.f32 v47, v62;
	v62 =	vld [tilespmem:$0x830];
	[tilespmem:$0x890] =	vst v14  }
0x160: {  	v57 =	vsub.f32 v1, v45;
	v58 =	vsub.f32 v55, v60;
	v11 =	vld [tilespmem:$0x870];
	[tilespmem:$0x890] =	vst v15  }
0x161: {  	v5 =	vadd.f32 v46, v4;
	v1 =	vsub.f32 v59, v1;
	v12 =	vld [tilespmem:$0x7B0];
	v9 =	vmax.f32 v56, $0.0e+00;
	[tilespmem:$0x890] =	vst v16  }
0x162: {  	v63 =	vmax.f32 v57, $0.0e+00;
	v61 =	vsub.f32 v44, v8;
	v7 =	vadd.f32 v7, v9;
	[tilespmem:$0x890] =	vst v17  }
0x163: {  	v56 =	vsub.f32 v55, v44;
	v13 =	vmax.f32 v58, $0.0e+00;
	v8 =	vsub.f32 v60, v8;
	[tilespmem:$0x890] =	vst v18  }
0x164: {  	v44 =	vsub.f32 v44, v60;
	v46 =	vmax.f32 v61, $0.0e+00;
	v9 =	vadd.f32 v7, v63;
	[tilespmem:$0x890] =	vst v19  }
0x165: {  	v7 =	vadd.f32 v48, v5;
	v13 =	vadd.f32 v46, v13;
	[tilespmem:$0x890] =	vst v20  }
0x166: {  	v1 =	vmax.f32 v1, $0.0e+00;
	v63 =	vld [tilespmem:$0x880];
	v58 =	vsub.f32 v62, v10;
	v59 =	vsub.f32 v12, v11;
	[tilespmem:$0x890] =	vst v21  }
0x167: {  	v57 =	vmax.f32 v56, $0.0e+00;
	v16 =	vld [tilespmem:$0x3C0];
	v17 =	vadd.f32 v49, v7;
	v61 =	vsub.f32 v62, v12;
	[tilespmem:$0x890] =	vst v22  }
0x168: {  	v8 =	vmax.f32 v8, $0.0e+00;
	v46 =	vld [tilespmem:$0x3D0];
	v11 =	vsub.f32 v10, v11;
	v13 =	vadd.f32 v13, v57;
	[tilespmem:$0x890] =	vst v23  }
0x169: {  	v62 =	vld [tilespmem:$0x840];
	v1 =	vsub.f32 v9, v1;
	v14 =	vmax.f32 v58, $0.0e+00;
	v15 =	vmax.f32 v59, $0.0e+00;
	[tilespmem:$0x890] =	vst v24  }
0x16a: {  	v8 =	vadd.f32 v13, v8;
	v13 =	vld [tilespmem:$0x7C0];
	v14 =	vadd.f32 v15, v14;
	[tilespmem:$0x890] =	vst v25  }
0x16b: {  	v10 =	vsub.f32 v12, v10;
	v18 =	vmax.f32 v61, $0.0e+00;
	v20 =	vadd.f32 v51, v17;
	v51 =	vld [tilespmem:$0x810];
	[tilespmem:$0x890] =	vst v26  }
0x16c: {  	v45 =	vmax.f32 v44, $0.0e+00;
	v48 =	vld [tilespmem:$0x7D0];
	v15 =	vsub.f32 v16, v63;
	v14 =	vadd.f32 v14, v18;
	[tilespmem:$0x890] =	vst v27  }
0x16d: {  	v55 =	vld [tilespmem:$0x3E0];
	v11 =	vmax.f32 v11, $0.0e+00;
	v18 =	vadd.f32 v50, v20;
	v8 =	vsub.f32 v8, v45;
	[tilespmem:$0x890] =	vst v28  }
0x16e: {  	v56 =	vld [tilespmem:$0x7E0];
	v49 =	vsub.f32 v62, v16;
	v47 =	vadd.f32 v14, v11;
	[tilespmem:$0x890] =	vst v29  }
0x16f: {  	v57 =	vld [tilespmem:$0x820];
	v24 =	vadd.f32 v54, v18;
	v50 =	vsub.f32 v13, v63;
	[tilespmem:$0x890] =	vst v30  }
0x170: {  	v54 =	vld [tilespmem:$0x850];
	v19 =	vsub.f32 v62, v13;
	v60 =	vsub.f32 v51, v46;
	[tilespmem:$0x890] =	vst v31  }
0x171: {  	v10 =	vmax.f32 v10, $0.0e+00;
	v23 =	vsub.f32 v51, v48;
	v26 =	vadd.f32 v52, v24;
	[tilespmem:$0x890] =	vst v32  }
0x172: {  	v59 =	vld [tilespmem:$0x860];
	v14 =	vmax.f32 v49, $0.0e+00;
	v13 =	vsub.f32 v13, v16;
	v9 =	vsub.f32 v47, v10;
	[tilespmem:$0x890] =	vst v33  }
0x173: {  	v47 =	vsub.f32 v56, v55;
	v22 =	vmax.f32 v50, $0.0e+00;
	v62 =	vadd.f32 v53, v26;
	[tilespmem:$0x890] =	vst v34  }
0x174: {  	v27 =	vsub.f32 v57, v56;
	v14 =	vadd.f32 v22, v14;
	[tilespmem:$0x890] =	vst v35  }
0x175: {  	v19 =	vmax.f32 v19, $0.0e+00;
	v61 =	vsub.f32 v48, v54;
	v0 =	vadd.f32 v0, v62;
	[tilespmem:$0x890] =	vst v36  }
0x176: {  	v12 =	vsub.f32 v46, v54;
	v58 =	vadd.f32 v14, v19;
	v19 =	vmax.f32 v60, $0.0e+00;
	[tilespmem:$0x890] =	vst v37  }
0x177: {  	v14 =	vsub.f32 v55, v59;
	v28 =	vmax.f32 v61, $0.0e+00;
	v6 =	vadd.f32 v6, v0;
	[tilespmem:$0x890] =	vst v39  }
0x178: {  	v15 =	vmax.f32 v15, $0.0e+00;
	v63 =	vadd.f32 v28, v19;
	v33 =	vsub.f32 v57, v55;
	v35 =	vld [tilespmem:$0x3F0];
	[tilespmem:$0x890] =	vst v38  }
0x179: {  	v32 =	vmax.f32 v23, $0.0e+00;
	v34 =	vsub.f32 v56, v59;
	v1 =	vadd.f32 v1, v6;
	v36 =	vld [tilespmem:$0x7F0];
	[tilespmem:$0x890] =	vst v41  }
0x17a: {  	v13 =	vmax.f32 v13, $0.0e+00;
	v10 =	vadd.f32 v58, v15;
	v16 =	vadd.f32 v63, v32;
	v37 =	vld [tilespmem:$0x830];
	[tilespmem:$0x890] =	vst v40  }
0x17b: {  	v23 =	vmax.f32 v33, $0.0e+00;
	v28 =	vmax.f32 v34, $0.0e+00;
	v51 =	vadd.f32 v8, v1;
	v38 =	vld [tilespmem:$0x870];
	[tilespmem:$0x890] =	vst v43  }
0x17c: {  	v27 =	vmax.f32 v27, $0.0e+00;
	v23 =	vadd.f32 v28, v23;
	v41 =	vsub.f32 v48, v46;
	v46 =	vld [tilespmem:$0x840];
	[tilespmem:$0x890] =	vst v42  }
0x17d: {  	v12 =	vmax.f32 v12, $0.0e+00;
	v10 =	vsub.f32 v10, v13;
	v9 =	vadd.f32 v9, v51;
	v48 =	vld [tilespmem:$0x880];
	[tilespmem:$0x890] =	vst v2  }
0x17e: {  	v12 =	vadd.f32 v16, v12;
	v39 =	vadd.f32 v23, v27;
	v40 =	vld [tilespmem:$0x400];
	[tilespmem:$0x890] =	vst v3  }
0x17f: {  	v10 =	vadd.f32 v10, v9;
	v56 =	vsub.f32 v36, v35;
	v43 =	vld [tilespmem:$0x800];
	[tilespmem:$0x890] =	vst v4  }
0x180: {  	v14 =	vmax.f32 v14, $0.0e+00;
	v44 =	vsub.f32 v37, v35;
	v50 =	vsub.f32 v37, v36;
	[tilespmem:$0x890] =	vst v5  }
0x181: {  	v42 =	vadd.f32 v39, v14;
	v45 =	vsub.f32 v36, v38;
	[tilespmem:$0x890] =	vst v7  }
0x182: {  	v2 =	vmax.f32 v41, $0.0e+00;
	v53 =	vsub.f32 v35, v38;
	v3 =	vmax.f32 v44, $0.0e+00;
	[tilespmem:$0x890] =	vst v17  }
0x183: {  	v2 =	vsub.f32 v12, v2;
	v49 =	vmax.f32 v45, $0.0e+00;
	v54 =	vsub.f32 v46, v40;
	[tilespmem:$0x890] =	vst v20  }
0x184: {  	v4 =	vmax.f32 v47, $0.0e+00;
	v60 =	vsub.f32 v40, v48;
	v55 =	vsub.f32 v43, v48;
	[tilespmem:$0x890] =	vst v18  }
0x185: {  	v52 =	vmax.f32 v50, $0.0e+00;
	v3 =	vadd.f32 v49, v3;
	v4 =	vsub.f32 v42, v4;
	[tilespmem:$0x890] =	vst v24  }
0x186: {  	v57 =	vsub.f32 v46, v43;
	v8 =	vmax.f32 v54, $0.0e+00;
	v11 =	vmax.f32 v55, $0.0e+00;
	[tilespmem:$0x890] =	vst v26  }
0x187: {  	v3 =	vadd.f32 v3, v52;
	v8 =	vadd.f32 v11, v8;
	[tilespmem:$0x890] =	vst v62  }
0x188: {  	v2 =	vadd.f32 v2, v10;
	v7 =	vmax.f32 v53, $0.0e+00;
	v59 =	vmax.f32 v57, $0.0e+00;
	[tilespmem:$0x890] =	vst v0  }
0x189: {  	v61 =	vmax.f32 v56, $0.0e+00;
	v58 =	vadd.f32 v3, v7;
	v3 =	vadd.f32 v8, v59;
	[tilespmem:$0x890] =	vst v6  }
0x18a: {  	v63 =	vmax.f32 v60, $0.0e+00;
	v4 =	vadd.f32 v4, v2;
	v62 =	vsub.f32 v43, v40;
	[tilespmem:$0x890] =	vst v1  }
0x18b: {  	v3 =	vadd.f32 v3, v63;
	v0 =	vsub.f32 v58, v61;
	[tilespmem:$0x890] =	vst v51  }
0x18c: {  	v1 =	vmax.f32 v62, $0.0e+00;
	[tilespmem:$0x890] =	vst v9  }
0x18d: {  	v0 =	vadd.f32 v0, v4;
	v1 =	vsub.f32 v3, v1;
	[tilespmem:$0x890] =	vst v10  }
0x18e: {  	[tilespmem:$0x890] =	vst v2  }
0x18f: {  	v1 =	vadd.f32 v1, v0;
	[tilespmem:$0x890] =	vst v4  }
0x190: {  	p0 =	sne.s32 s9, $0x1;
	[tilespmem:$0x890] =	vst v0  }
.Ltmp0:
0x191: {  	[tilespmem:$0x890] =	vst v1;
	(pc) =	sbr.rel @p0 .LBB2_1-.Ltmp0, $4  }
0x192: {  	[hbm4b:s8+s4] =	stream.linear.scatter [tilespmem:s17], [sflag:$0x3], $0x10, $0x38;
	[tilespmem:$0x8A0] =	vst v63  }
0x193: {  	_ =	swait.ge [sflag:s10], $0x10  }
0x194: {  	[sflag:s10] =	ssyncset.done $0x0  }
0x195: {  	s9 =	sadd.s32 $0xFFFFFFFF, s9;
	[sflag:s10] =	ssyncadd.s32 $0xFFFFFFF0  }
0x196: {  	_ =	sfence.sel $0x180000  }
0x197: {  	[bflag:$0x0] =	sbarrier.arrive $0xFFFF  }
0x198: {  	p0 =	sne.s32 s3, $0x0;
	_ =	strace $0x90000047  }
0x199: {  	s0 =	sadd.s32 @!p0 $0x100000, s0;
	[bflag:$0x2] =	sbarrier.arrive $0xFFFF  }
0x19a: {  	[sflag:s0] =	ssyncadd.tile.s32 @!p0 $0x1;
	_ =	shalt  }
.Lfunc_end2:
_tile_overlayer_lowered:
.L_overlay_start_2:
0x19b: {  	(tag) =	ssettag $0x2  }
0x19c: {  	s0 =	rddreg [dreg:$0x0];
	s2 =	stileid.u32  }
0x19d: {  	s1 =	rddreg [dreg:$0x1];
	p0 =	sne.s32 s2, $0x0  }
0x19e: {  	s3 =	rddreg [dreg:$0x2];
	[bflag:$0x3] =	sbarrier.arrive $0xFFFF;
	s2 =	simm.s32 @!p0 $0x1C03  }
0x19f: {  	[timem:s3], [sflag:s2] =	dma.local @!p0 [hbm:s0], s1  }
0x1a0: {  	s0 =	simm.s32 @!p0 $0x3  }
0x1a1: {  	_ =	swait.ge @!p0 [sflag:s0], s1  }
0x1a2: {  	s1 =	ssub.s32 @!p0 $0x0, s1;
	[sflag:s0] =	ssyncset.done @!p0 $0x0  }
0x1a3: {  	[sflag:s0] =	ssyncadd.s32 @!p0 s1  }
0x1a4: {  	[bflag:$0x3] =	sbarrier.arrive $0xFFFF  }
0x1a5: {  	_ =	shalt  }

</sc_bundles>
